<compile_context>
chip_gen: v7x
topology: tpu7x:2x2x1
jax: 0.10.2.dev20260603
libtpu: 0.0.44.dev20260713+nightly
codegen_flags: <defaults>
</compile_context>

<pallas_src>
import jax
import jax.numpy as jnp
from jax import lax
from jax.experimental import pallas as pl
from jax.experimental.pallas import tpu as pltpu
from jax.experimental.pallas import tpu_sc as plsc

N = 10000
E = 320000
D_NODE = 128
D_EDGE = 16
D_OUT = 128
D_MSG = 144

NC = 2
NS = 16
NW = NC * NS
EPW = E // NW
CHUNK = 40
NCHUNK = EPW // CHUNK
ZROWS = N // NS
ZTAIL = ZROWS % CHUNK
TTILES = E // 128


def _edge_body(eT_ref, wa_ref, ba_ref, v_ref, oa_ref, ot_ref):
    eT = eT_ref[...]
    oa_ref[...] = (
        lax.dot_general(eT, wa_ref[...], (((0,), (0,)), ((), ())),
                        preferred_element_type=jnp.float32)
        + ba_ref[...]
    )
    ft = lax.dot_general(v_ref[...], eT, (((0,), (0,)), ((), ())),
                         preferred_element_type=jnp.float32)
    for ct in range(ot_ref.shape[0]):
        ot_ref[ct] = ft[:, 128 * ct:128 * (ct + 1)]


def _yw_body(y_ref, w_ref, b_ref, o_ref):
    o_ref[...] = jnp.dot(y_ref[...], w_ref[...],
                         preferred_element_type=jnp.float32) + b_ref[...]


def _final_body(z_ref, c_ref, w_ref, b_ref, o_ref):
    zs = z_ref[0] + z_ref[1]
    cnt = jnp.maximum(jnp.sum(c_ref[0], axis=(0, 1)), 1.0)
    zm = zs / cnt[:, None]
    o_ref[...] = jnp.maximum(
        jnp.dot(zm, w_ref[...], preferred_element_type=jnp.float32)
        + b_ref[...],
        0.0,
    )


def _sc_body(yw_hbm, ewba_hbm, tail_hbm, src_hbm, dst_hbm, z_hbm, cnt_hbm,
             zsh, srcv0, srcv1, dstv0, dstv1, dsts0, dsts1, eav0, eav1,
             tlv0, tlv1, mbuf0, mbuf1, hist,
             sem_in0, sem_in1, sem_g0, sem_g1, sem_s0, sem_s1):
    c = lax.axis_index("c")
    s = lax.axis_index("s")
    wid = c * NS + s
    base = wid * EPW

    srcv = (srcv0, srcv1)
    dstv = (dstv0, dstv1)
    eav = (eav0, eav1)
    tlv = (tlv0, tlv1)
    mbuf = (mbuf0, mbuf1)
    dsts = (dsts0, dsts1)
    sem_in = (sem_in0, sem_in1)
    sem_g = (sem_g0, sem_g1)
    sem_s = (sem_s0, sem_s1)

    zero16 = jnp.zeros((16,), jnp.float32)
    one16 = jnp.full((16,), 1.0, jnp.float32)
    iota16 = lax.iota(jnp.int32, 16)

    def zero_row(r, carry):
        for j in range(D_MSG // 16):
            mbuf0[r, pl.ds(j * 16, 16)] = zero16
        return carry
    lax.fori_loop(0, CHUNK, zero_row, 0)

    def zero_hist(i, carry):
        hist[pl.ds(i * 16, 16)] = zero16
        return carry
    lax.fori_loop(0, N // 16, zero_hist, 0)

    for t in range(ZROWS // CHUNK):
        pltpu.sync_copy(mbuf0, zsh.at[pl.ds(s * ZROWS + t * CHUNK, CHUNK)])
    pltpu.sync_copy(mbuf0.at[pl.ds(0, ZTAIL)],
                    zsh.at[pl.ds(s * ZROWS + (ZROWS // CHUNK) * CHUNK,
                                 ZTAIL)])
    plsc.subcore_barrier()

    def chunk_off(g):
        off = base + g * CHUNK
        ct0 = jnp.minimum(lax.shift_right_logical(off, 7), TTILES - 2)
        return off, ct0

    def in_copies(g, b):
        off, ct0 = chunk_off(g)
        return (
            pltpu.make_async_copy(src_hbm.at[pl.ds(off, CHUNK)], srcv[b],
                                  sem_in[b]),
            pltpu.make_async_copy(dst_hbm.at[pl.ds(off, CHUNK)], dstv[b],
                                  sem_in[b]),
            pltpu.make_async_copy(ewba_hbm.at[pl.ds(off, CHUNK // 2)],
                                  eav[b].at[pl.ds(0, CHUNK // 2)],
                                  sem_in[b]),
            pltpu.make_async_copy(
                ewba_hbm.at[pl.ds(off + CHUNK // 2, CHUNK // 2)],
                eav[b].at[pl.ds(CHUNK // 2, CHUNK // 2)], sem_in[b]),
            pltpu.make_async_copy(tail_hbm.at[ct0], tlv[b].at[0],
                                  sem_in[b]),
        )

    def tail2_copy(g, b):
        off, ct0 = chunk_off(g)
        return pltpu.make_async_copy(tail_hbm.at[ct0 + 1], tlv[b].at[1],
                                     sem_in[b])

    def crosses(g):
        off, ct0 = chunk_off(g)
        return off - lax.shift_left(ct0, 7) + CHUNK - 1 >= 128

    def in_start(g, b):
        for cp in in_copies(g, b):
            cp.start()

        @pl.when(crosses(g))
        def _():
            tail2_copy(g, b).start()

    def in_wait(g, b):
        for cp in in_copies(g, b):
            cp.wait()

        @pl.when(crosses(g))
        def _():
            tail2_copy(g, b).wait()

    def gather(b):
        return pltpu.make_async_copy(yw_hbm.at[srcv[b]], mbuf[b], sem_g[b])

    def compute(g, b):
        off, ct0 = chunk_off(g)
        c_off = off - lax.shift_left(ct0, 7)

        @plsc.parallel_loop(0, CHUNK, unroll=2)
        def row(r):
            q = c_off + r
            t = lax.shift_right_logical(q, 7)
            l = q - lax.shift_left(t, 7)
            tail = plsc.load_gather(
                tlv[b],
                [jnp.full((16,), t, jnp.int32), iota16,
                 jnp.full((16,), l, jnp.int32)])
            ea = [eav[b][r, pl.ds(j * 16, 16)] for j in range(8)]
            yv = [mbuf[b][r, pl.ds(j * 16, 16)] for j in range(9)]
            res = [jnp.maximum(ea[j] + yv[j], 0.0) for j in range(8)]
            res.append(jnp.maximum(tail + yv[8], 0.0))
            for j in range(9):
                mbuf[b][r, pl.ds(j * 16, 16)] = res[j]

        plsc.addupdate_scatter(hist, [dstv[b][pl.ds(0, 16)]], one16)
        plsc.addupdate_scatter(hist, [dstv[b][pl.ds(16, 16)]], one16)
        plsc.addupdate_scatter(hist, [dstv[b][pl.ds(24, 16)]], one16,
                               mask=iota16 >= 8)

    in_start(0, 0)
    in_start(1, 1)
    in_wait(0, 0)
    gather(0).start()

    def scatter_wait(b):
        pltpu.make_async_copy(mbuf[b], zsh.at[dsts[b]], sem_s[b]).wait()

    def step(g, b):
        nb = 1 - b

        @pl.when(g + 1 < NCHUNK)
        def _():
            in_wait(g + 1, nb)

            @pl.when(g >= 1)
            def _():
                scatter_wait(nb)

            gather(nb).start()

        gather(b).wait()
        compute(g, b)
        dsts[b][pl.ds(0, 16)] = dstv[b][pl.ds(0, 16)]
        dsts[b][pl.ds(16, 16)] = dstv[b][pl.ds(16, 16)]
        dsts[b][pl.ds(24, 16)] = dstv[b][pl.ds(24, 16)]
        pltpu.async_copy(mbuf[b], zsh.at[dsts[b]], sem_s[b], add=True)

        @pl.when(g + 2 < NCHUNK)
        def _():
            in_start(g + 2, b)

    def pair_body(i, carry):
        step(2 * i, 0)
        step(2 * i + 1, 1)
        return carry

    lax.fori_loop(0, NCHUNK // 2, pair_body, 0)
    scatter_wait(0)
    scatter_wait(1)
    plsc.subcore_barrier()

    for t in range(ZROWS // CHUNK):
        r0 = s * ZROWS + t * CHUNK
        pltpu.sync_copy(zsh.at[pl.ds(r0, CHUNK)], mbuf0)
        pltpu.sync_copy(mbuf0, z_hbm.at[c, pl.ds(r0, CHUNK)])
    r0 = s * ZROWS + (ZROWS // CHUNK) * CHUNK
    pltpu.sync_copy(zsh.at[pl.ds(r0, ZTAIL)], mbuf0.at[pl.ds(0, ZTAIL)])
    pltpu.sync_copy(mbuf0.at[pl.ds(0, ZTAIL)], z_hbm.at[c, pl.ds(r0, ZTAIL)])
    pltpu.sync_copy(hist, cnt_hbm.at[c, s])


_sc_aggregate = pl.kernel(
    _sc_body,
    out_type=(
        jax.ShapeDtypeStruct((NC, N, D_MSG), jnp.float32),
        jax.ShapeDtypeStruct((NC, NS, N), jnp.float32),
    ),
    mesh=plsc.VectorSubcoreMesh(core_axis_name="c", subcore_axis_name="s"),
    compiler_params=pltpu.CompilerParams(use_tc_tiling_on_sc=False,
                                         needs_layout_passes=False),
    scratch_types=[
        pltpu.VMEM_SHARED((N, D_MSG), jnp.float32),
        pltpu.VMEM((CHUNK,), jnp.int32),
        pltpu.VMEM((CHUNK,), jnp.int32),
        pltpu.VMEM((CHUNK,), jnp.int32),
        pltpu.VMEM((CHUNK,), jnp.int32),
        pltpu.VMEM((CHUNK,), jnp.int32),
        pltpu.VMEM((CHUNK,), jnp.int32),
        pltpu.VMEM((CHUNK, D_NODE), jnp.float32),
        pltpu.VMEM((CHUNK, D_NODE), jnp.float32),
        pltpu.VMEM((2, 16, 128), jnp.float32),
        pltpu.VMEM((2, 16, 128), jnp.float32),
        pltpu.VMEM((CHUNK, D_MSG), jnp.float32),
        pltpu.VMEM((CHUNK, D_MSG), jnp.float32),
        pltpu.VMEM((N,), jnp.float32),
        pltpu.SemaphoreType.DMA,
        pltpu.SemaphoreType.DMA,
        pltpu.SemaphoreType.DMA,
        pltpu.SemaphoreType.DMA,
        pltpu.SemaphoreType.DMA,
        pltpu.SemaphoreType.DMA,
    ],
)


def kernel(y, edge_attr, edge_index, W_pre, b_pre, W_upd, b_upd):
    src = edge_index[0]
    dst = edge_index[1]
    eT = edge_attr.T
    W1 = W_pre[:D_NODE]
    byw = jnp.zeros((1, D_MSG), jnp.float32).at[0, D_NODE:].set(
        b_pre[D_NODE:])
    W2a = W_pre[D_NODE:, :D_NODE]
    ba = b_pre[:D_NODE].reshape(1, D_NODE)
    Vmsg = W_pre[D_NODE:, D_NODE:]

    BE = 6400
    BT = BE // 128
    ewba, tailt = pl.pallas_call(
        _edge_body,
        grid=(E // BE,),
        in_specs=[
            pl.BlockSpec((D_EDGE, BE), lambda i: (0, i)),
            pl.BlockSpec((D_EDGE, D_NODE), lambda i: (0, 0)),
            pl.BlockSpec((1, D_NODE), lambda i: (0, 0)),
            pl.BlockSpec((D_EDGE, D_EDGE), lambda i: (0, 0)),
        ],
        out_specs=[
            pl.BlockSpec((BE, D_NODE), lambda i: (i, 0)),
            pl.BlockSpec((BT, 16, 128), lambda i: (i, 0, 0)),
        ],
        out_shape=[
            jax.ShapeDtypeStruct((E, D_NODE), jnp.float32),
            jax.ShapeDtypeStruct((TTILES, 16, 128), jnp.float32),
        ],
    )(eT, W2a, ba, Vmsg)

    BN = 2000
    yw = pl.pallas_call(
        _yw_body,
        grid=(N // BN,),
        in_specs=[
            pl.BlockSpec((BN, D_NODE), lambda i: (i, 0)),
            pl.BlockSpec((D_NODE, D_MSG), lambda i: (0, 0)),
            pl.BlockSpec((1, D_MSG), lambda i: (0, 0)),
        ],
        out_specs=pl.BlockSpec((BN, D_MSG), lambda i: (i, 0)),
        out_shape=jax.ShapeDtypeStruct((N, D_MSG), jnp.float32),
    )(y, W1, byw)

    zacc, cnts = _sc_aggregate(yw, ewba, tailt, src, dst)

    BZ = 1000
    h = pl.pallas_call(
        _final_body,
        grid=(N // BZ,),
        in_specs=[
            pl.BlockSpec((NC, BZ, D_MSG), lambda i: (0, i, 0)),
            pl.BlockSpec((1, NC, NS, BZ), lambda i: (i, 0, 0, 0)),
            pl.BlockSpec((D_MSG, D_OUT), lambda i: (0, 0)),
            pl.BlockSpec((1, D_OUT), lambda i: (0, 0)),
        ],
        out_specs=pl.BlockSpec((BZ, D_OUT), lambda i: (i, 0)),
        out_shape=jax.ShapeDtypeStruct((N, D_OUT), jnp.float32),
    )(zacc, cnts.reshape(NC, NS, N // BZ, BZ).transpose(2, 0, 1, 3),
      W_upd, b_upd.reshape(1, D_OUT))

    return h

# --- scband reference (transcript-rebuilt; emitter-appended) ---
"""Pipeline reference for scband-aggregator-46858093199903 (READ-ONLY COPY).

The authoritative reference and input builder live on the scoring server;
editing this copy changes nothing except your own understanding.
"""

import jax, jax.numpy as jnp
import numpy as np

N = 10000
E = 320000
D_NODE = 128
D_EDGE = 16
D_OUT = 128
D_MSG = D_NODE + D_EDGE


def setup_inputs(seed: int = 0) -> dict:
    key = jax.random.key(seed)
    ks = jax.random.split(key, 8)
    y = jax.random.normal(ks[0], (N, D_NODE), dtype=jnp.float32)
    edge_attr = jax.random.normal(ks[1], (E, D_EDGE), dtype=jnp.float32)
    edge_index = jax.random.randint(ks[2], (2, E), 0, N, dtype=jnp.int32)
    # FNN(node_dim+edge_dim, [], node_dim+edge_dim) == single Linear(144 -> 144)
    W_pre = jax.random.normal(ks[3], (D_MSG, D_MSG), dtype=jnp.float32) / np.sqrt(D_MSG)
    b_pre = jnp.zeros((D_MSG,), dtype=jnp.float32)
    # FNN(node_dim+edge_dim, [], out_dim) == single Linear(144 -> 128)
    W_upd = jax.random.normal(ks[4], (D_MSG, D_OUT), dtype=jnp.float32) / np.sqrt(D_MSG)
    b_upd = jnp.zeros((D_OUT,), dtype=jnp.float32)
    return {"y": y, "edge_attr": edge_attr, "edge_index": edge_index,
            "W_pre": W_pre, "b_pre": b_pre, "W_upd": W_upd, "b_upd": b_upd}


def reference(y, edge_attr, edge_index, W_pre, b_pre, W_upd, b_upd):
    # reverse=False, so no graph reversal.
    src = edge_index[0]
    dst = edge_index[1]
    # msg_func: m = relu(pre_layer(cat([src.y, edge.x])))
    gathered = jnp.take(y, src, axis=0)
    msg_in = jnp.concatenate([gathered, edge_attr], axis=1)
    m = jax.nn.relu(msg_in @ W_pre + b_pre)
    # fn.mean('m', 'z'): mean over incoming edges per destination node
    summed = jax.ops.segment_sum(m, dst, num_segments=N)
    cnt = jax.ops.segment_sum(jnp.ones((E,), dtype=jnp.float32), dst, num_segments=N)
    z = summed / jnp.maximum(cnt, 1.0)[:, None]
    # node_update: h = relu(update_layer(z))
    h = jax.nn.relu(z @ W_upd + b_upd)
    return h

if __name__ == "__main__":
    import jax
    _d = setup_inputs()
    print(jax.jit(kernel)(*tuple(_d.values())))

</pallas_src>

<mosaic_0001>
#map = affine_map<(d0, d1) -> (0, 0)>
#map1 = affine_map<(d0, d1) -> (0, 0, 0)>
#map2 = affine_map<(d0, d1) -> (0)>
module attributes {stable_mosaic.version = 14 : i64} {
  func.func @_sc_body(%arg0: i32, %arg1: i32, %arg2: memref<10000x144xf32, #tpu.memory_space<hbm>>, %arg3: memref<320000x128xf32, #tpu.memory_space<hbm>>, %arg4: memref<2500x16x128xf32, #tpu.memory_space<hbm>>, %arg5: memref<320000xi32, #tpu.memory_space<hbm>>, %arg6: memref<320000xi32, #tpu.memory_space<hbm>>, %arg7: memref<2x10000x144xf32, #tpu.memory_space<hbm>>, %arg8: memref<2x16x10000xf32, #tpu.memory_space<hbm>>, %arg9: memref<10000x144xf32, #tpu.memory_space<vmem_shared>>, %arg10: memref<40xi32, #tpu.memory_space<vmem>>, %arg11: memref<40xi32, #tpu.memory_space<vmem>>, %arg12: memref<40xi32, #tpu.memory_space<vmem>>, %arg13: memref<40xi32, #tpu.memory_space<vmem>>, %arg14: memref<40xi32, #tpu.memory_space<vmem>>, %arg15: memref<40xi32, #tpu.memory_space<vmem>>, %arg16: memref<40x128xf32, #tpu.memory_space<vmem>>, %arg17: memref<40x128xf32, #tpu.memory_space<vmem>>, %arg18: memref<2x16x128xf32, #tpu.memory_space<vmem>>, %arg19: memref<2x16x128xf32, #tpu.memory_space<vmem>>, %arg20: memref<40x144xf32, #tpu.memory_space<vmem>>, %arg21: memref<40x144xf32, #tpu.memory_space<vmem>>, %arg22: memref<10000xf32, #tpu.memory_space<vmem>>, %arg23: memref<!tpu.dma_semaphore, #tpu.memory_space<semaphore_mem>>, %arg24: memref<!tpu.dma_semaphore, #tpu.memory_space<semaphore_mem>>, %arg25: memref<!tpu.dma_semaphore, #tpu.memory_space<semaphore_mem>>, %arg26: memref<!tpu.dma_semaphore, #tpu.memory_space<semaphore_mem>>, %arg27: memref<!tpu.dma_semaphore, #tpu.memory_space<semaphore_mem>>, %arg28: memref<!tpu.dma_semaphore, #tpu.memory_space<semaphore_mem>>) attributes {dimension_semantics = [#tpu.dimension_semantics<core_parallel>, #tpu.dimension_semantics<subcore_parallel>], iteration_bounds = array<i64: 2, 16>, scalar_prefetch = 0 : i64, scratch_operands = 20 : i64, tpu.core_type = #tpu.core_type<sc_vector_subcore>, window_params = [{transform_indices = #map}, {transform_indices = #map}, {transform_indices = #map1}, {transform_indices = #map2}, {transform_indices = #map2}, {transform_indices = #map1}, {transform_indices = #map1}]} {
    %mul3A = arith.constant 16 : i32
    %mul3A_0 = arith.muli %arg0, %mul3A : i32
    %add3A = arith.addi %mul3A_0, %arg1 : i32
    %mul3A_1 = arith.constant 10000 : i32
    %mul3A_2 = arith.muli %add3A, %mul3A_1 : i32
    %broadcast_in_dim3A = arith.constant 0.000000e+00 : f32
    %broadcast_in_dim3A_3 = vector.broadcast %broadcast_in_dim3A : f32 to vector<16xf32>
    %broadcast_in_dim3A_4 = arith.constant 1.000000e+00 : f32
    %broadcast_in_dim3A_5 = vector.broadcast %broadcast_in_dim3A_4 : f32 to vector<16xf32>
    %iota3A = tpu.iota {dimensions = array<i32: 0>} : vector<16xi32>
    %scan3A = arith.constant 0 : i32
    %scan3A_6 = arith.constant 0 : i32
    %scan3A_7 = arith.constant 40 : i32
    %scan3A_8 = arith.addi %scan3A_6, %scan3A_7 : i32
    %scan3A_9 = arith.constant 1 : i32
    scf.for %scan3A_353 = %scan3A_6 to %scan3A_8 step %scan3A_9  : i32 {
      %swap3A = arith.index_cast %scan3A_353 : i32 to index
      %swap3A_354 = arith.constant 0 : index
      %swap3A_355 = tpu.vector_load %arg20[%swap3A, %swap3A_354] {strides = array<i32>} : memref<40x144xf32, #tpu.memory_space<vmem>>, vector<16xf32>,
      tpu.vector_store %arg20[%swap3A, %swap3A_354], %broadcast_in_dim3A_3 {strides = array<i32>} : memref<40x144xf32, #tpu.memory_space<vmem>>, vector<16xf32>,
      %swap3A_356 = arith.index_cast %scan3A_353 : i32 to index
      %swap3A_357 = arith.constant 16 : index
      %swap3A_358 = tpu.vector_load %arg20[%swap3A_356, %swap3A_357] {strides = array<i32>} : memref<40x144xf32, #tpu.memory_space<vmem>>, vector<16xf32>,
      tpu.vector_store %arg20[%swap3A_356, %swap3A_357], %broadcast_in_dim3A_3 {strides = array<i32>} : memref<40x144xf32, #tpu.memory_space<vmem>>, vector<16xf32>,
      %swap3A_359 = arith.index_cast %scan3A_353 : i32 to index
      %swap3A_360 = arith.constant 32 : index
      %swap3A_361 = tpu.vector_load %arg20[%swap3A_359, %swap3A_360] {strides = array<i32>} : memref<40x144xf32, #tpu.memory_space<vmem>>, vector<16xf32>,
      tpu.vector_store %arg20[%swap3A_359, %swap3A_360], %broadcast_in_dim3A_3 {strides = array<i32>} : memref<40x144xf32, #tpu.memory_space<vmem>>, vector<16xf32>,
      %swap3A_362 = arith.index_cast %scan3A_353 : i32 to index
      %swap3A_363 = arith.constant 48 : index
      %swap3A_364 = tpu.vector_load %arg20[%swap3A_362, %swap3A_363] {strides = array<i32>} : memref<40x144xf32, #tpu.memory_space<vmem>>, vector<16xf32>,
      tpu.vector_store %arg20[%swap3A_362, %swap3A_363], %broadcast_in_dim3A_3 {strides = array<i32>} : memref<40x144xf32, #tpu.memory_space<vmem>>, vector<16xf32>,
      %swap3A_365 = arith.index_cast %scan3A_353 : i32 to index
      %swap3A_366 = arith.constant 64 : index
      %swap3A_367 = tpu.vector_load %arg20[%swap3A_365, %swap3A_366] {strides = array<i32>} : memref<40x144xf32, #tpu.memory_space<vmem>>, vector<16xf32>,
      tpu.vector_store %arg20[%swap3A_365, %swap3A_366], %broadcast_in_dim3A_3 {strides = array<i32>} : memref<40x144xf32, #tpu.memory_space<vmem>>, vector<16xf32>,
      %swap3A_368 = arith.index_cast %scan3A_353 : i32 to index
      %swap3A_369 = arith.constant 80 : index
      %swap3A_370 = tpu.vector_load %arg20[%swap3A_368, %swap3A_369] {strides = array<i32>} : memref<40x144xf32, #tpu.memory_space<vmem>>, vector<16xf32>,
      tpu.vector_store %arg20[%swap3A_368, %swap3A_369], %broadcast_in_dim3A_3 {strides = array<i32>} : memref<40x144xf32, #tpu.memory_space<vmem>>, vector<16xf32>,
      %swap3A_371 = arith.index_cast %scan3A_353 : i32 to index
      %swap3A_372 = arith.constant 96 : index
      %swap3A_373 = tpu.vector_load %arg20[%swap3A_371, %swap3A_372] {strides = array<i32>} : memref<40x144xf32, #tpu.memory_space<vmem>>, vector<16xf32>,
      tpu.vector_store %arg20[%swap3A_371, %swap3A_372], %broadcast_in_dim3A_3 {strides = array<i32>} : memref<40x144xf32, #tpu.memory_space<vmem>>, vector<16xf32>,
      %swap3A_374 = arith.index_cast %scan3A_353 : i32 to index
      %swap3A_375 = arith.constant 112 : index
      %swap3A_376 = tpu.vector_load %arg20[%swap3A_374, %swap3A_375] {strides = array<i32>} : memref<40x144xf32, #tpu.memory_space<vmem>>, vector<16xf32>,
      tpu.vector_store %arg20[%swap3A_374, %swap3A_375], %broadcast_in_dim3A_3 {strides = array<i32>} : memref<40x144xf32, #tpu.memory_space<vmem>>, vector<16xf32>,
      %swap3A_377 = arith.index_cast %scan3A_353 : i32 to index
      %swap3A_378 = arith.constant 128 : index
      %swap3A_379 = tpu.vector_load %arg20[%swap3A_377, %swap3A_378] {strides = array<i32>} : memref<40x144xf32, #tpu.memory_space<vmem>>, vector<16xf32>,
      tpu.vector_store %arg20[%swap3A_377, %swap3A_378], %broadcast_in_dim3A_3 {strides = array<i32>} : memref<40x144xf32, #tpu.memory_space<vmem>>, vector<16xf32>,
    }
    %scan3A_10 = arith.constant 40 : i32
    %scan3A_11 = arith.constant 0 : i32
    %scan3A_12 = arith.constant 0 : i32
    %scan3A_13 = arith.constant 625 : i32
    %scan3A_14 = arith.addi %scan3A_12, %scan3A_13 : i32
    %scan3A_15 = arith.constant 1 : i32
    scf.for %scan3A_353 = %scan3A_12 to %scan3A_14 step %scan3A_15  : i32 {
      %mul3A_354 = arith.constant 16 : i32
      %mul3A_355 = arith.muli %scan3A_353, %mul3A_354 : i32
      %swap3A = arith.index_cast %mul3A_355 : i32 to index
      %swap3A_356 = tpu.vector_load %arg22[%swap3A] {strides = array<i32>} : memref<10000xf32, #tpu.memory_space<vmem>>, vector<16xf32>,
      tpu.vector_store %arg22[%swap3A], %broadcast_in_dim3A_3 {strides = array<i32>} : memref<10000xf32, #tpu.memory_space<vmem>>, vector<16xf32>,
    }
    %scan3A_16 = arith.constant 625 : i32
    %mul3A_17 = arith.constant 625 : i32
    %mul3A_18 = arith.muli %arg1, %mul3A_17 : i32
    %add3A_19 = arith.constant 0 : i32
    %add3A_20 = arith.addi %mul3A_18, %add3A_19 : i32
    "tpu.region"() ({
      %run_scoped3A = tpu.sem_alloc : memref<!tpu.dma_semaphore, #tpu.memory_space<semaphore_mem>>
      %dma_start3A_353 = arith.constant 0 : i32
      %dma_start3A_354 = tpu.memref_slice %arg9[%add3A_20, %dma_start3A_353] : memref<10000x144xf32, #tpu.memory_space<vmem_shared>> -> memref<40x144xf32, #tpu.memory_space<vmem_shared>>
      %dma_start3A_355 = arith.constant 0 : i32
      %dma_start3A_356 = tpu.memref_slice %arg9[%add3A_20, %dma_start3A_355] : memref<10000x144xf32, #tpu.memory_space<vmem_shared>> -> memref<40x144xf32, #tpu.memory_space<vmem_shared>>
      tpu.enqueue_dma source(%arg20 : memref<40x144xf32, #tpu.memory_space<vmem>>) target(%dma_start3A_356 : memref<40x144xf32, #tpu.memory_space<vmem_shared>>) target_semaphore(%run_scoped3A : memref<!tpu.dma_semaphore, #tpu.memory_space<semaphore_mem>>)
      %dma_wait3A_357 = arith.constant 0 : i32
      %dma_wait3A_358 = tpu.memref_slice %arg9[%add3A_20, %dma_wait3A_357] : memref<10000x144xf32, #tpu.memory_space<vmem_shared>> -> memref<40x144xf32, #tpu.memory_space<vmem_shared>>
      %dma_wait3A_359 = arith.constant 0 : i32
      %dma_wait3A_360 = tpu.memref_slice %arg9[%add3A_20, %dma_wait3A_359] : memref<10000x144xf32, #tpu.memory_space<vmem_shared>> -> memref<40x144xf32, #tpu.memory_space<vmem_shared>>
      tpu.wait_dma2 semaphore(%run_scoped3A : memref<!tpu.dma_semaphore, #tpu.memory_space<semaphore_mem>>) src(%arg20 : memref<40x144xf32, #tpu.memory_space<vmem>>) dst(%dma_wait3A_360 : memref<40x144xf32, #tpu.memory_space<vmem_shared>>)
      tpu.yield
    }) : () -> ()
    %mul3A_21 = arith.constant 625 : i32
    %mul3A_22 = arith.muli %arg1, %mul3A_21 : i32
    %add3A_23 = arith.constant 40 : i32
    %add3A_24 = arith.addi %mul3A_22, %add3A_23 : i32
    "tpu.region"() ({
      %run_scoped3A = tpu.sem_alloc : memref<!tpu.dma_semaphore, #tpu.memory_space<semaphore_mem>>
      %dma_start3A_353 = arith.constant 0 : i32
      %dma_start3A_354 = tpu.memref_slice %arg9[%add3A_24, %dma_start3A_353] : memref<10000x144xf32, #tpu.memory_space<vmem_shared>> -> memref<40x144xf32, #tpu.memory_space<vmem_shared>>
      %dma_start3A_355 = arith.constant 0 : i32
      %dma_start3A_356 = tpu.memref_slice %arg9[%add3A_24, %dma_start3A_355] : memref<10000x144xf32, #tpu.memory_space<vmem_shared>> -> memref<40x144xf32, #tpu.memory_space<vmem_shared>>
      tpu.enqueue_dma source(%arg20 : memref<40x144xf32, #tpu.memory_space<vmem>>) target(%dma_start3A_356 : memref<40x144xf32, #tpu.memory_space<vmem_shared>>) target_semaphore(%run_scoped3A : memref<!tpu.dma_semaphore, #tpu.memory_space<semaphore_mem>>)
      %dma_wait3A_357 = arith.constant 0 : i32
      %dma_wait3A_358 = tpu.memref_slice %arg9[%add3A_24, %dma_wait3A_357] : memref<10000x144xf32, #tpu.memory_space<vmem_shared>> -> memref<40x144xf32, #tpu.memory_space<vmem_shared>>
      %dma_wait3A_359 = arith.constant 0 : i32
      %dma_wait3A_360 = tpu.memref_slice %arg9[%add3A_24, %dma_wait3A_359] : memref<10000x144xf32, #tpu.memory_space<vmem_shared>> -> memref<40x144xf32, #tpu.memory_space<vmem_shared>>
      tpu.wait_dma2 semaphore(%run_scoped3A : memref<!tpu.dma_semaphore, #tpu.memory_space<semaphore_mem>>) src(%arg20 : memref<40x144xf32, #tpu.memory_space<vmem>>) dst(%dma_wait3A_360 : memref<40x144xf32, #tpu.memory_space<vmem_shared>>)
      tpu.yield
    }) : () -> ()
    %mul3A_25 = arith.constant 625 : i32
    %mul3A_26 = arith.muli %arg1, %mul3A_25 : i32
    %add3A_27 = arith.constant 80 : i32
    %add3A_28 = arith.addi %mul3A_26, %add3A_27 : i32
    "tpu.region"() ({
      %run_scoped3A = tpu.sem_alloc : memref<!tpu.dma_semaphore, #tpu.memory_space<semaphore_mem>>
      %dma_start3A_353 = arith.constant 0 : i32
      %dma_start3A_354 = tpu.memref_slice %arg9[%add3A_28, %dma_start3A_353] : memref<10000x144xf32, #tpu.memory_space<vmem_shared>> -> memref<40x144xf32, #tpu.memory_space<vmem_shared>>
      %dma_start3A_355 = arith.constant 0 : i32
      %dma_start3A_356 = tpu.memref_slice %arg9[%add3A_28, %dma_start3A_355] : memref<10000x144xf32, #tpu.memory_space<vmem_shared>> -> memref<40x144xf32, #tpu.memory_space<vmem_shared>>
      tpu.enqueue_dma source(%arg20 : memref<40x144xf32, #tpu.memory_space<vmem>>) target(%dma_start3A_356 : memref<40x144xf32, #tpu.memory_space<vmem_shared>>) target_semaphore(%run_scoped3A : memref<!tpu.dma_semaphore, #tpu.memory_space<semaphore_mem>>)
      %dma_wait3A_357 = arith.constant 0 : i32
      %dma_wait3A_358 = tpu.memref_slice %arg9[%add3A_28, %dma_wait3A_357] : memref<10000x144xf32, #tpu.memory_space<vmem_shared>> -> memref<40x144xf32, #tpu.memory_space<vmem_shared>>
      %dma_wait3A_359 = arith.constant 0 : i32
      %dma_wait3A_360 = tpu.memref_slice %arg9[%add3A_28, %dma_wait3A_359] : memref<10000x144xf32, #tpu.memory_space<vmem_shared>> -> memref<40x144xf32, #tpu.memory_space<vmem_shared>>
      tpu.wait_dma2 semaphore(%run_scoped3A : memref<!tpu.dma_semaphore, #tpu.memory_space<semaphore_mem>>) src(%arg20 : memref<40x144xf32, #tpu.memory_space<vmem>>) dst(%dma_wait3A_360 : memref<40x144xf32, #tpu.memory_space<vmem_shared>>)
      tpu.yield
    }) : () -> ()
    %mul3A_29 = arith.constant 625 : i32
    %mul3A_30 = arith.muli %arg1, %mul3A_29 : i32
    %add3A_31 = arith.constant 120 : i32
    %add3A_32 = arith.addi %mul3A_30, %add3A_31 : i32
    "tpu.region"() ({
      %run_scoped3A = tpu.sem_alloc : memref<!tpu.dma_semaphore, #tpu.memory_space<semaphore_mem>>
      %dma_start3A_353 = arith.constant 0 : i32
      %dma_start3A_354 = tpu.memref_slice %arg9[%add3A_32, %dma_start3A_353] : memref<10000x144xf32, #tpu.memory_space<vmem_shared>> -> memref<40x144xf32, #tpu.memory_space<vmem_shared>>
      %dma_start3A_355 = arith.constant 0 : i32
      %dma_start3A_356 = tpu.memref_slice %arg9[%add3A_32, %dma_start3A_355] : memref<10000x144xf32, #tpu.memory_space<vmem_shared>> -> memref<40x144xf32, #tpu.memory_space<vmem_shared>>
      tpu.enqueue_dma source(%arg20 : memref<40x144xf32, #tpu.memory_space<vmem>>) target(%dma_start3A_356 : memref<40x144xf32, #tpu.memory_space<vmem_shared>>) target_semaphore(%run_scoped3A : memref<!tpu.dma_semaphore, #tpu.memory_space<semaphore_mem>>)
      %dma_wait3A_357 = arith.constant 0 : i32
      %dma_wait3A_358 = tpu.memref_slice %arg9[%add3A_32, %dma_wait3A_357] : memref<10000x144xf32, #tpu.memory_space<vmem_shared>> -> memref<40x144xf32, #tpu.memory_space<vmem_shared>>
      %dma_wait3A_359 = arith.constant 0 : i32
      %dma_wait3A_360 = tpu.memref_slice %arg9[%add3A_32, %dma_wait3A_359] : memref<10000x144xf32, #tpu.memory_space<vmem_shared>> -> memref<40x144xf32, #tpu.memory_space<vmem_shared>>
      tpu.wait_dma2 semaphore(%run_scoped3A : memref<!tpu.dma_semaphore, #tpu.memory_space<semaphore_mem>>) src(%arg20 : memref<40x144xf32, #tpu.memory_space<vmem>>) dst(%dma_wait3A_360 : memref<40x144xf32, #tpu.memory_space<vmem_shared>>)
      tpu.yield
    }) : () -> ()
    %mul3A_33 = arith.constant 625 : i32
    %mul3A_34 = arith.muli %arg1, %mul3A_33 : i32
    %add3A_35 = arith.constant 160 : i32
    %add3A_36 = arith.addi %mul3A_34, %add3A_35 : i32
    "tpu.region"() ({
      %run_scoped3A = tpu.sem_alloc : memref<!tpu.dma_semaphore, #tpu.memory_space<semaphore_mem>>
      %dma_start3A_353 = arith.constant 0 : i32
      %dma_start3A_354 = tpu.memref_slice %arg9[%add3A_36, %dma_start3A_353] : memref<10000x144xf32, #tpu.memory_space<vmem_shared>> -> memref<40x144xf32, #tpu.memory_space<vmem_shared>>
      %dma_start3A_355 = arith.constant 0 : i32
      %dma_start3A_356 = tpu.memref_slice %arg9[%add3A_36, %dma_start3A_355] : memref<10000x144xf32, #tpu.memory_space<vmem_shared>> -> memref<40x144xf32, #tpu.memory_space<vmem_shared>>
      tpu.enqueue_dma source(%arg20 : memref<40x144xf32, #tpu.memory_space<vmem>>) target(%dma_start3A_356 : memref<40x144xf32, #tpu.memory_space<vmem_shared>>) target_semaphore(%run_scoped3A : memref<!tpu.dma_semaphore, #tpu.memory_space<semaphore_mem>>)
      %dma_wait3A_357 = arith.constant 0 : i32
      %dma_wait3A_358 = tpu.memref_slice %arg9[%add3A_36, %dma_wait3A_357] : memref<10000x144xf32, #tpu.memory_space<vmem_shared>> -> memref<40x144xf32, #tpu.memory_space<vmem_shared>>
      %dma_wait3A_359 = arith.constant 0 : i32
      %dma_wait3A_360 = tpu.memref_slice %arg9[%add3A_36, %dma_wait3A_359] : memref<10000x144xf32, #tpu.memory_space<vmem_shared>> -> memref<40x144xf32, #tpu.memory_space<vmem_shared>>
      tpu.wait_dma2 semaphore(%run_scoped3A : memref<!tpu.dma_semaphore, #tpu.memory_space<semaphore_mem>>) src(%arg20 : memref<40x144xf32, #tpu.memory_space<vmem>>) dst(%dma_wait3A_360 : memref<40x144xf32, #tpu.memory_space<vmem_shared>>)
      tpu.yield
    }) : () -> ()
    %mul3A_37 = arith.constant 625 : i32
    %mul3A_38 = arith.muli %arg1, %mul3A_37 : i32
    %add3A_39 = arith.constant 200 : i32
    %add3A_40 = arith.addi %mul3A_38, %add3A_39 : i32
    "tpu.region"() ({
      %run_scoped3A = tpu.sem_alloc : memref<!tpu.dma_semaphore, #tpu.memory_space<semaphore_mem>>
      %dma_start3A_353 = arith.constant 0 : i32
      %dma_start3A_354 = tpu.memref_slice %arg9[%add3A_40, %dma_start3A_353] : memref<10000x144xf32, #tpu.memory_space<vmem_shared>> -> memref<40x144xf32, #tpu.memory_space<vmem_shared>>
      %dma_start3A_355 = arith.constant 0 : i32
      %dma_start3A_356 = tpu.memref_slice %arg9[%add3A_40, %dma_start3A_355] : memref<10000x144xf32, #tpu.memory_space<vmem_shared>> -> memref<40x144xf32, #tpu.memory_space<vmem_shared>>
      tpu.enqueue_dma source(%arg20 : memref<40x144xf32, #tpu.memory_space<vmem>>) target(%dma_start3A_356 : memref<40x144xf32, #tpu.memory_space<vmem_shared>>) target_semaphore(%run_scoped3A : memref<!tpu.dma_semaphore, #tpu.memory_space<semaphore_mem>>)
      %dma_wait3A_357 = arith.constant 0 : i32
      %dma_wait3A_358 = tpu.memref_slice %arg9[%add3A_40, %dma_wait3A_357] : memref<10000x144xf32, #tpu.memory_space<vmem_shared>> -> memref<40x144xf32, #tpu.memory_space<vmem_shared>>
      %dma_wait3A_359 = arith.constant 0 : i32
      %dma_wait3A_360 = tpu.memref_slice %arg9[%add3A_40, %dma_wait3A_359] : memref<10000x144xf32, #tpu.memory_space<vmem_shared>> -> memref<40x144xf32, #tpu.memory_space<vmem_shared>>
      tpu.wait_dma2 semaphore(%run_scoped3A : memref<!tpu.dma_semaphore, #tpu.memory_space<semaphore_mem>>) src(%arg20 : memref<40x144xf32, #tpu.memory_space<vmem>>) dst(%dma_wait3A_360 : memref<40x144xf32, #tpu.memory_space<vmem_shared>>)
      tpu.yield
    }) : () -> ()
    %mul3A_41 = arith.constant 625 : i32
    %mul3A_42 = arith.muli %arg1, %mul3A_41 : i32
    %add3A_43 = arith.constant 240 : i32
    %add3A_44 = arith.addi %mul3A_42, %add3A_43 : i32
    "tpu.region"() ({
      %run_scoped3A = tpu.sem_alloc : memref<!tpu.dma_semaphore, #tpu.memory_space<semaphore_mem>>
      %dma_start3A_353 = arith.constant 0 : i32
      %dma_start3A_354 = tpu.memref_slice %arg9[%add3A_44, %dma_start3A_353] : memref<10000x144xf32, #tpu.memory_space<vmem_shared>> -> memref<40x144xf32, #tpu.memory_space<vmem_shared>>
      %dma_start3A_355 = arith.constant 0 : i32
      %dma_start3A_356 = tpu.memref_slice %arg9[%add3A_44, %dma_start3A_355] : memref<10000x144xf32, #tpu.memory_space<vmem_shared>> -> memref<40x144xf32, #tpu.memory_space<vmem_shared>>
      tpu.enqueue_dma source(%arg20 : memref<40x144xf32, #tpu.memory_space<vmem>>) target(%dma_start3A_356 : memref<40x144xf32, #tpu.memory_space<vmem_shared>>) target_semaphore(%run_scoped3A : memref<!tpu.dma_semaphore, #tpu.memory_space<semaphore_mem>>)
      %dma_wait3A_357 = arith.constant 0 : i32
      %dma_wait3A_358 = tpu.memref_slice %arg9[%add3A_44, %dma_wait3A_357] : memref<10000x144xf32, #tpu.memory_space<vmem_shared>> -> memref<40x144xf32, #tpu.memory_space<vmem_shared>>
      %dma_wait3A_359 = arith.constant 0 : i32
      %dma_wait3A_360 = tpu.memref_slice %arg9[%add3A_44, %dma_wait3A_359] : memref<10000x144xf32, #tpu.memory_space<vmem_shared>> -> memref<40x144xf32, #tpu.memory_space<vmem_shared>>
      tpu.wait_dma2 semaphore(%run_scoped3A : memref<!tpu.dma_semaphore, #tpu.memory_space<semaphore_mem>>) src(%arg20 : memref<40x144xf32, #tpu.memory_space<vmem>>) dst(%dma_wait3A_360 : memref<40x144xf32, #tpu.memory_space<vmem_shared>>)
      tpu.yield
    }) : () -> ()
    %mul3A_45 = arith.constant 625 : i32
    %mul3A_46 = arith.muli %arg1, %mul3A_45 : i32
    %add3A_47 = arith.constant 280 : i32
    %add3A_48 = arith.addi %mul3A_46, %add3A_47 : i32
    "tpu.region"() ({
      %run_scoped3A = tpu.sem_alloc : memref<!tpu.dma_semaphore, #tpu.memory_space<semaphore_mem>>
      %dma_start3A_353 = arith.constant 0 : i32
      %dma_start3A_354 = tpu.memref_slice %arg9[%add3A_48, %dma_start3A_353] : memref<10000x144xf32, #tpu.memory_space<vmem_shared>> -> memref<40x144xf32, #tpu.memory_space<vmem_shared>>
      %dma_start3A_355 = arith.constant 0 : i32
      %dma_start3A_356 = tpu.memref_slice %arg9[%add3A_48, %dma_start3A_355] : memref<10000x144xf32, #tpu.memory_space<vmem_shared>> -> memref<40x144xf32, #tpu.memory_space<vmem_shared>>
      tpu.enqueue_dma source(%arg20 : memref<40x144xf32, #tpu.memory_space<vmem>>) target(%dma_start3A_356 : memref<40x144xf32, #tpu.memory_space<vmem_shared>>) target_semaphore(%run_scoped3A : memref<!tpu.dma_semaphore, #tpu.memory_space<semaphore_mem>>)
      %dma_wait3A_357 = arith.constant 0 : i32
      %dma_wait3A_358 = tpu.memref_slice %arg9[%add3A_48, %dma_wait3A_357] : memref<10000x144xf32, #tpu.memory_space<vmem_shared>> -> memref<40x144xf32, #tpu.memory_space<vmem_shared>>
      %dma_wait3A_359 = arith.constant 0 : i32
      %dma_wait3A_360 = tpu.memref_slice %arg9[%add3A_48, %dma_wait3A_359] : memref<10000x144xf32, #tpu.memory_space<vmem_shared>> -> memref<40x144xf32, #tpu.memory_space<vmem_shared>>
      tpu.wait_dma2 semaphore(%run_scoped3A : memref<!tpu.dma_semaphore, #tpu.memory_space<semaphore_mem>>) src(%arg20 : memref<40x144xf32, #tpu.memory_space<vmem>>) dst(%dma_wait3A_360 : memref<40x144xf32, #tpu.memory_space<vmem_shared>>)
      tpu.yield
    }) : () -> ()
    %mul3A_49 = arith.constant 625 : i32
    %mul3A_50 = arith.muli %arg1, %mul3A_49 : i32
    %add3A_51 = arith.constant 320 : i32
    %add3A_52 = arith.addi %mul3A_50, %add3A_51 : i32
    "tpu.region"() ({
      %run_scoped3A = tpu.sem_alloc : memref<!tpu.dma_semaphore, #tpu.memory_space<semaphore_mem>>
      %dma_start3A_353 = arith.constant 0 : i32
      %dma_start3A_354 = tpu.memref_slice %arg9[%add3A_52, %dma_start3A_353] : memref<10000x144xf32, #tpu.memory_space<vmem_shared>> -> memref<40x144xf32, #tpu.memory_space<vmem_shared>>
      %dma_start3A_355 = arith.constant 0 : i32
      %dma_start3A_356 = tpu.memref_slice %arg9[%add3A_52, %dma_start3A_355] : memref<10000x144xf32, #tpu.memory_space<vmem_shared>> -> memref<40x144xf32, #tpu.memory_space<vmem_shared>>
      tpu.enqueue_dma source(%arg20 : memref<40x144xf32, #tpu.memory_space<vmem>>) target(%dma_start3A_356 : memref<40x144xf32, #tpu.memory_space<vmem_shared>>) target_semaphore(%run_scoped3A : memref<!tpu.dma_semaphore, #tpu.memory_space<semaphore_mem>>)
      %dma_wait3A_357 = arith.constant 0 : i32
      %dma_wait3A_358 = tpu.memref_slice %arg9[%add3A_52, %dma_wait3A_357] : memref<10000x144xf32, #tpu.memory_space<vmem_shared>> -> memref<40x144xf32, #tpu.memory_space<vmem_shared>>
      %dma_wait3A_359 = arith.constant 0 : i32
      %dma_wait3A_360 = tpu.memref_slice %arg9[%add3A_52, %dma_wait3A_359] : memref<10000x144xf32, #tpu.memory_space<vmem_shared>> -> memref<40x144xf32, #tpu.memory_space<vmem_shared>>
      tpu.wait_dma2 semaphore(%run_scoped3A : memref<!tpu.dma_semaphore, #tpu.memory_space<semaphore_mem>>) src(%arg20 : memref<40x144xf32, #tpu.memory_space<vmem>>) dst(%dma_wait3A_360 : memref<40x144xf32, #tpu.memory_space<vmem_shared>>)
      tpu.yield
    }) : () -> ()
    %mul3A_53 = arith.constant 625 : i32
    %mul3A_54 = arith.muli %arg1, %mul3A_53 : i32
    %add3A_55 = arith.constant 360 : i32
    %add3A_56 = arith.addi %mul3A_54, %add3A_55 : i32
    "tpu.region"() ({
      %run_scoped3A = tpu.sem_alloc : memref<!tpu.dma_semaphore, #tpu.memory_space<semaphore_mem>>
      %dma_start3A_353 = arith.constant 0 : i32
      %dma_start3A_354 = tpu.memref_slice %arg9[%add3A_56, %dma_start3A_353] : memref<10000x144xf32, #tpu.memory_space<vmem_shared>> -> memref<40x144xf32, #tpu.memory_space<vmem_shared>>
      %dma_start3A_355 = arith.constant 0 : i32
      %dma_start3A_356 = tpu.memref_slice %arg9[%add3A_56, %dma_start3A_355] : memref<10000x144xf32, #tpu.memory_space<vmem_shared>> -> memref<40x144xf32, #tpu.memory_space<vmem_shared>>
      tpu.enqueue_dma source(%arg20 : memref<40x144xf32, #tpu.memory_space<vmem>>) target(%dma_start3A_356 : memref<40x144xf32, #tpu.memory_space<vmem_shared>>) target_semaphore(%run_scoped3A : memref<!tpu.dma_semaphore, #tpu.memory_space<semaphore_mem>>)
      %dma_wait3A_357 = arith.constant 0 : i32
      %dma_wait3A_358 = tpu.memref_slice %arg9[%add3A_56, %dma_wait3A_357] : memref<10000x144xf32, #tpu.memory_space<vmem_shared>> -> memref<40x144xf32, #tpu.memory_space<vmem_shared>>
      %dma_wait3A_359 = arith.constant 0 : i32
      %dma_wait3A_360 = tpu.memref_slice %arg9[%add3A_56, %dma_wait3A_359] : memref<10000x144xf32, #tpu.memory_space<vmem_shared>> -> memref<40x144xf32, #tpu.memory_space<vmem_shared>>
      tpu.wait_dma2 semaphore(%run_scoped3A : memref<!tpu.dma_semaphore, #tpu.memory_space<semaphore_mem>>) src(%arg20 : memref<40x144xf32, #tpu.memory_space<vmem>>) dst(%dma_wait3A_360 : memref<40x144xf32, #tpu.memory_space<vmem_shared>>)
      tpu.yield
    }) : () -> ()
    %mul3A_57 = arith.constant 625 : i32
    %mul3A_58 = arith.muli %arg1, %mul3A_57 : i32
    %add3A_59 = arith.constant 400 : i32
    %add3A_60 = arith.addi %mul3A_58, %add3A_59 : i32
    "tpu.region"() ({
      %run_scoped3A = tpu.sem_alloc : memref<!tpu.dma_semaphore, #tpu.memory_space<semaphore_mem>>
      %dma_start3A_353 = arith.constant 0 : i32
      %dma_start3A_354 = tpu.memref_slice %arg9[%add3A_60, %dma_start3A_353] : memref<10000x144xf32, #tpu.memory_space<vmem_shared>> -> memref<40x144xf32, #tpu.memory_space<vmem_shared>>
      %dma_start3A_355 = arith.constant 0 : i32
      %dma_start3A_356 = tpu.memref_slice %arg9[%add3A_60, %dma_start3A_355] : memref<10000x144xf32, #tpu.memory_space<vmem_shared>> -> memref<40x144xf32, #tpu.memory_space<vmem_shared>>
      tpu.enqueue_dma source(%arg20 : memref<40x144xf32, #tpu.memory_space<vmem>>) target(%dma_start3A_356 : memref<40x144xf32, #tpu.memory_space<vmem_shared>>) target_semaphore(%run_scoped3A : memref<!tpu.dma_semaphore, #tpu.memory_space<semaphore_mem>>)
      %dma_wait3A_357 = arith.constant 0 : i32
      %dma_wait3A_358 = tpu.memref_slice %arg9[%add3A_60, %dma_wait3A_357] : memref<10000x144xf32, #tpu.memory_space<vmem_shared>> -> memref<40x144xf32, #tpu.memory_space<vmem_shared>>
      %dma_wait3A_359 = arith.constant 0 : i32
      %dma_wait3A_360 = tpu.memref_slice %arg9[%add3A_60, %dma_wait3A_359] : memref<10000x144xf32, #tpu.memory_space<vmem_shared>> -> memref<40x144xf32, #tpu.memory_space<vmem_shared>>
      tpu.wait_dma2 semaphore(%run_scoped3A : memref<!tpu.dma_semaphore, #tpu.memory_space<semaphore_mem>>) src(%arg20 : memref<40x144xf32, #tpu.memory_space<vmem>>) dst(%dma_wait3A_360 : memref<40x144xf32, #tpu.memory_space<vmem_shared>>)
      tpu.yield
    }) : () -> ()
    %mul3A_61 = arith.constant 625 : i32
    %mul3A_62 = arith.muli %arg1, %mul3A_61 : i32
    %add3A_63 = arith.constant 440 : i32
    %add3A_64 = arith.addi %mul3A_62, %add3A_63 : i32
    "tpu.region"() ({
      %run_scoped3A = tpu.sem_alloc : memref<!tpu.dma_semaphore, #tpu.memory_space<semaphore_mem>>
      %dma_start3A_353 = arith.constant 0 : i32
      %dma_start3A_354 = tpu.memref_slice %arg9[%add3A_64, %dma_start3A_353] : memref<10000x144xf32, #tpu.memory_space<vmem_shared>> -> memref<40x144xf32, #tpu.memory_space<vmem_shared>>
      %dma_start3A_355 = arith.constant 0 : i32
      %dma_start3A_356 = tpu.memref_slice %arg9[%add3A_64, %dma_start3A_355] : memref<10000x144xf32, #tpu.memory_space<vmem_shared>> -> memref<40x144xf32, #tpu.memory_space<vmem_shared>>
      tpu.enqueue_dma source(%arg20 : memref<40x144xf32, #tpu.memory_space<vmem>>) target(%dma_start3A_356 : memref<40x144xf32, #tpu.memory_space<vmem_shared>>) target_semaphore(%run_scoped3A : memref<!tpu.dma_semaphore, #tpu.memory_space<semaphore_mem>>)
      %dma_wait3A_357 = arith.constant 0 : i32
      %dma_wait3A_358 = tpu.memref_slice %arg9[%add3A_64, %dma_wait3A_357] : memref<10000x144xf32, #tpu.memory_space<vmem_shared>> -> memref<40x144xf32, #tpu.memory_space<vmem_shared>>
      %dma_wait3A_359 = arith.constant 0 : i32
      %dma_wait3A_360 = tpu.memref_slice %arg9[%add3A_64, %dma_wait3A_359] : memref<10000x144xf32, #tpu.memory_space<vmem_shared>> -> memref<40x144xf32, #tpu.memory_space<vmem_shared>>
      tpu.wait_dma2 semaphore(%run_scoped3A : memref<!tpu.dma_semaphore, #tpu.memory_space<semaphore_mem>>) src(%arg20 : memref<40x144xf32, #tpu.memory_space<vmem>>) dst(%dma_wait3A_360 : memref<40x144xf32, #tpu.memory_space<vmem_shared>>)
      tpu.yield
    }) : () -> ()
    %mul3A_65 = arith.constant 625 : i32
    %mul3A_66 = arith.muli %arg1, %mul3A_65 : i32
    %add3A_67 = arith.constant 480 : i32
    %add3A_68 = arith.addi %mul3A_66, %add3A_67 : i32
    "tpu.region"() ({
      %run_scoped3A = tpu.sem_alloc : memref<!tpu.dma_semaphore, #tpu.memory_space<semaphore_mem>>
      %dma_start3A_353 = arith.constant 0 : i32
      %dma_start3A_354 = tpu.memref_slice %arg9[%add3A_68, %dma_start3A_353] : memref<10000x144xf32, #tpu.memory_space<vmem_shared>> -> memref<40x144xf32, #tpu.memory_space<vmem_shared>>
      %dma_start3A_355 = arith.constant 0 : i32
      %dma_start3A_356 = tpu.memref_slice %arg9[%add3A_68, %dma_start3A_355] : memref<10000x144xf32, #tpu.memory_space<vmem_shared>> -> memref<40x144xf32, #tpu.memory_space<vmem_shared>>
      tpu.enqueue_dma source(%arg20 : memref<40x144xf32, #tpu.memory_space<vmem>>) target(%dma_start3A_356 : memref<40x144xf32, #tpu.memory_space<vmem_shared>>) target_semaphore(%run_scoped3A : memref<!tpu.dma_semaphore, #tpu.memory_space<semaphore_mem>>)
      %dma_wait3A_357 = arith.constant 0 : i32
      %dma_wait3A_358 = tpu.memref_slice %arg9[%add3A_68, %dma_wait3A_357] : memref<10000x144xf32, #tpu.memory_space<vmem_shared>> -> memref<40x144xf32, #tpu.memory_space<vmem_shared>>
      %dma_wait3A_359 = arith.constant 0 : i32
      %dma_wait3A_360 = tpu.memref_slice %arg9[%add3A_68, %dma_wait3A_359] : memref<10000x144xf32, #tpu.memory_space<vmem_shared>> -> memref<40x144xf32, #tpu.memory_space<vmem_shared>>
      tpu.wait_dma2 semaphore(%run_scoped3A : memref<!tpu.dma_semaphore, #tpu.memory_space<semaphore_mem>>) src(%arg20 : memref<40x144xf32, #tpu.memory_space<vmem>>) dst(%dma_wait3A_360 : memref<40x144xf32, #tpu.memory_space<vmem_shared>>)
      tpu.yield
    }) : () -> ()
    %mul3A_69 = arith.constant 625 : i32
    %mul3A_70 = arith.muli %arg1, %mul3A_69 : i32
    %add3A_71 = arith.constant 520 : i32
    %add3A_72 = arith.addi %mul3A_70, %add3A_71 : i32
    "tpu.region"() ({
      %run_scoped3A = tpu.sem_alloc : memref<!tpu.dma_semaphore, #tpu.memory_space<semaphore_mem>>
      %dma_start3A_353 = arith.constant 0 : i32
      %dma_start3A_354 = tpu.memref_slice %arg9[%add3A_72, %dma_start3A_353] : memref<10000x144xf32, #tpu.memory_space<vmem_shared>> -> memref<40x144xf32, #tpu.memory_space<vmem_shared>>
      %dma_start3A_355 = arith.constant 0 : i32
      %dma_start3A_356 = tpu.memref_slice %arg9[%add3A_72, %dma_start3A_355] : memref<10000x144xf32, #tpu.memory_space<vmem_shared>> -> memref<40x144xf32, #tpu.memory_space<vmem_shared>>
      tpu.enqueue_dma source(%arg20 : memref<40x144xf32, #tpu.memory_space<vmem>>) target(%dma_start3A_356 : memref<40x144xf32, #tpu.memory_space<vmem_shared>>) target_semaphore(%run_scoped3A : memref<!tpu.dma_semaphore, #tpu.memory_space<semaphore_mem>>)
      %dma_wait3A_357 = arith.constant 0 : i32
      %dma_wait3A_358 = tpu.memref_slice %arg9[%add3A_72, %dma_wait3A_357] : memref<10000x144xf32, #tpu.memory_space<vmem_shared>> -> memref<40x144xf32, #tpu.memory_space<vmem_shared>>
      %dma_wait3A_359 = arith.constant 0 : i32
      %dma_wait3A_360 = tpu.memref_slice %arg9[%add3A_72, %dma_wait3A_359] : memref<10000x144xf32, #tpu.memory_space<vmem_shared>> -> memref<40x144xf32, #tpu.memory_space<vmem_shared>>
      tpu.wait_dma2 semaphore(%run_scoped3A : memref<!tpu.dma_semaphore, #tpu.memory_space<semaphore_mem>>) src(%arg20 : memref<40x144xf32, #tpu.memory_space<vmem>>) dst(%dma_wait3A_360 : memref<40x144xf32, #tpu.memory_space<vmem_shared>>)
      tpu.yield
    }) : () -> ()
    %mul3A_73 = arith.constant 625 : i32
    %mul3A_74 = arith.muli %arg1, %mul3A_73 : i32
    %add3A_75 = arith.constant 560 : i32
    %add3A_76 = arith.addi %mul3A_74, %add3A_75 : i32
    "tpu.region"() ({
      %run_scoped3A = tpu.sem_alloc : memref<!tpu.dma_semaphore, #tpu.memory_space<semaphore_mem>>
      %dma_start3A_353 = arith.constant 0 : i32
      %dma_start3A_354 = tpu.memref_slice %arg9[%add3A_76, %dma_start3A_353] : memref<10000x144xf32, #tpu.memory_space<vmem_shared>> -> memref<40x144xf32, #tpu.memory_space<vmem_shared>>
      %dma_start3A_355 = arith.constant 0 : i32
      %dma_start3A_356 = tpu.memref_slice %arg9[%add3A_76, %dma_start3A_355] : memref<10000x144xf32, #tpu.memory_space<vmem_shared>> -> memref<40x144xf32, #tpu.memory_space<vmem_shared>>
      tpu.enqueue_dma source(%arg20 : memref<40x144xf32, #tpu.memory_space<vmem>>) target(%dma_start3A_356 : memref<40x144xf32, #tpu.memory_space<vmem_shared>>) target_semaphore(%run_scoped3A : memref<!tpu.dma_semaphore, #tpu.memory_space<semaphore_mem>>)
      %dma_wait3A_357 = arith.constant 0 : i32
      %dma_wait3A_358 = tpu.memref_slice %arg9[%add3A_76, %dma_wait3A_357] : memref<10000x144xf32, #tpu.memory_space<vmem_shared>> -> memref<40x144xf32, #tpu.memory_space<vmem_shared>>
      %dma_wait3A_359 = arith.constant 0 : i32
      %dma_wait3A_360 = tpu.memref_slice %arg9[%add3A_76, %dma_wait3A_359] : memref<10000x144xf32, #tpu.memory_space<vmem_shared>> -> memref<40x144xf32, #tpu.memory_space<vmem_shared>>
      tpu.wait_dma2 semaphore(%run_scoped3A : memref<!tpu.dma_semaphore, #tpu.memory_space<semaphore_mem>>) src(%arg20 : memref<40x144xf32, #tpu.memory_space<vmem>>) dst(%dma_wait3A_360 : memref<40x144xf32, #tpu.memory_space<vmem_shared>>)
      tpu.yield
    }) : () -> ()
    %mul3A_77 = arith.constant 625 : i32
    %mul3A_78 = arith.muli %arg1, %mul3A_77 : i32
    %add3A_79 = arith.constant 600 : i32
    %add3A_80 = arith.addi %mul3A_78, %add3A_79 : i32
    "tpu.region"() ({
      %run_scoped3A = tpu.sem_alloc : memref<!tpu.dma_semaphore, #tpu.memory_space<semaphore_mem>>
      %dma_start3A_353 = arith.constant 0 : i32
      %dma_start3A_354 = arith.constant 0 : i32
      %dma_start3A_355 = tpu.memref_slice %arg20[%dma_start3A_353, %dma_start3A_354] : memref<40x144xf32, #tpu.memory_space<vmem>> -> memref<25x144xf32, #tpu.memory_space<vmem>>
      %dma_start3A_356 = arith.constant 0 : i32
      %dma_start3A_357 = tpu.memref_slice %arg9[%add3A_80, %dma_start3A_356] : memref<10000x144xf32, #tpu.memory_space<vmem_shared>> -> memref<25x144xf32, #tpu.memory_space<vmem_shared>>
      %dma_start3A_358 = arith.constant 0 : i32
      %dma_start3A_359 = tpu.memref_slice %arg9[%add3A_80, %dma_start3A_358] : memref<10000x144xf32, #tpu.memory_space<vmem_shared>> -> memref<25x144xf32, #tpu.memory_space<vmem_shared>>
      %dma_start3A_360 = arith.constant 0 : i32
      %dma_start3A_361 = arith.constant 0 : i32
      %dma_start3A_362 = tpu.memref_slice %arg20[%dma_start3A_360, %dma_start3A_361] : memref<40x144xf32, #tpu.memory_space<vmem>> -> memref<25x144xf32, #tpu.memory_space<vmem>>
      tpu.enqueue_dma source(%dma_start3A_362 : memref<25x144xf32, #tpu.memory_space<vmem>>) target(%dma_start3A_359 : memref<25x144xf32, #tpu.memory_space<vmem_shared>>) target_semaphore(%run_scoped3A : memref<!tpu.dma_semaphore, #tpu.memory_space<semaphore_mem>>)
      %dma_wait3A_363 = arith.constant 0 : i32
      %dma_wait3A_364 = arith.constant 0 : i32
      %dma_wait3A_365 = tpu.memref_slice %arg20[%dma_wait3A_363, %dma_wait3A_364] : memref<40x144xf32, #tpu.memory_space<vmem>> -> memref<25x144xf32, #tpu.memory_space<vmem>>
      %dma_wait3A_366 = arith.constant 0 : i32
      %dma_wait3A_367 = tpu.memref_slice %arg9[%add3A_80, %dma_wait3A_366] : memref<10000x144xf32, #tpu.memory_space<vmem_shared>> -> memref<25x144xf32, #tpu.memory_space<vmem_shared>>
      %dma_wait3A_368 = arith.constant 0 : i32
      %dma_wait3A_369 = tpu.memref_slice %arg9[%add3A_80, %dma_wait3A_368] : memref<10000x144xf32, #tpu.memory_space<vmem_shared>> -> memref<25x144xf32, #tpu.memory_space<vmem_shared>>
      %dma_wait3A_370 = arith.constant 0 : i32
      %dma_wait3A_371 = arith.constant 0 : i32
      %dma_wait3A_372 = tpu.memref_slice %arg20[%dma_wait3A_370, %dma_wait3A_371] : memref<40x144xf32, #tpu.memory_space<vmem>> -> memref<25x144xf32, #tpu.memory_space<vmem>>
      tpu.wait_dma2 semaphore(%run_scoped3A : memref<!tpu.dma_semaphore, #tpu.memory_space<semaphore_mem>>) src(%dma_wait3A_372 : memref<25x144xf32, #tpu.memory_space<vmem>>) dst(%dma_wait3A_369 : memref<25x144xf32, #tpu.memory_space<vmem_shared>>)
      tpu.yield
    }) : () -> ()
    %barrier3A = arith.constant 0 : index
    tpu.barrier barrier_id(%barrier3A)
    %add3A_81 = arith.constant 0 : i32
    %add3A_82 = arith.addi %mul3A_2, %add3A_81 : i32
    %shift_right_logical3A = arith.constant 7 : i32
    %shift_right_logical3A_83 = arith.shrui %add3A_82, %shift_right_logical3A : i32
    %min3A = arith.constant 2498 : i32
    %min3A_84 = arith.minsi %shift_right_logical3A_83, %min3A : i32
    %add3A_85 = arith.constant 20 : i32
    %add3A_86 = arith.addi %add3A_82, %add3A_85 : i32
    %dma_start3A = tpu.memref_slice %arg5[%add3A_82] : memref<320000xi32, #tpu.memory_space<hbm>> -> memref<40xi32, #tpu.memory_space<hbm>>
    %dma_start3A_87 = tpu.memref_slice %arg5[%add3A_82] : memref<320000xi32, #tpu.memory_space<hbm>> -> memref<40xi32, #tpu.memory_space<hbm>>
    tpu.enqueue_dma source(%dma_start3A_87 : memref<40xi32, #tpu.memory_space<hbm>>) target(%arg10 : memref<40xi32, #tpu.memory_space<vmem>>) target_semaphore(%arg23 : memref<!tpu.dma_semaphore, #tpu.memory_space<semaphore_mem>>)
    %dma_start3A_88 = tpu.memref_slice %arg6[%add3A_82] : memref<320000xi32, #tpu.memory_space<hbm>> -> memref<40xi32, #tpu.memory_space<hbm>>
    %dma_start3A_89 = tpu.memref_slice %arg6[%add3A_82] : memref<320000xi32, #tpu.memory_space<hbm>> -> memref<40xi32, #tpu.memory_space<hbm>>
    tpu.enqueue_dma source(%dma_start3A_89 : memref<40xi32, #tpu.memory_space<hbm>>) target(%arg12 : memref<40xi32, #tpu.memory_space<vmem>>) target_semaphore(%arg23 : memref<!tpu.dma_semaphore, #tpu.memory_space<semaphore_mem>>)
    %dma_start3A_90 = arith.constant 0 : i32
    %dma_start3A_91 = arith.constant 0 : i32
    %dma_start3A_92 = tpu.memref_slice %arg16[%dma_start3A_90, %dma_start3A_91] : memref<40x128xf32, #tpu.memory_space<vmem>> -> memref<20x128xf32, #tpu.memory_space<vmem>>
    %dma_start3A_93 = arith.constant 0 : i32
    %dma_start3A_94 = tpu.memref_slice %arg3[%add3A_82, %dma_start3A_93] : memref<320000x128xf32, #tpu.memory_space<hbm>> -> memref<20x128xf32, #tpu.memory_space<hbm>>
    %dma_start3A_95 = arith.constant 0 : i32
    %dma_start3A_96 = arith.constant 0 : i32
    %dma_start3A_97 = tpu.memref_slice %arg16[%dma_start3A_95, %dma_start3A_96] : memref<40x128xf32, #tpu.memory_space<vmem>> -> memref<20x128xf32, #tpu.memory_space<vmem>>
    %dma_start3A_98 = arith.constant 0 : i32
    %dma_start3A_99 = tpu.memref_slice %arg3[%add3A_82, %dma_start3A_98] : memref<320000x128xf32, #tpu.memory_space<hbm>> -> memref<20x128xf32, #tpu.memory_space<hbm>>
    tpu.enqueue_dma source(%dma_start3A_99 : memref<20x128xf32, #tpu.memory_space<hbm>>) target(%dma_start3A_97 : memref<20x128xf32, #tpu.memory_space<vmem>>) target_semaphore(%arg23 : memref<!tpu.dma_semaphore, #tpu.memory_space<semaphore_mem>>)
    %dma_start3A_100 = arith.constant 20 : i32
    %dma_start3A_101 = arith.constant 0 : i32
    %dma_start3A_102 = tpu.memref_slice %arg16[%dma_start3A_100, %dma_start3A_101] : memref<40x128xf32, #tpu.memory_space<vmem>> -> memref<20x128xf32, #tpu.memory_space<vmem>>
    %dma_start3A_103 = arith.constant 0 : i32
    %dma_start3A_104 = tpu.memref_slice %arg3[%add3A_86, %dma_start3A_103] : memref<320000x128xf32, #tpu.memory_space<hbm>> -> memref<20x128xf32, #tpu.memory_space<hbm>>
    %dma_start3A_105 = arith.constant 20 : i32
    %dma_start3A_106 = arith.constant 0 : i32
    %dma_start3A_107 = tpu.memref_slice %arg16[%dma_start3A_105, %dma_start3A_106] : memref<40x128xf32, #tpu.memory_space<vmem>> -> memref<20x128xf32, #tpu.memory_space<vmem>>
    %dma_start3A_108 = arith.constant 0 : i32
    %dma_start3A_109 = tpu.memref_slice %arg3[%add3A_86, %dma_start3A_108] : memref<320000x128xf32, #tpu.memory_space<hbm>> -> memref<20x128xf32, #tpu.memory_space<hbm>>
    tpu.enqueue_dma source(%dma_start3A_109 : memref<20x128xf32, #tpu.memory_space<hbm>>) target(%dma_start3A_107 : memref<20x128xf32, #tpu.memory_space<vmem>>) target_semaphore(%arg23 : memref<!tpu.dma_semaphore, #tpu.memory_space<semaphore_mem>>)
    %dma_start3A_110 = arith.constant 0 : i32
    %dma_start3A_111 = arith.constant 0 : i32
    %dma_start3A_112 = arith.constant 0 : i32
    %dma_start3A_113 = tpu.memref_slice %arg18[%dma_start3A_110, %dma_start3A_111, %dma_start3A_112] : memref<2x16x128xf32, #tpu.memory_space<vmem>> -> memref<1x16x128xf32, #tpu.memory_space<vmem>>
    %dma_start3A_114 = tpu.memref_squeeze %dma_start3A_113 : memref<1x16x128xf32, #tpu.memory_space<vmem>> -> memref<16x128xf32, #tpu.memory_space<vmem>>
    %dma_start3A_115 = arith.constant 0 : i32
    %dma_start3A_116 = arith.constant 0 : i32
    %dma_start3A_117 = tpu.memref_slice %arg4[%min3A_84, %dma_start3A_115, %dma_start3A_116] : memref<2500x16x128xf32, #tpu.memory_space<hbm>> -> memref<1x16x128xf32, #tpu.memory_space<hbm>>
    %dma_start3A_118 = tpu.memref_squeeze %dma_start3A_117 : memref<1x16x128xf32, #tpu.memory_space<hbm>> -> memref<16x128xf32, #tpu.memory_space<hbm>>
    %dma_start3A_119 = arith.constant 0 : i32
    %dma_start3A_120 = arith.constant 0 : i32
    %dma_start3A_121 = tpu.memref_slice %arg18[%dma_start3A_110, %dma_start3A_119, %dma_start3A_120] : memref<2x16x128xf32, #tpu.memory_space<vmem>> -> memref<1x16x128xf32, #tpu.memory_space<vmem>>
    %dma_start3A_122 = tpu.memref_squeeze %dma_start3A_121 : memref<1x16x128xf32, #tpu.memory_space<vmem>> -> memref<16x128xf32, #tpu.memory_space<vmem>>
    %dma_start3A_123 = arith.constant 0 : i32
    %dma_start3A_124 = arith.constant 0 : i32
    %dma_start3A_125 = tpu.memref_slice %arg4[%min3A_84, %dma_start3A_123, %dma_start3A_124] : memref<2500x16x128xf32, #tpu.memory_space<hbm>> -> memref<1x16x128xf32, #tpu.memory_space<hbm>>
    %dma_start3A_126 = tpu.memref_squeeze %dma_start3A_125 : memref<1x16x128xf32, #tpu.memory_space<hbm>> -> memref<16x128xf32, #tpu.memory_space<hbm>>
    tpu.enqueue_dma source(%dma_start3A_126 : memref<16x128xf32, #tpu.memory_space<hbm>>) target(%dma_start3A_122 : memref<16x128xf32, #tpu.memory_space<vmem>>) target_semaphore(%arg23 : memref<!tpu.dma_semaphore, #tpu.memory_space<semaphore_mem>>)
    %add3A_127 = arith.constant 0 : i32
    %add3A_128 = arith.addi %mul3A_2, %add3A_127 : i32
    %shift_right_logical3A_129 = arith.constant 7 : i32
    %shift_right_logical3A_130 = arith.shrui %add3A_128, %shift_right_logical3A_129 : i32
    %min3A_131 = arith.constant 2498 : i32
    %min3A_132 = arith.minsi %shift_right_logical3A_130, %min3A_131 : i32
    %shift_left3A = arith.constant 7 : i32
    %shift_left3A_133 = arith.shli %min3A_132, %shift_left3A : i32
    %sub3A = arith.subi %add3A_128, %shift_left3A_133 : i32
    %add3A_134 = arith.constant 40 : i32
    %add3A_135 = arith.addi %sub3A, %add3A_134 : i32
    %sub3A_136 = arith.constant 1 : i32
    %sub3A_137 = arith.subi %add3A_135, %sub3A_136 : i32
    %ge3A = arith.constant 128 : i32
    %ge3A_138 = arith.cmpi sge, %sub3A_137, %ge3A : i32
    %convert_element_type3A = arith.extui %ge3A_138 : i1 to i32
    %cond3A = arith.constant 0 : i32
    %cond3A_139 = arith.cmpi ne, %convert_element_type3A, %cond3A : i32
    scf.if %cond3A_139 {
      %add3A_353 = arith.constant 0 : i32
      %add3A_354 = arith.addi %mul3A_2, %add3A_353 : i32
      %shift_right_logical3A_355 = arith.constant 7 : i32
      %shift_right_logical3A_356 = arith.shrui %add3A_354, %shift_right_logical3A_355 : i32
      %min3A_357 = arith.constant 2498 : i32
      %min3A_358 = arith.minsi %shift_right_logical3A_356, %min3A_357 : i32
      %add3A_359 = arith.constant 1 : i32
      %add3A_360 = arith.addi %min3A_358, %add3A_359 : i32
      %dma_start3A_361 = arith.constant 1 : i32
      %dma_start3A_362 = arith.constant 0 : i32
      %dma_start3A_363 = arith.constant 0 : i32
      %dma_start3A_364 = tpu.memref_slice %arg18[%dma_start3A_361, %dma_start3A_362, %dma_start3A_363] : memref<2x16x128xf32, #tpu.memory_space<vmem>> -> memref<1x16x128xf32, #tpu.memory_space<vmem>>
      %dma_start3A_365 = tpu.memref_squeeze %dma_start3A_364 : memref<1x16x128xf32, #tpu.memory_space<vmem>> -> memref<16x128xf32, #tpu.memory_space<vmem>>
      %dma_start3A_366 = arith.constant 0 : i32
      %dma_start3A_367 = arith.constant 0 : i32
      %dma_start3A_368 = tpu.memref_slice %arg4[%add3A_360, %dma_start3A_366, %dma_start3A_367] : memref<2500x16x128xf32, #tpu.memory_space<hbm>> -> memref<1x16x128xf32, #tpu.memory_space<hbm>>
      %dma_start3A_369 = tpu.memref_squeeze %dma_start3A_368 : memref<1x16x128xf32, #tpu.memory_space<hbm>> -> memref<16x128xf32, #tpu.memory_space<hbm>>
      %dma_start3A_370 = arith.constant 0 : i32
      %dma_start3A_371 = arith.constant 0 : i32
      %dma_start3A_372 = tpu.memref_slice %arg18[%dma_start3A_361, %dma_start3A_370, %dma_start3A_371] : memref<2x16x128xf32, #tpu.memory_space<vmem>> -> memref<1x16x128xf32, #tpu.memory_space<vmem>>
      %dma_start3A_373 = tpu.memref_squeeze %dma_start3A_372 : memref<1x16x128xf32, #tpu.memory_space<vmem>> -> memref<16x128xf32, #tpu.memory_space<vmem>>
      %dma_start3A_374 = arith.constant 0 : i32
      %dma_start3A_375 = arith.constant 0 : i32
      %dma_start3A_376 = tpu.memref_slice %arg4[%add3A_360, %dma_start3A_374, %dma_start3A_375] : memref<2500x16x128xf32, #tpu.memory_space<hbm>> -> memref<1x16x128xf32, #tpu.memory_space<hbm>>
      %dma_start3A_377 = tpu.memref_squeeze %dma_start3A_376 : memref<1x16x128xf32, #tpu.memory_space<hbm>> -> memref<16x128xf32, #tpu.memory_space<hbm>>
      tpu.enqueue_dma source(%dma_start3A_377 : memref<16x128xf32, #tpu.memory_space<hbm>>) target(%dma_start3A_373 : memref<16x128xf32, #tpu.memory_space<vmem>>) target_semaphore(%arg23 : memref<!tpu.dma_semaphore, #tpu.memory_space<semaphore_mem>>)
    } else {
    }
    %add3A_140 = arith.constant 40 : i32
    %add3A_141 = arith.addi %mul3A_2, %add3A_140 : i32
    %shift_right_logical3A_142 = arith.constant 7 : i32
    %shift_right_logical3A_143 = arith.shrui %add3A_141, %shift_right_logical3A_142 : i32
    %min3A_144 = arith.constant 2498 : i32
    %min3A_145 = arith.minsi %shift_right_logical3A_143, %min3A_144 : i32
    %add3A_146 = arith.constant 20 : i32
    %add3A_147 = arith.addi %add3A_141, %add3A_146 : i32
    %dma_start3A_148 = tpu.memref_slice %arg5[%add3A_141] : memref<320000xi32, #tpu.memory_space<hbm>> -> memref<40xi32, #tpu.memory_space<hbm>>
    %dma_start3A_149 = tpu.memref_slice %arg5[%add3A_141] : memref<320000xi32, #tpu.memory_space<hbm>> -> memref<40xi32, #tpu.memory_space<hbm>>
    tpu.enqueue_dma source(%dma_start3A_149 : memref<40xi32, #tpu.memory_space<hbm>>) target(%arg11 : memref<40xi32, #tpu.memory_space<vmem>>) target_semaphore(%arg24 : memref<!tpu.dma_semaphore, #tpu.memory_space<semaphore_mem>>)
    %dma_start3A_150 = tpu.memref_slice %arg6[%add3A_141] : memref<320000xi32, #tpu.memory_space<hbm>> -> memref<40xi32, #tpu.memory_space<hbm>>
    %dma_start3A_151 = tpu.memref_slice %arg6[%add3A_141] : memref<320000xi32, #tpu.memory_space<hbm>> -> memref<40xi32, #tpu.memory_space<hbm>>
    tpu.enqueue_dma source(%dma_start3A_151 : memref<40xi32, #tpu.memory_space<hbm>>) target(%arg13 : memref<40xi32, #tpu.memory_space<vmem>>) target_semaphore(%arg24 : memref<!tpu.dma_semaphore, #tpu.memory_space<semaphore_mem>>)
    %dma_start3A_152 = arith.constant 0 : i32
    %dma_start3A_153 = arith.constant 0 : i32
    %dma_start3A_154 = tpu.memref_slice %arg17[%dma_start3A_152, %dma_start3A_153] : memref<40x128xf32, #tpu.memory_space<vmem>> -> memref<20x128xf32, #tpu.memory_space<vmem>>
    %dma_start3A_155 = arith.constant 0 : i32
    %dma_start3A_156 = tpu.memref_slice %arg3[%add3A_141, %dma_start3A_155] : memref<320000x128xf32, #tpu.memory_space<hbm>> -> memref<20x128xf32, #tpu.memory_space<hbm>>
    %dma_start3A_157 = arith.constant 0 : i32
    %dma_start3A_158 = arith.constant 0 : i32
    %dma_start3A_159 = tpu.memref_slice %arg17[%dma_start3A_157, %dma_start3A_158] : memref<40x128xf32, #tpu.memory_space<vmem>> -> memref<20x128xf32, #tpu.memory_space<vmem>>
    %dma_start3A_160 = arith.constant 0 : i32
    %dma_start3A_161 = tpu.memref_slice %arg3[%add3A_141, %dma_start3A_160] : memref<320000x128xf32, #tpu.memory_space<hbm>> -> memref<20x128xf32, #tpu.memory_space<hbm>>
    tpu.enqueue_dma source(%dma_start3A_161 : memref<20x128xf32, #tpu.memory_space<hbm>>) target(%dma_start3A_159 : memref<20x128xf32, #tpu.memory_space<vmem>>) target_semaphore(%arg24 : memref<!tpu.dma_semaphore, #tpu.memory_space<semaphore_mem>>)
    %dma_start3A_162 = arith.constant 20 : i32
    %dma_start3A_163 = arith.constant 0 : i32
    %dma_start3A_164 = tpu.memref_slice %arg17[%dma_start3A_162, %dma_start3A_163] : memref<40x128xf32, #tpu.memory_space<vmem>> -> memref<20x128xf32, #tpu.memory_space<vmem>>
    %dma_start3A_165 = arith.constant 0 : i32
    %dma_start3A_166 = tpu.memref_slice %arg3[%add3A_147, %dma_start3A_165] : memref<320000x128xf32, #tpu.memory_space<hbm>> -> memref<20x128xf32, #tpu.memory_space<hbm>>
    %dma_start3A_167 = arith.constant 20 : i32
    %dma_start3A_168 = arith.constant 0 : i32
    %dma_start3A_169 = tpu.memref_slice %arg17[%dma_start3A_167, %dma_start3A_168] : memref<40x128xf32, #tpu.memory_space<vmem>> -> memref<20x128xf32, #tpu.memory_space<vmem>>
    %dma_start3A_170 = arith.constant 0 : i32
    %dma_start3A_171 = tpu.memref_slice %arg3[%add3A_147, %dma_start3A_170] : memref<320000x128xf32, #tpu.memory_space<hbm>> -> memref<20x128xf32, #tpu.memory_space<hbm>>
    tpu.enqueue_dma source(%dma_start3A_171 : memref<20x128xf32, #tpu.memory_space<hbm>>) target(%dma_start3A_169 : memref<20x128xf32, #tpu.memory_space<vmem>>) target_semaphore(%arg24 : memref<!tpu.dma_semaphore, #tpu.memory_space<semaphore_mem>>)
    %dma_start3A_172 = arith.constant 0 : i32
    %dma_start3A_173 = arith.constant 0 : i32
    %dma_start3A_174 = arith.constant 0 : i32
    %dma_start3A_175 = tpu.memref_slice %arg19[%dma_start3A_172, %dma_start3A_173, %dma_start3A_174] : memref<2x16x128xf32, #tpu.memory_space<vmem>> -> memref<1x16x128xf32, #tpu.memory_space<vmem>>
    %dma_start3A_176 = tpu.memref_squeeze %dma_start3A_175 : memref<1x16x128xf32, #tpu.memory_space<vmem>> -> memref<16x128xf32, #tpu.memory_space<vmem>>
    %dma_start3A_177 = arith.constant 0 : i32
    %dma_start3A_178 = arith.constant 0 : i32
    %dma_start3A_179 = tpu.memref_slice %arg4[%min3A_145, %dma_start3A_177, %dma_start3A_178] : memref<2500x16x128xf32, #tpu.memory_space<hbm>> -> memref<1x16x128xf32, #tpu.memory_space<hbm>>
    %dma_start3A_180 = tpu.memref_squeeze %dma_start3A_179 : memref<1x16x128xf32, #tpu.memory_space<hbm>> -> memref<16x128xf32, #tpu.memory_space<hbm>>
    %dma_start3A_181 = arith.constant 0 : i32
    %dma_start3A_182 = arith.constant 0 : i32
    %dma_start3A_183 = tpu.memref_slice %arg19[%dma_start3A_172, %dma_start3A_181, %dma_start3A_182] : memref<2x16x128xf32, #tpu.memory_space<vmem>> -> memref<1x16x128xf32, #tpu.memory_space<vmem>>
    %dma_start3A_184 = tpu.memref_squeeze %dma_start3A_183 : memref<1x16x128xf32, #tpu.memory_space<vmem>> -> memref<16x128xf32, #tpu.memory_space<vmem>>
    %dma_start3A_185 = arith.constant 0 : i32
    %dma_start3A_186 = arith.constant 0 : i32
    %dma_start3A_187 = tpu.memref_slice %arg4[%min3A_145, %dma_start3A_185, %dma_start3A_186] : memref<2500x16x128xf32, #tpu.memory_space<hbm>> -> memref<1x16x128xf32, #tpu.memory_space<hbm>>
    %dma_start3A_188 = tpu.memref_squeeze %dma_start3A_187 : memref<1x16x128xf32, #tpu.memory_space<hbm>> -> memref<16x128xf32, #tpu.memory_space<hbm>>
    tpu.enqueue_dma source(%dma_start3A_188 : memref<16x128xf32, #tpu.memory_space<hbm>>) target(%dma_start3A_184 : memref<16x128xf32, #tpu.memory_space<vmem>>) target_semaphore(%arg24 : memref<!tpu.dma_semaphore, #tpu.memory_space<semaphore_mem>>)
    %add3A_189 = arith.constant 40 : i32
    %add3A_190 = arith.addi %mul3A_2, %add3A_189 : i32
    %shift_right_logical3A_191 = arith.constant 7 : i32
    %shift_right_logical3A_192 = arith.shrui %add3A_190, %shift_right_logical3A_191 : i32
    %min3A_193 = arith.constant 2498 : i32
    %min3A_194 = arith.minsi %shift_right_logical3A_192, %min3A_193 : i32
    %shift_left3A_195 = arith.constant 7 : i32
    %shift_left3A_196 = arith.shli %min3A_194, %shift_left3A_195 : i32
    %sub3A_197 = arith.subi %add3A_190, %shift_left3A_196 : i32
    %add3A_198 = arith.constant 40 : i32
    %add3A_199 = arith.addi %sub3A_197, %add3A_198 : i32
    %sub3A_200 = arith.constant 1 : i32
    %sub3A_201 = arith.subi %add3A_199, %sub3A_200 : i32
    %ge3A_202 = arith.constant 128 : i32
    %ge3A_203 = arith.cmpi sge, %sub3A_201, %ge3A_202 : i32
    %convert_element_type3A_204 = arith.extui %ge3A_203 : i1 to i32
    %cond3A_205 = arith.constant 0 : i32
    %cond3A_206 = arith.cmpi ne, %convert_element_type3A_204, %cond3A_205 : i32
    scf.if %cond3A_206 {
      %add3A_353 = arith.constant 40 : i32
      %add3A_354 = arith.addi %mul3A_2, %add3A_353 : i32
      %shift_right_logical3A_355 = arith.constant 7 : i32
      %shift_right_logical3A_356 = arith.shrui %add3A_354, %shift_right_logical3A_355 : i32
      %min3A_357 = arith.constant 2498 : i32
      %min3A_358 = arith.minsi %shift_right_logical3A_356, %min3A_357 : i32
      %add3A_359 = arith.constant 1 : i32
      %add3A_360 = arith.addi %min3A_358, %add3A_359 : i32
      %dma_start3A_361 = arith.constant 1 : i32
      %dma_start3A_362 = arith.constant 0 : i32
      %dma_start3A_363 = arith.constant 0 : i32
      %dma_start3A_364 = tpu.memref_slice %arg19[%dma_start3A_361, %dma_start3A_362, %dma_start3A_363] : memref<2x16x128xf32, #tpu.memory_space<vmem>> -> memref<1x16x128xf32, #tpu.memory_space<vmem>>
      %dma_start3A_365 = tpu.memref_squeeze %dma_start3A_364 : memref<1x16x128xf32, #tpu.memory_space<vmem>> -> memref<16x128xf32, #tpu.memory_space<vmem>>
      %dma_start3A_366 = arith.constant 0 : i32
      %dma_start3A_367 = arith.constant 0 : i32
      %dma_start3A_368 = tpu.memref_slice %arg4[%add3A_360, %dma_start3A_366, %dma_start3A_367] : memref<2500x16x128xf32, #tpu.memory_space<hbm>> -> memref<1x16x128xf32, #tpu.memory_space<hbm>>
      %dma_start3A_369 = tpu.memref_squeeze %dma_start3A_368 : memref<1x16x128xf32, #tpu.memory_space<hbm>> -> memref<16x128xf32, #tpu.memory_space<hbm>>
      %dma_start3A_370 = arith.constant 0 : i32
      %dma_start3A_371 = arith.constant 0 : i32
      %dma_start3A_372 = tpu.memref_slice %arg19[%dma_start3A_361, %dma_start3A_370, %dma_start3A_371] : memref<2x16x128xf32, #tpu.memory_space<vmem>> -> memref<1x16x128xf32, #tpu.memory_space<vmem>>
      %dma_start3A_373 = tpu.memref_squeeze %dma_start3A_372 : memref<1x16x128xf32, #tpu.memory_space<vmem>> -> memref<16x128xf32, #tpu.memory_space<vmem>>
      %dma_start3A_374 = arith.constant 0 : i32
      %dma_start3A_375 = arith.constant 0 : i32
      %dma_start3A_376 = tpu.memref_slice %arg4[%add3A_360, %dma_start3A_374, %dma_start3A_375] : memref<2500x16x128xf32, #tpu.memory_space<hbm>> -> memref<1x16x128xf32, #tpu.memory_space<hbm>>
      %dma_start3A_377 = tpu.memref_squeeze %dma_start3A_376 : memref<1x16x128xf32, #tpu.memory_space<hbm>> -> memref<16x128xf32, #tpu.memory_space<hbm>>
      tpu.enqueue_dma source(%dma_start3A_377 : memref<16x128xf32, #tpu.memory_space<hbm>>) target(%dma_start3A_373 : memref<16x128xf32, #tpu.memory_space<vmem>>) target_semaphore(%arg24 : memref<!tpu.dma_semaphore, #tpu.memory_space<semaphore_mem>>)
    } else {
    }
    %add3A_207 = arith.constant 0 : i32
    %add3A_208 = arith.addi %mul3A_2, %add3A_207 : i32
    %shift_right_logical3A_209 = arith.constant 7 : i32
    %shift_right_logical3A_210 = arith.shrui %add3A_208, %shift_right_logical3A_209 : i32
    %min3A_211 = arith.constant 2498 : i32
    %min3A_212 = arith.minsi %shift_right_logical3A_210, %min3A_211 : i32
    %add3A_213 = arith.constant 20 : i32
    %add3A_214 = arith.addi %add3A_208, %add3A_213 : i32
    %dma_wait3A = tpu.memref_slice %arg5[%add3A_208] : memref<320000xi32, #tpu.memory_space<hbm>> -> memref<40xi32, #tpu.memory_space<hbm>>
    %dma_wait3A_215 = tpu.memref_slice %arg5[%add3A_208] : memref<320000xi32, #tpu.memory_space<hbm>> -> memref<40xi32, #tpu.memory_space<hbm>>
    tpu.wait_dma2 semaphore(%arg23 : memref<!tpu.dma_semaphore, #tpu.memory_space<semaphore_mem>>) src(%dma_wait3A_215 : memref<40xi32, #tpu.memory_space<hbm>>) dst(%arg10 : memref<40xi32, #tpu.memory_space<vmem>>)
    %dma_wait3A_216 = tpu.memref_slice %arg6[%add3A_208] : memref<320000xi32, #tpu.memory_space<hbm>> -> memref<40xi32, #tpu.memory_space<hbm>>
    %dma_wait3A_217 = tpu.memref_slice %arg6[%add3A_208] : memref<320000xi32, #tpu.memory_space<hbm>> -> memref<40xi32, #tpu.memory_space<hbm>>
    tpu.wait_dma2 semaphore(%arg23 : memref<!tpu.dma_semaphore, #tpu.memory_space<semaphore_mem>>) src(%dma_wait3A_217 : memref<40xi32, #tpu.memory_space<hbm>>) dst(%arg12 : memref<40xi32, #tpu.memory_space<vmem>>)
    %dma_wait3A_218 = arith.constant 0 : i32
    %dma_wait3A_219 = arith.constant 0 : i32
    %dma_wait3A_220 = tpu.memref_slice %arg16[%dma_wait3A_218, %dma_wait3A_219] : memref<40x128xf32, #tpu.memory_space<vmem>> -> memref<20x128xf32, #tpu.memory_space<vmem>>
    %dma_wait3A_221 = arith.constant 0 : i32
    %dma_wait3A_222 = tpu.memref_slice %arg3[%add3A_208, %dma_wait3A_221] : memref<320000x128xf32, #tpu.memory_space<hbm>> -> memref<20x128xf32, #tpu.memory_space<hbm>>
    %dma_wait3A_223 = arith.constant 0 : i32
    %dma_wait3A_224 = arith.constant 0 : i32
    %dma_wait3A_225 = tpu.memref_slice %arg16[%dma_wait3A_223, %dma_wait3A_224] : memref<40x128xf32, #tpu.memory_space<vmem>> -> memref<20x128xf32, #tpu.memory_space<vmem>>
    %dma_wait3A_226 = arith.constant 0 : i32
    %dma_wait3A_227 = tpu.memref_slice %arg3[%add3A_208, %dma_wait3A_226] : memref<320000x128xf32, #tpu.memory_space<hbm>> -> memref<20x128xf32, #tpu.memory_space<hbm>>
    tpu.wait_dma2 semaphore(%arg23 : memref<!tpu.dma_semaphore, #tpu.memory_space<semaphore_mem>>) src(%dma_wait3A_227 : memref<20x128xf32, #tpu.memory_space<hbm>>) dst(%dma_wait3A_225 : memref<20x128xf32, #tpu.memory_space<vmem>>)
    %dma_wait3A_228 = arith.constant 20 : i32
    %dma_wait3A_229 = arith.constant 0 : i32
    %dma_wait3A_230 = tpu.memref_slice %arg16[%dma_wait3A_228, %dma_wait3A_229] : memref<40x128xf32, #tpu.memory_space<vmem>> -> memref<20x128xf32, #tpu.memory_space<vmem>>
    %dma_wait3A_231 = arith.constant 0 : i32
    %dma_wait3A_232 = tpu.memref_slice %arg3[%add3A_214, %dma_wait3A_231] : memref<320000x128xf32, #tpu.memory_space<hbm>> -> memref<20x128xf32, #tpu.memory_space<hbm>>
    %dma_wait3A_233 = arith.constant 20 : i32
    %dma_wait3A_234 = arith.constant 0 : i32
    %dma_wait3A_235 = tpu.memref_slice %arg16[%dma_wait3A_233, %dma_wait3A_234] : memref<40x128xf32, #tpu.memory_space<vmem>> -> memref<20x128xf32, #tpu.memory_space<vmem>>
    %dma_wait3A_236 = arith.constant 0 : i32
    %dma_wait3A_237 = tpu.memref_slice %arg3[%add3A_214, %dma_wait3A_236] : memref<320000x128xf32, #tpu.memory_space<hbm>> -> memref<20x128xf32, #tpu.memory_space<hbm>>
    tpu.wait_dma2 semaphore(%arg23 : memref<!tpu.dma_semaphore, #tpu.memory_space<semaphore_mem>>) src(%dma_wait3A_237 : memref<20x128xf32, #tpu.memory_space<hbm>>) dst(%dma_wait3A_235 : memref<20x128xf32, #tpu.memory_space<vmem>>)
    %dma_wait3A_238 = arith.constant 0 : i32
    %dma_wait3A_239 = arith.constant 0 : i32
    %dma_wait3A_240 = arith.constant 0 : i32
    %dma_wait3A_241 = tpu.memref_slice %arg18[%dma_wait3A_238, %dma_wait3A_239, %dma_wait3A_240] : memref<2x16x128xf32, #tpu.memory_space<vmem>> -> memref<1x16x128xf32, #tpu.memory_space<vmem>>
    %dma_wait3A_242 = tpu.memref_squeeze %dma_wait3A_241 : memref<1x16x128xf32, #tpu.memory_space<vmem>> -> memref<16x128xf32, #tpu.memory_space<vmem>>
    %dma_wait3A_243 = arith.constant 0 : i32
    %dma_wait3A_244 = arith.constant 0 : i32
    %dma_wait3A_245 = tpu.memref_slice %arg4[%min3A_212, %dma_wait3A_243, %dma_wait3A_244] : memref<2500x16x128xf32, #tpu.memory_space<hbm>> -> memref<1x16x128xf32, #tpu.memory_space<hbm>>
    %dma_wait3A_246 = tpu.memref_squeeze %dma_wait3A_245 : memref<1x16x128xf32, #tpu.memory_space<hbm>> -> memref<16x128xf32, #tpu.memory_space<hbm>>
    %dma_wait3A_247 = arith.constant 0 : i32
    %dma_wait3A_248 = arith.constant 0 : i32
    %dma_wait3A_249 = tpu.memref_slice %arg18[%dma_wait3A_238, %dma_wait3A_247, %dma_wait3A_248] : memref<2x16x128xf32, #tpu.memory_space<vmem>> -> memref<1x16x128xf32, #tpu.memory_space<vmem>>
    %dma_wait3A_250 = tpu.memref_squeeze %dma_wait3A_249 : memref<1x16x128xf32, #tpu.memory_space<vmem>> -> memref<16x128xf32, #tpu.memory_space<vmem>>
    %dma_wait3A_251 = arith.constant 0 : i32
    %dma_wait3A_252 = arith.constant 0 : i32
    %dma_wait3A_253 = tpu.memref_slice %arg4[%min3A_212, %dma_wait3A_251, %dma_wait3A_252] : memref<2500x16x128xf32, #tpu.memory_space<hbm>> -> memref<1x16x128xf32, #tpu.memory_space<hbm>>
    %dma_wait3A_254 = tpu.memref_squeeze %dma_wait3A_253 : memref<1x16x128xf32, #tpu.memory_space<hbm>> -> memref<16x128xf32, #tpu.memory_space<hbm>>
    tpu.wait_dma2 semaphore(%arg23 : memref<!tpu.dma_semaphore, #tpu.memory_space<semaphore_mem>>) src(%dma_wait3A_254 : memref<16x128xf32, #tpu.memory_space<hbm>>) dst(%dma_wait3A_250 : memref<16x128xf32, #tpu.memory_space<vmem>>)
    %add3A_255 = arith.constant 0 : i32
    %add3A_256 = arith.addi %mul3A_2, %add3A_255 : i32
    %shift_right_logical3A_257 = arith.constant 7 : i32
    %shift_right_logical3A_258 = arith.shrui %add3A_256, %shift_right_logical3A_257 : i32
    %min3A_259 = arith.constant 2498 : i32
    %min3A_260 = arith.minsi %shift_right_logical3A_258, %min3A_259 : i32
    %shift_left3A_261 = arith.constant 7 : i32
    %shift_left3A_262 = arith.shli %min3A_260, %shift_left3A_261 : i32
    %sub3A_263 = arith.subi %add3A_256, %shift_left3A_262 : i32
    %add3A_264 = arith.constant 40 : i32
    %add3A_265 = arith.addi %sub3A_263, %add3A_264 : i32
    %sub3A_266 = arith.constant 1 : i32
    %sub3A_267 = arith.subi %add3A_265, %sub3A_266 : i32
    %ge3A_268 = arith.constant 128 : i32
    %ge3A_269 = arith.cmpi sge, %sub3A_267, %ge3A_268 : i32
    %convert_element_type3A_270 = arith.extui %ge3A_269 : i1 to i32
    %cond3A_271 = arith.constant 0 : i32
    %cond3A_272 = arith.cmpi ne, %convert_element_type3A_270, %cond3A_271 : i32
    scf.if %cond3A_272 {
      %add3A_353 = arith.constant 0 : i32
      %add3A_354 = arith.addi %mul3A_2, %add3A_353 : i32
      %shift_right_logical3A_355 = arith.constant 7 : i32
      %shift_right_logical3A_356 = arith.shrui %add3A_354, %shift_right_logical3A_355 : i32
      %min3A_357 = arith.constant 2498 : i32
      %min3A_358 = arith.minsi %shift_right_logical3A_356, %min3A_357 : i32
      %add3A_359 = arith.constant 1 : i32
      %add3A_360 = arith.addi %min3A_358, %add3A_359 : i32
      %dma_wait3A_361 = arith.constant 1 : i32
      %dma_wait3A_362 = arith.constant 0 : i32
      %dma_wait3A_363 = arith.constant 0 : i32
      %dma_wait3A_364 = tpu.memref_slice %arg18[%dma_wait3A_361, %dma_wait3A_362, %dma_wait3A_363] : memref<2x16x128xf32, #tpu.memory_space<vmem>> -> memref<1x16x128xf32, #tpu.memory_space<vmem>>
      %dma_wait3A_365 = tpu.memref_squeeze %dma_wait3A_364 : memref<1x16x128xf32, #tpu.memory_space<vmem>> -> memref<16x128xf32, #tpu.memory_space<vmem>>
      %dma_wait3A_366 = arith.constant 0 : i32
      %dma_wait3A_367 = arith.constant 0 : i32
      %dma_wait3A_368 = tpu.memref_slice %arg4[%add3A_360, %dma_wait3A_366, %dma_wait3A_367] : memref<2500x16x128xf32, #tpu.memory_space<hbm>> -> memref<1x16x128xf32, #tpu.memory_space<hbm>>
      %dma_wait3A_369 = tpu.memref_squeeze %dma_wait3A_368 : memref<1x16x128xf32, #tpu.memory_space<hbm>> -> memref<16x128xf32, #tpu.memory_space<hbm>>
      %dma_wait3A_370 = arith.constant 0 : i32
      %dma_wait3A_371 = arith.constant 0 : i32
      %dma_wait3A_372 = tpu.memref_slice %arg18[%dma_wait3A_361, %dma_wait3A_370, %dma_wait3A_371] : memref<2x16x128xf32, #tpu.memory_space<vmem>> -> memref<1x16x128xf32, #tpu.memory_space<vmem>>
      %dma_wait3A_373 = tpu.memref_squeeze %dma_wait3A_372 : memref<1x16x128xf32, #tpu.memory_space<vmem>> -> memref<16x128xf32, #tpu.memory_space<vmem>>
      %dma_wait3A_374 = arith.constant 0 : i32
      %dma_wait3A_375 = arith.constant 0 : i32
      %dma_wait3A_376 = tpu.memref_slice %arg4[%add3A_360, %dma_wait3A_374, %dma_wait3A_375] : memref<2500x16x128xf32, #tpu.memory_space<hbm>> -> memref<1x16x128xf32, #tpu.memory_space<hbm>>
      %dma_wait3A_377 = tpu.memref_squeeze %dma_wait3A_376 : memref<1x16x128xf32, #tpu.memory_space<hbm>> -> memref<16x128xf32, #tpu.memory_space<hbm>>
      tpu.wait_dma2 semaphore(%arg23 : memref<!tpu.dma_semaphore, #tpu.memory_space<semaphore_mem>>) src(%dma_wait3A_377 : memref<16x128xf32, #tpu.memory_space<hbm>>) dst(%dma_wait3A_373 : memref<16x128xf32, #tpu.memory_space<vmem>>)
    } else {
    }
    %dma_start3A_273 = arith.constant 0 : i32
    %dma_start3A_274 = arith.constant 0 : i32
    %dma_start3A_275 = tpu.memref_slice %arg2[%dma_start3A_273, %dma_start3A_274] : memref<10000x144xf32, #tpu.memory_space<hbm>> -> memref<10000x144xf32, #tpu.memory_space<hbm>>
    tpu.enqueue_indirect_dma source(%dma_start3A_275 : memref<10000x144xf32, #tpu.memory_space<hbm>>) target(%arg20 : memref<40x144xf32, #tpu.memory_space<vmem>>) offsets(%arg10 : memref<40xi32, #tpu.memory_space<vmem>>) semaphore(%arg25 : memref<!tpu.dma_semaphore, #tpu.memory_space<semaphore_mem>>)
    %scan3A_276 = arith.constant 0 : i32
    %scan3A_277 = arith.constant 0 : i32
    %scan3A_278 = arith.constant 125 : i32
    %scan3A_279 = arith.addi %scan3A_277, %scan3A_278 : i32
    %scan3A_280 = arith.constant 1 : i32
    scf.for %scan3A_353 = %scan3A_277 to %scan3A_279 step %scan3A_280  : i32 {
      %mul3A_354 = arith.constant 2 : i32
      %mul3A_355 = arith.muli %mul3A_354, %scan3A_353 : i32
      %add3A_356 = arith.constant 1 : i32
      %add3A_357 = arith.addi %mul3A_355, %add3A_356 : i32
      %lt3A = arith.constant 250 : i32
      %lt3A_358 = arith.cmpi slt, %add3A_357, %lt3A : i32
      %convert_element_type3A_359 = arith.extui %lt3A_358 : i1 to i32
      %cond3A_360 = arith.constant 0 : i32
      %cond3A_361 = arith.cmpi ne, %convert_element_type3A_359, %cond3A_360 : i32
      scf.if %cond3A_361 {
        %add3A_464 = arith.constant 1 : i32
        %add3A_465 = arith.addi %mul3A_355, %add3A_464 : i32
        %mul3A_466 = arith.constant 40 : i32
        %mul3A_467 = arith.muli %add3A_465, %mul3A_466 : i32
        %add3A_468 = arith.addi %mul3A_2, %mul3A_467 : i32
        %shift_right_logical3A_469 = arith.constant 7 : i32
        %shift_right_logical3A_470 = arith.shrui %add3A_468, %shift_right_logical3A_469 : i32
        %min3A_471 = arith.constant 2498 : i32
        %min3A_472 = arith.minsi %shift_right_logical3A_470, %min3A_471 : i32
        %add3A_473 = arith.constant 20 : i32
        %add3A_474 = arith.addi %add3A_468, %add3A_473 : i32
        %dma_wait3A_475 = tpu.memref_slice %arg5[%add3A_468] : memref<320000xi32, #tpu.memory_space<hbm>> -> memref<40xi32, #tpu.memory_space<hbm>>
        %dma_wait3A_476 = tpu.memref_slice %arg5[%add3A_468] : memref<320000xi32, #tpu.memory_space<hbm>> -> memref<40xi32, #tpu.memory_space<hbm>>
        tpu.wait_dma2 semaphore(%arg24 : memref<!tpu.dma_semaphore, #tpu.memory_space<semaphore_mem>>) src(%dma_wait3A_476 : memref<40xi32, #tpu.memory_space<hbm>>) dst(%arg11 : memref<40xi32, #tpu.memory_space<vmem>>)
        %dma_wait3A_477 = tpu.memref_slice %arg6[%add3A_468] : memref<320000xi32, #tpu.memory_space<hbm>> -> memref<40xi32, #tpu.memory_space<hbm>>
        %dma_wait3A_478 = tpu.memref_slice %arg6[%add3A_468] : memref<320000xi32, #tpu.memory_space<hbm>> -> memref<40xi32, #tpu.memory_space<hbm>>
        tpu.wait_dma2 semaphore(%arg24 : memref<!tpu.dma_semaphore, #tpu.memory_space<semaphore_mem>>) src(%dma_wait3A_478 : memref<40xi32, #tpu.memory_space<hbm>>) dst(%arg13 : memref<40xi32, #tpu.memory_space<vmem>>)
        %dma_wait3A_479 = arith.constant 0 : i32
        %dma_wait3A_480 = arith.constant 0 : i32
        %dma_wait3A_481 = tpu.memref_slice %arg17[%dma_wait3A_479, %dma_wait3A_480] : memref<40x128xf32, #tpu.memory_space<vmem>> -> memref<20x128xf32, #tpu.memory_space<vmem>>
        %dma_wait3A_482 = arith.constant 0 : i32
        %dma_wait3A_483 = tpu.memref_slice %arg3[%add3A_468, %dma_wait3A_482] : memref<320000x128xf32, #tpu.memory_space<hbm>> -> memref<20x128xf32, #tpu.memory_space<hbm>>
        %dma_wait3A_484 = arith.constant 0 : i32
        %dma_wait3A_485 = arith.constant 0 : i32
        %dma_wait3A_486 = tpu.memref_slice %arg17[%dma_wait3A_484, %dma_wait3A_485] : memref<40x128xf32, #tpu.memory_space<vmem>> -> memref<20x128xf32, #tpu.memory_space<vmem>>
        %dma_wait3A_487 = arith.constant 0 : i32
        %dma_wait3A_488 = tpu.memref_slice %arg3[%add3A_468, %dma_wait3A_487] : memref<320000x128xf32, #tpu.memory_space<hbm>> -> memref<20x128xf32, #tpu.memory_space<hbm>>
        tpu.wait_dma2 semaphore(%arg24 : memref<!tpu.dma_semaphore, #tpu.memory_space<semaphore_mem>>) src(%dma_wait3A_488 : memref<20x128xf32, #tpu.memory_space<hbm>>) dst(%dma_wait3A_486 : memref<20x128xf32, #tpu.memory_space<vmem>>)
        %dma_wait3A_489 = arith.constant 20 : i32
        %dma_wait3A_490 = arith.constant 0 : i32
        %dma_wait3A_491 = tpu.memref_slice %arg17[%dma_wait3A_489, %dma_wait3A_490] : memref<40x128xf32, #tpu.memory_space<vmem>> -> memref<20x128xf32, #tpu.memory_space<vmem>>
        %dma_wait3A_492 = arith.constant 0 : i32
        %dma_wait3A_493 = tpu.memref_slice %arg3[%add3A_474, %dma_wait3A_492] : memref<320000x128xf32, #tpu.memory_space<hbm>> -> memref<20x128xf32, #tpu.memory_space<hbm>>
        %dma_wait3A_494 = arith.constant 20 : i32
        %dma_wait3A_495 = arith.constant 0 : i32
        %dma_wait3A_496 = tpu.memref_slice %arg17[%dma_wait3A_494, %dma_wait3A_495] : memref<40x128xf32, #tpu.memory_space<vmem>> -> memref<20x128xf32, #tpu.memory_space<vmem>>
        %dma_wait3A_497 = arith.constant 0 : i32
        %dma_wait3A_498 = tpu.memref_slice %arg3[%add3A_474, %dma_wait3A_497] : memref<320000x128xf32, #tpu.memory_space<hbm>> -> memref<20x128xf32, #tpu.memory_space<hbm>>
        tpu.wait_dma2 semaphore(%arg24 : memref<!tpu.dma_semaphore, #tpu.memory_space<semaphore_mem>>) src(%dma_wait3A_498 : memref<20x128xf32, #tpu.memory_space<hbm>>) dst(%dma_wait3A_496 : memref<20x128xf32, #tpu.memory_space<vmem>>)
        %dma_wait3A_499 = arith.constant 0 : i32
        %dma_wait3A_500 = arith.constant 0 : i32
        %dma_wait3A_501 = arith.constant 0 : i32
        %dma_wait3A_502 = tpu.memref_slice %arg19[%dma_wait3A_499, %dma_wait3A_500, %dma_wait3A_501] : memref<2x16x128xf32, #tpu.memory_space<vmem>> -> memref<1x16x128xf32, #tpu.memory_space<vmem>>
        %dma_wait3A_503 = tpu.memref_squeeze %dma_wait3A_502 : memref<1x16x128xf32, #tpu.memory_space<vmem>> -> memref<16x128xf32, #tpu.memory_space<vmem>>
        %dma_wait3A_504 = arith.constant 0 : i32
        %dma_wait3A_505 = arith.constant 0 : i32
        %dma_wait3A_506 = tpu.memref_slice %arg4[%min3A_472, %dma_wait3A_504, %dma_wait3A_505] : memref<2500x16x128xf32, #tpu.memory_space<hbm>> -> memref<1x16x128xf32, #tpu.memory_space<hbm>>
        %dma_wait3A_507 = tpu.memref_squeeze %dma_wait3A_506 : memref<1x16x128xf32, #tpu.memory_space<hbm>> -> memref<16x128xf32, #tpu.memory_space<hbm>>
        %dma_wait3A_508 = arith.constant 0 : i32
        %dma_wait3A_509 = arith.constant 0 : i32
        %dma_wait3A_510 = tpu.memref_slice %arg19[%dma_wait3A_499, %dma_wait3A_508, %dma_wait3A_509] : memref<2x16x128xf32, #tpu.memory_space<vmem>> -> memref<1x16x128xf32, #tpu.memory_space<vmem>>
        %dma_wait3A_511 = tpu.memref_squeeze %dma_wait3A_510 : memref<1x16x128xf32, #tpu.memory_space<vmem>> -> memref<16x128xf32, #tpu.memory_space<vmem>>
        %dma_wait3A_512 = arith.constant 0 : i32
        %dma_wait3A_513 = arith.constant 0 : i32
        %dma_wait3A_514 = tpu.memref_slice %arg4[%min3A_472, %dma_wait3A_512, %dma_wait3A_513] : memref<2500x16x128xf32, #tpu.memory_space<hbm>> -> memref<1x16x128xf32, #tpu.memory_space<hbm>>
        %dma_wait3A_515 = tpu.memref_squeeze %dma_wait3A_514 : memref<1x16x128xf32, #tpu.memory_space<hbm>> -> memref<16x128xf32, #tpu.memory_space<hbm>>
        tpu.wait_dma2 semaphore(%arg24 : memref<!tpu.dma_semaphore, #tpu.memory_space<semaphore_mem>>) src(%dma_wait3A_515 : memref<16x128xf32, #tpu.memory_space<hbm>>) dst(%dma_wait3A_511 : memref<16x128xf32, #tpu.memory_space<vmem>>)
        %mul3A_516 = arith.constant 40 : i32
        %mul3A_517 = arith.muli %add3A_465, %mul3A_516 : i32
        %add3A_518 = arith.addi %mul3A_2, %mul3A_517 : i32
        %shift_right_logical3A_519 = arith.constant 7 : i32
        %shift_right_logical3A_520 = arith.shrui %add3A_518, %shift_right_logical3A_519 : i32
        %min3A_521 = arith.constant 2498 : i32
        %min3A_522 = arith.minsi %shift_right_logical3A_520, %min3A_521 : i32
        %shift_left3A_523 = arith.constant 7 : i32
        %shift_left3A_524 = arith.shli %min3A_522, %shift_left3A_523 : i32
        %sub3A_525 = arith.subi %add3A_518, %shift_left3A_524 : i32
        %add3A_526 = arith.constant 40 : i32
        %add3A_527 = arith.addi %sub3A_525, %add3A_526 : i32
        %sub3A_528 = arith.constant 1 : i32
        %sub3A_529 = arith.subi %add3A_527, %sub3A_528 : i32
        %ge3A_530 = arith.constant 128 : i32
        %ge3A_531 = arith.cmpi sge, %sub3A_529, %ge3A_530 : i32
        %convert_element_type3A_532 = arith.extui %ge3A_531 : i1 to i32
        %cond3A_533 = arith.constant 0 : i32
        %cond3A_534 = arith.cmpi ne, %convert_element_type3A_532, %cond3A_533 : i32
        scf.if %cond3A_534 {
          %mul3A_543 = arith.constant 40 : i32
          %mul3A_544 = arith.muli %add3A_465, %mul3A_543 : i32
          %add3A_545 = arith.addi %mul3A_2, %mul3A_544 : i32
          %shift_right_logical3A_546 = arith.constant 7 : i32
          %shift_right_logical3A_547 = arith.shrui %add3A_545, %shift_right_logical3A_546 : i32
          %min3A_548 = arith.constant 2498 : i32
          %min3A_549 = arith.minsi %shift_right_logical3A_547, %min3A_548 : i32
          %add3A_550 = arith.constant 1 : i32
          %add3A_551 = arith.addi %min3A_549, %add3A_550 : i32
          %dma_wait3A_552 = arith.constant 1 : i32
          %dma_wait3A_553 = arith.constant 0 : i32
          %dma_wait3A_554 = arith.constant 0 : i32
          %dma_wait3A_555 = tpu.memref_slice %arg19[%dma_wait3A_552, %dma_wait3A_553, %dma_wait3A_554] : memref<2x16x128xf32, #tpu.memory_space<vmem>> -> memref<1x16x128xf32, #tpu.memory_space<vmem>>
          %dma_wait3A_556 = tpu.memref_squeeze %dma_wait3A_555 : memref<1x16x128xf32, #tpu.memory_space<vmem>> -> memref<16x128xf32, #tpu.memory_space<vmem>>
          %dma_wait3A_557 = arith.constant 0 : i32
          %dma_wait3A_558 = arith.constant 0 : i32
          %dma_wait3A_559 = tpu.memref_slice %arg4[%add3A_551, %dma_wait3A_557, %dma_wait3A_558] : memref<2500x16x128xf32, #tpu.memory_space<hbm>> -> memref<1x16x128xf32, #tpu.memory_space<hbm>>
          %dma_wait3A_560 = tpu.memref_squeeze %dma_wait3A_559 : memref<1x16x128xf32, #tpu.memory_space<hbm>> -> memref<16x128xf32, #tpu.memory_space<hbm>>
          %dma_wait3A_561 = arith.constant 0 : i32
          %dma_wait3A_562 = arith.constant 0 : i32
          %dma_wait3A_563 = tpu.memref_slice %arg19[%dma_wait3A_552, %dma_wait3A_561, %dma_wait3A_562] : memref<2x16x128xf32, #tpu.memory_space<vmem>> -> memref<1x16x128xf32, #tpu.memory_space<vmem>>
          %dma_wait3A_564 = tpu.memref_squeeze %dma_wait3A_563 : memref<1x16x128xf32, #tpu.memory_space<vmem>> -> memref<16x128xf32, #tpu.memory_space<vmem>>
          %dma_wait3A_565 = arith.constant 0 : i32
          %dma_wait3A_566 = arith.constant 0 : i32
          %dma_wait3A_567 = tpu.memref_slice %arg4[%add3A_551, %dma_wait3A_565, %dma_wait3A_566] : memref<2500x16x128xf32, #tpu.memory_space<hbm>> -> memref<1x16x128xf32, #tpu.memory_space<hbm>>
          %dma_wait3A_568 = tpu.memref_squeeze %dma_wait3A_567 : memref<1x16x128xf32, #tpu.memory_space<hbm>> -> memref<16x128xf32, #tpu.memory_space<hbm>>
          tpu.wait_dma2 semaphore(%arg24 : memref<!tpu.dma_semaphore, #tpu.memory_space<semaphore_mem>>) src(%dma_wait3A_568 : memref<16x128xf32, #tpu.memory_space<hbm>>) dst(%dma_wait3A_564 : memref<16x128xf32, #tpu.memory_space<vmem>>)
        } else {
        }
        %ge3A_535 = arith.constant 1 : i32
        %ge3A_536 = arith.cmpi sge, %mul3A_355, %ge3A_535 : i32
        %convert_element_type3A_537 = arith.extui %ge3A_536 : i1 to i32
        %cond3A_538 = arith.constant 0 : i32
        %cond3A_539 = arith.cmpi ne, %convert_element_type3A_537, %cond3A_538 : i32
        scf.if %cond3A_539 {
          %dma_wait3A_543 = arith.constant 0 : i32
          %dma_wait3A_544 = arith.constant 0 : i32
          %dma_wait3A_545 = tpu.memref_slice %arg9[%dma_wait3A_543, %dma_wait3A_544] : memref<10000x144xf32, #tpu.memory_space<vmem_shared>> -> memref<10000x144xf32, #tpu.memory_space<vmem_shared>>
          tpu.wait_indirect_dma semaphore(%arg28 : memref<!tpu.dma_semaphore, #tpu.memory_space<semaphore_mem>>) src(%arg21 : memref<40x144xf32, #tpu.memory_space<vmem>>) dst(%dma_wait3A_545 : memref<10000x144xf32, #tpu.memory_space<vmem_shared>>)
        } else {
        }
        %dma_start3A_540 = arith.constant 0 : i32
        %dma_start3A_541 = arith.constant 0 : i32
        %dma_start3A_542 = tpu.memref_slice %arg2[%dma_start3A_540, %dma_start3A_541] : memref<10000x144xf32, #tpu.memory_space<hbm>> -> memref<10000x144xf32, #tpu.memory_space<hbm>>
        tpu.enqueue_indirect_dma source(%dma_start3A_542 : memref<10000x144xf32, #tpu.memory_space<hbm>>) target(%arg21 : memref<40x144xf32, #tpu.memory_space<vmem>>) offsets(%arg11 : memref<40xi32, #tpu.memory_space<vmem>>) semaphore(%arg26 : memref<!tpu.dma_semaphore, #tpu.memory_space<semaphore_mem>>)
      } else {
      }
      %dma_wait3A_362 = arith.constant 0 : i32
      %dma_wait3A_363 = arith.constant 0 : i32
      %dma_wait3A_364 = tpu.memref_slice %arg2[%dma_wait3A_362, %dma_wait3A_363] : memref<10000x144xf32, #tpu.memory_space<hbm>> -> memref<10000x144xf32, #tpu.memory_space<hbm>>
      tpu.wait_indirect_dma semaphore(%arg25 : memref<!tpu.dma_semaphore, #tpu.memory_space<semaphore_mem>>) src(%dma_wait3A_364 : memref<10000x144xf32, #tpu.memory_space<hbm>>) dst(%arg20 : memref<40x144xf32, #tpu.memory_space<vmem>>)
      %mul3A_365 = arith.constant 40 : i32
      %mul3A_366 = arith.muli %mul3A_355, %mul3A_365 : i32
      %add3A_367 = arith.addi %mul3A_2, %mul3A_366 : i32
      %shift_right_logical3A_368 = arith.constant 7 : i32
      %shift_right_logical3A_369 = arith.shrui %add3A_367, %shift_right_logical3A_368 : i32
      %min3A_370 = arith.constant 2498 : i32
      %min3A_371 = arith.minsi %shift_right_logical3A_369, %min3A_370 : i32
      %shift_left3A_372 = arith.constant 7 : i32
      %shift_left3A_373 = arith.shli %min3A_371, %shift_left3A_372 : i32
      %sub3A_374 = arith.subi %add3A_367, %shift_left3A_373 : i32
      %parallel_loop3A = arith.constant 0 : i32
      %parallel_loop3A_375 = arith.constant 40 : i32
      %parallel_loop3A_376 = arith.constant 1 : i32
      scf.for %parallel_loop3A_464 = %parallel_loop3A to %parallel_loop3A_375 step %parallel_loop3A_376  : i32 {
        %parallel_loop3A_465 = arith.addi %sub3A_374, %parallel_loop3A_464 : i32
        %parallel_loop3A_466 = arith.constant 7 : i32
        %parallel_loop3A_467 = arith.shrui %parallel_loop3A_465, %parallel_loop3A_466 : i32
        %parallel_loop3A_468 = arith.constant 7 : i32
        %parallel_loop3A_469 = arith.shli %parallel_loop3A_467, %parallel_loop3A_468 : i32
        %parallel_loop3A_470 = arith.subi %parallel_loop3A_465, %parallel_loop3A_469 : i32
        %parallel_loop3A_471 = vector.broadcast %parallel_loop3A_467 : i32 to vector<16xi32>
        %parallel_loop3A_472 = vector.broadcast %parallel_loop3A_470 : i32 to vector<16xi32>
        %parallel_loop3A_473 = tpu.vector_load_idx %arg18[%parallel_loop3A_471, %iota3A, %parallel_loop3A_472] : memref<2x16x128xf32, #tpu.memory_space<vmem>>[vector<16xi32>, vector<16xi32>, vector<16xi32>], vector<16xf32>,
        %parallel_loop3A_474 = arith.index_cast %parallel_loop3A_464 : i32 to index
        %parallel_loop3A_475 = arith.constant 0 : index
        %parallel_loop3A_476 = tpu.vector_load %arg16[%parallel_loop3A_474, %parallel_loop3A_475] {strides = array<i32>} : memref<40x128xf32, #tpu.memory_space<vmem>>, vector<16xf32>,
        %parallel_loop3A_477 = arith.index_cast %parallel_loop3A_464 : i32 to index
        %parallel_loop3A_478 = arith.constant 16 : index
        %parallel_loop3A_479 = tpu.vector_load %arg16[%parallel_loop3A_477, %parallel_loop3A_478] {strides = array<i32>} : memref<40x128xf32, #tpu.memory_space<vmem>>, vector<16xf32>,
        %parallel_loop3A_480 = arith.index_cast %parallel_loop3A_464 : i32 to index
        %parallel_loop3A_481 = arith.constant 32 : index
        %parallel_loop3A_482 = tpu.vector_load %arg16[%parallel_loop3A_480, %parallel_loop3A_481] {strides = array<i32>} : memref<40x128xf32, #tpu.memory_space<vmem>>, vector<16xf32>,
        %parallel_loop3A_483 = arith.index_cast %parallel_loop3A_464 : i32 to index
        %parallel_loop3A_484 = arith.constant 48 : index
        %parallel_loop3A_485 = tpu.vector_load %arg16[%parallel_loop3A_483, %parallel_loop3A_484] {strides = array<i32>} : memref<40x128xf32, #tpu.memory_space<vmem>>, vector<16xf32>,
        %parallel_loop3A_486 = arith.index_cast %parallel_loop3A_464 : i32 to index
        %parallel_loop3A_487 = arith.constant 64 : index
        %parallel_loop3A_488 = tpu.vector_load %arg16[%parallel_loop3A_486, %parallel_loop3A_487] {strides = array<i32>} : memref<40x128xf32, #tpu.memory_space<vmem>>, vector<16xf32>,
        %parallel_loop3A_489 = arith.index_cast %parallel_loop3A_464 : i32 to index
        %parallel_loop3A_490 = arith.constant 80 : index
        %parallel_loop3A_491 = tpu.vector_load %arg16[%parallel_loop3A_489, %parallel_loop3A_490] {strides = array<i32>} : memref<40x128xf32, #tpu.memory_space<vmem>>, vector<16xf32>,
        %parallel_loop3A_492 = arith.index_cast %parallel_loop3A_464 : i32 to index
        %parallel_loop3A_493 = arith.constant 96 : index
        %parallel_loop3A_494 = tpu.vector_load %arg16[%parallel_loop3A_492, %parallel_loop3A_493] {strides = array<i32>} : memref<40x128xf32, #tpu.memory_space<vmem>>, vector<16xf32>,
        %parallel_loop3A_495 = arith.index_cast %parallel_loop3A_464 : i32 to index
        %parallel_loop3A_496 = arith.constant 112 : index
        %parallel_loop3A_497 = tpu.vector_load %arg16[%parallel_loop3A_495, %parallel_loop3A_496] {strides = array<i32>} : memref<40x128xf32, #tpu.memory_space<vmem>>, vector<16xf32>,
        %parallel_loop3A_498 = arith.index_cast %parallel_loop3A_464 : i32 to index
        %parallel_loop3A_499 = arith.constant 0 : index
        %parallel_loop3A_500 = tpu.vector_load %arg20[%parallel_loop3A_498, %parallel_loop3A_499] {strides = array<i32>} : memref<40x144xf32, #tpu.memory_space<vmem>>, vector<16xf32>,
        %parallel_loop3A_501 = arith.index_cast %parallel_loop3A_464 : i32 to index
        %parallel_loop3A_502 = arith.constant 16 : index
        %parallel_loop3A_503 = tpu.vector_load %arg20[%parallel_loop3A_501, %parallel_loop3A_502] {strides = array<i32>} : memref<40x144xf32, #tpu.memory_space<vmem>>, vector<16xf32>,
        %parallel_loop3A_504 = arith.index_cast %parallel_loop3A_464 : i32 to index
        %parallel_loop3A_505 = arith.constant 32 : index
        %parallel_loop3A_506 = tpu.vector_load %arg20[%parallel_loop3A_504, %parallel_loop3A_505] {strides = array<i32>} : memref<40x144xf32, #tpu.memory_space<vmem>>, vector<16xf32>,
        %parallel_loop3A_507 = arith.index_cast %parallel_loop3A_464 : i32 to index
        %parallel_loop3A_508 = arith.constant 48 : index
        %parallel_loop3A_509 = tpu.vector_load %arg20[%parallel_loop3A_507, %parallel_loop3A_508] {strides = array<i32>} : memref<40x144xf32, #tpu.memory_space<vmem>>, vector<16xf32>,
        %parallel_loop3A_510 = arith.index_cast %parallel_loop3A_464 : i32 to index
        %parallel_loop3A_511 = arith.constant 64 : index
        %parallel_loop3A_512 = tpu.vector_load %arg20[%parallel_loop3A_510, %parallel_loop3A_511] {strides = array<i32>} : memref<40x144xf32, #tpu.memory_space<vmem>>, vector<16xf32>,
        %parallel_loop3A_513 = arith.index_cast %parallel_loop3A_464 : i32 to index
        %parallel_loop3A_514 = arith.constant 80 : index
        %parallel_loop3A_515 = tpu.vector_load %arg20[%parallel_loop3A_513, %parallel_loop3A_514] {strides = array<i32>} : memref<40x144xf32, #tpu.memory_space<vmem>>, vector<16xf32>,
        %parallel_loop3A_516 = arith.index_cast %parallel_loop3A_464 : i32 to index
        %parallel_loop3A_517 = arith.constant 96 : index
        %parallel_loop3A_518 = tpu.vector_load %arg20[%parallel_loop3A_516, %parallel_loop3A_517] {strides = array<i32>} : memref<40x144xf32, #tpu.memory_space<vmem>>, vector<16xf32>,
        %parallel_loop3A_519 = arith.index_cast %parallel_loop3A_464 : i32 to index
        %parallel_loop3A_520 = arith.constant 112 : index
        %parallel_loop3A_521 = tpu.vector_load %arg20[%parallel_loop3A_519, %parallel_loop3A_520] {strides = array<i32>} : memref<40x144xf32, #tpu.memory_space<vmem>>, vector<16xf32>,
        %parallel_loop3A_522 = arith.index_cast %parallel_loop3A_464 : i32 to index
        %parallel_loop3A_523 = arith.constant 128 : index
        %parallel_loop3A_524 = tpu.vector_load %arg20[%parallel_loop3A_522, %parallel_loop3A_523] {strides = array<i32>} : memref<40x144xf32, #tpu.memory_space<vmem>>, vector<16xf32>,
        %parallel_loop3A_525 = arith.addf %parallel_loop3A_476, %parallel_loop3A_500 : vector<16xf32>
        %parallel_loop3A_526 = arith.constant 0.000000e+00 : f32
        %parallel_loop3A_527 = vector.broadcast %parallel_loop3A_526 : f32 to vector<16xf32>
        %parallel_loop3A_528 = arith.maximumf %parallel_loop3A_525, %parallel_loop3A_527 : vector<16xf32>
        %parallel_loop3A_529 = arith.addf %parallel_loop3A_479, %parallel_loop3A_503 : vector<16xf32>
        %parallel_loop3A_530 = arith.constant 0.000000e+00 : f32
        %parallel_loop3A_531 = vector.broadcast %parallel_loop3A_530 : f32 to vector<16xf32>
        %parallel_loop3A_532 = arith.maximumf %parallel_loop3A_529, %parallel_loop3A_531 : vector<16xf32>
        %parallel_loop3A_533 = arith.addf %parallel_loop3A_482, %parallel_loop3A_506 : vector<16xf32>
        %parallel_loop3A_534 = arith.constant 0.000000e+00 : f32
        %parallel_loop3A_535 = vector.broadcast %parallel_loop3A_534 : f32 to vector<16xf32>
        %parallel_loop3A_536 = arith.maximumf %parallel_loop3A_533, %parallel_loop3A_535 : vector<16xf32>
        %parallel_loop3A_537 = arith.addf %parallel_loop3A_485, %parallel_loop3A_509 : vector<16xf32>
        %parallel_loop3A_538 = arith.constant 0.000000e+00 : f32
        %parallel_loop3A_539 = vector.broadcast %parallel_loop3A_538 : f32 to vector<16xf32>
        %parallel_loop3A_540 = arith.maximumf %parallel_loop3A_537, %parallel_loop3A_539 : vector<16xf32>
        %parallel_loop3A_541 = arith.addf %parallel_loop3A_488, %parallel_loop3A_512 : vector<16xf32>
        %parallel_loop3A_542 = arith.constant 0.000000e+00 : f32
        %parallel_loop3A_543 = vector.broadcast %parallel_loop3A_542 : f32 to vector<16xf32>
        %parallel_loop3A_544 = arith.maximumf %parallel_loop3A_541, %parallel_loop3A_543 : vector<16xf32>
        %parallel_loop3A_545 = arith.addf %parallel_loop3A_491, %parallel_loop3A_515 : vector<16xf32>
        %parallel_loop3A_546 = arith.constant 0.000000e+00 : f32
        %parallel_loop3A_547 = vector.broadcast %parallel_loop3A_546 : f32 to vector<16xf32>
        %parallel_loop3A_548 = arith.maximumf %parallel_loop3A_545, %parallel_loop3A_547 : vector<16xf32>
        %parallel_loop3A_549 = arith.addf %parallel_loop3A_494, %parallel_loop3A_518 : vector<16xf32>
        %parallel_loop3A_550 = arith.constant 0.000000e+00 : f32
        %parallel_loop3A_551 = vector.broadcast %parallel_loop3A_550 : f32 to vector<16xf32>
        %parallel_loop3A_552 = arith.maximumf %parallel_loop3A_549, %parallel_loop3A_551 : vector<16xf32>
        %parallel_loop3A_553 = arith.addf %parallel_loop3A_497, %parallel_loop3A_521 : vector<16xf32>
        %parallel_loop3A_554 = arith.constant 0.000000e+00 : f32
        %parallel_loop3A_555 = vector.broadcast %parallel_loop3A_554 : f32 to vector<16xf32>
        %parallel_loop3A_556 = arith.maximumf %parallel_loop3A_553, %parallel_loop3A_555 : vector<16xf32>
        %parallel_loop3A_557 = arith.addf %parallel_loop3A_473, %parallel_loop3A_524 : vector<16xf32>
        %parallel_loop3A_558 = arith.constant 0.000000e+00 : f32
        %parallel_loop3A_559 = vector.broadcast %parallel_loop3A_558 : f32 to vector<16xf32>
        %parallel_loop3A_560 = arith.maximumf %parallel_loop3A_557, %parallel_loop3A_559 : vector<16xf32>
        %parallel_loop3A_561 = arith.index_cast %parallel_loop3A_464 : i32 to index
        %parallel_loop3A_562 = arith.constant 0 : index
        %parallel_loop3A_563 = tpu.vector_load %arg20[%parallel_loop3A_561, %parallel_loop3A_562] {strides = array<i32>} : memref<40x144xf32, #tpu.memory_space<vmem>>, vector<16xf32>,
        tpu.vector_store %arg20[%parallel_loop3A_561, %parallel_loop3A_562], %parallel_loop3A_528 {strides = array<i32>} : memref<40x144xf32, #tpu.memory_space<vmem>>, vector<16xf32>,
        %parallel_loop3A_564 = arith.index_cast %parallel_loop3A_464 : i32 to index
        %parallel_loop3A_565 = arith.constant 16 : index
        %parallel_loop3A_566 = tpu.vector_load %arg20[%parallel_loop3A_564, %parallel_loop3A_565] {strides = array<i32>} : memref<40x144xf32, #tpu.memory_space<vmem>>, vector<16xf32>,
        tpu.vector_store %arg20[%parallel_loop3A_564, %parallel_loop3A_565], %parallel_loop3A_532 {strides = array<i32>} : memref<40x144xf32, #tpu.memory_space<vmem>>, vector<16xf32>,
        %parallel_loop3A_567 = arith.index_cast %parallel_loop3A_464 : i32 to index
        %parallel_loop3A_568 = arith.constant 32 : index
        %parallel_loop3A_569 = tpu.vector_load %arg20[%parallel_loop3A_567, %parallel_loop3A_568] {strides = array<i32>} : memref<40x144xf32, #tpu.memory_space<vmem>>, vector<16xf32>,
        tpu.vector_store %arg20[%parallel_loop3A_567, %parallel_loop3A_568], %parallel_loop3A_536 {strides = array<i32>} : memref<40x144xf32, #tpu.memory_space<vmem>>, vector<16xf32>,
        %parallel_loop3A_570 = arith.index_cast %parallel_loop3A_464 : i32 to index
        %parallel_loop3A_571 = arith.constant 48 : index
        %parallel_loop3A_572 = tpu.vector_load %arg20[%parallel_loop3A_570, %parallel_loop3A_571] {strides = array<i32>} : memref<40x144xf32, #tpu.memory_space<vmem>>, vector<16xf32>,
        tpu.vector_store %arg20[%parallel_loop3A_570, %parallel_loop3A_571], %parallel_loop3A_540 {strides = array<i32>} : memref<40x144xf32, #tpu.memory_space<vmem>>, vector<16xf32>,
        %parallel_loop3A_573 = arith.index_cast %parallel_loop3A_464 : i32 to index
        %parallel_loop3A_574 = arith.constant 64 : index
        %parallel_loop3A_575 = tpu.vector_load %arg20[%parallel_loop3A_573, %parallel_loop3A_574] {strides = array<i32>} : memref<40x144xf32, #tpu.memory_space<vmem>>, vector<16xf32>,
        tpu.vector_store %arg20[%parallel_loop3A_573, %parallel_loop3A_574], %parallel_loop3A_544 {strides = array<i32>} : memref<40x144xf32, #tpu.memory_space<vmem>>, vector<16xf32>,
        %parallel_loop3A_576 = arith.index_cast %parallel_loop3A_464 : i32 to index
        %parallel_loop3A_577 = arith.constant 80 : index
        %parallel_loop3A_578 = tpu.vector_load %arg20[%parallel_loop3A_576, %parallel_loop3A_577] {strides = array<i32>} : memref<40x144xf32, #tpu.memory_space<vmem>>, vector<16xf32>,
        tpu.vector_store %arg20[%parallel_loop3A_576, %parallel_loop3A_577], %parallel_loop3A_548 {strides = array<i32>} : memref<40x144xf32, #tpu.memory_space<vmem>>, vector<16xf32>,
        %parallel_loop3A_579 = arith.index_cast %parallel_loop3A_464 : i32 to index
        %parallel_loop3A_580 = arith.constant 96 : index
        %parallel_loop3A_581 = tpu.vector_load %arg20[%parallel_loop3A_579, %parallel_loop3A_580] {strides = array<i32>} : memref<40x144xf32, #tpu.memory_space<vmem>>, vector<16xf32>,
        tpu.vector_store %arg20[%parallel_loop3A_579, %parallel_loop3A_580], %parallel_loop3A_552 {strides = array<i32>} : memref<40x144xf32, #tpu.memory_space<vmem>>, vector<16xf32>,
        %parallel_loop3A_582 = arith.index_cast %parallel_loop3A_464 : i32 to index
        %parallel_loop3A_583 = arith.constant 112 : index
        %parallel_loop3A_584 = tpu.vector_load %arg20[%parallel_loop3A_582, %parallel_loop3A_583] {strides = array<i32>} : memref<40x144xf32, #tpu.memory_space<vmem>>, vector<16xf32>,
        tpu.vector_store %arg20[%parallel_loop3A_582, %parallel_loop3A_583], %parallel_loop3A_556 {strides = array<i32>} : memref<40x144xf32, #tpu.memory_space<vmem>>, vector<16xf32>,
        %parallel_loop3A_585 = arith.index_cast %parallel_loop3A_464 : i32 to index
        %parallel_loop3A_586 = arith.constant 128 : index
        %parallel_loop3A_587 = tpu.vector_load %arg20[%parallel_loop3A_585, %parallel_loop3A_586] {strides = array<i32>} : memref<40x144xf32, #tpu.memory_space<vmem>>, vector<16xf32>,
        tpu.vector_store %arg20[%parallel_loop3A_585, %parallel_loop3A_586], %parallel_loop3A_560 {strides = array<i32>} : memref<40x144xf32, #tpu.memory_space<vmem>>, vector<16xf32>,
      } {sc.loop_unroll_factor = 2 : i64, sc.parallel_access}
      %get3A = arith.constant 0 : index
      %get3A_377 = tpu.vector_load %arg12[%get3A] {strides = array<i32>} : memref<40xi32, #tpu.memory_space<vmem>>, vector<16xi32>,
      tpu.vector_store_idx %arg22[%get3A_377], %broadcast_in_dim3A_5 {add = true} : memref<10000xf32, #tpu.memory_space<vmem>>[vector<16xi32>], vector<16xf32>,
      %get3A_378 = arith.constant 16 : index
      %get3A_379 = tpu.vector_load %arg12[%get3A_378] {strides = array<i32>} : memref<40xi32, #tpu.memory_space<vmem>>, vector<16xi32>,
      tpu.vector_store_idx %arg22[%get3A_379], %broadcast_in_dim3A_5 {add = true} : memref<10000xf32, #tpu.memory_space<vmem>>[vector<16xi32>], vector<16xf32>,
      %get3A_380 = arith.constant 24 : index
      %get3A_381 = tpu.vector_load %arg12[%get3A_380] {strides = array<i32>} : memref<40xi32, #tpu.memory_space<vmem>>, vector<16xi32>,
      %ge3A_382 = arith.constant 8 : i32
      %ge3A_383 = vector.broadcast %ge3A_382 : i32 to vector<16xi32>
      %ge3A_384 = arith.cmpi sge, %iota3A, %ge3A_383 : vector<16xi32>
      tpu.vector_store_idx %arg22[%get3A_381], %broadcast_in_dim3A_5 masked %ge3A_384 {add = true} : memref<10000xf32, #tpu.memory_space<vmem>>[vector<16xi32>], vector<16xf32>, vector<16xi1>
      %get3A_385 = arith.constant 0 : index
      %get3A_386 = tpu.vector_load %arg12[%get3A_385] {strides = array<i32>} : memref<40xi32, #tpu.memory_space<vmem>>, vector<16xi32>,
      %swap3A = arith.constant 0 : index
      %swap3A_387 = tpu.vector_load %arg14[%swap3A] {strides = array<i32>} : memref<40xi32, #tpu.memory_space<vmem>>, vector<16xi32>,
      tpu.vector_store %arg14[%swap3A], %get3A_386 {strides = array<i32>} : memref<40xi32, #tpu.memory_space<vmem>>, vector<16xi32>,
      %get3A_388 = arith.constant 16 : index
      %get3A_389 = tpu.vector_load %arg12[%get3A_388] {strides = array<i32>} : memref<40xi32, #tpu.memory_space<vmem>>, vector<16xi32>,
      %swap3A_390 = arith.constant 16 : index
      %swap3A_391 = tpu.vector_load %arg14[%swap3A_390] {strides = array<i32>} : memref<40xi32, #tpu.memory_space<vmem>>, vector<16xi32>,
      tpu.vector_store %arg14[%swap3A_390], %get3A_389 {strides = array<i32>} : memref<40xi32, #tpu.memory_space<vmem>>, vector<16xi32>,
      %get3A_392 = arith.constant 24 : index
      %get3A_393 = tpu.vector_load %arg12[%get3A_392] {strides = array<i32>} : memref<40xi32, #tpu.memory_space<vmem>>, vector<16xi32>,
      %swap3A_394 = arith.constant 24 : index
      %swap3A_395 = tpu.vector_load %arg14[%swap3A_394] {strides = array<i32>} : memref<40xi32, #tpu.memory_space<vmem>>, vector<16xi32>,
      tpu.vector_store %arg14[%swap3A_394], %get3A_393 {strides = array<i32>} : memref<40xi32, #tpu.memory_space<vmem>>, vector<16xi32>,
      %dma_start3A_396 = arith.constant 0 : i32
      %dma_start3A_397 = arith.constant 0 : i32
      %dma_start3A_398 = tpu.memref_slice %arg9[%dma_start3A_396, %dma_start3A_397] : memref<10000x144xf32, #tpu.memory_space<vmem_shared>> -> memref<10000x144xf32, #tpu.memory_space<vmem_shared>>
      tpu.enqueue_indirect_dma source(%arg20 : memref<40x144xf32, #tpu.memory_space<vmem>>) target(%dma_start3A_398 : memref<10000x144xf32, #tpu.memory_space<vmem_shared>>) offsets(%arg14 : memref<40xi32, #tpu.memory_space<vmem>>) semaphore(%arg27 : memref<!tpu.dma_semaphore, #tpu.memory_space<semaphore_mem>>) {add = true}
      %add3A_399 = arith.constant 2 : i32
      %add3A_400 = arith.addi %mul3A_355, %add3A_399 : i32
      %lt3A_401 = arith.constant 250 : i32
      %lt3A_402 = arith.cmpi slt, %add3A_400, %lt3A_401 : i32
      %convert_element_type3A_403 = arith.extui %lt3A_402 : i1 to i32
      %cond3A_404 = arith.constant 0 : i32
      %cond3A_405 = arith.cmpi ne, %convert_element_type3A_403, %cond3A_404 : i32
      scf.if %cond3A_405 {
        %add3A_464 = arith.constant 2 : i32
        %add3A_465 = arith.addi %mul3A_355, %add3A_464 : i32
        %mul3A_466 = arith.constant 40 : i32
        %mul3A_467 = arith.muli %add3A_465, %mul3A_466 : i32
        %add3A_468 = arith.addi %mul3A_2, %mul3A_467 : i32
        %shift_right_logical3A_469 = arith.constant 7 : i32
        %shift_right_logical3A_470 = arith.shrui %add3A_468, %shift_right_logical3A_469 : i32
        %min3A_471 = arith.constant 2498 : i32
        %min3A_472 = arith.minsi %shift_right_logical3A_470, %min3A_471 : i32
        %add3A_473 = arith.constant 20 : i32
        %add3A_474 = arith.addi %add3A_468, %add3A_473 : i32
        %dma_start3A_475 = tpu.memref_slice %arg5[%add3A_468] : memref<320000xi32, #tpu.memory_space<hbm>> -> memref<40xi32, #tpu.memory_space<hbm>>
        %dma_start3A_476 = tpu.memref_slice %arg5[%add3A_468] : memref<320000xi32, #tpu.memory_space<hbm>> -> memref<40xi32, #tpu.memory_space<hbm>>
        tpu.enqueue_dma source(%dma_start3A_476 : memref<40xi32, #tpu.memory_space<hbm>>) target(%arg10 : memref<40xi32, #tpu.memory_space<vmem>>) target_semaphore(%arg23 : memref<!tpu.dma_semaphore, #tpu.memory_space<semaphore_mem>>)
        %dma_start3A_477 = tpu.memref_slice %arg6[%add3A_468] : memref<320000xi32, #tpu.memory_space<hbm>> -> memref<40xi32, #tpu.memory_space<hbm>>
        %dma_start3A_478 = tpu.memref_slice %arg6[%add3A_468] : memref<320000xi32, #tpu.memory_space<hbm>> -> memref<40xi32, #tpu.memory_space<hbm>>
        tpu.enqueue_dma source(%dma_start3A_478 : memref<40xi32, #tpu.memory_space<hbm>>) target(%arg12 : memref<40xi32, #tpu.memory_space<vmem>>) target_semaphore(%arg23 : memref<!tpu.dma_semaphore, #tpu.memory_space<semaphore_mem>>)
        %dma_start3A_479 = arith.constant 0 : i32
        %dma_start3A_480 = arith.constant 0 : i32
        %dma_start3A_481 = tpu.memref_slice %arg16[%dma_start3A_479, %dma_start3A_480] : memref<40x128xf32, #tpu.memory_space<vmem>> -> memref<20x128xf32, #tpu.memory_space<vmem>>
        %dma_start3A_482 = arith.constant 0 : i32
        %dma_start3A_483 = tpu.memref_slice %arg3[%add3A_468, %dma_start3A_482] : memref<320000x128xf32, #tpu.memory_space<hbm>> -> memref<20x128xf32, #tpu.memory_space<hbm>>
        %dma_start3A_484 = arith.constant 0 : i32
        %dma_start3A_485 = arith.constant 0 : i32
        %dma_start3A_486 = tpu.memref_slice %arg16[%dma_start3A_484, %dma_start3A_485] : memref<40x128xf32, #tpu.memory_space<vmem>> -> memref<20x128xf32, #tpu.memory_space<vmem>>
        %dma_start3A_487 = arith.constant 0 : i32
        %dma_start3A_488 = tpu.memref_slice %arg3[%add3A_468, %dma_start3A_487] : memref<320000x128xf32, #tpu.memory_space<hbm>> -> memref<20x128xf32, #tpu.memory_space<hbm>>
        tpu.enqueue_dma source(%dma_start3A_488 : memref<20x128xf32, #tpu.memory_space<hbm>>) target(%dma_start3A_486 : memref<20x128xf32, #tpu.memory_space<vmem>>) target_semaphore(%arg23 : memref<!tpu.dma_semaphore, #tpu.memory_space<semaphore_mem>>)
        %dma_start3A_489 = arith.constant 20 : i32
        %dma_start3A_490 = arith.constant 0 : i32
        %dma_start3A_491 = tpu.memref_slice %arg16[%dma_start3A_489, %dma_start3A_490] : memref<40x128xf32, #tpu.memory_space<vmem>> -> memref<20x128xf32, #tpu.memory_space<vmem>>
        %dma_start3A_492 = arith.constant 0 : i32
        %dma_start3A_493 = tpu.memref_slice %arg3[%add3A_474, %dma_start3A_492] : memref<320000x128xf32, #tpu.memory_space<hbm>> -> memref<20x128xf32, #tpu.memory_space<hbm>>
        %dma_start3A_494 = arith.constant 20 : i32
        %dma_start3A_495 = arith.constant 0 : i32
        %dma_start3A_496 = tpu.memref_slice %arg16[%dma_start3A_494, %dma_start3A_495] : memref<40x128xf32, #tpu.memory_space<vmem>> -> memref<20x128xf32, #tpu.memory_space<vmem>>
        %dma_start3A_497 = arith.constant 0 : i32
        %dma_start3A_498 = tpu.memref_slice %arg3[%add3A_474, %dma_start3A_497] : memref<320000x128xf32, #tpu.memory_space<hbm>> -> memref<20x128xf32, #tpu.memory_space<hbm>>
        tpu.enqueue_dma source(%dma_start3A_498 : memref<20x128xf32, #tpu.memory_space<hbm>>) target(%dma_start3A_496 : memref<20x128xf32, #tpu.memory_space<vmem>>) target_semaphore(%arg23 : memref<!tpu.dma_semaphore, #tpu.memory_space<semaphore_mem>>)
        %dma_start3A_499 = arith.constant 0 : i32
        %dma_start3A_500 = arith.constant 0 : i32
        %dma_start3A_501 = arith.constant 0 : i32
        %dma_start3A_502 = tpu.memref_slice %arg18[%dma_start3A_499, %dma_start3A_500, %dma_start3A_501] : memref<2x16x128xf32, #tpu.memory_space<vmem>> -> memref<1x16x128xf32, #tpu.memory_space<vmem>>
        %dma_start3A_503 = tpu.memref_squeeze %dma_start3A_502 : memref<1x16x128xf32, #tpu.memory_space<vmem>> -> memref<16x128xf32, #tpu.memory_space<vmem>>
        %dma_start3A_504 = arith.constant 0 : i32
        %dma_start3A_505 = arith.constant 0 : i32
        %dma_start3A_506 = tpu.memref_slice %arg4[%min3A_472, %dma_start3A_504, %dma_start3A_505] : memref<2500x16x128xf32, #tpu.memory_space<hbm>> -> memref<1x16x128xf32, #tpu.memory_space<hbm>>
        %dma_start3A_507 = tpu.memref_squeeze %dma_start3A_506 : memref<1x16x128xf32, #tpu.memory_space<hbm>> -> memref<16x128xf32, #tpu.memory_space<hbm>>
        %dma_start3A_508 = arith.constant 0 : i32
        %dma_start3A_509 = arith.constant 0 : i32
        %dma_start3A_510 = tpu.memref_slice %arg18[%dma_start3A_499, %dma_start3A_508, %dma_start3A_509] : memref<2x16x128xf32, #tpu.memory_space<vmem>> -> memref<1x16x128xf32, #tpu.memory_space<vmem>>
        %dma_start3A_511 = tpu.memref_squeeze %dma_start3A_510 : memref<1x16x128xf32, #tpu.memory_space<vmem>> -> memref<16x128xf32, #tpu.memory_space<vmem>>
        %dma_start3A_512 = arith.constant 0 : i32
        %dma_start3A_513 = arith.constant 0 : i32
        %dma_start3A_514 = tpu.memref_slice %arg4[%min3A_472, %dma_start3A_512, %dma_start3A_513] : memref<2500x16x128xf32, #tpu.memory_space<hbm>> -> memref<1x16x128xf32, #tpu.memory_space<hbm>>
        %dma_start3A_515 = tpu.memref_squeeze %dma_start3A_514 : memref<1x16x128xf32, #tpu.memory_space<hbm>> -> memref<16x128xf32, #tpu.memory_space<hbm>>
        tpu.enqueue_dma source(%dma_start3A_515 : memref<16x128xf32, #tpu.memory_space<hbm>>) target(%dma_start3A_511 : memref<16x128xf32, #tpu.memory_space<vmem>>) target_semaphore(%arg23 : memref<!tpu.dma_semaphore, #tpu.memory_space<semaphore_mem>>)
        %mul3A_516 = arith.constant 40 : i32
        %mul3A_517 = arith.muli %add3A_465, %mul3A_516 : i32
        %add3A_518 = arith.addi %mul3A_2, %mul3A_517 : i32
        %shift_right_logical3A_519 = arith.constant 7 : i32
        %shift_right_logical3A_520 = arith.shrui %add3A_518, %shift_right_logical3A_519 : i32
        %min3A_521 = arith.constant 2498 : i32
        %min3A_522 = arith.minsi %shift_right_logical3A_520, %min3A_521 : i32
        %shift_left3A_523 = arith.constant 7 : i32
        %shift_left3A_524 = arith.shli %min3A_522, %shift_left3A_523 : i32
        %sub3A_525 = arith.subi %add3A_518, %shift_left3A_524 : i32
        %add3A_526 = arith.constant 40 : i32
        %add3A_527 = arith.addi %sub3A_525, %add3A_526 : i32
        %sub3A_528 = arith.constant 1 : i32
        %sub3A_529 = arith.subi %add3A_527, %sub3A_528 : i32
        %ge3A_530 = arith.constant 128 : i32
        %ge3A_531 = arith.cmpi sge, %sub3A_529, %ge3A_530 : i32
        %convert_element_type3A_532 = arith.extui %ge3A_531 : i1 to i32
        %cond3A_533 = arith.constant 0 : i32
        %cond3A_534 = arith.cmpi ne, %convert_element_type3A_532, %cond3A_533 : i32
        scf.if %cond3A_534 {
          %mul3A_535 = arith.constant 40 : i32
          %mul3A_536 = arith.muli %add3A_465, %mul3A_535 : i32
          %add3A_537 = arith.addi %mul3A_2, %mul3A_536 : i32
          %shift_right_logical3A_538 = arith.constant 7 : i32
          %shift_right_logical3A_539 = arith.shrui %add3A_537, %shift_right_logical3A_538 : i32
          %min3A_540 = arith.constant 2498 : i32
          %min3A_541 = arith.minsi %shift_right_logical3A_539, %min3A_540 : i32
          %add3A_542 = arith.constant 1 : i32
          %add3A_543 = arith.addi %min3A_541, %add3A_542 : i32
          %dma_start3A_544 = arith.constant 1 : i32
          %dma_start3A_545 = arith.constant 0 : i32
          %dma_start3A_546 = arith.constant 0 : i32
          %dma_start3A_547 = tpu.memref_slice %arg18[%dma_start3A_544, %dma_start3A_545, %dma_start3A_546] : memref<2x16x128xf32, #tpu.memory_space<vmem>> -> memref<1x16x128xf32, #tpu.memory_space<vmem>>
          %dma_start3A_548 = tpu.memref_squeeze %dma_start3A_547 : memref<1x16x128xf32, #tpu.memory_space<vmem>> -> memref<16x128xf32, #tpu.memory_space<vmem>>
          %dma_start3A_549 = arith.constant 0 : i32
          %dma_start3A_550 = arith.constant 0 : i32
          %dma_start3A_551 = tpu.memref_slice %arg4[%add3A_543, %dma_start3A_549, %dma_start3A_550] : memref<2500x16x128xf32, #tpu.memory_space<hbm>> -> memref<1x16x128xf32, #tpu.memory_space<hbm>>
          %dma_start3A_552 = tpu.memref_squeeze %dma_start3A_551 : memref<1x16x128xf32, #tpu.memory_space<hbm>> -> memref<16x128xf32, #tpu.memory_space<hbm>>
          %dma_start3A_553 = arith.constant 0 : i32
          %dma_start3A_554 = arith.constant 0 : i32
          %dma_start3A_555 = tpu.memref_slice %arg18[%dma_start3A_544, %dma_start3A_553, %dma_start3A_554] : memref<2x16x128xf32, #tpu.memory_space<vmem>> -> memref<1x16x128xf32, #tpu.memory_space<vmem>>
          %dma_start3A_556 = tpu.memref_squeeze %dma_start3A_555 : memref<1x16x128xf32, #tpu.memory_space<vmem>> -> memref<16x128xf32, #tpu.memory_space<vmem>>
          %dma_start3A_557 = arith.constant 0 : i32
          %dma_start3A_558 = arith.constant 0 : i32
          %dma_start3A_559 = tpu.memref_slice %arg4[%add3A_543, %dma_start3A_557, %dma_start3A_558] : memref<2500x16x128xf32, #tpu.memory_space<hbm>> -> memref<1x16x128xf32, #tpu.memory_space<hbm>>
          %dma_start3A_560 = tpu.memref_squeeze %dma_start3A_559 : memref<1x16x128xf32, #tpu.memory_space<hbm>> -> memref<16x128xf32, #tpu.memory_space<hbm>>
          tpu.enqueue_dma source(%dma_start3A_560 : memref<16x128xf32, #tpu.memory_space<hbm>>) target(%dma_start3A_556 : memref<16x128xf32, #tpu.memory_space<vmem>>) target_semaphore(%arg23 : memref<!tpu.dma_semaphore, #tpu.memory_space<semaphore_mem>>)
        } else {
        }
      } else {
      }
      %mul3A_406 = arith.constant 2 : i32
      %mul3A_407 = arith.muli %mul3A_406, %scan3A_353 : i32
      %add3A_408 = arith.constant 1 : i32
      %add3A_409 = arith.addi %mul3A_407, %add3A_408 : i32
      %add3A_410 = arith.constant 1 : i32
      %add3A_411 = arith.addi %add3A_409, %add3A_410 : i32
      %lt3A_412 = arith.constant 250 : i32
      %lt3A_413 = arith.cmpi slt, %add3A_411, %lt3A_412 : i32
      %convert_element_type3A_414 = arith.extui %lt3A_413 : i1 to i32
      %cond3A_415 = arith.constant 0 : i32
      %cond3A_416 = arith.cmpi ne, %convert_element_type3A_414, %cond3A_415 : i32
      scf.if %cond3A_416 {
        %add3A_464 = arith.constant 1 : i32
        %add3A_465 = arith.addi %add3A_409, %add3A_464 : i32
        %mul3A_466 = arith.constant 40 : i32
        %mul3A_467 = arith.muli %add3A_465, %mul3A_466 : i32
        %add3A_468 = arith.addi %mul3A_2, %mul3A_467 : i32
        %shift_right_logical3A_469 = arith.constant 7 : i32
        %shift_right_logical3A_470 = arith.shrui %add3A_468, %shift_right_logical3A_469 : i32
        %min3A_471 = arith.constant 2498 : i32
        %min3A_472 = arith.minsi %shift_right_logical3A_470, %min3A_471 : i32
        %add3A_473 = arith.constant 20 : i32
        %add3A_474 = arith.addi %add3A_468, %add3A_473 : i32
        %dma_wait3A_475 = tpu.memref_slice %arg5[%add3A_468] : memref<320000xi32, #tpu.memory_space<hbm>> -> memref<40xi32, #tpu.memory_space<hbm>>
        %dma_wait3A_476 = tpu.memref_slice %arg5[%add3A_468] : memref<320000xi32, #tpu.memory_space<hbm>> -> memref<40xi32, #tpu.memory_space<hbm>>
        tpu.wait_dma2 semaphore(%arg23 : memref<!tpu.dma_semaphore, #tpu.memory_space<semaphore_mem>>) src(%dma_wait3A_476 : memref<40xi32, #tpu.memory_space<hbm>>) dst(%arg10 : memref<40xi32, #tpu.memory_space<vmem>>)
        %dma_wait3A_477 = tpu.memref_slice %arg6[%add3A_468] : memref<320000xi32, #tpu.memory_space<hbm>> -> memref<40xi32, #tpu.memory_space<hbm>>
        %dma_wait3A_478 = tpu.memref_slice %arg6[%add3A_468] : memref<320000xi32, #tpu.memory_space<hbm>> -> memref<40xi32, #tpu.memory_space<hbm>>
        tpu.wait_dma2 semaphore(%arg23 : memref<!tpu.dma_semaphore, #tpu.memory_space<semaphore_mem>>) src(%dma_wait3A_478 : memref<40xi32, #tpu.memory_space<hbm>>) dst(%arg12 : memref<40xi32, #tpu.memory_space<vmem>>)
        %dma_wait3A_479 = arith.constant 0 : i32
        %dma_wait3A_480 = arith.constant 0 : i32
        %dma_wait3A_481 = tpu.memref_slice %arg16[%dma_wait3A_479, %dma_wait3A_480] : memref<40x128xf32, #tpu.memory_space<vmem>> -> memref<20x128xf32, #tpu.memory_space<vmem>>
        %dma_wait3A_482 = arith.constant 0 : i32
        %dma_wait3A_483 = tpu.memref_slice %arg3[%add3A_468, %dma_wait3A_482] : memref<320000x128xf32, #tpu.memory_space<hbm>> -> memref<20x128xf32, #tpu.memory_space<hbm>>
        %dma_wait3A_484 = arith.constant 0 : i32
        %dma_wait3A_485 = arith.constant 0 : i32
        %dma_wait3A_486 = tpu.memref_slice %arg16[%dma_wait3A_484, %dma_wait3A_485] : memref<40x128xf32, #tpu.memory_space<vmem>> -> memref<20x128xf32, #tpu.memory_space<vmem>>
        %dma_wait3A_487 = arith.constant 0 : i32
        %dma_wait3A_488 = tpu.memref_slice %arg3[%add3A_468, %dma_wait3A_487] : memref<320000x128xf32, #tpu.memory_space<hbm>> -> memref<20x128xf32, #tpu.memory_space<hbm>>
        tpu.wait_dma2 semaphore(%arg23 : memref<!tpu.dma_semaphore, #tpu.memory_space<semaphore_mem>>) src(%dma_wait3A_488 : memref<20x128xf32, #tpu.memory_space<hbm>>) dst(%dma_wait3A_486 : memref<20x128xf32, #tpu.memory_space<vmem>>)
        %dma_wait3A_489 = arith.constant 20 : i32
        %dma_wait3A_490 = arith.constant 0 : i32
        %dma_wait3A_491 = tpu.memref_slice %arg16[%dma_wait3A_489, %dma_wait3A_490] : memref<40x128xf32, #tpu.memory_space<vmem>> -> memref<20x128xf32, #tpu.memory_space<vmem>>
        %dma_wait3A_492 = arith.constant 0 : i32
        %dma_wait3A_493 = tpu.memref_slice %arg3[%add3A_474, %dma_wait3A_492] : memref<320000x128xf32, #tpu.memory_space<hbm>> -> memref<20x128xf32, #tpu.memory_space<hbm>>
        %dma_wait3A_494 = arith.constant 20 : i32
        %dma_wait3A_495 = arith.constant 0 : i32
        %dma_wait3A_496 = tpu.memref_slice %arg16[%dma_wait3A_494, %dma_wait3A_495] : memref<40x128xf32, #tpu.memory_space<vmem>> -> memref<20x128xf32, #tpu.memory_space<vmem>>
        %dma_wait3A_497 = arith.constant 0 : i32
        %dma_wait3A_498 = tpu.memref_slice %arg3[%add3A_474, %dma_wait3A_497] : memref<320000x128xf32, #tpu.memory_space<hbm>> -> memref<20x128xf32, #tpu.memory_space<hbm>>
        tpu.wait_dma2 semaphore(%arg23 : memref<!tpu.dma_semaphore, #tpu.memory_space<semaphore_mem>>) src(%dma_wait3A_498 : memref<20x128xf32, #tpu.memory_space<hbm>>) dst(%dma_wait3A_496 : memref<20x128xf32, #tpu.memory_space<vmem>>)
        %dma_wait3A_499 = arith.constant 0 : i32
        %dma_wait3A_500 = arith.constant 0 : i32
        %dma_wait3A_501 = arith.constant 0 : i32
        %dma_wait3A_502 = tpu.memref_slice %arg18[%dma_wait3A_499, %dma_wait3A_500, %dma_wait3A_501] : memref<2x16x128xf32, #tpu.memory_space<vmem>> -> memref<1x16x128xf32, #tpu.memory_space<vmem>>
        %dma_wait3A_503 = tpu.memref_squeeze %dma_wait3A_502 : memref<1x16x128xf32, #tpu.memory_space<vmem>> -> memref<16x128xf32, #tpu.memory_space<vmem>>
        %dma_wait3A_504 = arith.constant 0 : i32
        %dma_wait3A_505 = arith.constant 0 : i32
        %dma_wait3A_506 = tpu.memref_slice %arg4[%min3A_472, %dma_wait3A_504, %dma_wait3A_505] : memref<2500x16x128xf32, #tpu.memory_space<hbm>> -> memref<1x16x128xf32, #tpu.memory_space<hbm>>
        %dma_wait3A_507 = tpu.memref_squeeze %dma_wait3A_506 : memref<1x16x128xf32, #tpu.memory_space<hbm>> -> memref<16x128xf32, #tpu.memory_space<hbm>>
        %dma_wait3A_508 = arith.constant 0 : i32
        %dma_wait3A_509 = arith.constant 0 : i32
        %dma_wait3A_510 = tpu.memref_slice %arg18[%dma_wait3A_499, %dma_wait3A_508, %dma_wait3A_509] : memref<2x16x128xf32, #tpu.memory_space<vmem>> -> memref<1x16x128xf32, #tpu.memory_space<vmem>>
        %dma_wait3A_511 = tpu.memref_squeeze %dma_wait3A_510 : memref<1x16x128xf32, #tpu.memory_space<vmem>> -> memref<16x128xf32, #tpu.memory_space<vmem>>
        %dma_wait3A_512 = arith.constant 0 : i32
        %dma_wait3A_513 = arith.constant 0 : i32
        %dma_wait3A_514 = tpu.memref_slice %arg4[%min3A_472, %dma_wait3A_512, %dma_wait3A_513] : memref<2500x16x128xf32, #tpu.memory_space<hbm>> -> memref<1x16x128xf32, #tpu.memory_space<hbm>>
        %dma_wait3A_515 = tpu.memref_squeeze %dma_wait3A_514 : memref<1x16x128xf32, #tpu.memory_space<hbm>> -> memref<16x128xf32, #tpu.memory_space<hbm>>
        tpu.wait_dma2 semaphore(%arg23 : memref<!tpu.dma_semaphore, #tpu.memory_space<semaphore_mem>>) src(%dma_wait3A_515 : memref<16x128xf32, #tpu.memory_space<hbm>>) dst(%dma_wait3A_511 : memref<16x128xf32, #tpu.memory_space<vmem>>)
        %mul3A_516 = arith.constant 40 : i32
        %mul3A_517 = arith.muli %add3A_465, %mul3A_516 : i32
        %add3A_518 = arith.addi %mul3A_2, %mul3A_517 : i32
        %shift_right_logical3A_519 = arith.constant 7 : i32
        %shift_right_logical3A_520 = arith.shrui %add3A_518, %shift_right_logical3A_519 : i32
        %min3A_521 = arith.constant 2498 : i32
        %min3A_522 = arith.minsi %shift_right_logical3A_520, %min3A_521 : i32
        %shift_left3A_523 = arith.constant 7 : i32
        %shift_left3A_524 = arith.shli %min3A_522, %shift_left3A_523 : i32
        %sub3A_525 = arith.subi %add3A_518, %shift_left3A_524 : i32
        %add3A_526 = arith.constant 40 : i32
        %add3A_527 = arith.addi %sub3A_525, %add3A_526 : i32
        %sub3A_528 = arith.constant 1 : i32
        %sub3A_529 = arith.subi %add3A_527, %sub3A_528 : i32
        %ge3A_530 = arith.constant 128 : i32
        %ge3A_531 = arith.cmpi sge, %sub3A_529, %ge3A_530 : i32
        %convert_element_type3A_532 = arith.extui %ge3A_531 : i1 to i32
        %cond3A_533 = arith.constant 0 : i32
        %cond3A_534 = arith.cmpi ne, %convert_element_type3A_532, %cond3A_533 : i32
        scf.if %cond3A_534 {
          %mul3A_543 = arith.constant 40 : i32
          %mul3A_544 = arith.muli %add3A_465, %mul3A_543 : i32
          %add3A_545 = arith.addi %mul3A_2, %mul3A_544 : i32
          %shift_right_logical3A_546 = arith.constant 7 : i32
          %shift_right_logical3A_547 = arith.shrui %add3A_545, %shift_right_logical3A_546 : i32
          %min3A_548 = arith.constant 2498 : i32
          %min3A_549 = arith.minsi %shift_right_logical3A_547, %min3A_548 : i32
          %add3A_550 = arith.constant 1 : i32
          %add3A_551 = arith.addi %min3A_549, %add3A_550 : i32
          %dma_wait3A_552 = arith.constant 1 : i32
          %dma_wait3A_553 = arith.constant 0 : i32
          %dma_wait3A_554 = arith.constant 0 : i32
          %dma_wait3A_555 = tpu.memref_slice %arg18[%dma_wait3A_552, %dma_wait3A_553, %dma_wait3A_554] : memref<2x16x128xf32, #tpu.memory_space<vmem>> -> memref<1x16x128xf32, #tpu.memory_space<vmem>>
          %dma_wait3A_556 = tpu.memref_squeeze %dma_wait3A_555 : memref<1x16x128xf32, #tpu.memory_space<vmem>> -> memref<16x128xf32, #tpu.memory_space<vmem>>
          %dma_wait3A_557 = arith.constant 0 : i32
          %dma_wait3A_558 = arith.constant 0 : i32
          %dma_wait3A_559 = tpu.memref_slice %arg4[%add3A_551, %dma_wait3A_557, %dma_wait3A_558] : memref<2500x16x128xf32, #tpu.memory_space<hbm>> -> memref<1x16x128xf32, #tpu.memory_space<hbm>>
          %dma_wait3A_560 = tpu.memref_squeeze %dma_wait3A_559 : memref<1x16x128xf32, #tpu.memory_space<hbm>> -> memref<16x128xf32, #tpu.memory_space<hbm>>
          %dma_wait3A_561 = arith.constant 0 : i32
          %dma_wait3A_562 = arith.constant 0 : i32
          %dma_wait3A_563 = tpu.memref_slice %arg18[%dma_wait3A_552, %dma_wait3A_561, %dma_wait3A_562] : memref<2x16x128xf32, #tpu.memory_space<vmem>> -> memref<1x16x128xf32, #tpu.memory_space<vmem>>
          %dma_wait3A_564 = tpu.memref_squeeze %dma_wait3A_563 : memref<1x16x128xf32, #tpu.memory_space<vmem>> -> memref<16x128xf32, #tpu.memory_space<vmem>>
          %dma_wait3A_565 = arith.constant 0 : i32
          %dma_wait3A_566 = arith.constant 0 : i32
          %dma_wait3A_567 = tpu.memref_slice %arg4[%add3A_551, %dma_wait3A_565, %dma_wait3A_566] : memref<2500x16x128xf32, #tpu.memory_space<hbm>> -> memref<1x16x128xf32, #tpu.memory_space<hbm>>
          %dma_wait3A_568 = tpu.memref_squeeze %dma_wait3A_567 : memref<1x16x128xf32, #tpu.memory_space<hbm>> -> memref<16x128xf32, #tpu.memory_space<hbm>>
          tpu.wait_dma2 semaphore(%arg23 : memref<!tpu.dma_semaphore, #tpu.memory_space<semaphore_mem>>) src(%dma_wait3A_568 : memref<16x128xf32, #tpu.memory_space<hbm>>) dst(%dma_wait3A_564 : memref<16x128xf32, #tpu.memory_space<vmem>>)
        } else {
        }
        %ge3A_535 = arith.constant 1 : i32
        %ge3A_536 = arith.cmpi sge, %add3A_409, %ge3A_535 : i32
        %convert_element_type3A_537 = arith.extui %ge3A_536 : i1 to i32
        %cond3A_538 = arith.constant 0 : i32
        %cond3A_539 = arith.cmpi ne, %convert_element_type3A_537, %cond3A_538 : i32
        scf.if %cond3A_539 {
          %dma_wait3A_543 = arith.constant 0 : i32
          %dma_wait3A_544 = arith.constant 0 : i32
          %dma_wait3A_545 = tpu.memref_slice %arg9[%dma_wait3A_543, %dma_wait3A_544] : memref<10000x144xf32, #tpu.memory_space<vmem_shared>> -> memref<10000x144xf32, #tpu.memory_space<vmem_shared>>
          tpu.wait_indirect_dma semaphore(%arg27 : memref<!tpu.dma_semaphore, #tpu.memory_space<semaphore_mem>>) src(%arg20 : memref<40x144xf32, #tpu.memory_space<vmem>>) dst(%dma_wait3A_545 : memref<10000x144xf32, #tpu.memory_space<vmem_shared>>)
        } else {
        }
        %dma_start3A_540 = arith.constant 0 : i32
        %dma_start3A_541 = arith.constant 0 : i32
        %dma_start3A_542 = tpu.memref_slice %arg2[%dma_start3A_540, %dma_start3A_541] : memref<10000x144xf32, #tpu.memory_space<hbm>> -> memref<10000x144xf32, #tpu.memory_space<hbm>>
        tpu.enqueue_indirect_dma source(%dma_start3A_542 : memref<10000x144xf32, #tpu.memory_space<hbm>>) target(%arg20 : memref<40x144xf32, #tpu.memory_space<vmem>>) offsets(%arg10 : memref<40xi32, #tpu.memory_space<vmem>>) semaphore(%arg25 : memref<!tpu.dma_semaphore, #tpu.memory_space<semaphore_mem>>)
      } else {
      }
      %dma_wait3A_417 = arith.constant 0 : i32
      %dma_wait3A_418 = arith.constant 0 : i32
      %dma_wait3A_419 = tpu.memref_slice %arg2[%dma_wait3A_417, %dma_wait3A_418] : memref<10000x144xf32, #tpu.memory_space<hbm>> -> memref<10000x144xf32, #tpu.memory_space<hbm>>
      tpu.wait_indirect_dma semaphore(%arg26 : memref<!tpu.dma_semaphore, #tpu.memory_space<semaphore_mem>>) src(%dma_wait3A_419 : memref<10000x144xf32, #tpu.memory_space<hbm>>) dst(%arg21 : memref<40x144xf32, #tpu.memory_space<vmem>>)
      %mul3A_420 = arith.constant 40 : i32
      %mul3A_421 = arith.muli %add3A_409, %mul3A_420 : i32
      %add3A_422 = arith.addi %mul3A_2, %mul3A_421 : i32
      %shift_right_logical3A_423 = arith.constant 7 : i32
      %shift_right_logical3A_424 = arith.shrui %add3A_422, %shift_right_logical3A_423 : i32
      %min3A_425 = arith.constant 2498 : i32
      %min3A_426 = arith.minsi %shift_right_logical3A_424, %min3A_425 : i32
      %shift_left3A_427 = arith.constant 7 : i32
      %shift_left3A_428 = arith.shli %min3A_426, %shift_left3A_427 : i32
      %sub3A_429 = arith.subi %add3A_422, %shift_left3A_428 : i32
      %parallel_loop3A_430 = arith.constant 0 : i32
      %parallel_loop3A_431 = arith.constant 40 : i32
      %parallel_loop3A_432 = arith.constant 1 : i32
      scf.for %parallel_loop3A_464 = %parallel_loop3A_430 to %parallel_loop3A_431 step %parallel_loop3A_432  : i32 {
        %parallel_loop3A_465 = arith.addi %sub3A_429, %parallel_loop3A_464 : i32
        %parallel_loop3A_466 = arith.constant 7 : i32
        %parallel_loop3A_467 = arith.shrui %parallel_loop3A_465, %parallel_loop3A_466 : i32
        %parallel_loop3A_468 = arith.constant 7 : i32
        %parallel_loop3A_469 = arith.shli %parallel_loop3A_467, %parallel_loop3A_468 : i32
        %parallel_loop3A_470 = arith.subi %parallel_loop3A_465, %parallel_loop3A_469 : i32
        %parallel_loop3A_471 = vector.broadcast %parallel_loop3A_467 : i32 to vector<16xi32>
        %parallel_loop3A_472 = vector.broadcast %parallel_loop3A_470 : i32 to vector<16xi32>
        %parallel_loop3A_473 = tpu.vector_load_idx %arg19[%parallel_loop3A_471, %iota3A, %parallel_loop3A_472] : memref<2x16x128xf32, #tpu.memory_space<vmem>>[vector<16xi32>, vector<16xi32>, vector<16xi32>], vector<16xf32>,
        %parallel_loop3A_474 = arith.index_cast %parallel_loop3A_464 : i32 to index
        %parallel_loop3A_475 = arith.constant 0 : index
        %parallel_loop3A_476 = tpu.vector_load %arg17[%parallel_loop3A_474, %parallel_loop3A_475] {strides = array<i32>} : memref<40x128xf32, #tpu.memory_space<vmem>>, vector<16xf32>,
        %parallel_loop3A_477 = arith.index_cast %parallel_loop3A_464 : i32 to index
        %parallel_loop3A_478 = arith.constant 16 : index
        %parallel_loop3A_479 = tpu.vector_load %arg17[%parallel_loop3A_477, %parallel_loop3A_478] {strides = array<i32>} : memref<40x128xf32, #tpu.memory_space<vmem>>, vector<16xf32>,
        %parallel_loop3A_480 = arith.index_cast %parallel_loop3A_464 : i32 to index
        %parallel_loop3A_481 = arith.constant 32 : index
        %parallel_loop3A_482 = tpu.vector_load %arg17[%parallel_loop3A_480, %parallel_loop3A_481] {strides = array<i32>} : memref<40x128xf32, #tpu.memory_space<vmem>>, vector<16xf32>,
        %parallel_loop3A_483 = arith.index_cast %parallel_loop3A_464 : i32 to index
        %parallel_loop3A_484 = arith.constant 48 : index
        %parallel_loop3A_485 = tpu.vector_load %arg17[%parallel_loop3A_483, %parallel_loop3A_484] {strides = array<i32>} : memref<40x128xf32, #tpu.memory_space<vmem>>, vector<16xf32>,
        %parallel_loop3A_486 = arith.index_cast %parallel_loop3A_464 : i32 to index
        %parallel_loop3A_487 = arith.constant 64 : index
        %parallel_loop3A_488 = tpu.vector_load %arg17[%parallel_loop3A_486, %parallel_loop3A_487] {strides = array<i32>} : memref<40x128xf32, #tpu.memory_space<vmem>>, vector<16xf32>,
        %parallel_loop3A_489 = arith.index_cast %parallel_loop3A_464 : i32 to index
        %parallel_loop3A_490 = arith.constant 80 : index
        %parallel_loop3A_491 = tpu.vector_load %arg17[%parallel_loop3A_489, %parallel_loop3A_490] {strides = array<i32>} : memref<40x128xf32, #tpu.memory_space<vmem>>, vector<16xf32>,
        %parallel_loop3A_492 = arith.index_cast %parallel_loop3A_464 : i32 to index
        %parallel_loop3A_493 = arith.constant 96 : index
        %parallel_loop3A_494 = tpu.vector_load %arg17[%parallel_loop3A_492, %parallel_loop3A_493] {strides = array<i32>} : memref<40x128xf32, #tpu.memory_space<vmem>>, vector<16xf32>,
        %parallel_loop3A_495 = arith.index_cast %parallel_loop3A_464 : i32 to index
        %parallel_loop3A_496 = arith.constant 112 : index
        %parallel_loop3A_497 = tpu.vector_load %arg17[%parallel_loop3A_495, %parallel_loop3A_496] {strides = array<i32>} : memref<40x128xf32, #tpu.memory_space<vmem>>, vector<16xf32>,
        %parallel_loop3A_498 = arith.index_cast %parallel_loop3A_464 : i32 to index
        %parallel_loop3A_499 = arith.constant 0 : index
        %parallel_loop3A_500 = tpu.vector_load %arg21[%parallel_loop3A_498, %parallel_loop3A_499] {strides = array<i32>} : memref<40x144xf32, #tpu.memory_space<vmem>>, vector<16xf32>,
        %parallel_loop3A_501 = arith.index_cast %parallel_loop3A_464 : i32 to index
        %parallel_loop3A_502 = arith.constant 16 : index
        %parallel_loop3A_503 = tpu.vector_load %arg21[%parallel_loop3A_501, %parallel_loop3A_502] {strides = array<i32>} : memref<40x144xf32, #tpu.memory_space<vmem>>, vector<16xf32>,
        %parallel_loop3A_504 = arith.index_cast %parallel_loop3A_464 : i32 to index
        %parallel_loop3A_505 = arith.constant 32 : index
        %parallel_loop3A_506 = tpu.vector_load %arg21[%parallel_loop3A_504, %parallel_loop3A_505] {strides = array<i32>} : memref<40x144xf32, #tpu.memory_space<vmem>>, vector<16xf32>,
        %parallel_loop3A_507 = arith.index_cast %parallel_loop3A_464 : i32 to index
        %parallel_loop3A_508 = arith.constant 48 : index
        %parallel_loop3A_509 = tpu.vector_load %arg21[%parallel_loop3A_507, %parallel_loop3A_508] {strides = array<i32>} : memref<40x144xf32, #tpu.memory_space<vmem>>, vector<16xf32>,
        %parallel_loop3A_510 = arith.index_cast %parallel_loop3A_464 : i32 to index
        %parallel_loop3A_511 = arith.constant 64 : index
        %parallel_loop3A_512 = tpu.vector_load %arg21[%parallel_loop3A_510, %parallel_loop3A_511] {strides = array<i32>} : memref<40x144xf32, #tpu.memory_space<vmem>>, vector<16xf32>,
        %parallel_loop3A_513 = arith.index_cast %parallel_loop3A_464 : i32 to index
        %parallel_loop3A_514 = arith.constant 80 : index
        %parallel_loop3A_515 = tpu.vector_load %arg21[%parallel_loop3A_513, %parallel_loop3A_514] {strides = array<i32>} : memref<40x144xf32, #tpu.memory_space<vmem>>, vector<16xf32>,
        %parallel_loop3A_516 = arith.index_cast %parallel_loop3A_464 : i32 to index
        %parallel_loop3A_517 = arith.constant 96 : index
        %parallel_loop3A_518 = tpu.vector_load %arg21[%parallel_loop3A_516, %parallel_loop3A_517] {strides = array<i32>} : memref<40x144xf32, #tpu.memory_space<vmem>>, vector<16xf32>,
        %parallel_loop3A_519 = arith.index_cast %parallel_loop3A_464 : i32 to index
        %parallel_loop3A_520 = arith.constant 112 : index
        %parallel_loop3A_521 = tpu.vector_load %arg21[%parallel_loop3A_519, %parallel_loop3A_520] {strides = array<i32>} : memref<40x144xf32, #tpu.memory_space<vmem>>, vector<16xf32>,
        %parallel_loop3A_522 = arith.index_cast %parallel_loop3A_464 : i32 to index
        %parallel_loop3A_523 = arith.constant 128 : index
        %parallel_loop3A_524 = tpu.vector_load %arg21[%parallel_loop3A_522, %parallel_loop3A_523] {strides = array<i32>} : memref<40x144xf32, #tpu.memory_space<vmem>>, vector<16xf32>,
        %parallel_loop3A_525 = arith.addf %parallel_loop3A_476, %parallel_loop3A_500 : vector<16xf32>
        %parallel_loop3A_526 = arith.constant 0.000000e+00 : f32
        %parallel_loop3A_527 = vector.broadcast %parallel_loop3A_526 : f32 to vector<16xf32>
        %parallel_loop3A_528 = arith.maximumf %parallel_loop3A_525, %parallel_loop3A_527 : vector<16xf32>
        %parallel_loop3A_529 = arith.addf %parallel_loop3A_479, %parallel_loop3A_503 : vector<16xf32>
        %parallel_loop3A_530 = arith.constant 0.000000e+00 : f32
        %parallel_loop3A_531 = vector.broadcast %parallel_loop3A_530 : f32 to vector<16xf32>
        %parallel_loop3A_532 = arith.maximumf %parallel_loop3A_529, %parallel_loop3A_531 : vector<16xf32>
        %parallel_loop3A_533 = arith.addf %parallel_loop3A_482, %parallel_loop3A_506 : vector<16xf32>
        %parallel_loop3A_534 = arith.constant 0.000000e+00 : f32
        %parallel_loop3A_535 = vector.broadcast %parallel_loop3A_534 : f32 to vector<16xf32>
        %parallel_loop3A_536 = arith.maximumf %parallel_loop3A_533, %parallel_loop3A_535 : vector<16xf32>
        %parallel_loop3A_537 = arith.addf %parallel_loop3A_485, %parallel_loop3A_509 : vector<16xf32>
        %parallel_loop3A_538 = arith.constant 0.000000e+00 : f32
        %parallel_loop3A_539 = vector.broadcast %parallel_loop3A_538 : f32 to vector<16xf32>
        %parallel_loop3A_540 = arith.maximumf %parallel_loop3A_537, %parallel_loop3A_539 : vector<16xf32>
        %parallel_loop3A_541 = arith.addf %parallel_loop3A_488, %parallel_loop3A_512 : vector<16xf32>
        %parallel_loop3A_542 = arith.constant 0.000000e+00 : f32
        %parallel_loop3A_543 = vector.broadcast %parallel_loop3A_542 : f32 to vector<16xf32>
        %parallel_loop3A_544 = arith.maximumf %parallel_loop3A_541, %parallel_loop3A_543 : vector<16xf32>
        %parallel_loop3A_545 = arith.addf %parallel_loop3A_491, %parallel_loop3A_515 : vector<16xf32>
        %parallel_loop3A_546 = arith.constant 0.000000e+00 : f32
        %parallel_loop3A_547 = vector.broadcast %parallel_loop3A_546 : f32 to vector<16xf32>
        %parallel_loop3A_548 = arith.maximumf %parallel_loop3A_545, %parallel_loop3A_547 : vector<16xf32>
        %parallel_loop3A_549 = arith.addf %parallel_loop3A_494, %parallel_loop3A_518 : vector<16xf32>
        %parallel_loop3A_550 = arith.constant 0.000000e+00 : f32
        %parallel_loop3A_551 = vector.broadcast %parallel_loop3A_550 : f32 to vector<16xf32>
        %parallel_loop3A_552 = arith.maximumf %parallel_loop3A_549, %parallel_loop3A_551 : vector<16xf32>
        %parallel_loop3A_553 = arith.addf %parallel_loop3A_497, %parallel_loop3A_521 : vector<16xf32>
        %parallel_loop3A_554 = arith.constant 0.000000e+00 : f32
        %parallel_loop3A_555 = vector.broadcast %parallel_loop3A_554 : f32 to vector<16xf32>
        %parallel_loop3A_556 = arith.maximumf %parallel_loop3A_553, %parallel_loop3A_555 : vector<16xf32>
        %parallel_loop3A_557 = arith.addf %parallel_loop3A_473, %parallel_loop3A_524 : vector<16xf32>
        %parallel_loop3A_558 = arith.constant 0.000000e+00 : f32
        %parallel_loop3A_559 = vector.broadcast %parallel_loop3A_558 : f32 to vector<16xf32>
        %parallel_loop3A_560 = arith.maximumf %parallel_loop3A_557, %parallel_loop3A_559 : vector<16xf32>
        %parallel_loop3A_561 = arith.index_cast %parallel_loop3A_464 : i32 to index
        %parallel_loop3A_562 = arith.constant 0 : index
        %parallel_loop3A_563 = tpu.vector_load %arg21[%parallel_loop3A_561, %parallel_loop3A_562] {strides = array<i32>} : memref<40x144xf32, #tpu.memory_space<vmem>>, vector<16xf32>,
        tpu.vector_store %arg21[%parallel_loop3A_561, %parallel_loop3A_562], %parallel_loop3A_528 {strides = array<i32>} : memref<40x144xf32, #tpu.memory_space<vmem>>, vector<16xf32>,
        %parallel_loop3A_564 = arith.index_cast %parallel_loop3A_464 : i32 to index
        %parallel_loop3A_565 = arith.constant 16 : index
        %parallel_loop3A_566 = tpu.vector_load %arg21[%parallel_loop3A_564, %parallel_loop3A_565] {strides = array<i32>} : memref<40x144xf32, #tpu.memory_space<vmem>>, vector<16xf32>,
        tpu.vector_store %arg21[%parallel_loop3A_564, %parallel_loop3A_565], %parallel_loop3A_532 {strides = array<i32>} : memref<40x144xf32, #tpu.memory_space<vmem>>, vector<16xf32>,
        %parallel_loop3A_567 = arith.index_cast %parallel_loop3A_464 : i32 to index
        %parallel_loop3A_568 = arith.constant 32 : index
        %parallel_loop3A_569 = tpu.vector_load %arg21[%parallel_loop3A_567, %parallel_loop3A_568] {strides = array<i32>} : memref<40x144xf32, #tpu.memory_space<vmem>>, vector<16xf32>,
        tpu.vector_store %arg21[%parallel_loop3A_567, %parallel_loop3A_568], %parallel_loop3A_536 {strides = array<i32>} : memref<40x144xf32, #tpu.memory_space<vmem>>, vector<16xf32>,
        %parallel_loop3A_570 = arith.index_cast %parallel_loop3A_464 : i32 to index
        %parallel_loop3A_571 = arith.constant 48 : index
        %parallel_loop3A_572 = tpu.vector_load %arg21[%parallel_loop3A_570, %parallel_loop3A_571] {strides = array<i32>} : memref<40x144xf32, #tpu.memory_space<vmem>>, vector<16xf32>,
        tpu.vector_store %arg21[%parallel_loop3A_570, %parallel_loop3A_571], %parallel_loop3A_540 {strides = array<i32>} : memref<40x144xf32, #tpu.memory_space<vmem>>, vector<16xf32>,
        %parallel_loop3A_573 = arith.index_cast %parallel_loop3A_464 : i32 to index
        %parallel_loop3A_574 = arith.constant 64 : index
        %parallel_loop3A_575 = tpu.vector_load %arg21[%parallel_loop3A_573, %parallel_loop3A_574] {strides = array<i32>} : memref<40x144xf32, #tpu.memory_space<vmem>>, vector<16xf32>,
        tpu.vector_store %arg21[%parallel_loop3A_573, %parallel_loop3A_574], %parallel_loop3A_544 {strides = array<i32>} : memref<40x144xf32, #tpu.memory_space<vmem>>, vector<16xf32>,
        %parallel_loop3A_576 = arith.index_cast %parallel_loop3A_464 : i32 to index
        %parallel_loop3A_577 = arith.constant 80 : index
        %parallel_loop3A_578 = tpu.vector_load %arg21[%parallel_loop3A_576, %parallel_loop3A_577] {strides = array<i32>} : memref<40x144xf32, #tpu.memory_space<vmem>>, vector<16xf32>,
        tpu.vector_store %arg21[%parallel_loop3A_576, %parallel_loop3A_577], %parallel_loop3A_548 {strides = array<i32>} : memref<40x144xf32, #tpu.memory_space<vmem>>, vector<16xf32>,
        %parallel_loop3A_579 = arith.index_cast %parallel_loop3A_464 : i32 to index
        %parallel_loop3A_580 = arith.constant 96 : index
        %parallel_loop3A_581 = tpu.vector_load %arg21[%parallel_loop3A_579, %parallel_loop3A_580] {strides = array<i32>} : memref<40x144xf32, #tpu.memory_space<vmem>>, vector<16xf32>,
        tpu.vector_store %arg21[%parallel_loop3A_579, %parallel_loop3A_580], %parallel_loop3A_552 {strides = array<i32>} : memref<40x144xf32, #tpu.memory_space<vmem>>, vector<16xf32>,
        %parallel_loop3A_582 = arith.index_cast %parallel_loop3A_464 : i32 to index
        %parallel_loop3A_583 = arith.constant 112 : index
        %parallel_loop3A_584 = tpu.vector_load %arg21[%parallel_loop3A_582, %parallel_loop3A_583] {strides = array<i32>} : memref<40x144xf32, #tpu.memory_space<vmem>>, vector<16xf32>,
        tpu.vector_store %arg21[%parallel_loop3A_582, %parallel_loop3A_583], %parallel_loop3A_556 {strides = array<i32>} : memref<40x144xf32, #tpu.memory_space<vmem>>, vector<16xf32>,
        %parallel_loop3A_585 = arith.index_cast %parallel_loop3A_464 : i32 to index
        %parallel_loop3A_586 = arith.constant 128 : index
        %parallel_loop3A_587 = tpu.vector_load %arg21[%parallel_loop3A_585, %parallel_loop3A_586] {strides = array<i32>} : memref<40x144xf32, #tpu.memory_space<vmem>>, vector<16xf32>,
        tpu.vector_store %arg21[%parallel_loop3A_585, %parallel_loop3A_586], %parallel_loop3A_560 {strides = array<i32>} : memref<40x144xf32, #tpu.memory_space<vmem>>, vector<16xf32>,
      } {sc.loop_unroll_factor = 2 : i64, sc.parallel_access}
      %get3A_433 = arith.constant 0 : index
      %get3A_434 = tpu.vector_load %arg13[%get3A_433] {strides = array<i32>} : memref<40xi32, #tpu.memory_space<vmem>>, vector<16xi32>,
      tpu.vector_store_idx %arg22[%get3A_434], %broadcast_in_dim3A_5 {add = true} : memref<10000xf32, #tpu.memory_space<vmem>>[vector<16xi32>], vector<16xf32>,
      %get3A_435 = arith.constant 16 : index
      %get3A_436 = tpu.vector_load %arg13[%get3A_435] {strides = array<i32>} : memref<40xi32, #tpu.memory_space<vmem>>, vector<16xi32>,
      tpu.vector_store_idx %arg22[%get3A_436], %broadcast_in_dim3A_5 {add = true} : memref<10000xf32, #tpu.memory_space<vmem>>[vector<16xi32>], vector<16xf32>,
      %get3A_437 = arith.constant 24 : index
      %get3A_438 = tpu.vector_load %arg13[%get3A_437] {strides = array<i32>} : memref<40xi32, #tpu.memory_space<vmem>>, vector<16xi32>,
      %ge3A_439 = arith.constant 8 : i32
      %ge3A_440 = vector.broadcast %ge3A_439 : i32 to vector<16xi32>
      %ge3A_441 = arith.cmpi sge, %iota3A, %ge3A_440 : vector<16xi32>
      tpu.vector_store_idx %arg22[%get3A_438], %broadcast_in_dim3A_5 masked %ge3A_441 {add = true} : memref<10000xf32, #tpu.memory_space<vmem>>[vector<16xi32>], vector<16xf32>, vector<16xi1>
      %get3A_442 = arith.constant 0 : index
      %get3A_443 = tpu.vector_load %arg13[%get3A_442] {strides = array<i32>} : memref<40xi32, #tpu.memory_space<vmem>>, vector<16xi32>,
      %swap3A_444 = arith.constant 0 : index
      %swap3A_445 = tpu.vector_load %arg15[%swap3A_444] {strides = array<i32>} : memref<40xi32, #tpu.memory_space<vmem>>, vector<16xi32>,
      tpu.vector_store %arg15[%swap3A_444], %get3A_443 {strides = array<i32>} : memref<40xi32, #tpu.memory_space<vmem>>, vector<16xi32>,
      %get3A_446 = arith.constant 16 : index
      %get3A_447 = tpu.vector_load %arg13[%get3A_446] {strides = array<i32>} : memref<40xi32, #tpu.memory_space<vmem>>, vector<16xi32>,
      %swap3A_448 = arith.constant 16 : index
      %swap3A_449 = tpu.vector_load %arg15[%swap3A_448] {strides = array<i32>} : memref<40xi32, #tpu.memory_space<vmem>>, vector<16xi32>,
      tpu.vector_store %arg15[%swap3A_448], %get3A_447 {strides = array<i32>} : memref<40xi32, #tpu.memory_space<vmem>>, vector<16xi32>,
      %get3A_450 = arith.constant 24 : index
      %get3A_451 = tpu.vector_load %arg13[%get3A_450] {strides = array<i32>} : memref<40xi32, #tpu.memory_space<vmem>>, vector<16xi32>,
      %swap3A_452 = arith.constant 24 : index
      %swap3A_453 = tpu.vector_load %arg15[%swap3A_452] {strides = array<i32>} : memref<40xi32, #tpu.memory_space<vmem>>, vector<16xi32>,
      tpu.vector_store %arg15[%swap3A_452], %get3A_451 {strides = array<i32>} : memref<40xi32, #tpu.memory_space<vmem>>, vector<16xi32>,
      %dma_start3A_454 = arith.constant 0 : i32
      %dma_start3A_455 = arith.constant 0 : i32
      %dma_start3A_456 = tpu.memref_slice %arg9[%dma_start3A_454, %dma_start3A_455] : memref<10000x144xf32, #tpu.memory_space<vmem_shared>> -> memref<10000x144xf32, #tpu.memory_space<vmem_shared>>
      tpu.enqueue_indirect_dma source(%arg21 : memref<40x144xf32, #tpu.memory_space<vmem>>) target(%dma_start3A_456 : memref<10000x144xf32, #tpu.memory_space<vmem_shared>>) offsets(%arg15 : memref<40xi32, #tpu.memory_space<vmem>>) semaphore(%arg28 : memref<!tpu.dma_semaphore, #tpu.memory_space<semaphore_mem>>) {add = true}
      %add3A_457 = arith.constant 2 : i32
      %add3A_458 = arith.addi %add3A_409, %add3A_457 : i32
      %lt3A_459 = arith.constant 250 : i32
      %lt3A_460 = arith.cmpi slt, %add3A_458, %lt3A_459 : i32
      %convert_element_type3A_461 = arith.extui %lt3A_460 : i1 to i32
      %cond3A_462 = arith.constant 0 : i32
      %cond3A_463 = arith.cmpi ne, %convert_element_type3A_461, %cond3A_462 : i32
      scf.if %cond3A_463 {
        %add3A_464 = arith.constant 2 : i32
        %add3A_465 = arith.addi %add3A_409, %add3A_464 : i32
        %mul3A_466 = arith.constant 40 : i32
        %mul3A_467 = arith.muli %add3A_465, %mul3A_466 : i32
        %add3A_468 = arith.addi %mul3A_2, %mul3A_467 : i32
        %shift_right_logical3A_469 = arith.constant 7 : i32
        %shift_right_logical3A_470 = arith.shrui %add3A_468, %shift_right_logical3A_469 : i32
        %min3A_471 = arith.constant 2498 : i32
        %min3A_472 = arith.minsi %shift_right_logical3A_470, %min3A_471 : i32
        %add3A_473 = arith.constant 20 : i32
        %add3A_474 = arith.addi %add3A_468, %add3A_473 : i32
        %dma_start3A_475 = tpu.memref_slice %arg5[%add3A_468] : memref<320000xi32, #tpu.memory_space<hbm>> -> memref<40xi32, #tpu.memory_space<hbm>>
        %dma_start3A_476 = tpu.memref_slice %arg5[%add3A_468] : memref<320000xi32, #tpu.memory_space<hbm>> -> memref<40xi32, #tpu.memory_space<hbm>>
        tpu.enqueue_dma source(%dma_start3A_476 : memref<40xi32, #tpu.memory_space<hbm>>) target(%arg11 : memref<40xi32, #tpu.memory_space<vmem>>) target_semaphore(%arg24 : memref<!tpu.dma_semaphore, #tpu.memory_space<semaphore_mem>>)
        %dma_start3A_477 = tpu.memref_slice %arg6[%add3A_468] : memref<320000xi32, #tpu.memory_space<hbm>> -> memref<40xi32, #tpu.memory_space<hbm>>
        %dma_start3A_478 = tpu.memref_slice %arg6[%add3A_468] : memref<320000xi32, #tpu.memory_space<hbm>> -> memref<40xi32, #tpu.memory_space<hbm>>
        tpu.enqueue_dma source(%dma_start3A_478 : memref<40xi32, #tpu.memory_space<hbm>>) target(%arg13 : memref<40xi32, #tpu.memory_space<vmem>>) target_semaphore(%arg24 : memref<!tpu.dma_semaphore, #tpu.memory_space<semaphore_mem>>)
        %dma_start3A_479 = arith.constant 0 : i32
        %dma_start3A_480 = arith.constant 0 : i32
        %dma_start3A_481 = tpu.memref_slice %arg17[%dma_start3A_479, %dma_start3A_480] : memref<40x128xf32, #tpu.memory_space<vmem>> -> memref<20x128xf32, #tpu.memory_space<vmem>>
        %dma_start3A_482 = arith.constant 0 : i32
        %dma_start3A_483 = tpu.memref_slice %arg3[%add3A_468, %dma_start3A_482] : memref<320000x128xf32, #tpu.memory_space<hbm>> -> memref<20x128xf32, #tpu.memory_space<hbm>>
        %dma_start3A_484 = arith.constant 0 : i32
        %dma_start3A_485 = arith.constant 0 : i32
        %dma_start3A_486 = tpu.memref_slice %arg17[%dma_start3A_484, %dma_start3A_485] : memref<40x128xf32, #tpu.memory_space<vmem>> -> memref<20x128xf32, #tpu.memory_space<vmem>>
        %dma_start3A_487 = arith.constant 0 : i32
        %dma_start3A_488 = tpu.memref_slice %arg3[%add3A_468, %dma_start3A_487] : memref<320000x128xf32, #tpu.memory_space<hbm>> -> memref<20x128xf32, #tpu.memory_space<hbm>>
        tpu.enqueue_dma source(%dma_start3A_488 : memref<20x128xf32, #tpu.memory_space<hbm>>) target(%dma_start3A_486 : memref<20x128xf32, #tpu.memory_space<vmem>>) target_semaphore(%arg24 : memref<!tpu.dma_semaphore, #tpu.memory_space<semaphore_mem>>)
        %dma_start3A_489 = arith.constant 20 : i32
        %dma_start3A_490 = arith.constant 0 : i32
        %dma_start3A_491 = tpu.memref_slice %arg17[%dma_start3A_489, %dma_start3A_490] : memref<40x128xf32, #tpu.memory_space<vmem>> -> memref<20x128xf32, #tpu.memory_space<vmem>>
        %dma_start3A_492 = arith.constant 0 : i32
        %dma_start3A_493 = tpu.memref_slice %arg3[%add3A_474, %dma_start3A_492] : memref<320000x128xf32, #tpu.memory_space<hbm>> -> memref<20x128xf32, #tpu.memory_space<hbm>>
        %dma_start3A_494 = arith.constant 20 : i32
        %dma_start3A_495 = arith.constant 0 : i32
        %dma_start3A_496 = tpu.memref_slice %arg17[%dma_start3A_494, %dma_start3A_495] : memref<40x128xf32, #tpu.memory_space<vmem>> -> memref<20x128xf32, #tpu.memory_space<vmem>>
        %dma_start3A_497 = arith.constant 0 : i32
        %dma_start3A_498 = tpu.memref_slice %arg3[%add3A_474, %dma_start3A_497] : memref<320000x128xf32, #tpu.memory_space<hbm>> -> memref<20x128xf32, #tpu.memory_space<hbm>>
        tpu.enqueue_dma source(%dma_start3A_498 : memref<20x128xf32, #tpu.memory_space<hbm>>) target(%dma_start3A_496 : memref<20x128xf32, #tpu.memory_space<vmem>>) target_semaphore(%arg24 : memref<!tpu.dma_semaphore, #tpu.memory_space<semaphore_mem>>)
        %dma_start3A_499 = arith.constant 0 : i32
        %dma_start3A_500 = arith.constant 0 : i32
        %dma_start3A_501 = arith.constant 0 : i32
        %dma_start3A_502 = tpu.memref_slice %arg19[%dma_start3A_499, %dma_start3A_500, %dma_start3A_501] : memref<2x16x128xf32, #tpu.memory_space<vmem>> -> memref<1x16x128xf32, #tpu.memory_space<vmem>>
        %dma_start3A_503 = tpu.memref_squeeze %dma_start3A_502 : memref<1x16x128xf32, #tpu.memory_space<vmem>> -> memref<16x128xf32, #tpu.memory_space<vmem>>
        %dma_start3A_504 = arith.constant 0 : i32
        %dma_start3A_505 = arith.constant 0 : i32
        %dma_start3A_506 = tpu.memref_slice %arg4[%min3A_472, %dma_start3A_504, %dma_start3A_505] : memref<2500x16x128xf32, #tpu.memory_space<hbm>> -> memref<1x16x128xf32, #tpu.memory_space<hbm>>
        %dma_start3A_507 = tpu.memref_squeeze %dma_start3A_506 : memref<1x16x128xf32, #tpu.memory_space<hbm>> -> memref<16x128xf32, #tpu.memory_space<hbm>>
        %dma_start3A_508 = arith.constant 0 : i32
        %dma_start3A_509 = arith.constant 0 : i32
        %dma_start3A_510 = tpu.memref_slice %arg19[%dma_start3A_499, %dma_start3A_508, %dma_start3A_509] : memref<2x16x128xf32, #tpu.memory_space<vmem>> -> memref<1x16x128xf32, #tpu.memory_space<vmem>>
        %dma_start3A_511 = tpu.memref_squeeze %dma_start3A_510 : memref<1x16x128xf32, #tpu.memory_space<vmem>> -> memref<16x128xf32, #tpu.memory_space<vmem>>
        %dma_start3A_512 = arith.constant 0 : i32
        %dma_start3A_513 = arith.constant 0 : i32
        %dma_start3A_514 = tpu.memref_slice %arg4[%min3A_472, %dma_start3A_512, %dma_start3A_513] : memref<2500x16x128xf32, #tpu.memory_space<hbm>> -> memref<1x16x128xf32, #tpu.memory_space<hbm>>
        %dma_start3A_515 = tpu.memref_squeeze %dma_start3A_514 : memref<1x16x128xf32, #tpu.memory_space<hbm>> -> memref<16x128xf32, #tpu.memory_space<hbm>>
        tpu.enqueue_dma source(%dma_start3A_515 : memref<16x128xf32, #tpu.memory_space<hbm>>) target(%dma_start3A_511 : memref<16x128xf32, #tpu.memory_space<vmem>>) target_semaphore(%arg24 : memref<!tpu.dma_semaphore, #tpu.memory_space<semaphore_mem>>)
        %mul3A_516 = arith.constant 40 : i32
        %mul3A_517 = arith.muli %add3A_465, %mul3A_516 : i32
        %add3A_518 = arith.addi %mul3A_2, %mul3A_517 : i32
        %shift_right_logical3A_519 = arith.constant 7 : i32
        %shift_right_logical3A_520 = arith.shrui %add3A_518, %shift_right_logical3A_519 : i32
        %min3A_521 = arith.constant 2498 : i32
        %min3A_522 = arith.minsi %shift_right_logical3A_520, %min3A_521 : i32
        %shift_left3A_523 = arith.constant 7 : i32
        %shift_left3A_524 = arith.shli %min3A_522, %shift_left3A_523 : i32
        %sub3A_525 = arith.subi %add3A_518, %shift_left3A_524 : i32
        %add3A_526 = arith.constant 40 : i32
        %add3A_527 = arith.addi %sub3A_525, %add3A_526 : i32
        %sub3A_528 = arith.constant 1 : i32
        %sub3A_529 = arith.subi %add3A_527, %sub3A_528 : i32
        %ge3A_530 = arith.constant 128 : i32
        %ge3A_531 = arith.cmpi sge, %sub3A_529, %ge3A_530 : i32
        %convert_element_type3A_532 = arith.extui %ge3A_531 : i1 to i32
        %cond3A_533 = arith.constant 0 : i32
        %cond3A_534 = arith.cmpi ne, %convert_element_type3A_532, %cond3A_533 : i32
        scf.if %cond3A_534 {
          %mul3A_535 = arith.constant 40 : i32
          %mul3A_536 = arith.muli %add3A_465, %mul3A_535 : i32
          %add3A_537 = arith.addi %mul3A_2, %mul3A_536 : i32
          %shift_right_logical3A_538 = arith.constant 7 : i32
          %shift_right_logical3A_539 = arith.shrui %add3A_537, %shift_right_logical3A_538 : i32
          %min3A_540 = arith.constant 2498 : i32
          %min3A_541 = arith.minsi %shift_right_logical3A_539, %min3A_540 : i32
          %add3A_542 = arith.constant 1 : i32
          %add3A_543 = arith.addi %min3A_541, %add3A_542 : i32
          %dma_start3A_544 = arith.constant 1 : i32
          %dma_start3A_545 = arith.constant 0 : i32
          %dma_start3A_546 = arith.constant 0 : i32
          %dma_start3A_547 = tpu.memref_slice %arg19[%dma_start3A_544, %dma_start3A_545, %dma_start3A_546] : memref<2x16x128xf32, #tpu.memory_space<vmem>> -> memref<1x16x128xf32, #tpu.memory_space<vmem>>
          %dma_start3A_548 = tpu.memref_squeeze %dma_start3A_547 : memref<1x16x128xf32, #tpu.memory_space<vmem>> -> memref<16x128xf32, #tpu.memory_space<vmem>>
          %dma_start3A_549 = arith.constant 0 : i32
          %dma_start3A_550 = arith.constant 0 : i32
          %dma_start3A_551 = tpu.memref_slice %arg4[%add3A_543, %dma_start3A_549, %dma_start3A_550] : memref<2500x16x128xf32, #tpu.memory_space<hbm>> -> memref<1x16x128xf32, #tpu.memory_space<hbm>>
          %dma_start3A_552 = tpu.memref_squeeze %dma_start3A_551 : memref<1x16x128xf32, #tpu.memory_space<hbm>> -> memref<16x128xf32, #tpu.memory_space<hbm>>
          %dma_start3A_553 = arith.constant 0 : i32
          %dma_start3A_554 = arith.constant 0 : i32
          %dma_start3A_555 = tpu.memref_slice %arg19[%dma_start3A_544, %dma_start3A_553, %dma_start3A_554] : memref<2x16x128xf32, #tpu.memory_space<vmem>> -> memref<1x16x128xf32, #tpu.memory_space<vmem>>
          %dma_start3A_556 = tpu.memref_squeeze %dma_start3A_555 : memref<1x16x128xf32, #tpu.memory_space<vmem>> -> memref<16x128xf32, #tpu.memory_space<vmem>>
          %dma_start3A_557 = arith.constant 0 : i32
          %dma_start3A_558 = arith.constant 0 : i32
          %dma_start3A_559 = tpu.memref_slice %arg4[%add3A_543, %dma_start3A_557, %dma_start3A_558] : memref<2500x16x128xf32, #tpu.memory_space<hbm>> -> memref<1x16x128xf32, #tpu.memory_space<hbm>>
          %dma_start3A_560 = tpu.memref_squeeze %dma_start3A_559 : memref<1x16x128xf32, #tpu.memory_space<hbm>> -> memref<16x128xf32, #tpu.memory_space<hbm>>
          tpu.enqueue_dma source(%dma_start3A_560 : memref<16x128xf32, #tpu.memory_space<hbm>>) target(%dma_start3A_556 : memref<16x128xf32, #tpu.memory_space<vmem>>) target_semaphore(%arg24 : memref<!tpu.dma_semaphore, #tpu.memory_space<semaphore_mem>>)
        } else {
        }
      } else {
      }
    }
    %scan3A_281 = arith.constant 125 : i32
    %dma_wait3A_282 = arith.constant 0 : i32
    %dma_wait3A_283 = arith.constant 0 : i32
    %dma_wait3A_284 = tpu.memref_slice %arg9[%dma_wait3A_282, %dma_wait3A_283] : memref<10000x144xf32, #tpu.memory_space<vmem_shared>> -> memref<10000x144xf32, #tpu.memory_space<vmem_shared>>
    tpu.wait_indirect_dma semaphore(%arg27 : memref<!tpu.dma_semaphore, #tpu.memory_space<semaphore_mem>>) src(%arg20 : memref<40x144xf32, #tpu.memory_space<vmem>>) dst(%dma_wait3A_284 : memref<10000x144xf32, #tpu.memory_space<vmem_shared>>)
    %dma_wait3A_285 = arith.constant 0 : i32
    %dma_wait3A_286 = arith.constant 0 : i32
    %dma_wait3A_287 = tpu.memref_slice %arg9[%dma_wait3A_285, %dma_wait3A_286] : memref<10000x144xf32, #tpu.memory_space<vmem_shared>> -> memref<10000x144xf32, #tpu.memory_space<vmem_shared>>
    tpu.wait_indirect_dma semaphore(%arg28 : memref<!tpu.dma_semaphore, #tpu.memory_space<semaphore_mem>>) src(%arg21 : memref<40x144xf32, #tpu.memory_space<vmem>>) dst(%dma_wait3A_287 : memref<10000x144xf32, #tpu.memory_space<vmem_shared>>)
    %barrier3A_288 = arith.constant 0 : index
    tpu.barrier barrier_id(%barrier3A_288)
    %mul3A_289 = arith.constant 625 : i32
    %mul3A_290 = arith.muli %arg1, %mul3A_289 : i32
    %add3A_291 = arith.constant 0 : i32
    %add3A_292 = arith.addi %mul3A_290, %add3A_291 : i32
    "tpu.region"() ({
      %run_scoped3A = tpu.sem_alloc : memref<!tpu.dma_semaphore, #tpu.memory_space<semaphore_mem>>
      %dma_start3A_353 = arith.constant 0 : i32
      %dma_start3A_354 = tpu.memref_slice %arg9[%add3A_292, %dma_start3A_353] : memref<10000x144xf32, #tpu.memory_space<vmem_shared>> -> memref<40x144xf32, #tpu.memory_space<vmem_shared>>
      %dma_start3A_355 = arith.constant 0 : i32
      %dma_start3A_356 = tpu.memref_slice %arg9[%add3A_292, %dma_start3A_355] : memref<10000x144xf32, #tpu.memory_space<vmem_shared>> -> memref<40x144xf32, #tpu.memory_space<vmem_shared>>
      tpu.enqueue_dma source(%dma_start3A_356 : memref<40x144xf32, #tpu.memory_space<vmem_shared>>) target(%arg20 : memref<40x144xf32, #tpu.memory_space<vmem>>) target_semaphore(%run_scoped3A : memref<!tpu.dma_semaphore, #tpu.memory_space<semaphore_mem>>)
      %dma_wait3A_357 = arith.constant 0 : i32
      %dma_wait3A_358 = tpu.memref_slice %arg9[%add3A_292, %dma_wait3A_357] : memref<10000x144xf32, #tpu.memory_space<vmem_shared>> -> memref<40x144xf32, #tpu.memory_space<vmem_shared>>
      %dma_wait3A_359 = arith.constant 0 : i32
      %dma_wait3A_360 = tpu.memref_slice %arg9[%add3A_292, %dma_wait3A_359] : memref<10000x144xf32, #tpu.memory_space<vmem_shared>> -> memref<40x144xf32, #tpu.memory_space<vmem_shared>>
      tpu.wait_dma2 semaphore(%run_scoped3A : memref<!tpu.dma_semaphore, #tpu.memory_space<semaphore_mem>>) src(%dma_wait3A_360 : memref<40x144xf32, #tpu.memory_space<vmem_shared>>) dst(%arg20 : memref<40x144xf32, #tpu.memory_space<vmem>>)
      tpu.yield
    }) : () -> ()
    "tpu.region"() ({
      %run_scoped3A = tpu.sem_alloc : memref<!tpu.dma_semaphore, #tpu.memory_space<semaphore_mem>>
      %dma_start3A_353 = arith.constant 0 : i32
      %dma_start3A_354 = tpu.memref_slice %arg7[%arg0, %add3A_292, %dma_start3A_353] : memref<2x10000x144xf32, #tpu.memory_space<hbm>> -> memref<1x40x144xf32, #tpu.memory_space<hbm>>
      %dma_start3A_355 = tpu.memref_squeeze %dma_start3A_354 : memref<1x40x144xf32, #tpu.memory_space<hbm>> -> memref<40x144xf32, #tpu.memory_space<hbm>>
      %dma_start3A_356 = arith.constant 0 : i32
      %dma_start3A_357 = tpu.memref_slice %arg7[%arg0, %add3A_292, %dma_start3A_356] : memref<2x10000x144xf32, #tpu.memory_space<hbm>> -> memref<1x40x144xf32, #tpu.memory_space<hbm>>
      %dma_start3A_358 = tpu.memref_squeeze %dma_start3A_357 : memref<1x40x144xf32, #tpu.memory_space<hbm>> -> memref<40x144xf32, #tpu.memory_space<hbm>>
      tpu.enqueue_dma source(%arg20 : memref<40x144xf32, #tpu.memory_space<vmem>>) target(%dma_start3A_358 : memref<40x144xf32, #tpu.memory_space<hbm>>) target_semaphore(%run_scoped3A : memref<!tpu.dma_semaphore, #tpu.memory_space<semaphore_mem>>)
      %dma_wait3A_359 = arith.constant 0 : i32
      %dma_wait3A_360 = tpu.memref_slice %arg7[%arg0, %add3A_292, %dma_wait3A_359] : memref<2x10000x144xf32, #tpu.memory_space<hbm>> -> memref<1x40x144xf32, #tpu.memory_space<hbm>>
      %dma_wait3A_361 = tpu.memref_squeeze %dma_wait3A_360 : memref<1x40x144xf32, #tpu.memory_space<hbm>> -> memref<40x144xf32, #tpu.memory_space<hbm>>
      %dma_wait3A_362 = arith.constant 0 : i32
      %dma_wait3A_363 = tpu.memref_slice %arg7[%arg0, %add3A_292, %dma_wait3A_362] : memref<2x10000x144xf32, #tpu.memory_space<hbm>> -> memref<1x40x144xf32, #tpu.memory_space<hbm>>
      %dma_wait3A_364 = tpu.memref_squeeze %dma_wait3A_363 : memref<1x40x144xf32, #tpu.memory_space<hbm>> -> memref<40x144xf32, #tpu.memory_space<hbm>>
      tpu.wait_dma2 semaphore(%run_scoped3A : memref<!tpu.dma_semaphore, #tpu.memory_space<semaphore_mem>>) src(%arg20 : memref<40x144xf32, #tpu.memory_space<vmem>>) dst(%dma_wait3A_364 : memref<40x144xf32, #tpu.memory_space<hbm>>)
      tpu.yield
    }) : () -> ()
    %mul3A_293 = arith.constant 625 : i32
    %mul3A_294 = arith.muli %arg1, %mul3A_293 : i32
    %add3A_295 = arith.constant 40 : i32
    %add3A_296 = arith.addi %mul3A_294, %add3A_295 : i32
    "tpu.region"() ({
      %run_scoped3A = tpu.sem_alloc : memref<!tpu.dma_semaphore, #tpu.memory_space<semaphore_mem>>
      %dma_start3A_353 = arith.constant 0 : i32
      %dma_start3A_354 = tpu.memref_slice %arg9[%add3A_296, %dma_start3A_353] : memref<10000x144xf32, #tpu.memory_space<vmem_shared>> -> memref<40x144xf32, #tpu.memory_space<vmem_shared>>
      %dma_start3A_355 = arith.constant 0 : i32
      %dma_start3A_356 = tpu.memref_slice %arg9[%add3A_296, %dma_start3A_355] : memref<10000x144xf32, #tpu.memory_space<vmem_shared>> -> memref<40x144xf32, #tpu.memory_space<vmem_shared>>
      tpu.enqueue_dma source(%dma_start3A_356 : memref<40x144xf32, #tpu.memory_space<vmem_shared>>) target(%arg20 : memref<40x144xf32, #tpu.memory_space<vmem>>) target_semaphore(%run_scoped3A : memref<!tpu.dma_semaphore, #tpu.memory_space<semaphore_mem>>)
      %dma_wait3A_357 = arith.constant 0 : i32
      %dma_wait3A_358 = tpu.memref_slice %arg9[%add3A_296, %dma_wait3A_357] : memref<10000x144xf32, #tpu.memory_space<vmem_shared>> -> memref<40x144xf32, #tpu.memory_space<vmem_shared>>
      %dma_wait3A_359 = arith.constant 0 : i32
      %dma_wait3A_360 = tpu.memref_slice %arg9[%add3A_296, %dma_wait3A_359] : memref<10000x144xf32, #tpu.memory_space<vmem_shared>> -> memref<40x144xf32, #tpu.memory_space<vmem_shared>>
      tpu.wait_dma2 semaphore(%run_scoped3A : memref<!tpu.dma_semaphore, #tpu.memory_space<semaphore_mem>>) src(%dma_wait3A_360 : memref<40x144xf32, #tpu.memory_space<vmem_shared>>) dst(%arg20 : memref<40x144xf32, #tpu.memory_space<vmem>>)
      tpu.yield
    }) : () -> ()
    "tpu.region"() ({
      %run_scoped3A = tpu.sem_alloc : memref<!tpu.dma_semaphore, #tpu.memory_space<semaphore_mem>>
      %dma_start3A_353 = arith.constant 0 : i32
      %dma_start3A_354 = tpu.memref_slice %arg7[%arg0, %add3A_296, %dma_start3A_353] : memref<2x10000x144xf32, #tpu.memory_space<hbm>> -> memref<1x40x144xf32, #tpu.memory_space<hbm>>
      %dma_start3A_355 = tpu.memref_squeeze %dma_start3A_354 : memref<1x40x144xf32, #tpu.memory_space<hbm>> -> memref<40x144xf32, #tpu.memory_space<hbm>>
      %dma_start3A_356 = arith.constant 0 : i32
      %dma_start3A_357 = tpu.memref_slice %arg7[%arg0, %add3A_296, %dma_start3A_356] : memref<2x10000x144xf32, #tpu.memory_space<hbm>> -> memref<1x40x144xf32, #tpu.memory_space<hbm>>
      %dma_start3A_358 = tpu.memref_squeeze %dma_start3A_357 : memref<1x40x144xf32, #tpu.memory_space<hbm>> -> memref<40x144xf32, #tpu.memory_space<hbm>>
      tpu.enqueue_dma source(%arg20 : memref<40x144xf32, #tpu.memory_space<vmem>>) target(%dma_start3A_358 : memref<40x144xf32, #tpu.memory_space<hbm>>) target_semaphore(%run_scoped3A : memref<!tpu.dma_semaphore, #tpu.memory_space<semaphore_mem>>)
      %dma_wait3A_359 = arith.constant 0 : i32
      %dma_wait3A_360 = tpu.memref_slice %arg7[%arg0, %add3A_296, %dma_wait3A_359] : memref<2x10000x144xf32, #tpu.memory_space<hbm>> -> memref<1x40x144xf32, #tpu.memory_space<hbm>>
      %dma_wait3A_361 = tpu.memref_squeeze %dma_wait3A_360 : memref<1x40x144xf32, #tpu.memory_space<hbm>> -> memref<40x144xf32, #tpu.memory_space<hbm>>
      %dma_wait3A_362 = arith.constant 0 : i32
      %dma_wait3A_363 = tpu.memref_slice %arg7[%arg0, %add3A_296, %dma_wait3A_362] : memref<2x10000x144xf32, #tpu.memory_space<hbm>> -> memref<1x40x144xf32, #tpu.memory_space<hbm>>
      %dma_wait3A_364 = tpu.memref_squeeze %dma_wait3A_363 : memref<1x40x144xf32, #tpu.memory_space<hbm>> -> memref<40x144xf32, #tpu.memory_space<hbm>>
      tpu.wait_dma2 semaphore(%run_scoped3A : memref<!tpu.dma_semaphore, #tpu.memory_space<semaphore_mem>>) src(%arg20 : memref<40x144xf32, #tpu.memory_space<vmem>>) dst(%dma_wait3A_364 : memref<40x144xf32, #tpu.memory_space<hbm>>)
      tpu.yield
    }) : () -> ()
    %mul3A_297 = arith.constant 625 : i32
    %mul3A_298 = arith.muli %arg1, %mul3A_297 : i32
    %add3A_299 = arith.constant 80 : i32
    %add3A_300 = arith.addi %mul3A_298, %add3A_299 : i32
    "tpu.region"() ({
      %run_scoped3A = tpu.sem_alloc : memref<!tpu.dma_semaphore, #tpu.memory_space<semaphore_mem>>
      %dma_start3A_353 = arith.constant 0 : i32
      %dma_start3A_354 = tpu.memref_slice %arg9[%add3A_300, %dma_start3A_353] : memref<10000x144xf32, #tpu.memory_space<vmem_shared>> -> memref<40x144xf32, #tpu.memory_space<vmem_shared>>
      %dma_start3A_355 = arith.constant 0 : i32
      %dma_start3A_356 = tpu.memref_slice %arg9[%add3A_300, %dma_start3A_355] : memref<10000x144xf32, #tpu.memory_space<vmem_shared>> -> memref<40x144xf32, #tpu.memory_space<vmem_shared>>
      tpu.enqueue_dma source(%dma_start3A_356 : memref<40x144xf32, #tpu.memory_space<vmem_shared>>) target(%arg20 : memref<40x144xf32, #tpu.memory_space<vmem>>) target_semaphore(%run_scoped3A : memref<!tpu.dma_semaphore, #tpu.memory_space<semaphore_mem>>)
      %dma_wait3A_357 = arith.constant 0 : i32
      %dma_wait3A_358 = tpu.memref_slice %arg9[%add3A_300, %dma_wait3A_357] : memref<10000x144xf32, #tpu.memory_space<vmem_shared>> -> memref<40x144xf32, #tpu.memory_space<vmem_shared>>
      %dma_wait3A_359 = arith.constant 0 : i32
      %dma_wait3A_360 = tpu.memref_slice %arg9[%add3A_300, %dma_wait3A_359] : memref<10000x144xf32, #tpu.memory_space<vmem_shared>> -> memref<40x144xf32, #tpu.memory_space<vmem_shared>>
      tpu.wait_dma2 semaphore(%run_scoped3A : memref<!tpu.dma_semaphore, #tpu.memory_space<semaphore_mem>>) src(%dma_wait3A_360 : memref<40x144xf32, #tpu.memory_space<vmem_shared>>) dst(%arg20 : memref<40x144xf32, #tpu.memory_space<vmem>>)
      tpu.yield
    }) : () -> ()
    "tpu.region"() ({
      %run_scoped3A = tpu.sem_alloc : memref<!tpu.dma_semaphore, #tpu.memory_space<semaphore_mem>>
      %dma_start3A_353 = arith.constant 0 : i32
      %dma_start3A_354 = tpu.memref_slice %arg7[%arg0, %add3A_300, %dma_start3A_353] : memref<2x10000x144xf32, #tpu.memory_space<hbm>> -> memref<1x40x144xf32, #tpu.memory_space<hbm>>
      %dma_start3A_355 = tpu.memref_squeeze %dma_start3A_354 : memref<1x40x144xf32, #tpu.memory_space<hbm>> -> memref<40x144xf32, #tpu.memory_space<hbm>>
      %dma_start3A_356 = arith.constant 0 : i32
      %dma_start3A_357 = tpu.memref_slice %arg7[%arg0, %add3A_300, %dma_start3A_356] : memref<2x10000x144xf32, #tpu.memory_space<hbm>> -> memref<1x40x144xf32, #tpu.memory_space<hbm>>
      %dma_start3A_358 = tpu.memref_squeeze %dma_start3A_357 : memref<1x40x144xf32, #tpu.memory_space<hbm>> -> memref<40x144xf32, #tpu.memory_space<hbm>>
      tpu.enqueue_dma source(%arg20 : memref<40x144xf32, #tpu.memory_space<vmem>>) target(%dma_start3A_358 : memref<40x144xf32, #tpu.memory_space<hbm>>) target_semaphore(%run_scoped3A : memref<!tpu.dma_semaphore, #tpu.memory_space<semaphore_mem>>)
      %dma_wait3A_359 = arith.constant 0 : i32
      %dma_wait3A_360 = tpu.memref_slice %arg7[%arg0, %add3A_300, %dma_wait3A_359] : memref<2x10000x144xf32, #tpu.memory_space<hbm>> -> memref<1x40x144xf32, #tpu.memory_space<hbm>>
      %dma_wait3A_361 = tpu.memref_squeeze %dma_wait3A_360 : memref<1x40x144xf32, #tpu.memory_space<hbm>> -> memref<40x144xf32, #tpu.memory_space<hbm>>
      %dma_wait3A_362 = arith.constant 0 : i32
      %dma_wait3A_363 = tpu.memref_slice %arg7[%arg0, %add3A_300, %dma_wait3A_362] : memref<2x10000x144xf32, #tpu.memory_space<hbm>> -> memref<1x40x144xf32, #tpu.memory_space<hbm>>
      %dma_wait3A_364 = tpu.memref_squeeze %dma_wait3A_363 : memref<1x40x144xf32, #tpu.memory_space<hbm>> -> memref<40x144xf32, #tpu.memory_space<hbm>>
      tpu.wait_dma2 semaphore(%run_scoped3A : memref<!tpu.dma_semaphore, #tpu.memory_space<semaphore_mem>>) src(%arg20 : memref<40x144xf32, #tpu.memory_space<vmem>>) dst(%dma_wait3A_364 : memref<40x144xf32, #tpu.memory_space<hbm>>)
      tpu.yield
    }) : () -> ()
    %mul3A_301 = arith.constant 625 : i32
    %mul3A_302 = arith.muli %arg1, %mul3A_301 : i32
    %add3A_303 = arith.constant 120 : i32
    %add3A_304 = arith.addi %mul3A_302, %add3A_303 : i32
    "tpu.region"() ({
      %run_scoped3A = tpu.sem_alloc : memref<!tpu.dma_semaphore, #tpu.memory_space<semaphore_mem>>
      %dma_start3A_353 = arith.constant 0 : i32
      %dma_start3A_354 = tpu.memref_slice %arg9[%add3A_304, %dma_start3A_353] : memref<10000x144xf32, #tpu.memory_space<vmem_shared>> -> memref<40x144xf32, #tpu.memory_space<vmem_shared>>
      %dma_start3A_355 = arith.constant 0 : i32
      %dma_start3A_356 = tpu.memref_slice %arg9[%add3A_304, %dma_start3A_355] : memref<10000x144xf32, #tpu.memory_space<vmem_shared>> -> memref<40x144xf32, #tpu.memory_space<vmem_shared>>
      tpu.enqueue_dma source(%dma_start3A_356 : memref<40x144xf32, #tpu.memory_space<vmem_shared>>) target(%arg20 : memref<40x144xf32, #tpu.memory_space<vmem>>) target_semaphore(%run_scoped3A : memref<!tpu.dma_semaphore, #tpu.memory_space<semaphore_mem>>)
      %dma_wait3A_357 = arith.constant 0 : i32
      %dma_wait3A_358 = tpu.memref_slice %arg9[%add3A_304, %dma_wait3A_357] : memref<10000x144xf32, #tpu.memory_space<vmem_shared>> -> memref<40x144xf32, #tpu.memory_space<vmem_shared>>
      %dma_wait3A_359 = arith.constant 0 : i32
      %dma_wait3A_360 = tpu.memref_slice %arg9[%add3A_304, %dma_wait3A_359] : memref<10000x144xf32, #tpu.memory_space<vmem_shared>> -> memref<40x144xf32, #tpu.memory_space<vmem_shared>>
      tpu.wait_dma2 semaphore(%run_scoped3A : memref<!tpu.dma_semaphore, #tpu.memory_space<semaphore_mem>>) src(%dma_wait3A_360 : memref<40x144xf32, #tpu.memory_space<vmem_shared>>) dst(%arg20 : memref<40x144xf32, #tpu.memory_space<vmem>>)
      tpu.yield
    }) : () -> ()
    "tpu.region"() ({
      %run_scoped3A = tpu.sem_alloc : memref<!tpu.dma_semaphore, #tpu.memory_space<semaphore_mem>>
      %dma_start3A_353 = arith.constant 0 : i32
      %dma_start3A_354 = tpu.memref_slice %arg7[%arg0, %add3A_304, %dma_start3A_353] : memref<2x10000x144xf32, #tpu.memory_space<hbm>> -> memref<1x40x144xf32, #tpu.memory_space<hbm>>
      %dma_start3A_355 = tpu.memref_squeeze %dma_start3A_354 : memref<1x40x144xf32, #tpu.memory_space<hbm>> -> memref<40x144xf32, #tpu.memory_space<hbm>>
      %dma_start3A_356 = arith.constant 0 : i32
      %dma_start3A_357 = tpu.memref_slice %arg7[%arg0, %add3A_304, %dma_start3A_356] : memref<2x10000x144xf32, #tpu.memory_space<hbm>> -> memref<1x40x144xf32, #tpu.memory_space<hbm>>
      %dma_start3A_358 = tpu.memref_squeeze %dma_start3A_357 : memref<1x40x144xf32, #tpu.memory_space<hbm>> -> memref<40x144xf32, #tpu.memory_space<hbm>>
      tpu.enqueue_dma source(%arg20 : memref<40x144xf32, #tpu.memory_space<vmem>>) target(%dma_start3A_358 : memref<40x144xf32, #tpu.memory_space<hbm>>) target_semaphore(%run_scoped3A : memref<!tpu.dma_semaphore, #tpu.memory_space<semaphore_mem>>)
      %dma_wait3A_359 = arith.constant 0 : i32
      %dma_wait3A_360 = tpu.memref_slice %arg7[%arg0, %add3A_304, %dma_wait3A_359] : memref<2x10000x144xf32, #tpu.memory_space<hbm>> -> memref<1x40x144xf32, #tpu.memory_space<hbm>>
      %dma_wait3A_361 = tpu.memref_squeeze %dma_wait3A_360 : memref<1x40x144xf32, #tpu.memory_space<hbm>> -> memref<40x144xf32, #tpu.memory_space<hbm>>
      %dma_wait3A_362 = arith.constant 0 : i32
      %dma_wait3A_363 = tpu.memref_slice %arg7[%arg0, %add3A_304, %dma_wait3A_362] : memref<2x10000x144xf32, #tpu.memory_space<hbm>> -> memref<1x40x144xf32, #tpu.memory_space<hbm>>
      %dma_wait3A_364 = tpu.memref_squeeze %dma_wait3A_363 : memref<1x40x144xf32, #tpu.memory_space<hbm>> -> memref<40x144xf32, #tpu.memory_space<hbm>>
      tpu.wait_dma2 semaphore(%run_scoped3A : memref<!tpu.dma_semaphore, #tpu.memory_space<semaphore_mem>>) src(%arg20 : memref<40x144xf32, #tpu.memory_space<vmem>>) dst(%dma_wait3A_364 : memref<40x144xf32, #tpu.memory_space<hbm>>)
      tpu.yield
    }) : () -> ()
    %mul3A_305 = arith.constant 625 : i32
    %mul3A_306 = arith.muli %arg1, %mul3A_305 : i32
    %add3A_307 = arith.constant 160 : i32
    %add3A_308 = arith.addi %mul3A_306, %add3A_307 : i32
    "tpu.region"() ({
      %run_scoped3A = tpu.sem_alloc : memref<!tpu.dma_semaphore, #tpu.memory_space<semaphore_mem>>
      %dma_start3A_353 = arith.constant 0 : i32
      %dma_start3A_354 = tpu.memref_slice %arg9[%add3A_308, %dma_start3A_353] : memref<10000x144xf32, #tpu.memory_space<vmem_shared>> -> memref<40x144xf32, #tpu.memory_space<vmem_shared>>
      %dma_start3A_355 = arith.constant 0 : i32
      %dma_start3A_356 = tpu.memref_slice %arg9[%add3A_308, %dma_start3A_355] : memref<10000x144xf32, #tpu.memory_space<vmem_shared>> -> memref<40x144xf32, #tpu.memory_space<vmem_shared>>
      tpu.enqueue_dma source(%dma_start3A_356 : memref<40x144xf32, #tpu.memory_space<vmem_shared>>) target(%arg20 : memref<40x144xf32, #tpu.memory_space<vmem>>) target_semaphore(%run_scoped3A : memref<!tpu.dma_semaphore, #tpu.memory_space<semaphore_mem>>)
      %dma_wait3A_357 = arith.constant 0 : i32
      %dma_wait3A_358 = tpu.memref_slice %arg9[%add3A_308, %dma_wait3A_357] : memref<10000x144xf32, #tpu.memory_space<vmem_shared>> -> memref<40x144xf32, #tpu.memory_space<vmem_shared>>
      %dma_wait3A_359 = arith.constant 0 : i32
      %dma_wait3A_360 = tpu.memref_slice %arg9[%add3A_308, %dma_wait3A_359] : memref<10000x144xf32, #tpu.memory_space<vmem_shared>> -> memref<40x144xf32, #tpu.memory_space<vmem_shared>>
      tpu.wait_dma2 semaphore(%run_scoped3A : memref<!tpu.dma_semaphore, #tpu.memory_space<semaphore_mem>>) src(%dma_wait3A_360 : memref<40x144xf32, #tpu.memory_space<vmem_shared>>) dst(%arg20 : memref<40x144xf32, #tpu.memory_space<vmem>>)
      tpu.yield
    }) : () -> ()
    "tpu.region"() ({
      %run_scoped3A = tpu.sem_alloc : memref<!tpu.dma_semaphore, #tpu.memory_space<semaphore_mem>>
      %dma_start3A_353 = arith.constant 0 : i32
      %dma_start3A_354 = tpu.memref_slice %arg7[%arg0, %add3A_308, %dma_start3A_353] : memref<2x10000x144xf32, #tpu.memory_space<hbm>> -> memref<1x40x144xf32, #tpu.memory_space<hbm>>
      %dma_start3A_355 = tpu.memref_squeeze %dma_start3A_354 : memref<1x40x144xf32, #tpu.memory_space<hbm>> -> memref<40x144xf32, #tpu.memory_space<hbm>>
      %dma_start3A_356 = arith.constant 0 : i32
      %dma_start3A_357 = tpu.memref_slice %arg7[%arg0, %add3A_308, %dma_start3A_356] : memref<2x10000x144xf32, #tpu.memory_space<hbm>> -> memref<1x40x144xf32, #tpu.memory_space<hbm>>
      %dma_start3A_358 = tpu.memref_squeeze %dma_start3A_357 : memref<1x40x144xf32, #tpu.memory_space<hbm>> -> memref<40x144xf32, #tpu.memory_space<hbm>>
      tpu.enqueue_dma source(%arg20 : memref<40x144xf32, #tpu.memory_space<vmem>>) target(%dma_start3A_358 : memref<40x144xf32, #tpu.memory_space<hbm>>) target_semaphore(%run_scoped3A : memref<!tpu.dma_semaphore, #tpu.memory_space<semaphore_mem>>)
      %dma_wait3A_359 = arith.constant 0 : i32
      %dma_wait3A_360 = tpu.memref_slice %arg7[%arg0, %add3A_308, %dma_wait3A_359] : memref<2x10000x144xf32, #tpu.memory_space<hbm>> -> memref<1x40x144xf32, #tpu.memory_space<hbm>>
      %dma_wait3A_361 = tpu.memref_squeeze %dma_wait3A_360 : memref<1x40x144xf32, #tpu.memory_space<hbm>> -> memref<40x144xf32, #tpu.memory_space<hbm>>
      %dma_wait3A_362 = arith.constant 0 : i32
      %dma_wait3A_363 = tpu.memref_slice %arg7[%arg0, %add3A_308, %dma_wait3A_362] : memref<2x10000x144xf32, #tpu.memory_space<hbm>> -> memref<1x40x144xf32, #tpu.memory_space<hbm>>
      %dma_wait3A_364 = tpu.memref_squeeze %dma_wait3A_363 : memref<1x40x144xf32, #tpu.memory_space<hbm>> -> memref<40x144xf32, #tpu.memory_space<hbm>>
      tpu.wait_dma2 semaphore(%run_scoped3A : memref<!tpu.dma_semaphore, #tpu.memory_space<semaphore_mem>>) src(%arg20 : memref<40x144xf32, #tpu.memory_space<vmem>>) dst(%dma_wait3A_364 : memref<40x144xf32, #tpu.memory_space<hbm>>)
      tpu.yield
    }) : () -> ()
    %mul3A_309 = arith.constant 625 : i32
    %mul3A_310 = arith.muli %arg1, %mul3A_309 : i32
    %add3A_311 = arith.constant 200 : i32
    %add3A_312 = arith.addi %mul3A_310, %add3A_311 : i32
    "tpu.region"() ({
      %run_scoped3A = tpu.sem_alloc : memref<!tpu.dma_semaphore, #tpu.memory_space<semaphore_mem>>
      %dma_start3A_353 = arith.constant 0 : i32
      %dma_start3A_354 = tpu.memref_slice %arg9[%add3A_312, %dma_start3A_353] : memref<10000x144xf32, #tpu.memory_space<vmem_shared>> -> memref<40x144xf32, #tpu.memory_space<vmem_shared>>
      %dma_start3A_355 = arith.constant 0 : i32
      %dma_start3A_356 = tpu.memref_slice %arg9[%add3A_312, %dma_start3A_355] : memref<10000x144xf32, #tpu.memory_space<vmem_shared>> -> memref<40x144xf32, #tpu.memory_space<vmem_shared>>
      tpu.enqueue_dma source(%dma_start3A_356 : memref<40x144xf32, #tpu.memory_space<vmem_shared>>) target(%arg20 : memref<40x144xf32, #tpu.memory_space<vmem>>) target_semaphore(%run_scoped3A : memref<!tpu.dma_semaphore, #tpu.memory_space<semaphore_mem>>)
      %dma_wait3A_357 = arith.constant 0 : i32
      %dma_wait3A_358 = tpu.memref_slice %arg9[%add3A_312, %dma_wait3A_357] : memref<10000x144xf32, #tpu.memory_space<vmem_shared>> -> memref<40x144xf32, #tpu.memory_space<vmem_shared>>
      %dma_wait3A_359 = arith.constant 0 : i32
      %dma_wait3A_360 = tpu.memref_slice %arg9[%add3A_312, %dma_wait3A_359] : memref<10000x144xf32, #tpu.memory_space<vmem_shared>> -> memref<40x144xf32, #tpu.memory_space<vmem_shared>>
      tpu.wait_dma2 semaphore(%run_scoped3A : memref<!tpu.dma_semaphore, #tpu.memory_space<semaphore_mem>>) src(%dma_wait3A_360 : memref<40x144xf32, #tpu.memory_space<vmem_shared>>) dst(%arg20 : memref<40x144xf32, #tpu.memory_space<vmem>>)
      tpu.yield
    }) : () -> ()
    "tpu.region"() ({
      %run_scoped3A = tpu.sem_alloc : memref<!tpu.dma_semaphore, #tpu.memory_space<semaphore_mem>>
      %dma_start3A_353 = arith.constant 0 : i32
      %dma_start3A_354 = tpu.memref_slice %arg7[%arg0, %add3A_312, %dma_start3A_353] : memref<2x10000x144xf32, #tpu.memory_space<hbm>> -> memref<1x40x144xf32, #tpu.memory_space<hbm>>
      %dma_start3A_355 = tpu.memref_squeeze %dma_start3A_354 : memref<1x40x144xf32, #tpu.memory_space<hbm>> -> memref<40x144xf32, #tpu.memory_space<hbm>>
      %dma_start3A_356 = arith.constant 0 : i32
      %dma_start3A_357 = tpu.memref_slice %arg7[%arg0, %add3A_312, %dma_start3A_356] : memref<2x10000x144xf32, #tpu.memory_space<hbm>> -> memref<1x40x144xf32, #tpu.memory_space<hbm>>
      %dma_start3A_358 = tpu.memref_squeeze %dma_start3A_357 : memref<1x40x144xf32, #tpu.memory_space<hbm>> -> memref<40x144xf32, #tpu.memory_space<hbm>>
      tpu.enqueue_dma source(%arg20 : memref<40x144xf32, #tpu.memory_space<vmem>>) target(%dma_start3A_358 : memref<40x144xf32, #tpu.memory_space<hbm>>) target_semaphore(%run_scoped3A : memref<!tpu.dma_semaphore, #tpu.memory_space<semaphore_mem>>)
      %dma_wait3A_359 = arith.constant 0 : i32
      %dma_wait3A_360 = tpu.memref_slice %arg7[%arg0, %add3A_312, %dma_wait3A_359] : memref<2x10000x144xf32, #tpu.memory_space<hbm>> -> memref<1x40x144xf32, #tpu.memory_space<hbm>>
      %dma_wait3A_361 = tpu.memref_squeeze %dma_wait3A_360 : memref<1x40x144xf32, #tpu.memory_space<hbm>> -> memref<40x144xf32, #tpu.memory_space<hbm>>
      %dma_wait3A_362 = arith.constant 0 : i32
      %dma_wait3A_363 = tpu.memref_slice %arg7[%arg0, %add3A_312, %dma_wait3A_362] : memref<2x10000x144xf32, #tpu.memory_space<hbm>> -> memref<1x40x144xf32, #tpu.memory_space<hbm>>
      %dma_wait3A_364 = tpu.memref_squeeze %dma_wait3A_363 : memref<1x40x144xf32, #tpu.memory_space<hbm>> -> memref<40x144xf32, #tpu.memory_space<hbm>>
      tpu.wait_dma2 semaphore(%run_scoped3A : memref<!tpu.dma_semaphore, #tpu.memory_space<semaphore_mem>>) src(%arg20 : memref<40x144xf32, #tpu.memory_space<vmem>>) dst(%dma_wait3A_364 : memref<40x144xf32, #tpu.memory_space<hbm>>)
      tpu.yield
    }) : () -> ()
    %mul3A_313 = arith.constant 625 : i32
    %mul3A_314 = arith.muli %arg1, %mul3A_313 : i32
    %add3A_315 = arith.constant 240 : i32
    %add3A_316 = arith.addi %mul3A_314, %add3A_315 : i32
    "tpu.region"() ({
      %run_scoped3A = tpu.sem_alloc : memref<!tpu.dma_semaphore, #tpu.memory_space<semaphore_mem>>
      %dma_start3A_353 = arith.constant 0 : i32
      %dma_start3A_354 = tpu.memref_slice %arg9[%add3A_316, %dma_start3A_353] : memref<10000x144xf32, #tpu.memory_space<vmem_shared>> -> memref<40x144xf32, #tpu.memory_space<vmem_shared>>
      %dma_start3A_355 = arith.constant 0 : i32
      %dma_start3A_356 = tpu.memref_slice %arg9[%add3A_316, %dma_start3A_355] : memref<10000x144xf32, #tpu.memory_space<vmem_shared>> -> memref<40x144xf32, #tpu.memory_space<vmem_shared>>
      tpu.enqueue_dma source(%dma_start3A_356 : memref<40x144xf32, #tpu.memory_space<vmem_shared>>) target(%arg20 : memref<40x144xf32, #tpu.memory_space<vmem>>) target_semaphore(%run_scoped3A : memref<!tpu.dma_semaphore, #tpu.memory_space<semaphore_mem>>)
      %dma_wait3A_357 = arith.constant 0 : i32
      %dma_wait3A_358 = tpu.memref_slice %arg9[%add3A_316, %dma_wait3A_357] : memref<10000x144xf32, #tpu.memory_space<vmem_shared>> -> memref<40x144xf32, #tpu.memory_space<vmem_shared>>
      %dma_wait3A_359 = arith.constant 0 : i32
      %dma_wait3A_360 = tpu.memref_slice %arg9[%add3A_316, %dma_wait3A_359] : memref<10000x144xf32, #tpu.memory_space<vmem_shared>> -> memref<40x144xf32, #tpu.memory_space<vmem_shared>>
      tpu.wait_dma2 semaphore(%run_scoped3A : memref<!tpu.dma_semaphore, #tpu.memory_space<semaphore_mem>>) src(%dma_wait3A_360 : memref<40x144xf32, #tpu.memory_space<vmem_shared>>) dst(%arg20 : memref<40x144xf32, #tpu.memory_space<vmem>>)
      tpu.yield
    }) : () -> ()
    "tpu.region"() ({
      %run_scoped3A = tpu.sem_alloc : memref<!tpu.dma_semaphore, #tpu.memory_space<semaphore_mem>>
      %dma_start3A_353 = arith.constant 0 : i32
      %dma_start3A_354 = tpu.memref_slice %arg7[%arg0, %add3A_316, %dma_start3A_353] : memref<2x10000x144xf32, #tpu.memory_space<hbm>> -> memref<1x40x144xf32, #tpu.memory_space<hbm>>
      %dma_start3A_355 = tpu.memref_squeeze %dma_start3A_354 : memref<1x40x144xf32, #tpu.memory_space<hbm>> -> memref<40x144xf32, #tpu.memory_space<hbm>>
      %dma_start3A_356 = arith.constant 0 : i32
      %dma_start3A_357 = tpu.memref_slice %arg7[%arg0, %add3A_316, %dma_start3A_356] : memref<2x10000x144xf32, #tpu.memory_space<hbm>> -> memref<1x40x144xf32, #tpu.memory_space<hbm>>
      %dma_start3A_358 = tpu.memref_squeeze %dma_start3A_357 : memref<1x40x144xf32, #tpu.memory_space<hbm>> -> memref<40x144xf32, #tpu.memory_space<hbm>>
      tpu.enqueue_dma source(%arg20 : memref<40x144xf32, #tpu.memory_space<vmem>>) target(%dma_start3A_358 : memref<40x144xf32, #tpu.memory_space<hbm>>) target_semaphore(%run_scoped3A : memref<!tpu.dma_semaphore, #tpu.memory_space<semaphore_mem>>)
      %dma_wait3A_359 = arith.constant 0 : i32
      %dma_wait3A_360 = tpu.memref_slice %arg7[%arg0, %add3A_316, %dma_wait3A_359] : memref<2x10000x144xf32, #tpu.memory_space<hbm>> -> memref<1x40x144xf32, #tpu.memory_space<hbm>>
      %dma_wait3A_361 = tpu.memref_squeeze %dma_wait3A_360 : memref<1x40x144xf32, #tpu.memory_space<hbm>> -> memref<40x144xf32, #tpu.memory_space<hbm>>
      %dma_wait3A_362 = arith.constant 0 : i32
      %dma_wait3A_363 = tpu.memref_slice %arg7[%arg0, %add3A_316, %dma_wait3A_362] : memref<2x10000x144xf32, #tpu.memory_space<hbm>> -> memref<1x40x144xf32, #tpu.memory_space<hbm>>
      %dma_wait3A_364 = tpu.memref_squeeze %dma_wait3A_363 : memref<1x40x144xf32, #tpu.memory_space<hbm>> -> memref<40x144xf32, #tpu.memory_space<hbm>>
      tpu.wait_dma2 semaphore(%run_scoped3A : memref<!tpu.dma_semaphore, #tpu.memory_space<semaphore_mem>>) src(%arg20 : memref<40x144xf32, #tpu.memory_space<vmem>>) dst(%dma_wait3A_364 : memref<40x144xf32, #tpu.memory_space<hbm>>)
      tpu.yield
    }) : () -> ()
    %mul3A_317 = arith.constant 625 : i32
    %mul3A_318 = arith.muli %arg1, %mul3A_317 : i32
    %add3A_319 = arith.constant 280 : i32
    %add3A_320 = arith.addi %mul3A_318, %add3A_319 : i32
    "tpu.region"() ({
      %run_scoped3A = tpu.sem_alloc : memref<!tpu.dma_semaphore, #tpu.memory_space<semaphore_mem>>
      %dma_start3A_353 = arith.constant 0 : i32
      %dma_start3A_354 = tpu.memref_slice %arg9[%add3A_320, %dma_start3A_353] : memref<10000x144xf32, #tpu.memory_space<vmem_shared>> -> memref<40x144xf32, #tpu.memory_space<vmem_shared>>
      %dma_start3A_355 = arith.constant 0 : i32
      %dma_start3A_356 = tpu.memref_slice %arg9[%add3A_320, %dma_start3A_355] : memref<10000x144xf32, #tpu.memory_space<vmem_shared>> -> memref<40x144xf32, #tpu.memory_space<vmem_shared>>
      tpu.enqueue_dma source(%dma_start3A_356 : memref<40x144xf32, #tpu.memory_space<vmem_shared>>) target(%arg20 : memref<40x144xf32, #tpu.memory_space<vmem>>) target_semaphore(%run_scoped3A : memref<!tpu.dma_semaphore, #tpu.memory_space<semaphore_mem>>)
      %dma_wait3A_357 = arith.constant 0 : i32
      %dma_wait3A_358 = tpu.memref_slice %arg9[%add3A_320, %dma_wait3A_357] : memref<10000x144xf32, #tpu.memory_space<vmem_shared>> -> memref<40x144xf32, #tpu.memory_space<vmem_shared>>
      %dma_wait3A_359 = arith.constant 0 : i32
      %dma_wait3A_360 = tpu.memref_slice %arg9[%add3A_320, %dma_wait3A_359] : memref<10000x144xf32, #tpu.memory_space<vmem_shared>> -> memref<40x144xf32, #tpu.memory_space<vmem_shared>>
      tpu.wait_dma2 semaphore(%run_scoped3A : memref<!tpu.dma_semaphore, #tpu.memory_space<semaphore_mem>>) src(%dma_wait3A_360 : memref<40x144xf32, #tpu.memory_space<vmem_shared>>) dst(%arg20 : memref<40x144xf32, #tpu.memory_space<vmem>>)
      tpu.yield
    }) : () -> ()
    "tpu.region"() ({
      %run_scoped3A = tpu.sem_alloc : memref<!tpu.dma_semaphore, #tpu.memory_space<semaphore_mem>>
      %dma_start3A_353 = arith.constant 0 : i32
      %dma_start3A_354 = tpu.memref_slice %arg7[%arg0, %add3A_320, %dma_start3A_353] : memref<2x10000x144xf32, #tpu.memory_space<hbm>> -> memref<1x40x144xf32, #tpu.memory_space<hbm>>
      %dma_start3A_355 = tpu.memref_squeeze %dma_start3A_354 : memref<1x40x144xf32, #tpu.memory_space<hbm>> -> memref<40x144xf32, #tpu.memory_space<hbm>>
      %dma_start3A_356 = arith.constant 0 : i32
      %dma_start3A_357 = tpu.memref_slice %arg7[%arg0, %add3A_320, %dma_start3A_356] : memref<2x10000x144xf32, #tpu.memory_space<hbm>> -> memref<1x40x144xf32, #tpu.memory_space<hbm>>
      %dma_start3A_358 = tpu.memref_squeeze %dma_start3A_357 : memref<1x40x144xf32, #tpu.memory_space<hbm>> -> memref<40x144xf32, #tpu.memory_space<hbm>>
      tpu.enqueue_dma source(%arg20 : memref<40x144xf32, #tpu.memory_space<vmem>>) target(%dma_start3A_358 : memref<40x144xf32, #tpu.memory_space<hbm>>) target_semaphore(%run_scoped3A : memref<!tpu.dma_semaphore, #tpu.memory_space<semaphore_mem>>)
      %dma_wait3A_359 = arith.constant 0 : i32
      %dma_wait3A_360 = tpu.memref_slice %arg7[%arg0, %add3A_320, %dma_wait3A_359] : memref<2x10000x144xf32, #tpu.memory_space<hbm>> -> memref<1x40x144xf32, #tpu.memory_space<hbm>>
      %dma_wait3A_361 = tpu.memref_squeeze %dma_wait3A_360 : memref<1x40x144xf32, #tpu.memory_space<hbm>> -> memref<40x144xf32, #tpu.memory_space<hbm>>
      %dma_wait3A_362 = arith.constant 0 : i32
      %dma_wait3A_363 = tpu.memref_slice %arg7[%arg0, %add3A_320, %dma_wait3A_362] : memref<2x10000x144xf32, #tpu.memory_space<hbm>> -> memref<1x40x144xf32, #tpu.memory_space<hbm>>
      %dma_wait3A_364 = tpu.memref_squeeze %dma_wait3A_363 : memref<1x40x144xf32, #tpu.memory_space<hbm>> -> memref<40x144xf32, #tpu.memory_space<hbm>>
      tpu.wait_dma2 semaphore(%run_scoped3A : memref<!tpu.dma_semaphore, #tpu.memory_space<semaphore_mem>>) src(%arg20 : memref<40x144xf32, #tpu.memory_space<vmem>>) dst(%dma_wait3A_364 : memref<40x144xf32, #tpu.memory_space<hbm>>)
      tpu.yield
    }) : () -> ()
    %mul3A_321 = arith.constant 625 : i32
    %mul3A_322 = arith.muli %arg1, %mul3A_321 : i32
    %add3A_323 = arith.constant 320 : i32
    %add3A_324 = arith.addi %mul3A_322, %add3A_323 : i32
    "tpu.region"() ({
      %run_scoped3A = tpu.sem_alloc : memref<!tpu.dma_semaphore, #tpu.memory_space<semaphore_mem>>
      %dma_start3A_353 = arith.constant 0 : i32
      %dma_start3A_354 = tpu.memref_slice %arg9[%add3A_324, %dma_start3A_353] : memref<10000x144xf32, #tpu.memory_space<vmem_shared>> -> memref<40x144xf32, #tpu.memory_space<vmem_shared>>
      %dma_start3A_355 = arith.constant 0 : i32
      %dma_start3A_356 = tpu.memref_slice %arg9[%add3A_324, %dma_start3A_355] : memref<10000x144xf32, #tpu.memory_space<vmem_shared>> -> memref<40x144xf32, #tpu.memory_space<vmem_shared>>
      tpu.enqueue_dma source(%dma_start3A_356 : memref<40x144xf32, #tpu.memory_space<vmem_shared>>) target(%arg20 : memref<40x144xf32, #tpu.memory_space<vmem>>) target_semaphore(%run_scoped3A : memref<!tpu.dma_semaphore, #tpu.memory_space<semaphore_mem>>)
      %dma_wait3A_357 = arith.constant 0 : i32
      %dma_wait3A_358 = tpu.memref_slice %arg9[%add3A_324, %dma_wait3A_357] : memref<10000x144xf32, #tpu.memory_space<vmem_shared>> -> memref<40x144xf32, #tpu.memory_space<vmem_shared>>
      %dma_wait3A_359 = arith.constant 0 : i32
      %dma_wait3A_360 = tpu.memref_slice %arg9[%add3A_324, %dma_wait3A_359] : memref<10000x144xf32, #tpu.memory_space<vmem_shared>> -> memref<40x144xf32, #tpu.memory_space<vmem_shared>>
      tpu.wait_dma2 semaphore(%run_scoped3A : memref<!tpu.dma_semaphore, #tpu.memory_space<semaphore_mem>>) src(%dma_wait3A_360 : memref<40x144xf32, #tpu.memory_space<vmem_shared>>) dst(%arg20 : memref<40x144xf32, #tpu.memory_space<vmem>>)
      tpu.yield
    }) : () -> ()
    "tpu.region"() ({
      %run_scoped3A = tpu.sem_alloc : memref<!tpu.dma_semaphore, #tpu.memory_space<semaphore_mem>>
      %dma_start3A_353 = arith.constant 0 : i32
      %dma_start3A_354 = tpu.memref_slice %arg7[%arg0, %add3A_324, %dma_start3A_353] : memref<2x10000x144xf32, #tpu.memory_space<hbm>> -> memref<1x40x144xf32, #tpu.memory_space<hbm>>
      %dma_start3A_355 = tpu.memref_squeeze %dma_start3A_354 : memref<1x40x144xf32, #tpu.memory_space<hbm>> -> memref<40x144xf32, #tpu.memory_space<hbm>>
      %dma_start3A_356 = arith.constant 0 : i32
      %dma_start3A_357 = tpu.memref_slice %arg7[%arg0, %add3A_324, %dma_start3A_356] : memref<2x10000x144xf32, #tpu.memory_space<hbm>> -> memref<1x40x144xf32, #tpu.memory_space<hbm>>
      %dma_start3A_358 = tpu.memref_squeeze %dma_start3A_357 : memref<1x40x144xf32, #tpu.memory_space<hbm>> -> memref<40x144xf32, #tpu.memory_space<hbm>>
      tpu.enqueue_dma source(%arg20 : memref<40x144xf32, #tpu.memory_space<vmem>>) target(%dma_start3A_358 : memref<40x144xf32, #tpu.memory_space<hbm>>) target_semaphore(%run_scoped3A : memref<!tpu.dma_semaphore, #tpu.memory_space<semaphore_mem>>)
      %dma_wait3A_359 = arith.constant 0 : i32
      %dma_wait3A_360 = tpu.memref_slice %arg7[%arg0, %add3A_324, %dma_wait3A_359] : memref<2x10000x144xf32, #tpu.memory_space<hbm>> -> memref<1x40x144xf32, #tpu.memory_space<hbm>>
      %dma_wait3A_361 = tpu.memref_squeeze %dma_wait3A_360 : memref<1x40x144xf32, #tpu.memory_space<hbm>> -> memref<40x144xf32, #tpu.memory_space<hbm>>
      %dma_wait3A_362 = arith.constant 0 : i32
      %dma_wait3A_363 = tpu.memref_slice %arg7[%arg0, %add3A_324, %dma_wait3A_362] : memref<2x10000x144xf32, #tpu.memory_space<hbm>> -> memref<1x40x144xf32, #tpu.memory_space<hbm>>
      %dma_wait3A_364 = tpu.memref_squeeze %dma_wait3A_363 : memref<1x40x144xf32, #tpu.memory_space<hbm>> -> memref<40x144xf32, #tpu.memory_space<hbm>>
      tpu.wait_dma2 semaphore(%run_scoped3A : memref<!tpu.dma_semaphore, #tpu.memory_space<semaphore_mem>>) src(%arg20 : memref<40x144xf32, #tpu.memory_space<vmem>>) dst(%dma_wait3A_364 : memref<40x144xf32, #tpu.memory_space<hbm>>)
      tpu.yield
    }) : () -> ()
    %mul3A_325 = arith.constant 625 : i32
    %mul3A_326 = arith.muli %arg1, %mul3A_325 : i32
    %add3A_327 = arith.constant 360 : i32
    %add3A_328 = arith.addi %mul3A_326, %add3A_327 : i32
    "tpu.region"() ({
      %run_scoped3A = tpu.sem_alloc : memref<!tpu.dma_semaphore, #tpu.memory_space<semaphore_mem>>
      %dma_start3A_353 = arith.constant 0 : i32
      %dma_start3A_354 = tpu.memref_slice %arg9[%add3A_328, %dma_start3A_353] : memref<10000x144xf32, #tpu.memory_space<vmem_shared>> -> memref<40x144xf32, #tpu.memory_space<vmem_shared>>
      %dma_start3A_355 = arith.constant 0 : i32
      %dma_start3A_356 = tpu.memref_slice %arg9[%add3A_328, %dma_start3A_355] : memref<10000x144xf32, #tpu.memory_space<vmem_shared>> -> memref<40x144xf32, #tpu.memory_space<vmem_shared>>
      tpu.enqueue_dma source(%dma_start3A_356 : memref<40x144xf32, #tpu.memory_space<vmem_shared>>) target(%arg20 : memref<40x144xf32, #tpu.memory_space<vmem>>) target_semaphore(%run_scoped3A : memref<!tpu.dma_semaphore, #tpu.memory_space<semaphore_mem>>)
      %dma_wait3A_357 = arith.constant 0 : i32
      %dma_wait3A_358 = tpu.memref_slice %arg9[%add3A_328, %dma_wait3A_357] : memref<10000x144xf32, #tpu.memory_space<vmem_shared>> -> memref<40x144xf32, #tpu.memory_space<vmem_shared>>
      %dma_wait3A_359 = arith.constant 0 : i32
      %dma_wait3A_360 = tpu.memref_slice %arg9[%add3A_328, %dma_wait3A_359] : memref<10000x144xf32, #tpu.memory_space<vmem_shared>> -> memref<40x144xf32, #tpu.memory_space<vmem_shared>>
      tpu.wait_dma2 semaphore(%run_scoped3A : memref<!tpu.dma_semaphore, #tpu.memory_space<semaphore_mem>>) src(%dma_wait3A_360 : memref<40x144xf32, #tpu.memory_space<vmem_shared>>) dst(%arg20 : memref<40x144xf32, #tpu.memory_space<vmem>>)
      tpu.yield
    }) : () -> ()
    "tpu.region"() ({
      %run_scoped3A = tpu.sem_alloc : memref<!tpu.dma_semaphore, #tpu.memory_space<semaphore_mem>>
      %dma_start3A_353 = arith.constant 0 : i32
      %dma_start3A_354 = tpu.memref_slice %arg7[%arg0, %add3A_328, %dma_start3A_353] : memref<2x10000x144xf32, #tpu.memory_space<hbm>> -> memref<1x40x144xf32, #tpu.memory_space<hbm>>
      %dma_start3A_355 = tpu.memref_squeeze %dma_start3A_354 : memref<1x40x144xf32, #tpu.memory_space<hbm>> -> memref<40x144xf32, #tpu.memory_space<hbm>>
      %dma_start3A_356 = arith.constant 0 : i32
      %dma_start3A_357 = tpu.memref_slice %arg7[%arg0, %add3A_328, %dma_start3A_356] : memref<2x10000x144xf32, #tpu.memory_space<hbm>> -> memref<1x40x144xf32, #tpu.memory_space<hbm>>
      %dma_start3A_358 = tpu.memref_squeeze %dma_start3A_357 : memref<1x40x144xf32, #tpu.memory_space<hbm>> -> memref<40x144xf32, #tpu.memory_space<hbm>>
      tpu.enqueue_dma source(%arg20 : memref<40x144xf32, #tpu.memory_space<vmem>>) target(%dma_start3A_358 : memref<40x144xf32, #tpu.memory_space<hbm>>) target_semaphore(%run_scoped3A : memref<!tpu.dma_semaphore, #tpu.memory_space<semaphore_mem>>)
      %dma_wait3A_359 = arith.constant 0 : i32
      %dma_wait3A_360 = tpu.memref_slice %arg7[%arg0, %add3A_328, %dma_wait3A_359] : memref<2x10000x144xf32, #tpu.memory_space<hbm>> -> memref<1x40x144xf32, #tpu.memory_space<hbm>>
      %dma_wait3A_361 = tpu.memref_squeeze %dma_wait3A_360 : memref<1x40x144xf32, #tpu.memory_space<hbm>> -> memref<40x144xf32, #tpu.memory_space<hbm>>
      %dma_wait3A_362 = arith.constant 0 : i32
      %dma_wait3A_363 = tpu.memref_slice %arg7[%arg0, %add3A_328, %dma_wait3A_362] : memref<2x10000x144xf32, #tpu.memory_space<hbm>> -> memref<1x40x144xf32, #tpu.memory_space<hbm>>
      %dma_wait3A_364 = tpu.memref_squeeze %dma_wait3A_363 : memref<1x40x144xf32, #tpu.memory_space<hbm>> -> memref<40x144xf32, #tpu.memory_space<hbm>>
      tpu.wait_dma2 semaphore(%run_scoped3A : memref<!tpu.dma_semaphore, #tpu.memory_space<semaphore_mem>>) src(%arg20 : memref<40x144xf32, #tpu.memory_space<vmem>>) dst(%dma_wait3A_364 : memref<40x144xf32, #tpu.memory_space<hbm>>)
      tpu.yield
    }) : () -> ()
    %mul3A_329 = arith.constant 625 : i32
    %mul3A_330 = arith.muli %arg1, %mul3A_329 : i32
    %add3A_331 = arith.constant 400 : i32
    %add3A_332 = arith.addi %mul3A_330, %add3A_331 : i32
    "tpu.region"() ({
      %run_scoped3A = tpu.sem_alloc : memref<!tpu.dma_semaphore, #tpu.memory_space<semaphore_mem>>
      %dma_start3A_353 = arith.constant 0 : i32
      %dma_start3A_354 = tpu.memref_slice %arg9[%add3A_332, %dma_start3A_353] : memref<10000x144xf32, #tpu.memory_space<vmem_shared>> -> memref<40x144xf32, #tpu.memory_space<vmem_shared>>
      %dma_start3A_355 = arith.constant 0 : i32
      %dma_start3A_356 = tpu.memref_slice %arg9[%add3A_332, %dma_start3A_355] : memref<10000x144xf32, #tpu.memory_space<vmem_shared>> -> memref<40x144xf32, #tpu.memory_space<vmem_shared>>
      tpu.enqueue_dma source(%dma_start3A_356 : memref<40x144xf32, #tpu.memory_space<vmem_shared>>) target(%arg20 : memref<40x144xf32, #tpu.memory_space<vmem>>) target_semaphore(%run_scoped3A : memref<!tpu.dma_semaphore, #tpu.memory_space<semaphore_mem>>)
      %dma_wait3A_357 = arith.constant 0 : i32
      %dma_wait3A_358 = tpu.memref_slice %arg9[%add3A_332, %dma_wait3A_357] : memref<10000x144xf32, #tpu.memory_space<vmem_shared>> -> memref<40x144xf32, #tpu.memory_space<vmem_shared>>
      %dma_wait3A_359 = arith.constant 0 : i32
      %dma_wait3A_360 = tpu.memref_slice %arg9[%add3A_332, %dma_wait3A_359] : memref<10000x144xf32, #tpu.memory_space<vmem_shared>> -> memref<40x144xf32, #tpu.memory_space<vmem_shared>>
      tpu.wait_dma2 semaphore(%run_scoped3A : memref<!tpu.dma_semaphore, #tpu.memory_space<semaphore_mem>>) src(%dma_wait3A_360 : memref<40x144xf32, #tpu.memory_space<vmem_shared>>) dst(%arg20 : memref<40x144xf32, #tpu.memory_space<vmem>>)
      tpu.yield
    }) : () -> ()
    "tpu.region"() ({
      %run_scoped3A = tpu.sem_alloc : memref<!tpu.dma_semaphore, #tpu.memory_space<semaphore_mem>>
      %dma_start3A_353 = arith.constant 0 : i32
      %dma_start3A_354 = tpu.memref_slice %arg7[%arg0, %add3A_332, %dma_start3A_353] : memref<2x10000x144xf32, #tpu.memory_space<hbm>> -> memref<1x40x144xf32, #tpu.memory_space<hbm>>
      %dma_start3A_355 = tpu.memref_squeeze %dma_start3A_354 : memref<1x40x144xf32, #tpu.memory_space<hbm>> -> memref<40x144xf32, #tpu.memory_space<hbm>>
      %dma_start3A_356 = arith.constant 0 : i32
      %dma_start3A_357 = tpu.memref_slice %arg7[%arg0, %add3A_332, %dma_start3A_356] : memref<2x10000x144xf32, #tpu.memory_space<hbm>> -> memref<1x40x144xf32, #tpu.memory_space<hbm>>
      %dma_start3A_358 = tpu.memref_squeeze %dma_start3A_357 : memref<1x40x144xf32, #tpu.memory_space<hbm>> -> memref<40x144xf32, #tpu.memory_space<hbm>>
      tpu.enqueue_dma source(%arg20 : memref<40x144xf32, #tpu.memory_space<vmem>>) target(%dma_start3A_358 : memref<40x144xf32, #tpu.memory_space<hbm>>) target_semaphore(%run_scoped3A : memref<!tpu.dma_semaphore, #tpu.memory_space<semaphore_mem>>)
      %dma_wait3A_359 = arith.constant 0 : i32
      %dma_wait3A_360 = tpu.memref_slice %arg7[%arg0, %add3A_332, %dma_wait3A_359] : memref<2x10000x144xf32, #tpu.memory_space<hbm>> -> memref<1x40x144xf32, #tpu.memory_space<hbm>>
      %dma_wait3A_361 = tpu.memref_squeeze %dma_wait3A_360 : memref<1x40x144xf32, #tpu.memory_space<hbm>> -> memref<40x144xf32, #tpu.memory_space<hbm>>
      %dma_wait3A_362 = arith.constant 0 : i32
      %dma_wait3A_363 = tpu.memref_slice %arg7[%arg0, %add3A_332, %dma_wait3A_362] : memref<2x10000x144xf32, #tpu.memory_space<hbm>> -> memref<1x40x144xf32, #tpu.memory_space<hbm>>
      %dma_wait3A_364 = tpu.memref_squeeze %dma_wait3A_363 : memref<1x40x144xf32, #tpu.memory_space<hbm>> -> memref<40x144xf32, #tpu.memory_space<hbm>>
      tpu.wait_dma2 semaphore(%run_scoped3A : memref<!tpu.dma_semaphore, #tpu.memory_space<semaphore_mem>>) src(%arg20 : memref<40x144xf32, #tpu.memory_space<vmem>>) dst(%dma_wait3A_364 : memref<40x144xf32, #tpu.memory_space<hbm>>)
      tpu.yield
    }) : () -> ()
    %mul3A_333 = arith.constant 625 : i32
    %mul3A_334 = arith.muli %arg1, %mul3A_333 : i32
    %add3A_335 = arith.constant 440 : i32
    %add3A_336 = arith.addi %mul3A_334, %add3A_335 : i32
    "tpu.region"() ({
      %run_scoped3A = tpu.sem_alloc : memref<!tpu.dma_semaphore, #tpu.memory_space<semaphore_mem>>
      %dma_start3A_353 = arith.constant 0 : i32
      %dma_start3A_354 = tpu.memref_slice %arg9[%add3A_336, %dma_start3A_353] : memref<10000x144xf32, #tpu.memory_space<vmem_shared>> -> memref<40x144xf32, #tpu.memory_space<vmem_shared>>
      %dma_start3A_355 = arith.constant 0 : i32
      %dma_start3A_356 = tpu.memref_slice %arg9[%add3A_336, %dma_start3A_355] : memref<10000x144xf32, #tpu.memory_space<vmem_shared>> -> memref<40x144xf32, #tpu.memory_space<vmem_shared>>
      tpu.enqueue_dma source(%dma_start3A_356 : memref<40x144xf32, #tpu.memory_space<vmem_shared>>) target(%arg20 : memref<40x144xf32, #tpu.memory_space<vmem>>) target_semaphore(%run_scoped3A : memref<!tpu.dma_semaphore, #tpu.memory_space<semaphore_mem>>)
      %dma_wait3A_357 = arith.constant 0 : i32
      %dma_wait3A_358 = tpu.memref_slice %arg9[%add3A_336, %dma_wait3A_357] : memref<10000x144xf32, #tpu.memory_space<vmem_shared>> -> memref<40x144xf32, #tpu.memory_space<vmem_shared>>
      %dma_wait3A_359 = arith.constant 0 : i32
      %dma_wait3A_360 = tpu.memref_slice %arg9[%add3A_336, %dma_wait3A_359] : memref<10000x144xf32, #tpu.memory_space<vmem_shared>> -> memref<40x144xf32, #tpu.memory_space<vmem_shared>>
      tpu.wait_dma2 semaphore(%run_scoped3A : memref<!tpu.dma_semaphore, #tpu.memory_space<semaphore_mem>>) src(%dma_wait3A_360 : memref<40x144xf32, #tpu.memory_space<vmem_shared>>) dst(%arg20 : memref<40x144xf32, #tpu.memory_space<vmem>>)
      tpu.yield
    }) : () -> ()
    "tpu.region"() ({
      %run_scoped3A = tpu.sem_alloc : memref<!tpu.dma_semaphore, #tpu.memory_space<semaphore_mem>>
      %dma_start3A_353 = arith.constant 0 : i32
      %dma_start3A_354 = tpu.memref_slice %arg7[%arg0, %add3A_336, %dma_start3A_353] : memref<2x10000x144xf32, #tpu.memory_space<hbm>> -> memref<1x40x144xf32, #tpu.memory_space<hbm>>
      %dma_start3A_355 = tpu.memref_squeeze %dma_start3A_354 : memref<1x40x144xf32, #tpu.memory_space<hbm>> -> memref<40x144xf32, #tpu.memory_space<hbm>>
      %dma_start3A_356 = arith.constant 0 : i32
      %dma_start3A_357 = tpu.memref_slice %arg7[%arg0, %add3A_336, %dma_start3A_356] : memref<2x10000x144xf32, #tpu.memory_space<hbm>> -> memref<1x40x144xf32, #tpu.memory_space<hbm>>
      %dma_start3A_358 = tpu.memref_squeeze %dma_start3A_357 : memref<1x40x144xf32, #tpu.memory_space<hbm>> -> memref<40x144xf32, #tpu.memory_space<hbm>>
      tpu.enqueue_dma source(%arg20 : memref<40x144xf32, #tpu.memory_space<vmem>>) target(%dma_start3A_358 : memref<40x144xf32, #tpu.memory_space<hbm>>) target_semaphore(%run_scoped3A : memref<!tpu.dma_semaphore, #tpu.memory_space<semaphore_mem>>)
      %dma_wait3A_359 = arith.constant 0 : i32
      %dma_wait3A_360 = tpu.memref_slice %arg7[%arg0, %add3A_336, %dma_wait3A_359] : memref<2x10000x144xf32, #tpu.memory_space<hbm>> -> memref<1x40x144xf32, #tpu.memory_space<hbm>>
      %dma_wait3A_361 = tpu.memref_squeeze %dma_wait3A_360 : memref<1x40x144xf32, #tpu.memory_space<hbm>> -> memref<40x144xf32, #tpu.memory_space<hbm>>
      %dma_wait3A_362 = arith.constant 0 : i32
      %dma_wait3A_363 = tpu.memref_slice %arg7[%arg0, %add3A_336, %dma_wait3A_362] : memref<2x10000x144xf32, #tpu.memory_space<hbm>> -> memref<1x40x144xf32, #tpu.memory_space<hbm>>
      %dma_wait3A_364 = tpu.memref_squeeze %dma_wait3A_363 : memref<1x40x144xf32, #tpu.memory_space<hbm>> -> memref<40x144xf32, #tpu.memory_space<hbm>>
      tpu.wait_dma2 semaphore(%run_scoped3A : memref<!tpu.dma_semaphore, #tpu.memory_space<semaphore_mem>>) src(%arg20 : memref<40x144xf32, #tpu.memory_space<vmem>>) dst(%dma_wait3A_364 : memref<40x144xf32, #tpu.memory_space<hbm>>)
      tpu.yield
    }) : () -> ()
    %mul3A_337 = arith.constant 625 : i32
    %mul3A_338 = arith.muli %arg1, %mul3A_337 : i32
    %add3A_339 = arith.constant 480 : i32
    %add3A_340 = arith.addi %mul3A_338, %add3A_339 : i32
    "tpu.region"() ({
      %run_scoped3A = tpu.sem_alloc : memref<!tpu.dma_semaphore, #tpu.memory_space<semaphore_mem>>
      %dma_start3A_353 = arith.constant 0 : i32
      %dma_start3A_354 = tpu.memref_slice %arg9[%add3A_340, %dma_start3A_353] : memref<10000x144xf32, #tpu.memory_space<vmem_shared>> -> memref<40x144xf32, #tpu.memory_space<vmem_shared>>
      %dma_start3A_355 = arith.constant 0 : i32
      %dma_start3A_356 = tpu.memref_slice %arg9[%add3A_340, %dma_start3A_355] : memref<10000x144xf32, #tpu.memory_space<vmem_shared>> -> memref<40x144xf32, #tpu.memory_space<vmem_shared>>
      tpu.enqueue_dma source(%dma_start3A_356 : memref<40x144xf32, #tpu.memory_space<vmem_shared>>) target(%arg20 : memref<40x144xf32, #tpu.memory_space<vmem>>) target_semaphore(%run_scoped3A : memref<!tpu.dma_semaphore, #tpu.memory_space<semaphore_mem>>)
      %dma_wait3A_357 = arith.constant 0 : i32
      %dma_wait3A_358 = tpu.memref_slice %arg9[%add3A_340, %dma_wait3A_357] : memref<10000x144xf32, #tpu.memory_space<vmem_shared>> -> memref<40x144xf32, #tpu.memory_space<vmem_shared>>
      %dma_wait3A_359 = arith.constant 0 : i32
      %dma_wait3A_360 = tpu.memref_slice %arg9[%add3A_340, %dma_wait3A_359] : memref<10000x144xf32, #tpu.memory_space<vmem_shared>> -> memref<40x144xf32, #tpu.memory_space<vmem_shared>>
      tpu.wait_dma2 semaphore(%run_scoped3A : memref<!tpu.dma_semaphore, #tpu.memory_space<semaphore_mem>>) src(%dma_wait3A_360 : memref<40x144xf32, #tpu.memory_space<vmem_shared>>) dst(%arg20 : memref<40x144xf32, #tpu.memory_space<vmem>>)
      tpu.yield
    }) : () -> ()
    "tpu.region"() ({
      %run_scoped3A = tpu.sem_alloc : memref<!tpu.dma_semaphore, #tpu.memory_space<semaphore_mem>>
      %dma_start3A_353 = arith.constant 0 : i32
      %dma_start3A_354 = tpu.memref_slice %arg7[%arg0, %add3A_340, %dma_start3A_353] : memref<2x10000x144xf32, #tpu.memory_space<hbm>> -> memref<1x40x144xf32, #tpu.memory_space<hbm>>
      %dma_start3A_355 = tpu.memref_squeeze %dma_start3A_354 : memref<1x40x144xf32, #tpu.memory_space<hbm>> -> memref<40x144xf32, #tpu.memory_space<hbm>>
      %dma_start3A_356 = arith.constant 0 : i32
      %dma_start3A_357 = tpu.memref_slice %arg7[%arg0, %add3A_340, %dma_start3A_356] : memref<2x10000x144xf32, #tpu.memory_space<hbm>> -> memref<1x40x144xf32, #tpu.memory_space<hbm>>
      %dma_start3A_358 = tpu.memref_squeeze %dma_start3A_357 : memref<1x40x144xf32, #tpu.memory_space<hbm>> -> memref<40x144xf32, #tpu.memory_space<hbm>>
      tpu.enqueue_dma source(%arg20 : memref<40x144xf32, #tpu.memory_space<vmem>>) target(%dma_start3A_358 : memref<40x144xf32, #tpu.memory_space<hbm>>) target_semaphore(%run_scoped3A : memref<!tpu.dma_semaphore, #tpu.memory_space<semaphore_mem>>)
      %dma_wait3A_359 = arith.constant 0 : i32
      %dma_wait3A_360 = tpu.memref_slice %arg7[%arg0, %add3A_340, %dma_wait3A_359] : memref<2x10000x144xf32, #tpu.memory_space<hbm>> -> memref<1x40x144xf32, #tpu.memory_space<hbm>>
      %dma_wait3A_361 = tpu.memref_squeeze %dma_wait3A_360 : memref<1x40x144xf32, #tpu.memory_space<hbm>> -> memref<40x144xf32, #tpu.memory_space<hbm>>
      %dma_wait3A_362 = arith.constant 0 : i32
      %dma_wait3A_363 = tpu.memref_slice %arg7[%arg0, %add3A_340, %dma_wait3A_362] : memref<2x10000x144xf32, #tpu.memory_space<hbm>> -> memref<1x40x144xf32, #tpu.memory_space<hbm>>
      %dma_wait3A_364 = tpu.memref_squeeze %dma_wait3A_363 : memref<1x40x144xf32, #tpu.memory_space<hbm>> -> memref<40x144xf32, #tpu.memory_space<hbm>>
      tpu.wait_dma2 semaphore(%run_scoped3A : memref<!tpu.dma_semaphore, #tpu.memory_space<semaphore_mem>>) src(%arg20 : memref<40x144xf32, #tpu.memory_space<vmem>>) dst(%dma_wait3A_364 : memref<40x144xf32, #tpu.memory_space<hbm>>)
      tpu.yield
    }) : () -> ()
    %mul3A_341 = arith.constant 625 : i32
    %mul3A_342 = arith.muli %arg1, %mul3A_341 : i32
    %add3A_343 = arith.constant 520 : i32
    %add3A_344 = arith.addi %mul3A_342, %add3A_343 : i32
    "tpu.region"() ({
      %run_scoped3A = tpu.sem_alloc : memref<!tpu.dma_semaphore, #tpu.memory_space<semaphore_mem>>
      %dma_start3A_353 = arith.constant 0 : i32
      %dma_start3A_354 = tpu.memref_slice %arg9[%add3A_344, %dma_start3A_353] : memref<10000x144xf32, #tpu.memory_space<vmem_shared>> -> memref<40x144xf32, #tpu.memory_space<vmem_shared>>
      %dma_start3A_355 = arith.constant 0 : i32
      %dma_start3A_356 = tpu.memref_slice %arg9[%add3A_344, %dma_start3A_355] : memref<10000x144xf32, #tpu.memory_space<vmem_shared>> -> memref<40x144xf32, #tpu.memory_space<vmem_shared>>
      tpu.enqueue_dma source(%dma_start3A_356 : memref<40x144xf32, #tpu.memory_space<vmem_shared>>) target(%arg20 : memref<40x144xf32, #tpu.memory_space<vmem>>) target_semaphore(%run_scoped3A : memref<!tpu.dma_semaphore, #tpu.memory_space<semaphore_mem>>)
      %dma_wait3A_357 = arith.constant 0 : i32
      %dma_wait3A_358 = tpu.memref_slice %arg9[%add3A_344, %dma_wait3A_357] : memref<10000x144xf32, #tpu.memory_space<vmem_shared>> -> memref<40x144xf32, #tpu.memory_space<vmem_shared>>
      %dma_wait3A_359 = arith.constant 0 : i32
      %dma_wait3A_360 = tpu.memref_slice %arg9[%add3A_344, %dma_wait3A_359] : memref<10000x144xf32, #tpu.memory_space<vmem_shared>> -> memref<40x144xf32, #tpu.memory_space<vmem_shared>>
      tpu.wait_dma2 semaphore(%run_scoped3A : memref<!tpu.dma_semaphore, #tpu.memory_space<semaphore_mem>>) src(%dma_wait3A_360 : memref<40x144xf32, #tpu.memory_space<vmem_shared>>) dst(%arg20 : memref<40x144xf32, #tpu.memory_space<vmem>>)
      tpu.yield
    }) : () -> ()
    "tpu.region"() ({
      %run_scoped3A = tpu.sem_alloc : memref<!tpu.dma_semaphore, #tpu.memory_space<semaphore_mem>>
      %dma_start3A_353 = arith.constant 0 : i32
      %dma_start3A_354 = tpu.memref_slice %arg7[%arg0, %add3A_344, %dma_start3A_353] : memref<2x10000x144xf32, #tpu.memory_space<hbm>> -> memref<1x40x144xf32, #tpu.memory_space<hbm>>
      %dma_start3A_355 = tpu.memref_squeeze %dma_start3A_354 : memref<1x40x144xf32, #tpu.memory_space<hbm>> -> memref<40x144xf32, #tpu.memory_space<hbm>>
      %dma_start3A_356 = arith.constant 0 : i32
      %dma_start3A_357 = tpu.memref_slice %arg7[%arg0, %add3A_344, %dma_start3A_356] : memref<2x10000x144xf32, #tpu.memory_space<hbm>> -> memref<1x40x144xf32, #tpu.memory_space<hbm>>
      %dma_start3A_358 = tpu.memref_squeeze %dma_start3A_357 : memref<1x40x144xf32, #tpu.memory_space<hbm>> -> memref<40x144xf32, #tpu.memory_space<hbm>>
      tpu.enqueue_dma source(%arg20 : memref<40x144xf32, #tpu.memory_space<vmem>>) target(%dma_start3A_358 : memref<40x144xf32, #tpu.memory_space<hbm>>) target_semaphore(%run_scoped3A : memref<!tpu.dma_semaphore, #tpu.memory_space<semaphore_mem>>)
      %dma_wait3A_359 = arith.constant 0 : i32
      %dma_wait3A_360 = tpu.memref_slice %arg7[%arg0, %add3A_344, %dma_wait3A_359] : memref<2x10000x144xf32, #tpu.memory_space<hbm>> -> memref<1x40x144xf32, #tpu.memory_space<hbm>>
      %dma_wait3A_361 = tpu.memref_squeeze %dma_wait3A_360 : memref<1x40x144xf32, #tpu.memory_space<hbm>> -> memref<40x144xf32, #tpu.memory_space<hbm>>
      %dma_wait3A_362 = arith.constant 0 : i32
      %dma_wait3A_363 = tpu.memref_slice %arg7[%arg0, %add3A_344, %dma_wait3A_362] : memref<2x10000x144xf32, #tpu.memory_space<hbm>> -> memref<1x40x144xf32, #tpu.memory_space<hbm>>
      %dma_wait3A_364 = tpu.memref_squeeze %dma_wait3A_363 : memref<1x40x144xf32, #tpu.memory_space<hbm>> -> memref<40x144xf32, #tpu.memory_space<hbm>>
      tpu.wait_dma2 semaphore(%run_scoped3A : memref<!tpu.dma_semaphore, #tpu.memory_space<semaphore_mem>>) src(%arg20 : memref<40x144xf32, #tpu.memory_space<vmem>>) dst(%dma_wait3A_364 : memref<40x144xf32, #tpu.memory_space<hbm>>)
      tpu.yield
    }) : () -> ()
    %mul3A_345 = arith.constant 625 : i32
    %mul3A_346 = arith.muli %arg1, %mul3A_345 : i32
    %add3A_347 = arith.constant 560 : i32
    %add3A_348 = arith.addi %mul3A_346, %add3A_347 : i32
    "tpu.region"() ({
      %run_scoped3A = tpu.sem_alloc : memref<!tpu.dma_semaphore, #tpu.memory_space<semaphore_mem>>
      %dma_start3A_353 = arith.constant 0 : i32
      %dma_start3A_354 = tpu.memref_slice %arg9[%add3A_348, %dma_start3A_353] : memref<10000x144xf32, #tpu.memory_space<vmem_shared>> -> memref<40x144xf32, #tpu.memory_space<vmem_shared>>
      %dma_start3A_355 = arith.constant 0 : i32
      %dma_start3A_356 = tpu.memref_slice %arg9[%add3A_348, %dma_start3A_355] : memref<10000x144xf32, #tpu.memory_space<vmem_shared>> -> memref<40x144xf32, #tpu.memory_space<vmem_shared>>
      tpu.enqueue_dma source(%dma_start3A_356 : memref<40x144xf32, #tpu.memory_space<vmem_shared>>) target(%arg20 : memref<40x144xf32, #tpu.memory_space<vmem>>) target_semaphore(%run_scoped3A : memref<!tpu.dma_semaphore, #tpu.memory_space<semaphore_mem>>)
      %dma_wait3A_357 = arith.constant 0 : i32
      %dma_wait3A_358 = tpu.memref_slice %arg9[%add3A_348, %dma_wait3A_357] : memref<10000x144xf32, #tpu.memory_space<vmem_shared>> -> memref<40x144xf32, #tpu.memory_space<vmem_shared>>
      %dma_wait3A_359 = arith.constant 0 : i32
      %dma_wait3A_360 = tpu.memref_slice %arg9[%add3A_348, %dma_wait3A_359] : memref<10000x144xf32, #tpu.memory_space<vmem_shared>> -> memref<40x144xf32, #tpu.memory_space<vmem_shared>>
      tpu.wait_dma2 semaphore(%run_scoped3A : memref<!tpu.dma_semaphore, #tpu.memory_space<semaphore_mem>>) src(%dma_wait3A_360 : memref<40x144xf32, #tpu.memory_space<vmem_shared>>) dst(%arg20 : memref<40x144xf32, #tpu.memory_space<vmem>>)
      tpu.yield
    }) : () -> ()
    "tpu.region"() ({
      %run_scoped3A = tpu.sem_alloc : memref<!tpu.dma_semaphore, #tpu.memory_space<semaphore_mem>>
      %dma_start3A_353 = arith.constant 0 : i32
      %dma_start3A_354 = tpu.memref_slice %arg7[%arg0, %add3A_348, %dma_start3A_353] : memref<2x10000x144xf32, #tpu.memory_space<hbm>> -> memref<1x40x144xf32, #tpu.memory_space<hbm>>
      %dma_start3A_355 = tpu.memref_squeeze %dma_start3A_354 : memref<1x40x144xf32, #tpu.memory_space<hbm>> -> memref<40x144xf32, #tpu.memory_space<hbm>>
      %dma_start3A_356 = arith.constant 0 : i32
      %dma_start3A_357 = tpu.memref_slice %arg7[%arg0, %add3A_348, %dma_start3A_356] : memref<2x10000x144xf32, #tpu.memory_space<hbm>> -> memref<1x40x144xf32, #tpu.memory_space<hbm>>
      %dma_start3A_358 = tpu.memref_squeeze %dma_start3A_357 : memref<1x40x144xf32, #tpu.memory_space<hbm>> -> memref<40x144xf32, #tpu.memory_space<hbm>>
      tpu.enqueue_dma source(%arg20 : memref<40x144xf32, #tpu.memory_space<vmem>>) target(%dma_start3A_358 : memref<40x144xf32, #tpu.memory_space<hbm>>) target_semaphore(%run_scoped3A : memref<!tpu.dma_semaphore, #tpu.memory_space<semaphore_mem>>)
      %dma_wait3A_359 = arith.constant 0 : i32
      %dma_wait3A_360 = tpu.memref_slice %arg7[%arg0, %add3A_348, %dma_wait3A_359] : memref<2x10000x144xf32, #tpu.memory_space<hbm>> -> memref<1x40x144xf32, #tpu.memory_space<hbm>>
      %dma_wait3A_361 = tpu.memref_squeeze %dma_wait3A_360 : memref<1x40x144xf32, #tpu.memory_space<hbm>> -> memref<40x144xf32, #tpu.memory_space<hbm>>
      %dma_wait3A_362 = arith.constant 0 : i32
      %dma_wait3A_363 = tpu.memref_slice %arg7[%arg0, %add3A_348, %dma_wait3A_362] : memref<2x10000x144xf32, #tpu.memory_space<hbm>> -> memref<1x40x144xf32, #tpu.memory_space<hbm>>
      %dma_wait3A_364 = tpu.memref_squeeze %dma_wait3A_363 : memref<1x40x144xf32, #tpu.memory_space<hbm>> -> memref<40x144xf32, #tpu.memory_space<hbm>>
      tpu.wait_dma2 semaphore(%run_scoped3A : memref<!tpu.dma_semaphore, #tpu.memory_space<semaphore_mem>>) src(%arg20 : memref<40x144xf32, #tpu.memory_space<vmem>>) dst(%dma_wait3A_364 : memref<40x144xf32, #tpu.memory_space<hbm>>)
      tpu.yield
    }) : () -> ()
    %mul3A_349 = arith.constant 625 : i32
    %mul3A_350 = arith.muli %arg1, %mul3A_349 : i32
    %add3A_351 = arith.constant 600 : i32
    %add3A_352 = arith.addi %mul3A_350, %add3A_351 : i32
    "tpu.region"() ({
      %run_scoped3A = tpu.sem_alloc : memref<!tpu.dma_semaphore, #tpu.memory_space<semaphore_mem>>
      %dma_start3A_353 = arith.constant 0 : i32
      %dma_start3A_354 = arith.constant 0 : i32
      %dma_start3A_355 = tpu.memref_slice %arg20[%dma_start3A_353, %dma_start3A_354] : memref<40x144xf32, #tpu.memory_space<vmem>> -> memref<25x144xf32, #tpu.memory_space<vmem>>
      %dma_start3A_356 = arith.constant 0 : i32
      %dma_start3A_357 = tpu.memref_slice %arg9[%add3A_352, %dma_start3A_356] : memref<10000x144xf32, #tpu.memory_space<vmem_shared>> -> memref<25x144xf32, #tpu.memory_space<vmem_shared>>
      %dma_start3A_358 = arith.constant 0 : i32
      %dma_start3A_359 = arith.constant 0 : i32
      %dma_start3A_360 = tpu.memref_slice %arg20[%dma_start3A_358, %dma_start3A_359] : memref<40x144xf32, #tpu.memory_space<vmem>> -> memref<25x144xf32, #tpu.memory_space<vmem>>
      %dma_start3A_361 = arith.constant 0 : i32
      %dma_start3A_362 = tpu.memref_slice %arg9[%add3A_352, %dma_start3A_361] : memref<10000x144xf32, #tpu.memory_space<vmem_shared>> -> memref<25x144xf32, #tpu.memory_space<vmem_shared>>
      tpu.enqueue_dma source(%dma_start3A_362 : memref<25x144xf32, #tpu.memory_space<vmem_shared>>) target(%dma_start3A_360 : memref<25x144xf32, #tpu.memory_space<vmem>>) target_semaphore(%run_scoped3A : memref<!tpu.dma_semaphore, #tpu.memory_space<semaphore_mem>>)
      %dma_wait3A_363 = arith.constant 0 : i32
      %dma_wait3A_364 = arith.constant 0 : i32
      %dma_wait3A_365 = tpu.memref_slice %arg20[%dma_wait3A_363, %dma_wait3A_364] : memref<40x144xf32, #tpu.memory_space<vmem>> -> memref<25x144xf32, #tpu.memory_space<vmem>>
      %dma_wait3A_366 = arith.constant 0 : i32
      %dma_wait3A_367 = tpu.memref_slice %arg9[%add3A_352, %dma_wait3A_366] : memref<10000x144xf32, #tpu.memory_space<vmem_shared>> -> memref<25x144xf32, #tpu.memory_space<vmem_shared>>
      %dma_wait3A_368 = arith.constant 0 : i32
      %dma_wait3A_369 = arith.constant 0 : i32
      %dma_wait3A_370 = tpu.memref_slice %arg20[%dma_wait3A_368, %dma_wait3A_369] : memref<40x144xf32, #tpu.memory_space<vmem>> -> memref<25x144xf32, #tpu.memory_space<vmem>>
      %dma_wait3A_371 = arith.constant 0 : i32
      %dma_wait3A_372 = tpu.memref_slice %arg9[%add3A_352, %dma_wait3A_371] : memref<10000x144xf32, #tpu.memory_space<vmem_shared>> -> memref<25x144xf32, #tpu.memory_space<vmem_shared>>
      tpu.wait_dma2 semaphore(%run_scoped3A : memref<!tpu.dma_semaphore, #tpu.memory_space<semaphore_mem>>) src(%dma_wait3A_372 : memref<25x144xf32, #tpu.memory_space<vmem_shared>>) dst(%dma_wait3A_370 : memref<25x144xf32, #tpu.memory_space<vmem>>)
      tpu.yield
    }) : () -> ()
    "tpu.region"() ({
      %run_scoped3A = tpu.sem_alloc : memref<!tpu.dma_semaphore, #tpu.memory_space<semaphore_mem>>
      %dma_start3A_353 = arith.constant 0 : i32
      %dma_start3A_354 = arith.constant 0 : i32
      %dma_start3A_355 = tpu.memref_slice %arg20[%dma_start3A_353, %dma_start3A_354] : memref<40x144xf32, #tpu.memory_space<vmem>> -> memref<25x144xf32, #tpu.memory_space<vmem>>
      %dma_start3A_356 = arith.constant 0 : i32
      %dma_start3A_357 = tpu.memref_slice %arg7[%arg0, %add3A_352, %dma_start3A_356] : memref<2x10000x144xf32, #tpu.memory_space<hbm>> -> memref<1x25x144xf32, #tpu.memory_space<hbm>>
      %dma_start3A_358 = tpu.memref_squeeze %dma_start3A_357 : memref<1x25x144xf32, #tpu.memory_space<hbm>> -> memref<25x144xf32, #tpu.memory_space<hbm>>
      %dma_start3A_359 = arith.constant 0 : i32
      %dma_start3A_360 = tpu.memref_slice %arg7[%arg0, %add3A_352, %dma_start3A_359] : memref<2x10000x144xf32, #tpu.memory_space<hbm>> -> memref<1x25x144xf32, #tpu.memory_space<hbm>>
      %dma_start3A_361 = tpu.memref_squeeze %dma_start3A_360 : memref<1x25x144xf32, #tpu.memory_space<hbm>> -> memref<25x144xf32, #tpu.memory_space<hbm>>
      %dma_start3A_362 = arith.constant 0 : i32
      %dma_start3A_363 = arith.constant 0 : i32
      %dma_start3A_364 = tpu.memref_slice %arg20[%dma_start3A_362, %dma_start3A_363] : memref<40x144xf32, #tpu.memory_space<vmem>> -> memref<25x144xf32, #tpu.memory_space<vmem>>
      tpu.enqueue_dma source(%dma_start3A_364 : memref<25x144xf32, #tpu.memory_space<vmem>>) target(%dma_start3A_361 : memref<25x144xf32, #tpu.memory_space<hbm>>) target_semaphore(%run_scoped3A : memref<!tpu.dma_semaphore, #tpu.memory_space<semaphore_mem>>)
      %dma_wait3A_365 = arith.constant 0 : i32
      %dma_wait3A_366 = arith.constant 0 : i32
      %dma_wait3A_367 = tpu.memref_slice %arg20[%dma_wait3A_365, %dma_wait3A_366] : memref<40x144xf32, #tpu.memory_space<vmem>> -> memref<25x144xf32, #tpu.memory_space<vmem>>
      %dma_wait3A_368 = arith.constant 0 : i32
      %dma_wait3A_369 = tpu.memref_slice %arg7[%arg0, %add3A_352, %dma_wait3A_368] : memref<2x10000x144xf32, #tpu.memory_space<hbm>> -> memref<1x25x144xf32, #tpu.memory_space<hbm>>
      %dma_wait3A_370 = tpu.memref_squeeze %dma_wait3A_369 : memref<1x25x144xf32, #tpu.memory_space<hbm>> -> memref<25x144xf32, #tpu.memory_space<hbm>>
      %dma_wait3A_371 = arith.constant 0 : i32
      %dma_wait3A_372 = tpu.memref_slice %arg7[%arg0, %add3A_352, %dma_wait3A_371] : memref<2x10000x144xf32, #tpu.memory_space<hbm>> -> memref<1x25x144xf32, #tpu.memory_space<hbm>>
      %dma_wait3A_373 = tpu.memref_squeeze %dma_wait3A_372 : memref<1x25x144xf32, #tpu.memory_space<hbm>> -> memref<25x144xf32, #tpu.memory_space<hbm>>
      %dma_wait3A_374 = arith.constant 0 : i32
      %dma_wait3A_375 = arith.constant 0 : i32
      %dma_wait3A_376 = tpu.memref_slice %arg20[%dma_wait3A_374, %dma_wait3A_375] : memref<40x144xf32, #tpu.memory_space<vmem>> -> memref<25x144xf32, #tpu.memory_space<vmem>>
      tpu.wait_dma2 semaphore(%run_scoped3A : memref<!tpu.dma_semaphore, #tpu.memory_space<semaphore_mem>>) src(%dma_wait3A_376 : memref<25x144xf32, #tpu.memory_space<vmem>>) dst(%dma_wait3A_373 : memref<25x144xf32, #tpu.memory_space<hbm>>)
      tpu.yield
    }) : () -> ()
    "tpu.region"() ({
      %run_scoped3A = tpu.sem_alloc : memref<!tpu.dma_semaphore, #tpu.memory_space<semaphore_mem>>
      %dma_start3A_353 = arith.constant 0 : i32
      %dma_start3A_354 = tpu.memref_slice %arg8[%arg0, %arg1, %dma_start3A_353] : memref<2x16x10000xf32, #tpu.memory_space<hbm>> -> memref<1x1x10000xf32, #tpu.memory_space<hbm>>
      %dma_start3A_355 = tpu.memref_squeeze %dma_start3A_354 : memref<1x1x10000xf32, #tpu.memory_space<hbm>> -> memref<10000xf32, #tpu.memory_space<hbm>>
      %dma_start3A_356 = arith.constant 0 : i32
      %dma_start3A_357 = tpu.memref_slice %arg8[%arg0, %arg1, %dma_start3A_356] : memref<2x16x10000xf32, #tpu.memory_space<hbm>> -> memref<1x1x10000xf32, #tpu.memory_space<hbm>>
      %dma_start3A_358 = tpu.memref_squeeze %dma_start3A_357 : memref<1x1x10000xf32, #tpu.memory_space<hbm>> -> memref<10000xf32, #tpu.memory_space<hbm>>
      tpu.enqueue_dma source(%arg22 : memref<10000xf32, #tpu.memory_space<vmem>>) target(%dma_start3A_358 : memref<10000xf32, #tpu.memory_space<hbm>>) target_semaphore(%run_scoped3A : memref<!tpu.dma_semaphore, #tpu.memory_space<semaphore_mem>>)
      %dma_wait3A_359 = arith.constant 0 : i32
      %dma_wait3A_360 = tpu.memref_slice %arg8[%arg0, %arg1, %dma_wait3A_359] : memref<2x16x10000xf32, #tpu.memory_space<hbm>> -> memref<1x1x10000xf32, #tpu.memory_space<hbm>>
      %dma_wait3A_361 = tpu.memref_squeeze %dma_wait3A_360 : memref<1x1x10000xf32, #tpu.memory_space<hbm>> -> memref<10000xf32, #tpu.memory_space<hbm>>
      %dma_wait3A_362 = arith.constant 0 : i32
      %dma_wait3A_363 = tpu.memref_slice %arg8[%arg0, %arg1, %dma_wait3A_362] : memref<2x16x10000xf32, #tpu.memory_space<hbm>> -> memref<1x1x10000xf32, #tpu.memory_space<hbm>>
      %dma_wait3A_364 = tpu.memref_squeeze %dma_wait3A_363 : memref<1x1x10000xf32, #tpu.memory_space<hbm>> -> memref<10000xf32, #tpu.memory_space<hbm>>
      tpu.wait_dma2 semaphore(%run_scoped3A : memref<!tpu.dma_semaphore, #tpu.memory_space<semaphore_mem>>) src(%arg22 : memref<10000xf32, #tpu.memory_space<vmem>>) dst(%dma_wait3A_364 : memref<10000xf32, #tpu.memory_space<hbm>>)
      tpu.yield
    }) : () -> ()
    return
  }
}

module attributes {stable_mosaic.version = 14 : i64} {
  func.func @_yw_body(%arg0: i32, %arg1: memref<2000x128xf32, #tpu.memory_space<vmem>>, %arg2: memref<128x144xf32, #tpu.memory_space<vmem>>, %arg3: memref<1x144xf32, #tpu.memory_space<vmem>>, %arg4: memref<2000x144xf32, #tpu.memory_space<vmem>>) attributes {dimension_semantics = [#tpu.dimension_semantics<arbitrary>], iteration_bounds = array<i64: 5>, scalar_prefetch = 0 : i64, scratch_operands = 0 : i64, tpu.core_type = #tpu.core_type<tc>, window_params = [{transform_indices = @transform_0, window_bounds = array<i64: 2000, 128>}, {pipeline_mode = #tpu.pipeline_mode<synchronous>, transform_indices = @transform_1, window_bounds = array<i64: 128, 144>}, {pipeline_mode = #tpu.pipeline_mode<synchronous>, transform_indices = @transform_2, window_bounds = array<i64: 1, 144>}, {transform_indices = @transform_3, window_bounds = array<i64: 2000, 144>}]} {
    %get3A = arith.constant 0 : index
    %get3A_0 = arith.constant 0 : index
    %get3A_1 = vector.load %arg1[%get3A, %get3A_0] : memref<2000x128xf32, #tpu.memory_space<vmem>>, vector<2000x128xf32>
    %get3A_2 = arith.constant 0 : index
    %get3A_3 = arith.constant 0 : index
    %get3A_4 = vector.load %arg2[%get3A_2, %get3A_3] : memref<128x144xf32, #tpu.memory_space<vmem>>, vector<128x144xf32>
    %dot_general3A = arith.constant dense<0.000000e+00> : vector<2000x144xf32>
    %dot_general3A_5 = tpu.matmul %get3A_1, %get3A_4, %dot_general3A {dimension_numbers = #tpu.dot_dimension_numbers<[1], [0], [0], [1], [0, 0, 1, 1], [], []>, transpose_lhs_hint = false} : vector<2000x128xf32>, vector<128x144xf32>, vector<2000x144xf32> -> vector<2000x144xf32>
    %get3A_6 = arith.constant 0 : index
    %get3A_7 = arith.constant 0 : index
    %get3A_8 = vector.load %arg3[%get3A_6, %get3A_7] : memref<1x144xf32, #tpu.memory_space<vmem>>, vector<1x144xf32>
    %add3A = vector.broadcast %get3A_8 : vector<1x144xf32> to vector<2000x144xf32>
    %add3A_9 = arith.addf %dot_general3A_5, %add3A : vector<2000x144xf32>
    %swap3A = arith.constant 0 : index
    %swap3A_10 = arith.constant 0 : index
    %swap3A_11 = vector.load %arg4[%swap3A, %swap3A_10] : memref<2000x144xf32, #tpu.memory_space<vmem>>, vector<2000x144xf32>
    tpu.vector_store %arg4[%swap3A, %swap3A_10], %add3A_9 {strides = array<i32>} : memref<2000x144xf32, #tpu.memory_space<vmem>>, vector<2000x144xf32>,
    return
  }
  func.func @transform_0(%arg0: i32) -> (i32, i32) {
    %c0_i32 = arith.constant 0 : i32
    %c0_i32_0 = arith.constant 0 : i32
    return %arg0, %c0_i32 : i32, i32
  }
  func.func @transform_1(%arg0: i32) -> (i32, i32) {
    %c0_i32 = arith.constant 0 : i32
    %c0_i32_0 = arith.constant 0 : i32
    %c0_i32_1 = arith.constant 0 : i32
    return %c0_i32, %c0_i32_0 : i32, i32
  }
  func.func @transform_2(%arg0: i32) -> (i32, i32) {
    %c0_i32 = arith.constant 0 : i32
    %c0_i32_0 = arith.constant 0 : i32
    %c0_i32_1 = arith.constant 0 : i32
    return %c0_i32, %c0_i32_0 : i32, i32
  }
  func.func @transform_3(%arg0: i32) -> (i32, i32) {
    %c0_i32 = arith.constant 0 : i32
    %c0_i32_0 = arith.constant 0 : i32
    return %arg0, %c0_i32 : i32, i32
  }
}

module attributes {stable_mosaic.version = 14 : i64} {
  func.func @_edge_body(%arg0: i32, %arg1: memref<16x6400xf32, #tpu.memory_space<vmem>>, %arg2: memref<16x128xf32, #tpu.memory_space<vmem>>, %arg3: memref<1x128xf32, #tpu.memory_space<vmem>>, %arg4: memref<16x16xf32, #tpu.memory_space<vmem>>, %arg5: memref<6400x128xf32, #tpu.memory_space<vmem>>, %arg6: memref<50x16x128xf32, #tpu.memory_space<vmem>>) attributes {dimension_semantics = [#tpu.dimension_semantics<arbitrary>], iteration_bounds = array<i64: 50>, scalar_prefetch = 0 : i64, scratch_operands = 0 : i64, tpu.core_type = #tpu.core_type<tc>, window_params = [{transform_indices = @transform_0, window_bounds = array<i64: 16, 6400>}, {pipeline_mode = #tpu.pipeline_mode<synchronous>, transform_indices = @transform_1, window_bounds = array<i64: 16, 128>}, {pipeline_mode = #tpu.pipeline_mode<synchronous>, transform_indices = @transform_2, window_bounds = array<i64: 1, 128>}, {pipeline_mode = #tpu.pipeline_mode<synchronous>, transform_indices = @transform_3, window_bounds = array<i64: 16, 16>}, {transform_indices = @transform_4, window_bounds = array<i64: 6400, 128>}, {transform_indices = @transform_5, window_bounds = array<i64: 50, 16, 128>}]} {
    %get3A = arith.constant 0 : index
    %get3A_0 = arith.constant 0 : index
    %get3A_1 = vector.load %arg1[%get3A, %get3A_0] : memref<16x6400xf32, #tpu.memory_space<vmem>>, vector<16x6400xf32>
    %get3A_2 = arith.constant 0 : index
    %get3A_3 = arith.constant 0 : index
    %get3A_4 = vector.load %arg2[%get3A_2, %get3A_3] : memref<16x128xf32, #tpu.memory_space<vmem>>, vector<16x128xf32>
    %dot_general3A = arith.constant dense<0.000000e+00> : vector<6400x128xf32>
    %dot_general3A_5 = tpu.matmul %get3A_1, %get3A_4, %dot_general3A {dimension_numbers = #tpu.dot_dimension_numbers<[0], [0], [1], [1], [0, 1, 1, 1], [], []>, transpose_lhs_hint = false} : vector<16x6400xf32>, vector<16x128xf32>, vector<6400x128xf32> -> vector<6400x128xf32>
    %get3A_6 = arith.constant 0 : index
    %get3A_7 = arith.constant 0 : index
    %get3A_8 = vector.load %arg3[%get3A_6, %get3A_7] : memref<1x128xf32, #tpu.memory_space<vmem>>, vector<1x128xf32>
    %add3A = vector.broadcast %get3A_8 : vector<1x128xf32> to vector<6400x128xf32>
    %add3A_9 = arith.addf %dot_general3A_5, %add3A : vector<6400x128xf32>
    %swap3A = arith.constant 0 : index
    %swap3A_10 = arith.constant 0 : index
    %swap3A_11 = vector.load %arg5[%swap3A, %swap3A_10] : memref<6400x128xf32, #tpu.memory_space<vmem>>, vector<6400x128xf32>
    tpu.vector_store %arg5[%swap3A, %swap3A_10], %add3A_9 {strides = array<i32>} : memref<6400x128xf32, #tpu.memory_space<vmem>>, vector<6400x128xf32>,
    %get3A_12 = arith.constant 0 : index
    %get3A_13 = arith.constant 0 : index
    %get3A_14 = vector.load %arg4[%get3A_12, %get3A_13] : memref<16x16xf32, #tpu.memory_space<vmem>>, vector<16x16xf32>
    %dot_general3A_15 = arith.constant dense<0.000000e+00> : vector<16x6400xf32>
    %dot_general3A_16 = tpu.matmul %get3A_14, %get3A_1, %dot_general3A_15 {dimension_numbers = #tpu.dot_dimension_numbers<[0], [0], [1], [1], [0, 1, 1, 1], [], []>, transpose_lhs_hint = false} : vector<16x16xf32>, vector<16x6400xf32>, vector<16x6400xf32> -> vector<16x6400xf32>
    %slice3A = vector.extract_strided_slice %dot_general3A_16 {offsets = [0, 0], sizes = [16, 128], strides = [1, 1]} : vector<16x6400xf32> to vector<16x128xf32>
    %swap3A_17 = arith.constant 0 : index
    %swap3A_18 = arith.constant 0 : index
    %swap3A_19 = arith.constant 0 : index
    %swap3A_20 = vector.load %arg6[%swap3A_17, %swap3A_18, %swap3A_19] : memref<50x16x128xf32, #tpu.memory_space<vmem>>, vector<1x16x128xf32>
    %swap3A_21 = vector.shape_cast %swap3A_20 : vector<1x16x128xf32> to vector<16x128xf32>
    %swap3A_22 = vector.shape_cast %slice3A : vector<16x128xf32> to vector<1x16x128xf32>
    tpu.vector_store %arg6[%swap3A_17, %swap3A_18, %swap3A_19], %swap3A_22 {strides = array<i32>} : memref<50x16x128xf32, #tpu.memory_space<vmem>>, vector<1x16x128xf32>,
    %slice3A_23 = vector.extract_strided_slice %dot_general3A_16 {offsets = [0, 128], sizes = [16, 128], strides = [1, 1]} : vector<16x6400xf32> to vector<16x128xf32>
    %swap3A_24 = arith.constant 1 : index
    %swap3A_25 = arith.constant 0 : index
    %swap3A_26 = arith.constant 0 : index
    %swap3A_27 = vector.load %arg6[%swap3A_24, %swap3A_25, %swap3A_26] : memref<50x16x128xf32, #tpu.memory_space<vmem>>, vector<1x16x128xf32>
    %swap3A_28 = vector.shape_cast %swap3A_27 : vector<1x16x128xf32> to vector<16x128xf32>
    %swap3A_29 = vector.shape_cast %slice3A_23 : vector<16x128xf32> to vector<1x16x128xf32>
    tpu.vector_store %arg6[%swap3A_24, %swap3A_25, %swap3A_26], %swap3A_29 {strides = array<i32>} : memref<50x16x128xf32, #tpu.memory_space<vmem>>, vector<1x16x128xf32>,
    %slice3A_30 = vector.extract_strided_slice %dot_general3A_16 {offsets = [0, 256], sizes = [16, 128], strides = [1, 1]} : vector<16x6400xf32> to vector<16x128xf32>
    %swap3A_31 = arith.constant 2 : index
    %swap3A_32 = arith.constant 0 : index
    %swap3A_33 = arith.constant 0 : index
    %swap3A_34 = vector.load %arg6[%swap3A_31, %swap3A_32, %swap3A_33] : memref<50x16x128xf32, #tpu.memory_space<vmem>>, vector<1x16x128xf32>
    %swap3A_35 = vector.shape_cast %swap3A_34 : vector<1x16x128xf32> to vector<16x128xf32>
    %swap3A_36 = vector.shape_cast %slice3A_30 : vector<16x128xf32> to vector<1x16x128xf32>
    tpu.vector_store %arg6[%swap3A_31, %swap3A_32, %swap3A_33], %swap3A_36 {strides = array<i32>} : memref<50x16x128xf32, #tpu.memory_space<vmem>>, vector<1x16x128xf32>,
    %slice3A_37 = vector.extract_strided_slice %dot_general3A_16 {offsets = [0, 384], sizes = [16, 128], strides = [1, 1]} : vector<16x6400xf32> to vector<16x128xf32>
    %swap3A_38 = arith.constant 3 : index
    %swap3A_39 = arith.constant 0 : index
    %swap3A_40 = arith.constant 0 : index
    %swap3A_41 = vector.load %arg6[%swap3A_38, %swap3A_39, %swap3A_40] : memref<50x16x128xf32, #tpu.memory_space<vmem>>, vector<1x16x128xf32>
    %swap3A_42 = vector.shape_cast %swap3A_41 : vector<1x16x128xf32> to vector<16x128xf32>
    %swap3A_43 = vector.shape_cast %slice3A_37 : vector<16x128xf32> to vector<1x16x128xf32>
    tpu.vector_store %arg6[%swap3A_38, %swap3A_39, %swap3A_40], %swap3A_43 {strides = array<i32>} : memref<50x16x128xf32, #tpu.memory_space<vmem>>, vector<1x16x128xf32>,
    %slice3A_44 = vector.extract_strided_slice %dot_general3A_16 {offsets = [0, 512], sizes = [16, 128], strides = [1, 1]} : vector<16x6400xf32> to vector<16x128xf32>
    %swap3A_45 = arith.constant 4 : index
    %swap3A_46 = arith.constant 0 : index
    %swap3A_47 = arith.constant 0 : index
    %swap3A_48 = vector.load %arg6[%swap3A_45, %swap3A_46, %swap3A_47] : memref<50x16x128xf32, #tpu.memory_space<vmem>>, vector<1x16x128xf32>
    %swap3A_49 = vector.shape_cast %swap3A_48 : vector<1x16x128xf32> to vector<16x128xf32>
    %swap3A_50 = vector.shape_cast %slice3A_44 : vector<16x128xf32> to vector<1x16x128xf32>
    tpu.vector_store %arg6[%swap3A_45, %swap3A_46, %swap3A_47], %swap3A_50 {strides = array<i32>} : memref<50x16x128xf32, #tpu.memory_space<vmem>>, vector<1x16x128xf32>,
    %slice3A_51 = vector.extract_strided_slice %dot_general3A_16 {offsets = [0, 640], sizes = [16, 128], strides = [1, 1]} : vector<16x6400xf32> to vector<16x128xf32>
    %swap3A_52 = arith.constant 5 : index
    %swap3A_53 = arith.constant 0 : index
    %swap3A_54 = arith.constant 0 : index
    %swap3A_55 = vector.load %arg6[%swap3A_52, %swap3A_53, %swap3A_54] : memref<50x16x128xf32, #tpu.memory_space<vmem>>, vector<1x16x128xf32>
    %swap3A_56 = vector.shape_cast %swap3A_55 : vector<1x16x128xf32> to vector<16x128xf32>
    %swap3A_57 = vector.shape_cast %slice3A_51 : vector<16x128xf32> to vector<1x16x128xf32>
    tpu.vector_store %arg6[%swap3A_52, %swap3A_53, %swap3A_54], %swap3A_57 {strides = array<i32>} : memref<50x16x128xf32, #tpu.memory_space<vmem>>, vector<1x16x128xf32>,
    %slice3A_58 = vector.extract_strided_slice %dot_general3A_16 {offsets = [0, 768], sizes = [16, 128], strides = [1, 1]} : vector<16x6400xf32> to vector<16x128xf32>
    %swap3A_59 = arith.constant 6 : index
    %swap3A_60 = arith.constant 0 : index
    %swap3A_61 = arith.constant 0 : index
    %swap3A_62 = vector.load %arg6[%swap3A_59, %swap3A_60, %swap3A_61] : memref<50x16x128xf32, #tpu.memory_space<vmem>>, vector<1x16x128xf32>
    %swap3A_63 = vector.shape_cast %swap3A_62 : vector<1x16x128xf32> to vector<16x128xf32>
    %swap3A_64 = vector.shape_cast %slice3A_58 : vector<16x128xf32> to vector<1x16x128xf32>
    tpu.vector_store %arg6[%swap3A_59, %swap3A_60, %swap3A_61], %swap3A_64 {strides = array<i32>} : memref<50x16x128xf32, #tpu.memory_space<vmem>>, vector<1x16x128xf32>,
    %slice3A_65 = vector.extract_strided_slice %dot_general3A_16 {offsets = [0, 896], sizes = [16, 128], strides = [1, 1]} : vector<16x6400xf32> to vector<16x128xf32>
    %swap3A_66 = arith.constant 7 : index
    %swap3A_67 = arith.constant 0 : index
    %swap3A_68 = arith.constant 0 : index
    %swap3A_69 = vector.load %arg6[%swap3A_66, %swap3A_67, %swap3A_68] : memref<50x16x128xf32, #tpu.memory_space<vmem>>, vector<1x16x128xf32>
    %swap3A_70 = vector.shape_cast %swap3A_69 : vector<1x16x128xf32> to vector<16x128xf32>
    %swap3A_71 = vector.shape_cast %slice3A_65 : vector<16x128xf32> to vector<1x16x128xf32>
    tpu.vector_store %arg6[%swap3A_66, %swap3A_67, %swap3A_68], %swap3A_71 {strides = array<i32>} : memref<50x16x128xf32, #tpu.memory_space<vmem>>, vector<1x16x128xf32>,
    %slice3A_72 = vector.extract_strided_slice %dot_general3A_16 {offsets = [0, 1024], sizes = [16, 128], strides = [1, 1]} : vector<16x6400xf32> to vector<16x128xf32>
    %swap3A_73 = arith.constant 8 : index
    %swap3A_74 = arith.constant 0 : index
    %swap3A_75 = arith.constant 0 : index
    %swap3A_76 = vector.load %arg6[%swap3A_73, %swap3A_74, %swap3A_75] : memref<50x16x128xf32, #tpu.memory_space<vmem>>, vector<1x16x128xf32>
    %swap3A_77 = vector.shape_cast %swap3A_76 : vector<1x16x128xf32> to vector<16x128xf32>
    %swap3A_78 = vector.shape_cast %slice3A_72 : vector<16x128xf32> to vector<1x16x128xf32>
    tpu.vector_store %arg6[%swap3A_73, %swap3A_74, %swap3A_75], %swap3A_78 {strides = array<i32>} : memref<50x16x128xf32, #tpu.memory_space<vmem>>, vector<1x16x128xf32>,
    %slice3A_79 = vector.extract_strided_slice %dot_general3A_16 {offsets = [0, 1152], sizes = [16, 128], strides = [1, 1]} : vector<16x6400xf32> to vector<16x128xf32>
    %swap3A_80 = arith.constant 9 : index
    %swap3A_81 = arith.constant 0 : index
    %swap3A_82 = arith.constant 0 : index
    %swap3A_83 = vector.load %arg6[%swap3A_80, %swap3A_81, %swap3A_82] : memref<50x16x128xf32, #tpu.memory_space<vmem>>, vector<1x16x128xf32>
    %swap3A_84 = vector.shape_cast %swap3A_83 : vector<1x16x128xf32> to vector<16x128xf32>
    %swap3A_85 = vector.shape_cast %slice3A_79 : vector<16x128xf32> to vector<1x16x128xf32>
    tpu.vector_store %arg6[%swap3A_80, %swap3A_81, %swap3A_82], %swap3A_85 {strides = array<i32>} : memref<50x16x128xf32, #tpu.memory_space<vmem>>, vector<1x16x128xf32>,
    %slice3A_86 = vector.extract_strided_slice %dot_general3A_16 {offsets = [0, 1280], sizes = [16, 128], strides = [1, 1]} : vector<16x6400xf32> to vector<16x128xf32>
    %swap3A_87 = arith.constant 10 : index
    %swap3A_88 = arith.constant 0 : index
    %swap3A_89 = arith.constant 0 : index
    %swap3A_90 = vector.load %arg6[%swap3A_87, %swap3A_88, %swap3A_89] : memref<50x16x128xf32, #tpu.memory_space<vmem>>, vector<1x16x128xf32>
    %swap3A_91 = vector.shape_cast %swap3A_90 : vector<1x16x128xf32> to vector<16x128xf32>
    %swap3A_92 = vector.shape_cast %slice3A_86 : vector<16x128xf32> to vector<1x16x128xf32>
    tpu.vector_store %arg6[%swap3A_87, %swap3A_88, %swap3A_89], %swap3A_92 {strides = array<i32>} : memref<50x16x128xf32, #tpu.memory_space<vmem>>, vector<1x16x128xf32>,
    %slice3A_93 = vector.extract_strided_slice %dot_general3A_16 {offsets = [0, 1408], sizes = [16, 128], strides = [1, 1]} : vector<16x6400xf32> to vector<16x128xf32>
    %swap3A_94 = arith.constant 11 : index
    %swap3A_95 = arith.constant 0 : index
    %swap3A_96 = arith.constant 0 : index
    %swap3A_97 = vector.load %arg6[%swap3A_94, %swap3A_95, %swap3A_96] : memref<50x16x128xf32, #tpu.memory_space<vmem>>, vector<1x16x128xf32>
    %swap3A_98 = vector.shape_cast %swap3A_97 : vector<1x16x128xf32> to vector<16x128xf32>
    %swap3A_99 = vector.shape_cast %slice3A_93 : vector<16x128xf32> to vector<1x16x128xf32>
    tpu.vector_store %arg6[%swap3A_94, %swap3A_95, %swap3A_96], %swap3A_99 {strides = array<i32>} : memref<50x16x128xf32, #tpu.memory_space<vmem>>, vector<1x16x128xf32>,
    %slice3A_100 = vector.extract_strided_slice %dot_general3A_16 {offsets = [0, 1536], sizes = [16, 128], strides = [1, 1]} : vector<16x6400xf32> to vector<16x128xf32>
    %swap3A_101 = arith.constant 12 : index
    %swap3A_102 = arith.constant 0 : index
    %swap3A_103 = arith.constant 0 : index
    %swap3A_104 = vector.load %arg6[%swap3A_101, %swap3A_102, %swap3A_103] : memref<50x16x128xf32, #tpu.memory_space<vmem>>, vector<1x16x128xf32>
    %swap3A_105 = vector.shape_cast %swap3A_104 : vector<1x16x128xf32> to vector<16x128xf32>
    %swap3A_106 = vector.shape_cast %slice3A_100 : vector<16x128xf32> to vector<1x16x128xf32>
    tpu.vector_store %arg6[%swap3A_101, %swap3A_102, %swap3A_103], %swap3A_106 {strides = array<i32>} : memref<50x16x128xf32, #tpu.memory_space<vmem>>, vector<1x16x128xf32>,
    %slice3A_107 = vector.extract_strided_slice %dot_general3A_16 {offsets = [0, 1664], sizes = [16, 128], strides = [1, 1]} : vector<16x6400xf32> to vector<16x128xf32>
    %swap3A_108 = arith.constant 13 : index
    %swap3A_109 = arith.constant 0 : index
    %swap3A_110 = arith.constant 0 : index
    %swap3A_111 = vector.load %arg6[%swap3A_108, %swap3A_109, %swap3A_110] : memref<50x16x128xf32, #tpu.memory_space<vmem>>, vector<1x16x128xf32>
    %swap3A_112 = vector.shape_cast %swap3A_111 : vector<1x16x128xf32> to vector<16x128xf32>
    %swap3A_113 = vector.shape_cast %slice3A_107 : vector<16x128xf32> to vector<1x16x128xf32>
    tpu.vector_store %arg6[%swap3A_108, %swap3A_109, %swap3A_110], %swap3A_113 {strides = array<i32>} : memref<50x16x128xf32, #tpu.memory_space<vmem>>, vector<1x16x128xf32>,
    %slice3A_114 = vector.extract_strided_slice %dot_general3A_16 {offsets = [0, 1792], sizes = [16, 128], strides = [1, 1]} : vector<16x6400xf32> to vector<16x128xf32>
    %swap3A_115 = arith.constant 14 : index
    %swap3A_116 = arith.constant 0 : index
    %swap3A_117 = arith.constant 0 : index
    %swap3A_118 = vector.load %arg6[%swap3A_115, %swap3A_116, %swap3A_117] : memref<50x16x128xf32, #tpu.memory_space<vmem>>, vector<1x16x128xf32>
    %swap3A_119 = vector.shape_cast %swap3A_118 : vector<1x16x128xf32> to vector<16x128xf32>
    %swap3A_120 = vector.shape_cast %slice3A_114 : vector<16x128xf32> to vector<1x16x128xf32>
    tpu.vector_store %arg6[%swap3A_115, %swap3A_116, %swap3A_117], %swap3A_120 {strides = array<i32>} : memref<50x16x128xf32, #tpu.memory_space<vmem>>, vector<1x16x128xf32>,
    %slice3A_121 = vector.extract_strided_slice %dot_general3A_16 {offsets = [0, 1920], sizes = [16, 128], strides = [1, 1]} : vector<16x6400xf32> to vector<16x128xf32>
    %swap3A_122 = arith.constant 15 : index
    %swap3A_123 = arith.constant 0 : index
    %swap3A_124 = arith.constant 0 : index
    %swap3A_125 = vector.load %arg6[%swap3A_122, %swap3A_123, %swap3A_124] : memref<50x16x128xf32, #tpu.memory_space<vmem>>, vector<1x16x128xf32>
    %swap3A_126 = vector.shape_cast %swap3A_125 : vector<1x16x128xf32> to vector<16x128xf32>
    %swap3A_127 = vector.shape_cast %slice3A_121 : vector<16x128xf32> to vector<1x16x128xf32>
    tpu.vector_store %arg6[%swap3A_122, %swap3A_123, %swap3A_124], %swap3A_127 {strides = array<i32>} : memref<50x16x128xf32, #tpu.memory_space<vmem>>, vector<1x16x128xf32>,
    %slice3A_128 = vector.extract_strided_slice %dot_general3A_16 {offsets = [0, 2048], sizes = [16, 128], strides = [1, 1]} : vector<16x6400xf32> to vector<16x128xf32>
    %swap3A_129 = arith.constant 16 : index
    %swap3A_130 = arith.constant 0 : index
    %swap3A_131 = arith.constant 0 : index
    %swap3A_132 = vector.load %arg6[%swap3A_129, %swap3A_130, %swap3A_131] : memref<50x16x128xf32, #tpu.memory_space<vmem>>, vector<1x16x128xf32>
    %swap3A_133 = vector.shape_cast %swap3A_132 : vector<1x16x128xf32> to vector<16x128xf32>
    %swap3A_134 = vector.shape_cast %slice3A_128 : vector<16x128xf32> to vector<1x16x128xf32>
    tpu.vector_store %arg6[%swap3A_129, %swap3A_130, %swap3A_131], %swap3A_134 {strides = array<i32>} : memref<50x16x128xf32, #tpu.memory_space<vmem>>, vector<1x16x128xf32>,
    %slice3A_135 = vector.extract_strided_slice %dot_general3A_16 {offsets = [0, 2176], sizes = [16, 128], strides = [1, 1]} : vector<16x6400xf32> to vector<16x128xf32>
    %swap3A_136 = arith.constant 17 : index
    %swap3A_137 = arith.constant 0 : index
    %swap3A_138 = arith.constant 0 : index
    %swap3A_139 = vector.load %arg6[%swap3A_136, %swap3A_137, %swap3A_138] : memref<50x16x128xf32, #tpu.memory_space<vmem>>, vector<1x16x128xf32>
    %swap3A_140 = vector.shape_cast %swap3A_139 : vector<1x16x128xf32> to vector<16x128xf32>
    %swap3A_141 = vector.shape_cast %slice3A_135 : vector<16x128xf32> to vector<1x16x128xf32>
    tpu.vector_store %arg6[%swap3A_136, %swap3A_137, %swap3A_138], %swap3A_141 {strides = array<i32>} : memref<50x16x128xf32, #tpu.memory_space<vmem>>, vector<1x16x128xf32>,
    %slice3A_142 = vector.extract_strided_slice %dot_general3A_16 {offsets = [0, 2304], sizes = [16, 128], strides = [1, 1]} : vector<16x6400xf32> to vector<16x128xf32>
    %swap3A_143 = arith.constant 18 : index
    %swap3A_144 = arith.constant 0 : index
    %swap3A_145 = arith.constant 0 : index
    %swap3A_146 = vector.load %arg6[%swap3A_143, %swap3A_144, %swap3A_145] : memref<50x16x128xf32, #tpu.memory_space<vmem>>, vector<1x16x128xf32>
    %swap3A_147 = vector.shape_cast %swap3A_146 : vector<1x16x128xf32> to vector<16x128xf32>
    %swap3A_148 = vector.shape_cast %slice3A_142 : vector<16x128xf32> to vector<1x16x128xf32>
    tpu.vector_store %arg6[%swap3A_143, %swap3A_144, %swap3A_145], %swap3A_148 {strides = array<i32>} : memref<50x16x128xf32, #tpu.memory_space<vmem>>, vector<1x16x128xf32>,
    %slice3A_149 = vector.extract_strided_slice %dot_general3A_16 {offsets = [0, 2432], sizes = [16, 128], strides = [1, 1]} : vector<16x6400xf32> to vector<16x128xf32>
    %swap3A_150 = arith.constant 19 : index
    %swap3A_151 = arith.constant 0 : index
    %swap3A_152 = arith.constant 0 : index
    %swap3A_153 = vector.load %arg6[%swap3A_150, %swap3A_151, %swap3A_152] : memref<50x16x128xf32, #tpu.memory_space<vmem>>, vector<1x16x128xf32>
    %swap3A_154 = vector.shape_cast %swap3A_153 : vector<1x16x128xf32> to vector<16x128xf32>
    %swap3A_155 = vector.shape_cast %slice3A_149 : vector<16x128xf32> to vector<1x16x128xf32>
    tpu.vector_store %arg6[%swap3A_150, %swap3A_151, %swap3A_152], %swap3A_155 {strides = array<i32>} : memref<50x16x128xf32, #tpu.memory_space<vmem>>, vector<1x16x128xf32>,
    %slice3A_156 = vector.extract_strided_slice %dot_general3A_16 {offsets = [0, 2560], sizes = [16, 128], strides = [1, 1]} : vector<16x6400xf32> to vector<16x128xf32>
    %swap3A_157 = arith.constant 20 : index
    %swap3A_158 = arith.constant 0 : index
    %swap3A_159 = arith.constant 0 : index
    %swap3A_160 = vector.load %arg6[%swap3A_157, %swap3A_158, %swap3A_159] : memref<50x16x128xf32, #tpu.memory_space<vmem>>, vector<1x16x128xf32>
    %swap3A_161 = vector.shape_cast %swap3A_160 : vector<1x16x128xf32> to vector<16x128xf32>
    %swap3A_162 = vector.shape_cast %slice3A_156 : vector<16x128xf32> to vector<1x16x128xf32>
    tpu.vector_store %arg6[%swap3A_157, %swap3A_158, %swap3A_159], %swap3A_162 {strides = array<i32>} : memref<50x16x128xf32, #tpu.memory_space<vmem>>, vector<1x16x128xf32>,
    %slice3A_163 = vector.extract_strided_slice %dot_general3A_16 {offsets = [0, 2688], sizes = [16, 128], strides = [1, 1]} : vector<16x6400xf32> to vector<16x128xf32>
    %swap3A_164 = arith.constant 21 : index
    %swap3A_165 = arith.constant 0 : index
    %swap3A_166 = arith.constant 0 : index
    %swap3A_167 = vector.load %arg6[%swap3A_164, %swap3A_165, %swap3A_166] : memref<50x16x128xf32, #tpu.memory_space<vmem>>, vector<1x16x128xf32>
    %swap3A_168 = vector.shape_cast %swap3A_167 : vector<1x16x128xf32> to vector<16x128xf32>
    %swap3A_169 = vector.shape_cast %slice3A_163 : vector<16x128xf32> to vector<1x16x128xf32>
    tpu.vector_store %arg6[%swap3A_164, %swap3A_165, %swap3A_166], %swap3A_169 {strides = array<i32>} : memref<50x16x128xf32, #tpu.memory_space<vmem>>, vector<1x16x128xf32>,
    %slice3A_170 = vector.extract_strided_slice %dot_general3A_16 {offsets = [0, 2816], sizes = [16, 128], strides = [1, 1]} : vector<16x6400xf32> to vector<16x128xf32>
    %swap3A_171 = arith.constant 22 : index
    %swap3A_172 = arith.constant 0 : index
    %swap3A_173 = arith.constant 0 : index
    %swap3A_174 = vector.load %arg6[%swap3A_171, %swap3A_172, %swap3A_173] : memref<50x16x128xf32, #tpu.memory_space<vmem>>, vector<1x16x128xf32>
    %swap3A_175 = vector.shape_cast %swap3A_174 : vector<1x16x128xf32> to vector<16x128xf32>
    %swap3A_176 = vector.shape_cast %slice3A_170 : vector<16x128xf32> to vector<1x16x128xf32>
    tpu.vector_store %arg6[%swap3A_171, %swap3A_172, %swap3A_173], %swap3A_176 {strides = array<i32>} : memref<50x16x128xf32, #tpu.memory_space<vmem>>, vector<1x16x128xf32>,
    %slice3A_177 = vector.extract_strided_slice %dot_general3A_16 {offsets = [0, 2944], sizes = [16, 128], strides = [1, 1]} : vector<16x6400xf32> to vector<16x128xf32>
    %swap3A_178 = arith.constant 23 : index
    %swap3A_179 = arith.constant 0 : index
    %swap3A_180 = arith.constant 0 : index
    %swap3A_181 = vector.load %arg6[%swap3A_178, %swap3A_179, %swap3A_180] : memref<50x16x128xf32, #tpu.memory_space<vmem>>, vector<1x16x128xf32>
    %swap3A_182 = vector.shape_cast %swap3A_181 : vector<1x16x128xf32> to vector<16x128xf32>
    %swap3A_183 = vector.shape_cast %slice3A_177 : vector<16x128xf32> to vector<1x16x128xf32>
    tpu.vector_store %arg6[%swap3A_178, %swap3A_179, %swap3A_180], %swap3A_183 {strides = array<i32>} : memref<50x16x128xf32, #tpu.memory_space<vmem>>, vector<1x16x128xf32>,
    %slice3A_184 = vector.extract_strided_slice %dot_general3A_16 {offsets = [0, 3072], sizes = [16, 128], strides = [1, 1]} : vector<16x6400xf32> to vector<16x128xf32>
    %swap3A_185 = arith.constant 24 : index
    %swap3A_186 = arith.constant 0 : index
    %swap3A_187 = arith.constant 0 : index
    %swap3A_188 = vector.load %arg6[%swap3A_185, %swap3A_186, %swap3A_187] : memref<50x16x128xf32, #tpu.memory_space<vmem>>, vector<1x16x128xf32>
    %swap3A_189 = vector.shape_cast %swap3A_188 : vector<1x16x128xf32> to vector<16x128xf32>
    %swap3A_190 = vector.shape_cast %slice3A_184 : vector<16x128xf32> to vector<1x16x128xf32>
    tpu.vector_store %arg6[%swap3A_185, %swap3A_186, %swap3A_187], %swap3A_190 {strides = array<i32>} : memref<50x16x128xf32, #tpu.memory_space<vmem>>, vector<1x16x128xf32>,
    %slice3A_191 = vector.extract_strided_slice %dot_general3A_16 {offsets = [0, 3200], sizes = [16, 128], strides = [1, 1]} : vector<16x6400xf32> to vector<16x128xf32>
    %swap3A_192 = arith.constant 25 : index
    %swap3A_193 = arith.constant 0 : index
    %swap3A_194 = arith.constant 0 : index
    %swap3A_195 = vector.load %arg6[%swap3A_192, %swap3A_193, %swap3A_194] : memref<50x16x128xf32, #tpu.memory_space<vmem>>, vector<1x16x128xf32>
    %swap3A_196 = vector.shape_cast %swap3A_195 : vector<1x16x128xf32> to vector<16x128xf32>
    %swap3A_197 = vector.shape_cast %slice3A_191 : vector<16x128xf32> to vector<1x16x128xf32>
    tpu.vector_store %arg6[%swap3A_192, %swap3A_193, %swap3A_194], %swap3A_197 {strides = array<i32>} : memref<50x16x128xf32, #tpu.memory_space<vmem>>, vector<1x16x128xf32>,
    %slice3A_198 = vector.extract_strided_slice %dot_general3A_16 {offsets = [0, 3328], sizes = [16, 128], strides = [1, 1]} : vector<16x6400xf32> to vector<16x128xf32>
    %swap3A_199 = arith.constant 26 : index
    %swap3A_200 = arith.constant 0 : index
    %swap3A_201 = arith.constant 0 : index
    %swap3A_202 = vector.load %arg6[%swap3A_199, %swap3A_200, %swap3A_201] : memref<50x16x128xf32, #tpu.memory_space<vmem>>, vector<1x16x128xf32>
    %swap3A_203 = vector.shape_cast %swap3A_202 : vector<1x16x128xf32> to vector<16x128xf32>
    %swap3A_204 = vector.shape_cast %slice3A_198 : vector<16x128xf32> to vector<1x16x128xf32>
    tpu.vector_store %arg6[%swap3A_199, %swap3A_200, %swap3A_201], %swap3A_204 {strides = array<i32>} : memref<50x16x128xf32, #tpu.memory_space<vmem>>, vector<1x16x128xf32>,
    %slice3A_205 = vector.extract_strided_slice %dot_general3A_16 {offsets = [0, 3456], sizes = [16, 128], strides = [1, 1]} : vector<16x6400xf32> to vector<16x128xf32>
    %swap3A_206 = arith.constant 27 : index
    %swap3A_207 = arith.constant 0 : index
    %swap3A_208 = arith.constant 0 : index
    %swap3A_209 = vector.load %arg6[%swap3A_206, %swap3A_207, %swap3A_208] : memref<50x16x128xf32, #tpu.memory_space<vmem>>, vector<1x16x128xf32>
    %swap3A_210 = vector.shape_cast %swap3A_209 : vector<1x16x128xf32> to vector<16x128xf32>
    %swap3A_211 = vector.shape_cast %slice3A_205 : vector<16x128xf32> to vector<1x16x128xf32>
    tpu.vector_store %arg6[%swap3A_206, %swap3A_207, %swap3A_208], %swap3A_211 {strides = array<i32>} : memref<50x16x128xf32, #tpu.memory_space<vmem>>, vector<1x16x128xf32>,
    %slice3A_212 = vector.extract_strided_slice %dot_general3A_16 {offsets = [0, 3584], sizes = [16, 128], strides = [1, 1]} : vector<16x6400xf32> to vector<16x128xf32>
    %swap3A_213 = arith.constant 28 : index
    %swap3A_214 = arith.constant 0 : index
    %swap3A_215 = arith.constant 0 : index
    %swap3A_216 = vector.load %arg6[%swap3A_213, %swap3A_214, %swap3A_215] : memref<50x16x128xf32, #tpu.memory_space<vmem>>, vector<1x16x128xf32>
    %swap3A_217 = vector.shape_cast %swap3A_216 : vector<1x16x128xf32> to vector<16x128xf32>
    %swap3A_218 = vector.shape_cast %slice3A_212 : vector<16x128xf32> to vector<1x16x128xf32>
    tpu.vector_store %arg6[%swap3A_213, %swap3A_214, %swap3A_215], %swap3A_218 {strides = array<i32>} : memref<50x16x128xf32, #tpu.memory_space<vmem>>, vector<1x16x128xf32>,
    %slice3A_219 = vector.extract_strided_slice %dot_general3A_16 {offsets = [0, 3712], sizes = [16, 128], strides = [1, 1]} : vector<16x6400xf32> to vector<16x128xf32>
    %swap3A_220 = arith.constant 29 : index
    %swap3A_221 = arith.constant 0 : index
    %swap3A_222 = arith.constant 0 : index
    %swap3A_223 = vector.load %arg6[%swap3A_220, %swap3A_221, %swap3A_222] : memref<50x16x128xf32, #tpu.memory_space<vmem>>, vector<1x16x128xf32>
    %swap3A_224 = vector.shape_cast %swap3A_223 : vector<1x16x128xf32> to vector<16x128xf32>
    %swap3A_225 = vector.shape_cast %slice3A_219 : vector<16x128xf32> to vector<1x16x128xf32>
    tpu.vector_store %arg6[%swap3A_220, %swap3A_221, %swap3A_222], %swap3A_225 {strides = array<i32>} : memref<50x16x128xf32, #tpu.memory_space<vmem>>, vector<1x16x128xf32>,
    %slice3A_226 = vector.extract_strided_slice %dot_general3A_16 {offsets = [0, 3840], sizes = [16, 128], strides = [1, 1]} : vector<16x6400xf32> to vector<16x128xf32>
    %swap3A_227 = arith.constant 30 : index
    %swap3A_228 = arith.constant 0 : index
    %swap3A_229 = arith.constant 0 : index
    %swap3A_230 = vector.load %arg6[%swap3A_227, %swap3A_228, %swap3A_229] : memref<50x16x128xf32, #tpu.memory_space<vmem>>, vector<1x16x128xf32>
    %swap3A_231 = vector.shape_cast %swap3A_230 : vector<1x16x128xf32> to vector<16x128xf32>
    %swap3A_232 = vector.shape_cast %slice3A_226 : vector<16x128xf32> to vector<1x16x128xf32>
    tpu.vector_store %arg6[%swap3A_227, %swap3A_228, %swap3A_229], %swap3A_232 {strides = array<i32>} : memref<50x16x128xf32, #tpu.memory_space<vmem>>, vector<1x16x128xf32>,
    %slice3A_233 = vector.extract_strided_slice %dot_general3A_16 {offsets = [0, 3968], sizes = [16, 128], strides = [1, 1]} : vector<16x6400xf32> to vector<16x128xf32>
    %swap3A_234 = arith.constant 31 : index
    %swap3A_235 = arith.constant 0 : index
    %swap3A_236 = arith.constant 0 : index
    %swap3A_237 = vector.load %arg6[%swap3A_234, %swap3A_235, %swap3A_236] : memref<50x16x128xf32, #tpu.memory_space<vmem>>, vector<1x16x128xf32>
    %swap3A_238 = vector.shape_cast %swap3A_237 : vector<1x16x128xf32> to vector<16x128xf32>
    %swap3A_239 = vector.shape_cast %slice3A_233 : vector<16x128xf32> to vector<1x16x128xf32>
    tpu.vector_store %arg6[%swap3A_234, %swap3A_235, %swap3A_236], %swap3A_239 {strides = array<i32>} : memref<50x16x128xf32, #tpu.memory_space<vmem>>, vector<1x16x128xf32>,
    %slice3A_240 = vector.extract_strided_slice %dot_general3A_16 {offsets = [0, 4096], sizes = [16, 128], strides = [1, 1]} : vector<16x6400xf32> to vector<16x128xf32>
    %swap3A_241 = arith.constant 32 : index
    %swap3A_242 = arith.constant 0 : index
    %swap3A_243 = arith.constant 0 : index
    %swap3A_244 = vector.load %arg6[%swap3A_241, %swap3A_242, %swap3A_243] : memref<50x16x128xf32, #tpu.memory_space<vmem>>, vector<1x16x128xf32>
    %swap3A_245 = vector.shape_cast %swap3A_244 : vector<1x16x128xf32> to vector<16x128xf32>
    %swap3A_246 = vector.shape_cast %slice3A_240 : vector<16x128xf32> to vector<1x16x128xf32>
    tpu.vector_store %arg6[%swap3A_241, %swap3A_242, %swap3A_243], %swap3A_246 {strides = array<i32>} : memref<50x16x128xf32, #tpu.memory_space<vmem>>, vector<1x16x128xf32>,
    %slice3A_247 = vector.extract_strided_slice %dot_general3A_16 {offsets = [0, 4224], sizes = [16, 128], strides = [1, 1]} : vector<16x6400xf32> to vector<16x128xf32>
    %swap3A_248 = arith.constant 33 : index
    %swap3A_249 = arith.constant 0 : index
    %swap3A_250 = arith.constant 0 : index
    %swap3A_251 = vector.load %arg6[%swap3A_248, %swap3A_249, %swap3A_250] : memref<50x16x128xf32, #tpu.memory_space<vmem>>, vector<1x16x128xf32>
    %swap3A_252 = vector.shape_cast %swap3A_251 : vector<1x16x128xf32> to vector<16x128xf32>
    %swap3A_253 = vector.shape_cast %slice3A_247 : vector<16x128xf32> to vector<1x16x128xf32>
    tpu.vector_store %arg6[%swap3A_248, %swap3A_249, %swap3A_250], %swap3A_253 {strides = array<i32>} : memref<50x16x128xf32, #tpu.memory_space<vmem>>, vector<1x16x128xf32>,
    %slice3A_254 = vector.extract_strided_slice %dot_general3A_16 {offsets = [0, 4352], sizes = [16, 128], strides = [1, 1]} : vector<16x6400xf32> to vector<16x128xf32>
    %swap3A_255 = arith.constant 34 : index
    %swap3A_256 = arith.constant 0 : index
    %swap3A_257 = arith.constant 0 : index
    %swap3A_258 = vector.load %arg6[%swap3A_255, %swap3A_256, %swap3A_257] : memref<50x16x128xf32, #tpu.memory_space<vmem>>, vector<1x16x128xf32>
    %swap3A_259 = vector.shape_cast %swap3A_258 : vector<1x16x128xf32> to vector<16x128xf32>
    %swap3A_260 = vector.shape_cast %slice3A_254 : vector<16x128xf32> to vector<1x16x128xf32>
    tpu.vector_store %arg6[%swap3A_255, %swap3A_256, %swap3A_257], %swap3A_260 {strides = array<i32>} : memref<50x16x128xf32, #tpu.memory_space<vmem>>, vector<1x16x128xf32>,
    %slice3A_261 = vector.extract_strided_slice %dot_general3A_16 {offsets = [0, 4480], sizes = [16, 128], strides = [1, 1]} : vector<16x6400xf32> to vector<16x128xf32>
    %swap3A_262 = arith.constant 35 : index
    %swap3A_263 = arith.constant 0 : index
    %swap3A_264 = arith.constant 0 : index
    %swap3A_265 = vector.load %arg6[%swap3A_262, %swap3A_263, %swap3A_264] : memref<50x16x128xf32, #tpu.memory_space<vmem>>, vector<1x16x128xf32>
    %swap3A_266 = vector.shape_cast %swap3A_265 : vector<1x16x128xf32> to vector<16x128xf32>
    %swap3A_267 = vector.shape_cast %slice3A_261 : vector<16x128xf32> to vector<1x16x128xf32>
    tpu.vector_store %arg6[%swap3A_262, %swap3A_263, %swap3A_264], %swap3A_267 {strides = array<i32>} : memref<50x16x128xf32, #tpu.memory_space<vmem>>, vector<1x16x128xf32>,
    %slice3A_268 = vector.extract_strided_slice %dot_general3A_16 {offsets = [0, 4608], sizes = [16, 128], strides = [1, 1]} : vector<16x6400xf32> to vector<16x128xf32>
    %swap3A_269 = arith.constant 36 : index
    %swap3A_270 = arith.constant 0 : index
    %swap3A_271 = arith.constant 0 : index
    %swap3A_272 = vector.load %arg6[%swap3A_269, %swap3A_270, %swap3A_271] : memref<50x16x128xf32, #tpu.memory_space<vmem>>, vector<1x16x128xf32>
    %swap3A_273 = vector.shape_cast %swap3A_272 : vector<1x16x128xf32> to vector<16x128xf32>
    %swap3A_274 = vector.shape_cast %slice3A_268 : vector<16x128xf32> to vector<1x16x128xf32>
    tpu.vector_store %arg6[%swap3A_269, %swap3A_270, %swap3A_271], %swap3A_274 {strides = array<i32>} : memref<50x16x128xf32, #tpu.memory_space<vmem>>, vector<1x16x128xf32>,
    %slice3A_275 = vector.extract_strided_slice %dot_general3A_16 {offsets = [0, 4736], sizes = [16, 128], strides = [1, 1]} : vector<16x6400xf32> to vector<16x128xf32>
    %swap3A_276 = arith.constant 37 : index
    %swap3A_277 = arith.constant 0 : index
    %swap3A_278 = arith.constant 0 : index
    %swap3A_279 = vector.load %arg6[%swap3A_276, %swap3A_277, %swap3A_278] : memref<50x16x128xf32, #tpu.memory_space<vmem>>, vector<1x16x128xf32>
    %swap3A_280 = vector.shape_cast %swap3A_279 : vector<1x16x128xf32> to vector<16x128xf32>
    %swap3A_281 = vector.shape_cast %slice3A_275 : vector<16x128xf32> to vector<1x16x128xf32>
    tpu.vector_store %arg6[%swap3A_276, %swap3A_277, %swap3A_278], %swap3A_281 {strides = array<i32>} : memref<50x16x128xf32, #tpu.memory_space<vmem>>, vector<1x16x128xf32>,
    %slice3A_282 = vector.extract_strided_slice %dot_general3A_16 {offsets = [0, 4864], sizes = [16, 128], strides = [1, 1]} : vector<16x6400xf32> to vector<16x128xf32>
    %swap3A_283 = arith.constant 38 : index
    %swap3A_284 = arith.constant 0 : index
    %swap3A_285 = arith.constant 0 : index
    %swap3A_286 = vector.load %arg6[%swap3A_283, %swap3A_284, %swap3A_285] : memref<50x16x128xf32, #tpu.memory_space<vmem>>, vector<1x16x128xf32>
    %swap3A_287 = vector.shape_cast %swap3A_286 : vector<1x16x128xf32> to vector<16x128xf32>
    %swap3A_288 = vector.shape_cast %slice3A_282 : vector<16x128xf32> to vector<1x16x128xf32>
    tpu.vector_store %arg6[%swap3A_283, %swap3A_284, %swap3A_285], %swap3A_288 {strides = array<i32>} : memref<50x16x128xf32, #tpu.memory_space<vmem>>, vector<1x16x128xf32>,
    %slice3A_289 = vector.extract_strided_slice %dot_general3A_16 {offsets = [0, 4992], sizes = [16, 128], strides = [1, 1]} : vector<16x6400xf32> to vector<16x128xf32>
    %swap3A_290 = arith.constant 39 : index
    %swap3A_291 = arith.constant 0 : index
    %swap3A_292 = arith.constant 0 : index
    %swap3A_293 = vector.load %arg6[%swap3A_290, %swap3A_291, %swap3A_292] : memref<50x16x128xf32, #tpu.memory_space<vmem>>, vector<1x16x128xf32>
    %swap3A_294 = vector.shape_cast %swap3A_293 : vector<1x16x128xf32> to vector<16x128xf32>
    %swap3A_295 = vector.shape_cast %slice3A_289 : vector<16x128xf32> to vector<1x16x128xf32>
    tpu.vector_store %arg6[%swap3A_290, %swap3A_291, %swap3A_292], %swap3A_295 {strides = array<i32>} : memref<50x16x128xf32, #tpu.memory_space<vmem>>, vector<1x16x128xf32>,
    %slice3A_296 = vector.extract_strided_slice %dot_general3A_16 {offsets = [0, 5120], sizes = [16, 128], strides = [1, 1]} : vector<16x6400xf32> to vector<16x128xf32>
    %swap3A_297 = arith.constant 40 : index
    %swap3A_298 = arith.constant 0 : index
    %swap3A_299 = arith.constant 0 : index
    %swap3A_300 = vector.load %arg6[%swap3A_297, %swap3A_298, %swap3A_299] : memref<50x16x128xf32, #tpu.memory_space<vmem>>, vector<1x16x128xf32>
    %swap3A_301 = vector.shape_cast %swap3A_300 : vector<1x16x128xf32> to vector<16x128xf32>
    %swap3A_302 = vector.shape_cast %slice3A_296 : vector<16x128xf32> to vector<1x16x128xf32>
    tpu.vector_store %arg6[%swap3A_297, %swap3A_298, %swap3A_299], %swap3A_302 {strides = array<i32>} : memref<50x16x128xf32, #tpu.memory_space<vmem>>, vector<1x16x128xf32>,
    %slice3A_303 = vector.extract_strided_slice %dot_general3A_16 {offsets = [0, 5248], sizes = [16, 128], strides = [1, 1]} : vector<16x6400xf32> to vector<16x128xf32>
    %swap3A_304 = arith.constant 41 : index
    %swap3A_305 = arith.constant 0 : index
    %swap3A_306 = arith.constant 0 : index
    %swap3A_307 = vector.load %arg6[%swap3A_304, %swap3A_305, %swap3A_306] : memref<50x16x128xf32, #tpu.memory_space<vmem>>, vector<1x16x128xf32>
    %swap3A_308 = vector.shape_cast %swap3A_307 : vector<1x16x128xf32> to vector<16x128xf32>
    %swap3A_309 = vector.shape_cast %slice3A_303 : vector<16x128xf32> to vector<1x16x128xf32>
    tpu.vector_store %arg6[%swap3A_304, %swap3A_305, %swap3A_306], %swap3A_309 {strides = array<i32>} : memref<50x16x128xf32, #tpu.memory_space<vmem>>, vector<1x16x128xf32>,
    %slice3A_310 = vector.extract_strided_slice %dot_general3A_16 {offsets = [0, 5376], sizes = [16, 128], strides = [1, 1]} : vector<16x6400xf32> to vector<16x128xf32>
    %swap3A_311 = arith.constant 42 : index
    %swap3A_312 = arith.constant 0 : index
    %swap3A_313 = arith.constant 0 : index
    %swap3A_314 = vector.load %arg6[%swap3A_311, %swap3A_312, %swap3A_313] : memref<50x16x128xf32, #tpu.memory_space<vmem>>, vector<1x16x128xf32>
    %swap3A_315 = vector.shape_cast %swap3A_314 : vector<1x16x128xf32> to vector<16x128xf32>
    %swap3A_316 = vector.shape_cast %slice3A_310 : vector<16x128xf32> to vector<1x16x128xf32>
    tpu.vector_store %arg6[%swap3A_311, %swap3A_312, %swap3A_313], %swap3A_316 {strides = array<i32>} : memref<50x16x128xf32, #tpu.memory_space<vmem>>, vector<1x16x128xf32>,
    %slice3A_317 = vector.extract_strided_slice %dot_general3A_16 {offsets = [0, 5504], sizes = [16, 128], strides = [1, 1]} : vector<16x6400xf32> to vector<16x128xf32>
    %swap3A_318 = arith.constant 43 : index
    %swap3A_319 = arith.constant 0 : index
    %swap3A_320 = arith.constant 0 : index
    %swap3A_321 = vector.load %arg6[%swap3A_318, %swap3A_319, %swap3A_320] : memref<50x16x128xf32, #tpu.memory_space<vmem>>, vector<1x16x128xf32>
    %swap3A_322 = vector.shape_cast %swap3A_321 : vector<1x16x128xf32> to vector<16x128xf32>
    %swap3A_323 = vector.shape_cast %slice3A_317 : vector<16x128xf32> to vector<1x16x128xf32>
    tpu.vector_store %arg6[%swap3A_318, %swap3A_319, %swap3A_320], %swap3A_323 {strides = array<i32>} : memref<50x16x128xf32, #tpu.memory_space<vmem>>, vector<1x16x128xf32>,
    %slice3A_324 = vector.extract_strided_slice %dot_general3A_16 {offsets = [0, 5632], sizes = [16, 128], strides = [1, 1]} : vector<16x6400xf32> to vector<16x128xf32>
    %swap3A_325 = arith.constant 44 : index
    %swap3A_326 = arith.constant 0 : index
    %swap3A_327 = arith.constant 0 : index
    %swap3A_328 = vector.load %arg6[%swap3A_325, %swap3A_326, %swap3A_327] : memref<50x16x128xf32, #tpu.memory_space<vmem>>, vector<1x16x128xf32>
    %swap3A_329 = vector.shape_cast %swap3A_328 : vector<1x16x128xf32> to vector<16x128xf32>
    %swap3A_330 = vector.shape_cast %slice3A_324 : vector<16x128xf32> to vector<1x16x128xf32>
    tpu.vector_store %arg6[%swap3A_325, %swap3A_326, %swap3A_327], %swap3A_330 {strides = array<i32>} : memref<50x16x128xf32, #tpu.memory_space<vmem>>, vector<1x16x128xf32>,
    %slice3A_331 = vector.extract_strided_slice %dot_general3A_16 {offsets = [0, 5760], sizes = [16, 128], strides = [1, 1]} : vector<16x6400xf32> to vector<16x128xf32>
    %swap3A_332 = arith.constant 45 : index
    %swap3A_333 = arith.constant 0 : index
    %swap3A_334 = arith.constant 0 : index
    %swap3A_335 = vector.load %arg6[%swap3A_332, %swap3A_333, %swap3A_334] : memref<50x16x128xf32, #tpu.memory_space<vmem>>, vector<1x16x128xf32>
    %swap3A_336 = vector.shape_cast %swap3A_335 : vector<1x16x128xf32> to vector<16x128xf32>
    %swap3A_337 = vector.shape_cast %slice3A_331 : vector<16x128xf32> to vector<1x16x128xf32>
    tpu.vector_store %arg6[%swap3A_332, %swap3A_333, %swap3A_334], %swap3A_337 {strides = array<i32>} : memref<50x16x128xf32, #tpu.memory_space<vmem>>, vector<1x16x128xf32>,
    %slice3A_338 = vector.extract_strided_slice %dot_general3A_16 {offsets = [0, 5888], sizes = [16, 128], strides = [1, 1]} : vector<16x6400xf32> to vector<16x128xf32>
    %swap3A_339 = arith.constant 46 : index
    %swap3A_340 = arith.constant 0 : index
    %swap3A_341 = arith.constant 0 : index
    %swap3A_342 = vector.load %arg6[%swap3A_339, %swap3A_340, %swap3A_341] : memref<50x16x128xf32, #tpu.memory_space<vmem>>, vector<1x16x128xf32>
    %swap3A_343 = vector.shape_cast %swap3A_342 : vector<1x16x128xf32> to vector<16x128xf32>
    %swap3A_344 = vector.shape_cast %slice3A_338 : vector<16x128xf32> to vector<1x16x128xf32>
    tpu.vector_store %arg6[%swap3A_339, %swap3A_340, %swap3A_341], %swap3A_344 {strides = array<i32>} : memref<50x16x128xf32, #tpu.memory_space<vmem>>, vector<1x16x128xf32>,
    %slice3A_345 = vector.extract_strided_slice %dot_general3A_16 {offsets = [0, 6016], sizes = [16, 128], strides = [1, 1]} : vector<16x6400xf32> to vector<16x128xf32>
    %swap3A_346 = arith.constant 47 : index
    %swap3A_347 = arith.constant 0 : index
    %swap3A_348 = arith.constant 0 : index
    %swap3A_349 = vector.load %arg6[%swap3A_346, %swap3A_347, %swap3A_348] : memref<50x16x128xf32, #tpu.memory_space<vmem>>, vector<1x16x128xf32>
    %swap3A_350 = vector.shape_cast %swap3A_349 : vector<1x16x128xf32> to vector<16x128xf32>
    %swap3A_351 = vector.shape_cast %slice3A_345 : vector<16x128xf32> to vector<1x16x128xf32>
    tpu.vector_store %arg6[%swap3A_346, %swap3A_347, %swap3A_348], %swap3A_351 {strides = array<i32>} : memref<50x16x128xf32, #tpu.memory_space<vmem>>, vector<1x16x128xf32>,
    %slice3A_352 = vector.extract_strided_slice %dot_general3A_16 {offsets = [0, 6144], sizes = [16, 128], strides = [1, 1]} : vector<16x6400xf32> to vector<16x128xf32>
    %swap3A_353 = arith.constant 48 : index
    %swap3A_354 = arith.constant 0 : index
    %swap3A_355 = arith.constant 0 : index
    %swap3A_356 = vector.load %arg6[%swap3A_353, %swap3A_354, %swap3A_355] : memref<50x16x128xf32, #tpu.memory_space<vmem>>, vector<1x16x128xf32>
    %swap3A_357 = vector.shape_cast %swap3A_356 : vector<1x16x128xf32> to vector<16x128xf32>
    %swap3A_358 = vector.shape_cast %slice3A_352 : vector<16x128xf32> to vector<1x16x128xf32>
    tpu.vector_store %arg6[%swap3A_353, %swap3A_354, %swap3A_355], %swap3A_358 {strides = array<i32>} : memref<50x16x128xf32, #tpu.memory_space<vmem>>, vector<1x16x128xf32>,
    %slice3A_359 = vector.extract_strided_slice %dot_general3A_16 {offsets = [0, 6272], sizes = [16, 128], strides = [1, 1]} : vector<16x6400xf32> to vector<16x128xf32>
    %swap3A_360 = arith.constant 49 : index
    %swap3A_361 = arith.constant 0 : index
    %swap3A_362 = arith.constant 0 : index
    %swap3A_363 = vector.load %arg6[%swap3A_360, %swap3A_361, %swap3A_362] : memref<50x16x128xf32, #tpu.memory_space<vmem>>, vector<1x16x128xf32>
    %swap3A_364 = vector.shape_cast %swap3A_363 : vector<1x16x128xf32> to vector<16x128xf32>
    %swap3A_365 = vector.shape_cast %slice3A_359 : vector<16x128xf32> to vector<1x16x128xf32>
    tpu.vector_store %arg6[%swap3A_360, %swap3A_361, %swap3A_362], %swap3A_365 {strides = array<i32>} : memref<50x16x128xf32, #tpu.memory_space<vmem>>, vector<1x16x128xf32>,
    return
  }
  func.func @transform_0(%arg0: i32) -> (i32, i32) {
    %c0_i32 = arith.constant 0 : i32
    %c0_i32_0 = arith.constant 0 : i32
    return %c0_i32, %arg0 : i32, i32
  }
  func.func @transform_1(%arg0: i32) -> (i32, i32) {
    %c0_i32 = arith.constant 0 : i32
    %c0_i32_0 = arith.constant 0 : i32
    %c0_i32_1 = arith.constant 0 : i32
    return %c0_i32, %c0_i32_0 : i32, i32
  }
  func.func @transform_2(%arg0: i32) -> (i32, i32) {
    %c0_i32 = arith.constant 0 : i32
    %c0_i32_0 = arith.constant 0 : i32
    %c0_i32_1 = arith.constant 0 : i32
    return %c0_i32, %c0_i32_0 : i32, i32
  }
  func.func @transform_3(%arg0: i32) -> (i32, i32) {
    %c0_i32 = arith.constant 0 : i32
    %c0_i32_0 = arith.constant 0 : i32
    %c0_i32_1 = arith.constant 0 : i32
    return %c0_i32, %c0_i32_0 : i32, i32
  }
  func.func @transform_4(%arg0: i32) -> (i32, i32) {
    %c0_i32 = arith.constant 0 : i32
    %c0_i32_0 = arith.constant 0 : i32
    return %arg0, %c0_i32 : i32, i32
  }
  func.func @transform_5(%arg0: i32) -> (i32, i32, i32) {
    %c0_i32 = arith.constant 0 : i32
    %c0_i32_0 = arith.constant 0 : i32
    %c0_i32_1 = arith.constant 0 : i32
    return %arg0, %c0_i32, %c0_i32_0 : i32, i32, i32
  }
}

module attributes {stable_mosaic.version = 14 : i64} {
  func.func @_final_body(%arg0: i32, %arg1: memref<2x1000x144xf32, #tpu.memory_space<vmem>>, %arg2: memref<1x2x16x1000xf32, #tpu.memory_space<vmem>>, %arg3: memref<144x128xf32, #tpu.memory_space<vmem>>, %arg4: memref<1x128xf32, #tpu.memory_space<vmem>>, %arg5: memref<1000x128xf32, #tpu.memory_space<vmem>>) attributes {dimension_semantics = [#tpu.dimension_semantics<arbitrary>], iteration_bounds = array<i64: 10>, scalar_prefetch = 0 : i64, scratch_operands = 0 : i64, tpu.core_type = #tpu.core_type<tc>, window_params = [{transform_indices = @transform_0, window_bounds = array<i64: 2, 1000, 144>}, {transform_indices = @transform_1, window_bounds = array<i64: 1, 2, 16, 1000>}, {pipeline_mode = #tpu.pipeline_mode<synchronous>, transform_indices = @transform_2, window_bounds = array<i64: 144, 128>}, {pipeline_mode = #tpu.pipeline_mode<synchronous>, transform_indices = @transform_3, window_bounds = array<i64: 1, 128>}, {transform_indices = @transform_4, window_bounds = array<i64: 1000, 128>}]} {
    %get3A = arith.constant 0 : index
    %get3A_0 = arith.constant 0 : index
    %get3A_1 = arith.constant 0 : index
    %get3A_2 = vector.load %arg1[%get3A, %get3A_0, %get3A_1] : memref<2x1000x144xf32, #tpu.memory_space<vmem>>, vector<1x1000x144xf32>
    %get3A_3 = vector.shape_cast %get3A_2 : vector<1x1000x144xf32> to vector<1000x144xf32>
    %get3A_4 = arith.constant 1 : index
    %get3A_5 = arith.constant 0 : index
    %get3A_6 = arith.constant 0 : index
    %get3A_7 = vector.load %arg1[%get3A_4, %get3A_5, %get3A_6] : memref<2x1000x144xf32, #tpu.memory_space<vmem>>, vector<1x1000x144xf32>
    %get3A_8 = vector.shape_cast %get3A_7 : vector<1x1000x144xf32> to vector<1000x144xf32>
    %add3A = arith.addf %get3A_3, %get3A_8 : vector<1000x144xf32>
    %get3A_9 = arith.constant 0 : index
    %get3A_10 = arith.constant 0 : index
    %get3A_11 = arith.constant 0 : index
    %get3A_12 = arith.constant 0 : index
    %get3A_13 = vector.load %arg2[%get3A_9, %get3A_10, %get3A_11, %get3A_12] : memref<1x2x16x1000xf32, #tpu.memory_space<vmem>>, vector<1x2x16x1000xf32>
    %get3A_14 = vector.shape_cast %get3A_13 : vector<1x2x16x1000xf32> to vector<2x16x1000xf32>
    %reduce_sum3A = arith.constant dense<0.000000e+00> : vector<1000xf32>
    %reduce_sum3A_15 = vector.multi_reduction <add>, %get3A_14, %reduce_sum3A [0, 1] : vector<2x16x1000xf32> to vector<1000xf32>
    %max3A = arith.constant 1.000000e+00 : f32
    %max3A_16 = vector.broadcast %max3A : f32 to vector<1000xf32>
    %max3A_17 = arith.maximumf %reduce_sum3A_15, %max3A_16 : vector<1000xf32>
    %broadcast_in_dim3A = vector.shape_cast %max3A_17 : vector<1000xf32> to vector<1000x1xf32>
    %div3A = vector.broadcast %broadcast_in_dim3A : vector<1000x1xf32> to vector<1000x144xf32>
    %div3A_18 = arith.divf %add3A, %div3A : vector<1000x144xf32>
    %get3A_19 = arith.constant 0 : index
    %get3A_20 = arith.constant 0 : index
    %get3A_21 = vector.load %arg3[%get3A_19, %get3A_20] : memref<144x128xf32, #tpu.memory_space<vmem>>, vector<144x128xf32>
    %dot_general3A = arith.constant dense<0.000000e+00> : vector<1000x128xf32>
    %dot_general3A_22 = tpu.matmul %div3A_18, %get3A_21, %dot_general3A {dimension_numbers = #tpu.dot_dimension_numbers<[1], [0], [0], [1], [0, 0, 1, 1], [], []>, transpose_lhs_hint = false} : vector<1000x144xf32>, vector<144x128xf32>, vector<1000x128xf32> -> vector<1000x128xf32>
    %get3A_23 = arith.constant 0 : index
    %get3A_24 = arith.constant 0 : index
    %get3A_25 = vector.load %arg4[%get3A_23, %get3A_24] : memref<1x128xf32, #tpu.memory_space<vmem>>, vector<1x128xf32>
    %add3A_26 = vector.broadcast %get3A_25 : vector<1x128xf32> to vector<1000x128xf32>
    %add3A_27 = arith.addf %dot_general3A_22, %add3A_26 : vector<1000x128xf32>
    %max3A_28 = arith.constant 0.000000e+00 : f32
    %max3A_29 = vector.broadcast %max3A_28 : f32 to vector<1000x128xf32>
    %max3A_30 = arith.maximumf %add3A_27, %max3A_29 : vector<1000x128xf32>
    %swap3A = arith.constant 0 : index
    %swap3A_31 = arith.constant 0 : index
    %swap3A_32 = vector.load %arg5[%swap3A, %swap3A_31] : memref<1000x128xf32, #tpu.memory_space<vmem>>, vector<1000x128xf32>
    tpu.vector_store %arg5[%swap3A, %swap3A_31], %max3A_30 {strides = array<i32>} : memref<1000x128xf32, #tpu.memory_space<vmem>>, vector<1000x128xf32>,
    return
  }
  func.func @transform_0(%arg0: i32) -> (i32, i32, i32) {
    %c0_i32 = arith.constant 0 : i32
    %c0_i32_0 = arith.constant 0 : i32
    %c0_i32_1 = arith.constant 0 : i32
    return %c0_i32, %arg0, %c0_i32_0 : i32, i32, i32
  }
  func.func @transform_1(%arg0: i32) -> (i32, i32, i32, i32) {
    %c0_i32 = arith.constant 0 : i32
    %c0_i32_0 = arith.constant 0 : i32
    %c0_i32_1 = arith.constant 0 : i32
    %c0_i32_2 = arith.constant 0 : i32
    return %arg0, %c0_i32, %c0_i32_0, %c0_i32_1 : i32, i32, i32, i32
  }
  func.func @transform_2(%arg0: i32) -> (i32, i32) {
    %c0_i32 = arith.constant 0 : i32
    %c0_i32_0 = arith.constant 0 : i32
    %c0_i32_1 = arith.constant 0 : i32
    return %c0_i32, %c0_i32_0 : i32, i32
  }
  func.func @transform_3(%arg0: i32) -> (i32, i32) {
    %c0_i32 = arith.constant 0 : i32
    %c0_i32_0 = arith.constant 0 : i32
    %c0_i32_1 = arith.constant 0 : i32
    return %c0_i32, %c0_i32_0 : i32, i32
  }
  func.func @transform_4(%arg0: i32) -> (i32, i32) {
    %c0_i32 = arith.constant 0 : i32
    %c0_i32_0 = arith.constant 0 : i32
    return %arg0, %c0_i32 : i32, i32
  }
}

</mosaic_0001>

<sc_bundles>
// kernel: kernel.6.cloned.1.call-start
scs
__scs_entry_jumppad:
0x0: {  	(pc) =	sbr.rel $0x88, $3  }
0x1: {  	(tag) =	ssettag $0x0;
	lr =	simm.s32 $0x1  }
0x2: {  	[smem:$0x3F9A] =	sst lr;
	_ =	strace $0xD0000000  }
0x3: {  	_ = 	snop  }
0x4: {  	_ = 	snop  }
0x5: {  	_ = 	snop  }
0x6: {  	_ = 	snop  }
0x7: {  	_ = 	snop  }
__scs_overlays_trampoline_lowered:
0x8: {  	[smem:$0x3FA9] =	sst s0  }
0x9: {  	[smem:$0x3FAA] =	sst s1  }
0xa: {  	[smem:$0x3FAB] =	sst s2  }
0xb: {  	[smem:$0x3FAC] =	sst s3  }
0xc: {  	[smem:$0x3FAD] =	sst s4  }
0xd: {  	[smem:$0x3FAE] =	sst s5  }
0xe: {  	[smem:$0x3FAF] =	sst s6  }
0xf: {  	[smem:$0x3FB0] =	sst s7  }
0x10: {  	[smem:$0x3FB1] =	sst s8  }
0x11: {  	[smem:$0x3FB2] =	sst s9;
	s0 =	simm.s32 @!p0 $0x0  }
0x12: {  	s1 =	sld [smem:$0x3F98];
	s0 =	simm.s32 @p0 $0x1  }
0x13: {  	[smem:$0x3FB3] =	sst s0;
	s0 =	simm.s32 @!p1 $0x0  }
0x14: {  	s2 =	sld [smem:$0x3F97];
	s0 =	simm.s32 @p1 $0x1  }
0x15: {  	[smem:$0x3FB4] =	sst s0;
	s0 =	simm.s32 @!p2 $0x0  }
0x16: {  	s3 =	sld [smem:$0x3FDB];
	s0 =	simm.s32 @p2 $0x1  }
0x17: {  	s4 =	simm.s32 $0x1BF5;
	[smem:$0x3FB6] =	sst s0  }
0x18: {  	s0 =	sld [smem:$0x3F99];
	_ =	swait.ge [sflag:s4], $0x0  }
0x19: {  	s7 =	sld [smem:$0x3F9A]  }
0x1a: {  	s8 =	sadd.s32 $0xFFFFE003, lr  }
0x1b: {  	s9 =	sadd.s32 $0xFFFFFEF7, lr;
	s5 =	simm.s32 $0xFFFFFFFF;
	p2 =	slt.u32 s8, $0xFFFFF086  }
0x1c: {  	p1 =	slt.u32 s9, $0xF7A;
	s5 =	simm.s32 @!p2 $0x0  }
0x1d: {  	s5 =	simm.s32 @p1 $0x1;
	p0 =	seq.s32 s7, s2  }
0x1e: {  	s7 =	smul.u32 @!p0 $0xF7A, s2;
	p2 =	seq.s32 @!p0 s5, $0x0  }
0x1f: {  	s9 =	smul.u32 $0xF7A, s1;
	s8 =	simm.s32 @!p0 $0x1BF5;
	p2 =	por !p2, p0  }
0x20: {  	[sflag:s8] =	ssyncset.s32 @!p0 $0xFFFFF086;
	s6 =	sadd.s32 @!p0 s3, s7;
	s7 =	simm.s32 @!p0 $0x108  }
0x21: {  	s3 =	sadd.s32 s3, s9;
	s6 =	sadd.s32 @!p0 $0x88, s6;
	s7 =	simm.s32 @p2 $0x1082  }
0x22: {  	[simem:s7], [sflag:s8] =	dma.local @!p0 [hbm:s6], $0xF7A  }
0x23: {  	s9 =	sor.u32 $0xD0000000, s2;
	s6 =	simm.s32 $0x108;
	_ =	swait.ge @!p0 [sflag:s8], $0x0  }
0x24: {  	s3 =	sadd.s32 $0x88, s3;
	s6 =	simm.s32 @!p1 $0x1082;
	[sflag:s4] =	ssyncset.s32 $0xFFFFF086  }
0x25: {  	[simem:s6], [sflag:s4] =	dma.local [hbm:s3], $0xF7A  }
0x26: {  	[smem:$0x3F9A] =	sst s1;
	(tag) =	ssettag s2;
	_ =	strace s9  }
0x27: {  	s1 =	sld [smem:$0x3FAA]  }
0x28: {  	s2 =	sld [smem:$0x3FAB]  }
0x29: {  	s4 =	sld [smem:$0x3FAD]  }
0x2a: {  	p0 =	seq.s32 s5, $0x0;
	s5 =	sld [smem:$0x3FAE]  }
0x2b: {  	s6 =	sld [smem:$0x3FAF]  }
0x2c: {  	s7 =	sld [smem:$0x3FB0]  }
0x2d: {  	s3 =	simm.s32 $0x108;
	s8 =	sld [smem:$0x3FB1]  }
0x2e: {  	s3 =	simm.s32 @!p0 $0x1082;
	s9 =	sld [smem:$0x3FB2]  }
0x2f: {  	lr =	sadd.s32 s0, s3;
	s0 =	sld [smem:$0x3FA9]  }
0x30: {  	s3 =	sld [smem:$0x3FAC]  }
0x31: {  	[smem:$0x3FB5] =	sst s10  }
0x32: {  	s10 =	sld [smem:$0x3FB3];
	_ =	sdelay $0x3  }
0x33: {  	p0 =	seq.s32 s10, $0x1;
	s10 =	sld [smem:$0x3FB5];
	_ =	sdelay $0x3  }
0x34: {  	[smem:$0x3FB5] =	sst s10  }
0x35: {  	s10 =	sld [smem:$0x3FB4];
	_ =	sdelay $0x3  }
0x36: {  	p1 =	seq.s32 s10, $0x1;
	s10 =	sld [smem:$0x3FB5];
	_ =	sdelay $0x3  }
0x37: {  	[smem:$0x3FB5] =	sst s10  }
0x38: {  	s10 =	sld [smem:$0x3FB6]  }
0x39: {  	_ = 	snop;
	(pc) =	sbr.ind lr, $3  }
0x3a: {  	_ = 	snop  }
0x3b: {  	_ = 	snop  }
0x3c: {  	p2 =	seq.s32 s10, $0x1;
	s10 =	sld [smem:$0x3FB5]  }
0x3d: {  	_ =	shalt  }
0x3e: {  	_ =	shalt  }
0x3f: {  	_ =	shalt  }
0x40: {  	_ =	shalt  }
0x41: {  	_ =	shalt  }
0x42: {  	_ =	shalt  }
0x43: {  	_ =	shalt  }
0x44: {  	_ =	shalt  }
0x45: {  	_ =	shalt  }
0x46: {  	_ =	shalt  }
0x47: {  	_ =	shalt  }
0x48: {  	_ =	shalt  }
0x49: {  	_ =	shalt  }
0x4a: {  	_ =	shalt  }
0x4b: {  	_ =	shalt  }
0x4c: {  	_ =	shalt  }
0x4d: {  	_ =	shalt  }
0x4e: {  	_ =	shalt  }
0x4f: {  	_ =	shalt  }
0x50: {  	_ =	shalt  }
0x51: {  	_ =	shalt  }
0x52: {  	_ =	shalt  }
0x53: {  	_ =	shalt  }
0x54: {  	_ =	shalt  }
0x55: {  	_ =	shalt  }
0x56: {  	_ =	shalt  }
0x57: {  	_ =	shalt  }
0x58: {  	_ =	shalt  }
0x59: {  	_ =	shalt  }
0x5a: {  	_ =	shalt  }
0x5b: {  	_ =	shalt  }
0x5c: {  	_ =	shalt  }
0x5d: {  	_ =	shalt  }
0x5e: {  	_ =	shalt  }
0x5f: {  	_ =	shalt  }
0x60: {  	_ =	shalt  }
0x61: {  	_ =	shalt  }
0x62: {  	_ =	shalt  }
0x63: {  	_ =	shalt  }
0x64: {  	_ =	shalt  }
0x65: {  	_ =	shalt  }
0x66: {  	_ =	shalt  }
0x67: {  	_ =	shalt  }
0x68: {  	_ =	shalt  }
0x69: {  	_ =	shalt  }
0x6a: {  	_ =	shalt  }
0x6b: {  	_ =	shalt  }
0x6c: {  	_ =	shalt  }
0x6d: {  	_ =	shalt  }
0x6e: {  	_ =	shalt  }
0x6f: {  	_ =	shalt  }
0x70: {  	_ =	shalt  }
0x71: {  	_ =	shalt  }
0x72: {  	_ =	shalt  }
0x73: {  	_ =	shalt  }
0x74: {  	_ =	shalt  }
0x75: {  	_ =	shalt  }
0x76: {  	_ =	shalt  }
0x77: {  	_ =	shalt  }
0x78: {  	_ =	shalt  }
0x79: {  	_ =	shalt  }
0x7a: {  	_ =	shalt  }
0x7b: {  	_ =	shalt  }
0x7c: {  	_ =	shalt  }
0x7d: {  	_ =	shalt  }
0x7e: {  	_ =	shalt  }
0x7f: {  	_ =	shalt  }
0x80: {  	_ =	shalt  }
0x81: {  	_ =	shalt  }
0x82: {  	_ =	shalt  }
0x83: {  	_ =	shalt  }
0x84: {  	_ =	shalt  }
0x85: {  	_ =	shalt  }
0x86: {  	_ =	shalt  }
0x87: {  	_ =	shalt  }
.Lfunc_end0:
.L_simem_size_0:
called_computation_lowered:
.L_overlay_start_0:
0x88: {  	s2 =	sld [smem:$0x3FD9]  }
0x89: {  	s3 =	sld [smem:$0x3FFE];
	_ =	sdelay $0x1  }
0x8a: {  	s1 =	srdreg.scid  }
0x8b: {  	s0 =	sand.u32 $0x1, s1  }
0x8c: {  	s17 =	sshll.u32 s0, $0xA;
	s2 =	sadd.s32 s3, s2  }
0x8d: {  	s2 =	sadd.s32 s2, s17  }
0x8e: {  	[smem:$0x3FC1] =	sst s2  }
0x8f: {  	_ = 	snop  }
0x90: {  	s2 =	sld [smem:$0x3FD0];
	(tm) =	ssettm $0x1  }
0x91: {  	s18 =	sld [smem:$0x3FFB];
	_ =	sdelay $0x3  }
0x92: {  	_ =	strace s18  }
0x93: {  	s3 =	sld [smem:$0x3FFC];
	_ =	sdelay $0x3  }
0x94: {  	_ =	strace s3  }
0x95: {  	s3 =	sld [smem:$0x3FFD];
	_ =	sdelay $0x3  }
0x96: {  	_ =	strace s3  }
0x97: {  	_ =	strace $0x8FFFFFFF  }
0x98: {  	s19 =	sld [smem:$0x3FDB];
	_ =	sdelay $0x1  }
0x99: {  	s4 =	simm.s32 $_scs_section_size  }
0x9a: {  	s5 =	simm.s32 $_size__tile_overlayer_lowered;
	s6 =	simm.s32 $_tile_overlayer_lowered  }
0x9b: {  	s22 =	simm.s32 $0x1BFF;
	s21 =	sshll.u32 s6, $0x1;
	s3 =	sadd.s32 s4, s19  }
0x9c: {  	s7 =	simm.s32 $0x0;
	s20 =	sshll.u32 s5, $0x1;
	s5 =	sadd.s32 s21, s3  }
0x9d: {  	[timem:s7], [sflag:s22] =	dma.local [hbm:s5], s20  }
0x9e: {  	_ =	swait.ge [sflag:s22], s20  }
0x9f: {  	s4 =	ssub.s32 $0x0, s20;
	[sflag:s22] =	ssyncset.done $0x0  }
0xa0: {  	[sflag:s22] =	ssyncadd.s32 s4;
	_ =	sdelay $0x1  }
0xa1: {  	s23 =	simm.s32 $0x1B8B  }
0xa2: {  	_ =	swait.ge [sflag:s23], $0x1  }
0xa3: {  	[sflag:s23] =	ssyncset.done $0x0  }
0xa4: {  	s25 =	simm.s32 $0x1B8E;
	s24 =	sld [smem:$0x3FFE];
	[sflag:s23] =	ssyncadd.s32 $0xFFFFFFFF  }
0xa5: {  	s26 =	simm.s32 $execute0_lowered;
	[smem:$0x3FD2] =	sst s25  }
0xa6: {  	s5 =	sshll.u32 s26, $0x1;
	_ =	strace $0x80000046;
	[dreg:$0x1] =	wrdreg $0xFFFFFFFF  }
0xa7: {  	s28 =	simm.s32 $_size_execute0_lowered;
	s3 =	sadd.s32 s3, s5;
	[dreg:$0x0] =	wrdreg $0x0  }
0xa8: {  	s5 =	sshll.u32 s28, $0x1;
	[dreg:$0x2] =	wrdreg s3  }
0xa9: {  	[dreg:$0x3] =	wrdreg s5  }
0xaa: {  	[dreg:$0x4] =	wrdreg $0xC0  }
0xab: {  	_ =	task [dreg:s7], $0x5FFFF  }
0xac: {  	[dreg:$0x1] =	wrdreg $0xFFFFFFFF  }
0xad: {  	[dreg:$0x0] =	wrdreg $0x60  }
0xae: {  	[dreg:$0x2] =	wrdreg s24  }
0xaf: {  	[dreg:$0x3] =	wrdreg s2  }
0xb0: {  	[dreg:$0x4] =	wrdreg $0x0  }
0xb1: {  	[dreg:$0x5] =	wrdreg $0x9  }
0xb2: {  	_ =	task.clear_ibuf [dreg:s7], $0x6FFFF;
	_ =	strace $0x90000046  }
0xb3: {  	s29 =	simm.s32 $0x9;
	_ =	strace $0x80000048  }
0xb4: {  	_ =	swait.ge [sflag:s29], $0x1  }
0xb5: {  	[sflag:s29] =	ssyncadd.s32 $0xFFFFFFFF  }
0xb6: {  	_ =	strace $0x90000048  }
0xb7: {  	_ =	sfence  }
0xb8: {  	s30 =	sld [smem:$0x0];
	_ =	sdelay $0x2  }
0xb9: {  	s31 =	sshll.u32 s1, $0xD;
	s1 =	sshrl.u32 s1, $0x2  }
0xba: {  	s3 =	sand.u32 $0x4000, s31;
	s1 =	sadd.s32 s1, s30  }
0xbb: {  	s0 =	sor.u32 s3, s0;
	s1 =	sshll.u32 s1, $0x11  }
0xbc: {  	s0 =	sor.u32 s1, s0  }
0xbd: {  	s0 =	sadd.s32 $0x8F2B, s0  }
0xbe: {  	[sflag:s0] =	ssyncadd.remote.s32 $0x1  }
0xbf: {  	_ =	sfence.sel $0xFFFF  }
0xc0: {  	[dreg:$0x0] =	wrdreg $0xFFFFFFFF;
	(pc) =	sbr.abs _section_cstart, $3  }
0xc1: {  	[dreg:$0x1] =	wrdreg $0xFFFFFFFF  }
0xc2: {  	_ =	task.clear_ibuf [dreg:s7], $0x2FFFF;
	_ =	strace $0x9FFFFFFF  }
0xc3: {  	(tm) =	ssettm $0x7FFFFFFF  }
tec
execute0_lowered:
.L_overlay_start_1:
0x0: {  	(tag) =	ssettag $0x1  }
0x1: {  	s0 =	rddreg [dreg:$0x0];
	s9 =	stileid.u32  }
0x2: {  	s1 =	simm.s32 $0x0;
	s2 =	srdreg.scid;
	s3 =	smul.u32 $0x2710, s9  }
0x3: {  	[smem:$0x7FF] =	sst s1;
	s7 =	sand.u32 $0x1, s2;
	s4 =	smul.u32 $0x15F90, s9  }
0x4: {  	s13 =	sadd.s32 $0x5BE600, s0;
	s2 =	smul.u32 $0x27100, s7;
	s5 =	ssub.s32 $0x2, s7  }
0x5: {  	s8 =	sshll.u32 s7, $0x4;
	s15 =	smul.u32 $0x15F900, s7;
	s6 =	sshrl.u32 s5, $0x1  }
0x6: {  	s7 =	sadd.s32 $0x4380, s4;
	s10 =	sadd.s32 $0x8700, s4;
	s11 =	sadd.s32 $0x9D80, s4  }
0x7: {  	s12 =	sadd.s32 $0xB400, s4;
	s21 =	sadd.s32 s3, s2;
	s3 =	ssub.s32 s5, s6  }
0x8: {  	s2 =	sor.u32 s9, s8;
	s5 =	sadd.s32 $0x1680, s4;
	s6 =	sadd.s32 $0x2D00, s4  }
0x9: {  	s8 =	sadd.s32 $0x5A00, s4;
	s9 =	sadd.s32 $0x7080, s4;
	s14 =	sadd.s32 s4, s15  }
0xa: {  	s18 =	sadd.s32 s15, s7;
	s23 =	sadd.s32 s15, s10;
	s24 =	sadd.s32 s15, s11  }
0xb: {  	s16 =	sshrl.u32 s14, $0x3;
	s17 =	sadd.s32 s15, s5;
	s14 =	sadd.s32 $0xCA80, s4  }
0xc: {  	s22 =	sadd.s32 s15, s9;
	s16 =	sadd.s32 s13, s16;
	s26 =	sshrl.u32 s17, $0x3  }
0xd: {  	s17 =	sadd.s32 s15, s6;
	[dreg:$0x5] =	wrdreg s16;
	s16 =	sadd.s32 s13, s26  }
0xe: {  	s26 =	sshrl.u32 s24, $0x3;
	[dreg:$0x6] =	wrdreg s16;
	s16 =	sshrl.u32 s17, $0x3  }
0xf: {  	s17 =	sshrl.u32 s18, $0x3;
	s18 =	sadd.s32 s15, s8;
	s16 =	sadd.s32 s13, s16  }
0x10: {  	s19 =	sadd.s32 s13, s17;
	s20 =	sshrl.u32 s18, $0x3;
	[dreg:$0x7] =	wrdreg s16  }
0x11: {  	s17 =	sshrl.u32 s23, $0x3;
	[dreg:$0x8] =	wrdreg s19;
	s16 =	sadd.s32 s13, s20  }
0x12: {  	s25 =	sadd.s32 s13, s17;
	[dreg:$0x9] =	wrdreg s16;
	s16 =	sshrl.u32 s22, $0x3  }
0x13: {  	s18 =	sadd.s32 s15, s14;
	[dreg:$0xb] =	wrdreg s25;
	s16 =	sadd.s32 s13, s16  }
0x14: {  	s17 =	sadd.s32 s15, s12;
	[dreg:$0xa] =	wrdreg s16;
	s16 =	sadd.s32 s13, s26  }
0x15: {  	[dreg:$0xc] =	wrdreg s16;
	s16 =	sshrl.u32 s17, $0x3;
	s17 =	sshrl.u32 s18, $0x3  }
0x16: {  	s18 =	sadd.s32 $0xE100, s4;
	s16 =	sadd.s32 s13, s16;
	s19 =	sadd.s32 s13, s17  }
0x17: {  	s20 =	sadd.s32 s15, s18;
	s17 =	sadd.s32 $0xF780, s4;
	[dreg:$0xd] =	wrdreg s16  }
0x18: {  	[dreg:$0xe] =	wrdreg s19;
	s16 =	sshrl.u32 s20, $0x3;
	s19 =	sadd.s32 $0x10E00, s4  }
0x19: {  	s22 =	sadd.s32 s15, s17;
	s16 =	sadd.s32 s13, s16;
	s20 =	sadd.s32 s15, s19  }
0x1a: {  	[dreg:$0xf] =	wrdreg s16;
	s16 =	sshrl.u32 s22, $0x3;
	s20 =	sshrl.u32 s20, $0x3  }
0x1b: {  	s22 =	sadd.s32 $0x12480, s4;
	s16 =	sadd.s32 s13, s16;
	s23 =	sadd.s32 s13, s20  }
0x1c: {  	s24 =	sadd.s32 s15, s22;
	s20 =	sadd.s32 $0x13B00, s4;
	[dreg:$0x10] =	wrdreg s16  }
0x1d: {  	[dreg:$0x11] =	wrdreg s23;
	s16 =	sshrl.u32 s24, $0x3;
	s23 =	sadd.s32 $0x15180, s4  }
0x1e: {  	s25 =	sadd.s32 s15, s20;
	s16 =	sadd.s32 s13, s16;
	s15 =	sadd.s32 s15, s23  }
0x1f: {  	[dreg:$0x12] =	wrdreg s16;
	s16 =	sshrl.u32 s25, $0x3;
	s15 =	sshrl.u32 s15, $0x3  }
0x20: {  	s16 =	sadd.s32 s13, s16;
	s13 =	sadd.s32 s13, s15;
	s15 =	rddreg [dreg:$0x1]  }
0x21: {  	[dreg:$0x13] =	wrdreg s16  }
0x22: {  	[dreg:$0x14] =	wrdreg s13  }
0x23: {  	s28 =	simm.s32 $0x19880;
	s16 =	rddreg [dreg:$0x2];
	_ =	strace $0x80000047  }
0x24: {  	s29 =	sadd.s32 s5, s16;
	s5 =	sadd.s32 s6, s16;
	[dreg:$0x4] =	wrdreg s21  }
0x25: {  	s30 =	simm.s32 $0x28;
	s6 =	sadd.s32 s9, s16;
	[dreg:$0x17] =	wrdreg s5  }
0x26: {  	s24 =	smul.u32 $0x2710, s2;
	s9 =	sadd.s32 s10, s16;
	[dreg:$0x1a] =	wrdreg s6  }
0x27: {  	s31 =	simm.s32 $0x2;
	s10 =	sadd.s32 s11, s16;
	[dreg:$0x1b] =	wrdreg s9  }
0x28: {  	s26 =	sand.u32 $0x70, s24;
	s11 =	sadd.s32 s14, s16;
	[dreg:$0x1c] =	wrdreg s10  }
0x29: {  	s25 =	sadd.s32 $0x28, s24;
	s14 =	sadd.s32 s18, s16;
	[dreg:$0x1e] =	wrdreg s11  }
0x2a: {  	p0 =	slt.u32 s26, $0x59;
	s17 =	sadd.s32 s17, s16;
	[dreg:$0x1f] =	wrdreg s14  }
0x2b: {  	s26 =	sand.u32 $0x78, s25;
	s18 =	sadd.s32 s19, s16;
	[smem:$0x7E8] =	sst s17  }
0x2c: {  	p1 =	slt.u32 s26, $0x59;
	s19 =	sadd.s32 s22, s16;
	[smem:$0x7E9] =	sst s18  }
0x2d: {  	s26 =	sshrl.u32 s21, $0x3;
	s22 =	sadd.s32 s23, s16;
	[smem:$0x7EA] =	sst s19  }
0x2e: {  	s13 =	sadd.s32 s26, s0;
	s26 =	sadd.s32 s4, s16;
	[smem:$0x7EB] =	sst s22  }
0x2f: {  	s7 =	sadd.s32 s7, s16;
	s8 =	sadd.s32 s8, s16;
	[dreg:$0x15] =	wrdreg s26  }
0x30: {  	s12 =	sadd.s32 s12, s16;
	s20 =	sadd.s32 s20, s16;
	[dreg:$0x16] =	wrdreg s29  }
0x31: {  	s23 =	smul.u32 $0x27100, s2;
	s9 =	sadd.s32 $0x600, s0;
	[dreg:$0x18] =	wrdreg s7  }
0x32: {  	s6 =	sshrl.u32 s24, $0x3;
	s14 =	smul.u32 $0x138800, s2;
	[dreg:$0x19] =	wrdreg s8  }
0x33: {  	s2 =	smul.u32 $0x4E20, s2;
	s10 =	sadd.s32 $0x36400, s0;
	[dreg:$0x1d] =	wrdreg s12  }
0x34: {  	s19 =	sshrl.u32 s25, $0x3;
	[smem:$0x7FD] =	sst s20;
	s16 =	sadd.s32 s9, s6  }
0x35: {  	s11 =	smov.u32 s25;
	s5 =	sadd.s32 s15, s6;
	[smem:$0x7EC] =	sst s16  }
0x36: {  	s4 =	sadd.s32 s10, s23;
	s22 =	sadd.s32 s9, s19;
	[smem:$0x7ED] =	sst s5  }
0x37: {  	s23 =	sshll.u32 s25, $0x4;
	s6 =	sshll.u32 s25, $0x1;
	[smem:$0x7EE] =	sst s4  }
0x38: {  	s25 =	sadd.s32 $0x28, s21;
	s17 =	sshrl.u32 s14, $0x3;
	[smem:$0x7F1] =	sst s22  }
0x39: {  	s2 =	sand.u32 $0xFFF00, s2;
	s5 =	sadd.s32 s15, s19;
	[smem:$0x7FC] =	sst s25  }
0x3a: {  	s14 =	sadd.s32 $0x518400, s0;
	s22 =	sadd.s32 $0x78, s24;
	[smem:$0x7F2] =	sst s5  }
0x3b: {  	s16 =	sadd.s32 $0x518500, s0;
	s18 =	sadd.s32 s14, s2;
	[smem:$0x7F9] =	sst s22  }
0x3c: {  	s19 =	sadd.s32 $0xA400, s0;
	s2 =	sadd.s32 s2, s16;
	[smem:$0x7EF] =	sst s18  }
0x3d: {  	s4 =	sadd.s32 s10, s17;
	[smem:$0x7F0] =	sst s2;
	s2 =	sadd.s32 s10, s23  }
0x3e: {  	s5 =	simm.s32 $0x4;
	s15 =	sadd.s32 $0x140, s4;
	[smem:$0x7F3] =	sst s2  }
0x3f: {  	s4 =	sadd.s32 $0x3C0, s4;
	s18 =	sadd.s32 $0x50, s24;
	[smem:$0x7F4] =	sst s15  }
0x40: {  	s23 =	sadd.s32 $0x5B4800, s13;
	s24 =	smax.u32 s3, $0x1;
	[smem:$0x7F5] =	sst s4  }
0x41: {  	s13 =	simm.s32 $0x1A880;
	s3 =	simm.s32 $0x1D580;
	[smem:$0x7F8] =	sst s18  }
.Ltmp0:
0x42: {  	s2 =	sand.u32 $0x1FFF00, s6;
	[smem:$0x7FA] =	sst s23;
	(pc) =	sbr.rel .LBB2_1-.Ltmp0, $4  }
0x43: {  	[smem:$0x7FB] =	sst s24;
	s15 =	simm.s32 $0x7;
	s17 =	sadd.s32 s14, s2  }
0x44: {  	s23 =	simm.s32 $0x15FB8;
	s2 =	sadd.s32 s2, s16;
	[smem:$0x7F6] =	sst s17  }
0x45: {  	v0 =	vimm.f32 $0.0e+00;
	v1 =	vlaneseq.u32;
	s18 =	simm.s32 $0x1BF00;
	s6 =	simm.s32 $0x0;
	[smem:$0x7F7] =	sst s2  }
0x46: {  	v2 =	vimm.f32 $1.000000000e+00;
	vm0 =	vcmask $0x3F20;
	v1 =	vmul.u32 $0x80, v1;
	s2 =	sadd.s32 $0x36540, s0;
	s17 =	simm.s32 $0x18880;
	s0 =	simm.s32 $0x3  }
.LBB2_12:
0x47: {  	s4 =	simm.s32 $0x5  }
0x48: {  	_ =	swait.ge [sflag:s4], $0x1680  }
0x49: {  	[sflag:s4] =	ssyncset.done $0x0  }
0x4a: {  	s24 =	simm.s32 $0x6;
	[sflag:s4] =	ssyncadd.s32 $0xFFFFE980  }
0x4b: {  	_ =	swait.ge [sflag:s24], $0x1680  }
0x4c: {  	[sflag:s24] =	ssyncset.done $0x0  }
0x4d: {  	[sflag:s24] =	ssyncadd.s32 $0xFFFFE980  }
0x4e: {  	[bflag:$0x0] =	sbarrier.arrive $0xFFFF  }
0x4f: {  	s26 =	rddreg [dreg:$0x15]  }
0x50: {  	[tilespmem:s13], [sflag:$0x7] =	stream.linear.gather [spmem:s26], $0x1680, $0x38;
	[tilespmem:$0x1FC90] =	vst v63  }
0x51: {  	_ =	swait.ge [sflag:s15], $0x1680  }
0x52: {  	[sflag:s15] =	ssyncset.done $0x0  }
0x53: {  	s25 =	rddreg [dreg:$0x5];
	[sflag:s15] =	ssyncadd.s32 $0xFFFFE980  }
0x54: {  	[hbm4b:s25+s1] =	stream.linear.scatter [tilespmem:s13], [sflag:$0x7], $0x1680, $0x38;
	[tilespmem:$0x1FC90] =	vst v63  }
0x55: {  	_ =	swait.ge [sflag:s15], $0x1680  }
0x56: {  	[sflag:s15] =	ssyncset.done $0x0  }
0x57: {  	s29 =	rddreg [dreg:$0x16];
	[sflag:s15] =	ssyncadd.s32 $0xFFFFE980  }
0x58: {  	[tilespmem:s13], [sflag:$0x7] =	stream.linear.gather [spmem:s29], $0x1680, $0x38;
	[tilespmem:$0x1FC90] =	vst v63  }
0x59: {  	_ =	swait.ge [sflag:s15], $0x1680  }
0x5a: {  	[sflag:s15] =	ssyncset.done $0x0  }
0x5b: {  	s6 =	rddreg [dreg:$0x6];
	[sflag:s15] =	ssyncadd.s32 $0xFFFFE980  }
0x5c: {  	[hbm4b:s6+s1] =	stream.linear.scatter [tilespmem:s13], [sflag:$0x7], $0x1680, $0x38;
	[tilespmem:$0x1FC90] =	vst v63  }
0x5d: {  	_ =	swait.ge [sflag:s15], $0x1680  }
0x5e: {  	[sflag:s15] =	ssyncset.done $0x0  }
0x5f: {  	s7 =	rddreg [dreg:$0x17];
	[sflag:s15] =	ssyncadd.s32 $0xFFFFE980  }
0x60: {  	[tilespmem:s13], [sflag:$0x7] =	stream.linear.gather [spmem:s7], $0x1680, $0x38;
	[tilespmem:$0x1FC90] =	vst v63  }
0x61: {  	_ =	swait.ge [sflag:s15], $0x1680  }
0x62: {  	[sflag:s15] =	ssyncset.done $0x0  }
0x63: {  	s8 =	rddreg [dreg:$0x7];
	[sflag:s15] =	ssyncadd.s32 $0xFFFFE980  }
0x64: {  	[hbm4b:s8+s1] =	stream.linear.scatter [tilespmem:s13], [sflag:$0x7], $0x1680, $0x38;
	[tilespmem:$0x1FC90] =	vst v63  }
0x65: {  	_ =	swait.ge [sflag:s15], $0x1680  }
0x66: {  	[sflag:s15] =	ssyncset.done $0x0  }
0x67: {  	s7 =	rddreg [dreg:$0x18];
	[sflag:s15] =	ssyncadd.s32 $0xFFFFE980  }
0x68: {  	[tilespmem:s13], [sflag:$0x7] =	stream.linear.gather [spmem:s7], $0x1680, $0x38;
	[tilespmem:$0x1FC90] =	vst v63  }
0x69: {  	_ =	swait.ge [sflag:s15], $0x1680  }
0x6a: {  	[sflag:s15] =	ssyncset.done $0x0  }
0x6b: {  	s12 =	rddreg [dreg:$0x8];
	[sflag:s15] =	ssyncadd.s32 $0xFFFFE980  }
0x6c: {  	[hbm4b:s12+s1] =	stream.linear.scatter [tilespmem:s13], [sflag:$0x7], $0x1680, $0x38;
	[tilespmem:$0x1FC90] =	vst v63  }
0x6d: {  	_ =	swait.ge [sflag:s15], $0x1680  }
0x6e: {  	[sflag:s15] =	ssyncset.done $0x0  }
0x6f: {  	s8 =	rddreg [dreg:$0x19];
	[sflag:s15] =	ssyncadd.s32 $0xFFFFE980  }
0x70: {  	[tilespmem:s13], [sflag:$0x7] =	stream.linear.gather [spmem:s8], $0x1680, $0x38;
	[tilespmem:$0x1FC90] =	vst v63  }
0x71: {  	_ =	swait.ge [sflag:s15], $0x1680  }
0x72: {  	[sflag:s15] =	ssyncset.done $0x0  }
0x73: {  	s20 =	rddreg [dreg:$0x9];
	[sflag:s15] =	ssyncadd.s32 $0xFFFFE980  }
0x74: {  	[hbm4b:s20+s1] =	stream.linear.scatter [tilespmem:s13], [sflag:$0x7], $0x1680, $0x38;
	[tilespmem:$0x1FC90] =	vst v63  }
0x75: {  	_ =	swait.ge [sflag:s15], $0x1680  }
0x76: {  	[sflag:s15] =	ssyncset.done $0x0  }
0x77: {  	s21 =	rddreg [dreg:$0x1a];
	[sflag:s15] =	ssyncadd.s32 $0xFFFFE980  }
0x78: {  	[tilespmem:s13], [sflag:$0x7] =	stream.linear.gather [spmem:s21], $0x1680, $0x38;
	[tilespmem:$0x1FC90] =	vst v63  }
0x79: {  	_ =	swait.ge [sflag:s15], $0x1680  }
0x7a: {  	[sflag:s15] =	ssyncset.done $0x0  }
0x7b: {  	s22 =	rddreg [dreg:$0xa];
	[sflag:s15] =	ssyncadd.s32 $0xFFFFE980  }
0x7c: {  	[hbm4b:s22+s1] =	stream.linear.scatter [tilespmem:s13], [sflag:$0x7], $0x1680, $0x38;
	[tilespmem:$0x1FC90] =	vst v63  }
0x7d: {  	_ =	swait.ge [sflag:s15], $0x1680  }
0x7e: {  	[sflag:s15] =	ssyncset.done $0x0  }
0x7f: {  	s24 =	rddreg [dreg:$0x1b];
	[sflag:s15] =	ssyncadd.s32 $0xFFFFE980  }
0x80: {  	[tilespmem:s13], [sflag:$0x7] =	stream.linear.gather [spmem:s24], $0x1680, $0x38;
	[tilespmem:$0x1FC90] =	vst v63  }
0x81: {  	_ =	swait.ge [sflag:s15], $0x1680  }
0x82: {  	[sflag:s15] =	ssyncset.done $0x0  }
0x83: {  	s25 =	rddreg [dreg:$0xb];
	[sflag:s15] =	ssyncadd.s32 $0xFFFFE980  }
0x84: {  	[hbm4b:s25+s1] =	stream.linear.scatter [tilespmem:s13], [sflag:$0x7], $0x1680, $0x38;
	[tilespmem:$0x1FC90] =	vst v63  }
0x85: {  	_ =	swait.ge [sflag:s15], $0x1680  }
0x86: {  	[sflag:s15] =	ssyncset.done $0x0  }
0x87: {  	s6 =	rddreg [dreg:$0x1c];
	[sflag:s15] =	ssyncadd.s32 $0xFFFFE980  }
0x88: {  	[tilespmem:s13], [sflag:$0x7] =	stream.linear.gather [spmem:s6], $0x1680, $0x38;
	[tilespmem:$0x1FC90] =	vst v63  }
0x89: {  	_ =	swait.ge [sflag:s15], $0x1680  }
0x8a: {  	[sflag:s15] =	ssyncset.done $0x0  }
0x8b: {  	s12 =	rddreg [dreg:$0xc];
	[sflag:s15] =	ssyncadd.s32 $0xFFFFE980  }
0x8c: {  	[hbm4b:s12+s1] =	stream.linear.scatter [tilespmem:s13], [sflag:$0x7], $0x1680, $0x38;
	[tilespmem:$0x1FC90] =	vst v63  }
0x8d: {  	_ =	swait.ge [sflag:s15], $0x1680  }
0x8e: {  	[sflag:s15] =	ssyncset.done $0x0  }
0x8f: {  	s12 =	rddreg [dreg:$0x1d];
	[sflag:s15] =	ssyncadd.s32 $0xFFFFE980  }
0x90: {  	[tilespmem:s13], [sflag:$0x7] =	stream.linear.gather [spmem:s12], $0x1680, $0x38;
	[tilespmem:$0x1FC90] =	vst v63  }
0x91: {  	_ =	swait.ge [sflag:s15], $0x1680  }
0x92: {  	[sflag:s15] =	ssyncset.done $0x0  }
0x93: {  	s20 =	rddreg [dreg:$0xd];
	[sflag:s15] =	ssyncadd.s32 $0xFFFFE980  }
0x94: {  	[hbm4b:s20+s1] =	stream.linear.scatter [tilespmem:s13], [sflag:$0x7], $0x1680, $0x38;
	[tilespmem:$0x1FC90] =	vst v63  }
0x95: {  	_ =	swait.ge [sflag:s15], $0x1680  }
0x96: {  	[sflag:s15] =	ssyncset.done $0x0  }
0x97: {  	s21 =	rddreg [dreg:$0x1e];
	[sflag:s15] =	ssyncadd.s32 $0xFFFFE980  }
0x98: {  	[tilespmem:s13], [sflag:$0x7] =	stream.linear.gather [spmem:s21], $0x1680, $0x38;
	[tilespmem:$0x1FC90] =	vst v63  }
0x99: {  	_ =	swait.ge [sflag:s15], $0x1680  }
0x9a: {  	[sflag:s15] =	ssyncset.done $0x0  }
0x9b: {  	s22 =	rddreg [dreg:$0xe];
	[sflag:s15] =	ssyncadd.s32 $0xFFFFE980  }
0x9c: {  	[hbm4b:s22+s1] =	stream.linear.scatter [tilespmem:s13], [sflag:$0x7], $0x1680, $0x38;
	[tilespmem:$0x1FC90] =	vst v63  }
0x9d: {  	_ =	swait.ge [sflag:s15], $0x1680  }
0x9e: {  	[sflag:s15] =	ssyncset.done $0x0  }
0x9f: {  	s24 =	rddreg [dreg:$0x1f];
	[sflag:s15] =	ssyncadd.s32 $0xFFFFE980  }
0xa0: {  	[tilespmem:s13], [sflag:$0x7] =	stream.linear.gather [spmem:s24], $0x1680, $0x38;
	[tilespmem:$0x1FC90] =	vst v63  }
0xa1: {  	_ =	swait.ge [sflag:s15], $0x1680  }
0xa2: {  	[sflag:s15] =	ssyncset.done $0x0  }
0xa3: {  	s25 =	rddreg [dreg:$0xf];
	[sflag:s15] =	ssyncadd.s32 $0xFFFFE980  }
0xa4: {  	[hbm4b:s25+s1] =	stream.linear.scatter [tilespmem:s13], [sflag:$0x7], $0x1680, $0x38;
	[tilespmem:$0x1FC90] =	vst v63  }
0xa5: {  	_ =	swait.ge [sflag:s15], $0x1680  }
0xa6: {  	s6 =	sld [smem:$0x7E8]  }
0xa7: {  	[sflag:s15] =	ssyncset.done $0x0  }
0xa8: {  	[sflag:s15] =	ssyncadd.s32 $0xFFFFE980  }
0xa9: {  	[tilespmem:s13], [sflag:$0x7] =	stream.linear.gather [spmem:s6], $0x1680, $0x38;
	[tilespmem:$0x1FC90] =	vst v63  }
0xaa: {  	_ =	swait.ge [sflag:s15], $0x1680  }
0xab: {  	[sflag:s15] =	ssyncset.done $0x0  }
0xac: {  	s20 =	rddreg [dreg:$0x10];
	[sflag:s15] =	ssyncadd.s32 $0xFFFFE980  }
0xad: {  	[hbm4b:s20+s1] =	stream.linear.scatter [tilespmem:s13], [sflag:$0x7], $0x1680, $0x38;
	[tilespmem:$0x1FC90] =	vst v63  }
0xae: {  	_ =	swait.ge [sflag:s15], $0x1680  }
0xaf: {  	s21 =	sld [smem:$0x7E9]  }
0xb0: {  	[sflag:s15] =	ssyncset.done $0x0  }
0xb1: {  	[sflag:s15] =	ssyncadd.s32 $0xFFFFE980  }
0xb2: {  	[tilespmem:s13], [sflag:$0x7] =	stream.linear.gather [spmem:s21], $0x1680, $0x38;
	[tilespmem:$0x1FC90] =	vst v63  }
0xb3: {  	_ =	swait.ge [sflag:s15], $0x1680  }
0xb4: {  	[sflag:s15] =	ssyncset.done $0x0  }
0xb5: {  	s22 =	rddreg [dreg:$0x11];
	[sflag:s15] =	ssyncadd.s32 $0xFFFFE980  }
0xb6: {  	[hbm4b:s22+s1] =	stream.linear.scatter [tilespmem:s13], [sflag:$0x7], $0x1680, $0x38;
	[tilespmem:$0x1FC90] =	vst v63  }
0xb7: {  	_ =	swait.ge [sflag:s15], $0x1680  }
0xb8: {  	s24 =	sld [smem:$0x7EA]  }
0xb9: {  	[sflag:s15] =	ssyncset.done $0x0  }
0xba: {  	[sflag:s15] =	ssyncadd.s32 $0xFFFFE980  }
0xbb: {  	[tilespmem:s13], [sflag:$0x7] =	stream.linear.gather [spmem:s24], $0x1680, $0x38;
	[tilespmem:$0x1FC90] =	vst v63  }
0xbc: {  	_ =	swait.ge [sflag:s15], $0x1680  }
0xbd: {  	[sflag:s15] =	ssyncset.done $0x0  }
0xbe: {  	s25 =	rddreg [dreg:$0x12];
	[sflag:s15] =	ssyncadd.s32 $0xFFFFE980  }
0xbf: {  	[hbm4b:s25+s1] =	stream.linear.scatter [tilespmem:s13], [sflag:$0x7], $0x1680, $0x38;
	[tilespmem:$0x1FC90] =	vst v63  }
0xc0: {  	_ =	swait.ge [sflag:s15], $0x1680  }
0xc1: {  	s20 =	sld [smem:$0x7FD]  }
0xc2: {  	[sflag:s15] =	ssyncset.done $0x0  }
0xc3: {  	[sflag:s15] =	ssyncadd.s32 $0xFFFFE980  }
0xc4: {  	[tilespmem:s13], [sflag:$0x7] =	stream.linear.gather [spmem:s20], $0x1680, $0x38;
	[tilespmem:$0x1FC90] =	vst v63  }
0xc5: {  	_ =	swait.ge [sflag:s15], $0x1680  }
0xc6: {  	[sflag:s15] =	ssyncset.done $0x0  }
0xc7: {  	s6 =	rddreg [dreg:$0x13];
	[sflag:s15] =	ssyncadd.s32 $0xFFFFE980  }
0xc8: {  	[hbm4b:s6+s1] =	stream.linear.scatter [tilespmem:s13], [sflag:$0x7], $0x1680, $0x38;
	[tilespmem:$0x1FC90] =	vst v63  }
0xc9: {  	_ =	swait.ge [sflag:s15], $0x1680  }
0xca: {  	s21 =	sld [smem:$0x7EB]  }
0xcb: {  	[sflag:s15] =	ssyncset.done $0x0  }
0xcc: {  	[sflag:s15] =	ssyncadd.s32 $0xFFFFE980  }
0xcd: {  	[tilespmem:s13], [sflag:$0x7] =	stream.linear.gather [spmem:s21], $0xE10, $0x38;
	[tilespmem:$0x1FC90] =	vst v63  }
0xce: {  	_ =	swait.ge [sflag:s15], $0xE10  }
0xcf: {  	[sflag:s15] =	ssyncset.done $0x0  }
0xd0: {  	s22 =	rddreg [dreg:$0x14];
	[sflag:s15] =	ssyncadd.s32 $0xFFFFF1F0  }
0xd1: {  	[hbm4b:s22+s1] =	stream.linear.scatter [tilespmem:s13], [sflag:$0x7], $0xE10, $0x38;
	[tilespmem:$0x1FC90] =	vst v63  }
0xd2: {  	_ =	swait.ge [sflag:s15], $0xE10  }
0xd3: {  	s24 =	sld [smem:$0x7FA]  }
0xd4: {  	[sflag:s15] =	ssyncset.done $0x0  }
0xd5: {  	[sflag:s15] =	ssyncadd.s32 $0xFFFFF1F0  }
0xd6: {  	[hbm4b:s24+s1] =	stream.linear.scatter [tilespmem:s3], [sflag:$0x7], $0x2710, $0x38;
	[tilespmem:$0x1FC90] =	vst v63  }
0xd7: {  	_ =	swait.ge [sflag:s15], $0x2710  }
0xd8: {  	s6 =	sld [smem:$0x7E7]  }
0xd9: {  	s25 =	sld [smem:$0x7FB];
	_ =	sdelay $0x1  }
0xda: {  	s6 =	sadd.s32 $0x1, s6  }
0xdb: {  	p2 =	sne.s32 s6, s25  }
.Ltmp1:
0xdc: {  	_ = 	snop;
	(pc) =	sbr.rel @!p2 .LBB2_13-.Ltmp1, $3  }
0xdd: {  	_ =	sdelay $0x1  }
0xde: {  	[sflag:s15] =	ssyncset.done $0x0  }
0xdf: {  	[sflag:s15] =	ssyncadd.s32 $0xFFFFD8F0  }
.LBB2_1:
0xe0: {  	[smem:$0x7E7] =	sst s6;
	s4 =	simm.s32 $0x0;
	s6 =	simm.s32 $0x240  }
.LBB2_2:
0xe1: {  	p2 =	sne.s32 s6, $0x57C0;
	[tilespmem:s4+$0x1A900] =	vst v0  }
0xe2: {  	[tilespmem:s4+$0x1A880] =	vst v0  }
0xe3: {  	[tilespmem:s4+$0x1A890] =	vst v0  }
0xe4: {  	[tilespmem:s4+$0x1A8A0] =	vst v0  }
.Ltmp2:
0xe5: {  	[tilespmem:s4+$0x1A8B0] =	vst v0;
	(pc) =	sbr.rel @p2 .LBB2_2-.Ltmp2, $4  }
0xe6: {  	[tilespmem:s4+$0x1A8C0] =	vst v0  }
0xe7: {  	[tilespmem:s4+$0x1A8D0] =	vst v0  }
0xe8: {  	[tilespmem:s4+$0x1A8E0] =	vst v0  }
0xe9: {  	[tilespmem:s4+$0x1A8F0] =	vst v0;
	s4 =	sshra.s32 s6, $0x2;
	s6 =	sadd.s32 $0x240, s6  }
0xea: {  	[tilespmem:s4+$0x1A900] =	vst v0  }
0xeb: {  	[tilespmem:s4+$0x1A880] =	vst v0  }
0xec: {  	[tilespmem:s4+$0x1A890] =	vst v0  }
0xed: {  	[tilespmem:s4+$0x1A8A0] =	vst v0  }
0xee: {  	[tilespmem:s4+$0x1A8B0] =	vst v0  }
0xef: {  	[tilespmem:s4+$0x1A8C0] =	vst v0  }
0xf0: {  	[tilespmem:s4+$0x1A8D0] =	vst v0  }
0xf1: {  	[tilespmem:s4+$0x1A8E0] =	vst v0  }
0xf2: {  	[tilespmem:s4+$0x1A8F0] =	vst v0;
	s4 =	simm.s32 $0x40;
	s6 =	simm.s32 $0x0  }
.LBB2_4:
0xf3: {  	p2 =	sne.s32 s4, $0x9C00;
	[tilespmem:s6+$0x1D580] =	vst v0;
	s6 =	smov.u32 s4;
	s4 =	sadd.s32 $0x40, s4  }
.Ltmp3:
0xf4: {  	(pc) =	sbr.rel @p2 .LBB2_4-.Ltmp3, $2  }
0xf5: {  	_ =	sdelay $0x2  }
0xf6: {  	s6 =	sshra.s32 s6, $0x2  }
0xf7: {  	[tilespmem:s6+$0x1D580] =	vst v0  }
0xf8: {  	[spmem:s26] =	stream.linear.scatter [tilespmem:s13], [sflag:$0x7], $0x1680, $0x38;
	[tilespmem:$0x1FC90] =	vst v63  }
0xf9: {  	_ =	swait.ge [sflag:s15], $0x1680  }
0xfa: {  	[sflag:s15] =	ssyncset.done $0x0  }
0xfb: {  	[sflag:s15] =	ssyncadd.s32 $0xFFFFE980  }
0xfc: {  	[spmem:s29] =	stream.linear.scatter [tilespmem:s13], [sflag:$0x7], $0x1680, $0x38;
	[tilespmem:$0x1FC90] =	vst v63  }
0xfd: {  	_ =	swait.ge [sflag:s15], $0x1680  }
0xfe: {  	[sflag:s15] =	ssyncset.done $0x0  }
0xff: {  	s4 =	rddreg [dreg:$0x17];
	[sflag:s15] =	ssyncadd.s32 $0xFFFFE980  }
0x100: {  	[spmem:s4] =	stream.linear.scatter [tilespmem:s13], [sflag:$0x7], $0x1680, $0x38;
	[tilespmem:$0x1FC90] =	vst v63  }
0x101: {  	_ =	swait.ge [sflag:s15], $0x1680  }
0x102: {  	[sflag:s15] =	ssyncset.done $0x0  }
0x103: {  	[sflag:s15] =	ssyncadd.s32 $0xFFFFE980  }
0x104: {  	[spmem:s7] =	stream.linear.scatter [tilespmem:s13], [sflag:$0x7], $0x1680, $0x38;
	[tilespmem:$0x1FC90] =	vst v63  }
0x105: {  	_ =	swait.ge [sflag:s15], $0x1680  }
0x106: {  	[sflag:s15] =	ssyncset.done $0x0  }
0x107: {  	[sflag:s15] =	ssyncadd.s32 $0xFFFFE980  }
0x108: {  	[spmem:s8] =	stream.linear.scatter [tilespmem:s13], [sflag:$0x7], $0x1680, $0x38;
	[tilespmem:$0x1FC90] =	vst v63  }
0x109: {  	_ =	swait.ge [sflag:s15], $0x1680  }
0x10a: {  	[sflag:s15] =	ssyncset.done $0x0  }
0x10b: {  	s6 =	rddreg [dreg:$0x1a];
	[sflag:s15] =	ssyncadd.s32 $0xFFFFE980  }
0x10c: {  	[spmem:s6] =	stream.linear.scatter [tilespmem:s13], [sflag:$0x7], $0x1680, $0x38;
	[tilespmem:$0x1FC90] =	vst v63  }
0x10d: {  	_ =	swait.ge [sflag:s15], $0x1680  }
0x10e: {  	[sflag:s15] =	ssyncset.done $0x0  }
0x10f: {  	s7 =	rddreg [dreg:$0x1b];
	[sflag:s15] =	ssyncadd.s32 $0xFFFFE980  }
0x110: {  	[spmem:s7] =	stream.linear.scatter [tilespmem:s13], [sflag:$0x7], $0x1680, $0x38;
	[tilespmem:$0x1FC90] =	vst v63  }
0x111: {  	_ =	swait.ge [sflag:s15], $0x1680  }
0x112: {  	[sflag:s15] =	ssyncset.done $0x0  }
0x113: {  	s8 =	rddreg [dreg:$0x1c];
	[sflag:s15] =	ssyncadd.s32 $0xFFFFE980  }
0x114: {  	[spmem:s8] =	stream.linear.scatter [tilespmem:s13], [sflag:$0x7], $0x1680, $0x38;
	[tilespmem:$0x1FC90] =	vst v63  }
0x115: {  	_ =	swait.ge [sflag:s15], $0x1680  }
0x116: {  	[sflag:s15] =	ssyncset.done $0x0  }
0x117: {  	[sflag:s15] =	ssyncadd.s32 $0xFFFFE980  }
0x118: {  	[spmem:s12] =	stream.linear.scatter [tilespmem:s13], [sflag:$0x7], $0x1680, $0x38;
	[tilespmem:$0x1FC90] =	vst v63  }
0x119: {  	_ =	swait.ge [sflag:s15], $0x1680  }
0x11a: {  	[sflag:s15] =	ssyncset.done $0x0  }
0x11b: {  	s21 =	rddreg [dreg:$0x1e];
	[sflag:s15] =	ssyncadd.s32 $0xFFFFE980  }
0x11c: {  	[spmem:s21] =	stream.linear.scatter [tilespmem:s13], [sflag:$0x7], $0x1680, $0x38;
	[tilespmem:$0x1FC90] =	vst v63  }
0x11d: {  	_ =	swait.ge [sflag:s15], $0x1680  }
0x11e: {  	[sflag:s15] =	ssyncset.done $0x0  }
0x11f: {  	s22 =	rddreg [dreg:$0x1f];
	[sflag:s15] =	ssyncadd.s32 $0xFFFFE980  }
0x120: {  	[spmem:s22] =	stream.linear.scatter [tilespmem:s13], [sflag:$0x7], $0x1680, $0x38;
	[tilespmem:$0x1FC90] =	vst v63  }
0x121: {  	_ =	swait.ge [sflag:s15], $0x1680  }
0x122: {  	s24 =	sld [smem:$0x7E8]  }
0x123: {  	[sflag:s15] =	ssyncset.done $0x0  }
0x124: {  	[sflag:s15] =	ssyncadd.s32 $0xFFFFE980  }
0x125: {  	[spmem:s24] =	stream.linear.scatter [tilespmem:s13], [sflag:$0x7], $0x1680, $0x38;
	[tilespmem:$0x1FC90] =	vst v63  }
0x126: {  	_ =	swait.ge [sflag:s15], $0x1680  }
0x127: {  	s25 =	sld [smem:$0x7E9]  }
0x128: {  	[sflag:s15] =	ssyncset.done $0x0  }
0x129: {  	[sflag:s15] =	ssyncadd.s32 $0xFFFFE980  }
0x12a: {  	[spmem:s25] =	stream.linear.scatter [tilespmem:s13], [sflag:$0x7], $0x1680, $0x38;
	[tilespmem:$0x1FC90] =	vst v63  }
0x12b: {  	_ =	swait.ge [sflag:s15], $0x1680  }
0x12c: {  	s26 =	sld [smem:$0x7EA]  }
0x12d: {  	[sflag:s15] =	ssyncset.done $0x0  }
0x12e: {  	[sflag:s15] =	ssyncadd.s32 $0xFFFFE980  }
0x12f: {  	[spmem:s26] =	stream.linear.scatter [tilespmem:s13], [sflag:$0x7], $0x1680, $0x38;
	[tilespmem:$0x1FC90] =	vst v63  }
0x130: {  	_ =	swait.ge [sflag:s15], $0x1680  }
0x131: {  	[sflag:s15] =	ssyncset.done $0x0  }
0x132: {  	[sflag:s15] =	ssyncadd.s32 $0xFFFFE980  }
0x133: {  	[spmem:s20] =	stream.linear.scatter [tilespmem:s13], [sflag:$0x7], $0x1680, $0x38;
	[tilespmem:$0x1FC90] =	vst v63  }
0x134: {  	_ =	swait.ge [sflag:s15], $0x1680  }
0x135: {  	s6 =	sld [smem:$0x7EB]  }
0x136: {  	[sflag:s15] =	ssyncset.done $0x0  }
0x137: {  	[sflag:s15] =	ssyncadd.s32 $0xFFFFE980  }
0x138: {  	[spmem:s6] =	stream.linear.scatter [tilespmem:s13], [sflag:$0x7], $0xE10, $0x38;
	[tilespmem:$0x1FC90] =	vst v63  }
0x139: {  	_ =	swait.ge [sflag:s15], $0xE10  }
0x13a: {  	[sflag:s15] =	ssyncset.done $0x0  }
0x13b: {  	[sflag:s15] =	ssyncadd.s32 $0xFFFFF1F0  }
0x13c: {  	[bflag:$0x0] =	sbarrier.arrive $0xFFFF  }
0x13d: {  	s7 =	sld [smem:$0x7EC];
	_ =	sdelay $0x1  }
0x13e: {  	s8 =	simm.s32 $0x15F90;
	s12 =	sld [smem:$0x7ED]  }
0x13f: {  	[tilespmem:s8], [sflag:$0x1] =	stream.linear.gather [hbm4b:s7+s1], $0x28, $0x38;
	[tilespmem:$0x1FC90] =	vst v63  }
0x140: {  	s20 =	simm.s32 $0x15FE0;
	s21 =	sld [smem:$0x7EE]  }
0x141: {  	[tilespmem:s20], [sflag:$0x1] =	stream.linear.gather [hbm4b:s12+s1], $0x28, $0x38;
	[tilespmem:$0x1FC90] =	vst v63  }
0x142: {  	s22 =	simm.s32 $0x16080;
	s24 =	sld [smem:$0x7F4]  }
0x143: {  	[tilespmem:s22], [sflag:$0x1] =	stream.linear.gather [hbm4b:s21+s1], $0xA00, $0x38;
	[tilespmem:$0x1FC90] =	vst v63  }
0x144: {  	s25 =	simm.s32 $0x16A80;
	s26 =	sld [smem:$0x7EF]  }
0x145: {  	[tilespmem:s25], [sflag:$0x1] =	stream.linear.gather [hbm4b:s24+s1], $0xA00, $0x38;
	[tilespmem:$0x1FC90] =	vst v63  }
0x146: {  	s7 =	sld [smem:$0x7F0]  }
0x147: {  	[tilespmem:s17], [sflag:$0x1] =	stream.linear.gather [hbm4b:s26+s1], $0x800, $0x38;
	[tilespmem:$0x1FC90] =	vst v63  }
0x148: {  	s4 =	simm.s32 @!p0 $0x0;
	s6 =	simm.s32 @!p0 $0x19080  }
0x149: {  	[tilespmem:s6], [sflag:$0x1] =	stream.linear.gather @!p0 [hbm4b:s7+s4], $0x800, $0x38;
	[tilespmem:$0x1FC90] =	vst v63  }
0x14a: {  	s6 =	sld [smem:$0x7F1];
	_ =	sdelay $0x1  }
0x14b: {  	s7 =	sld [smem:$0x7F2]  }
0x14c: {  	[tilespmem:s23], [sflag:$0x2] =	stream.linear.gather [hbm4b:s6+s1], $0x28, $0x38;
	[tilespmem:$0x1FC90] =	vst v63  }
0x14d: {  	s12 =	simm.s32 $0x16008;
	s20 =	sld [smem:$0x7F3]  }
0x14e: {  	[tilespmem:s12], [sflag:$0x2] =	stream.linear.gather [hbm4b:s7+s1], $0x28, $0x38;
	[tilespmem:$0x1FC90] =	vst v63  }
0x14f: {  	s21 =	simm.s32 $0x17480;
	s22 =	sld [smem:$0x7F5]  }
0x150: {  	[tilespmem:s21], [sflag:$0x2] =	stream.linear.gather [hbm4b:s20+s1], $0xA00, $0x38;
	[tilespmem:$0x1FC90] =	vst v63  }
0x151: {  	s24 =	simm.s32 $0x17E80;
	s25 =	sld [smem:$0x7F6]  }
0x152: {  	[tilespmem:s24], [sflag:$0x2] =	stream.linear.gather [hbm4b:s22+s1], $0xA00, $0x38;
	[tilespmem:$0x1FC90] =	vst v63  }
0x153: {  	s7 =	sld [smem:$0x7F7]  }
0x154: {  	[tilespmem:s28], [sflag:$0x2] =	stream.linear.gather [hbm4b:s25+s1], $0x800, $0x38;
	[tilespmem:$0x1FC90] =	vst v63  }
0x155: {  	s26 =	simm.s32 $0x1;
	s4 =	simm.s32 @!p1 $0x0;
	s6 =	simm.s32 @!p1 $0x1A080  }
0x156: {  	[tilespmem:s6], [sflag:$0x2] =	stream.linear.gather @!p1 [hbm4b:s7+s4], $0x800, $0x38;
	[tilespmem:$0x1FC90] =	vst v63  }
0x157: {  	_ =	swait.ge [sflag:s26], $0x28  }
0x158: {  	[sflag:s26] =	ssyncset.done $0x0  }
0x159: {  	[sflag:s26] =	ssyncadd.s32 $0xFFFFFFD8  }
0x15a: {  	_ =	swait.ge [sflag:s26], $0x28  }
0x15b: {  	[sflag:s26] =	ssyncset.done $0x0  }
0x15c: {  	[sflag:s26] =	ssyncadd.s32 $0xFFFFFFD8  }
0x15d: {  	_ =	swait.ge [sflag:s26], $0xA00  }
0x15e: {  	[sflag:s26] =	ssyncset.done $0x0  }
0x15f: {  	[sflag:s26] =	ssyncadd.s32 $0xFFFFF600  }
0x160: {  	_ =	swait.ge [sflag:s26], $0xA00  }
0x161: {  	[sflag:s26] =	ssyncset.done $0x0  }
0x162: {  	[sflag:s26] =	ssyncadd.s32 $0xFFFFF600  }
0x163: {  	_ =	swait.ge [sflag:s26], $0x800  }
0x164: {  	[sflag:s26] =	ssyncset.done $0x0  }
0x165: {  	s4 =	simm.s32 @!p0 $0x1;
	[sflag:s26] =	ssyncadd.s32 $0xFFFFF800  }
0x166: {  	_ =	swait.ge @!p0 [sflag:s4], $0x800  }
0x167: {  	[sflag:s4] =	ssyncset.done @!p0 $0x0  }
0x168: {  	s7 =	sld [smem:$0x7FC];
	[sflag:s4] =	ssyncadd.s32 @!p0 $0xFFFFF800  }
0x169: {  	[tilespmem:s13], [sflag:$0x3] =	stream.indirect.gather [hbm4b:s19+s30], $0x90, s8, s30, $0xb8;
	[tilespmem:$0x1FC90] =	vst v63  }
0x16a: {  	s29 =	rddreg [dreg:$0x4];
	s8 =	simm.s32 $0x0  }
.LBB2_6:
0x16b: {  	_ =	swait.ge [sflag:s31], $0x28  }
0x16c: {  	[sflag:s31] =	ssyncset.done $0x0  }
0x16d: {  	[sflag:s31] =	ssyncadd.s32 $0xFFFFFFD8  }
0x16e: {  	_ =	swait.ge [sflag:s31], $0x28  }
0x16f: {  	[sflag:s31] =	ssyncset.done $0x0  }
0x170: {  	[sflag:s31] =	ssyncadd.s32 $0xFFFFFFD8  }
0x171: {  	s24 =	smul.u32 $0x50, s8;
	_ =	swait.ge [sflag:s31], $0xA00  }
0x172: {  	[sflag:s31] =	ssyncset.done $0x0  }
0x173: {  	s6 =	sadd.s32 s24, s11;
	[sflag:s31] =	ssyncadd.s32 $0xFFFFF600  }
0x174: {  	s4 =	sshrl.u32 s29, $0x7;
	s20 =	sshrl.u32 s6, $0x7;
	_ =	swait.ge [sflag:s31], $0xA00  }
0x175: {  	s4 =	smin.u32 s4, $0x9C2;
	s20 =	smin.u32 s20, $0x9C2;
	[sflag:s31] =	ssyncset.done $0x0  }
0x176: {  	s4 =	sshll.u32 s4, $0x7;
	s20 =	sshll.u32 s20, $0x7;
	[sflag:s31] =	ssyncadd.s32 $0xFFFFF600  }
0x177: {  	s4 =	ssub.s32 s29, s4;
	s6 =	ssub.s32 s6, s20;
	_ =	swait.ge [sflag:s31], $0x800  }
0x178: {  	s21 =	sadd.s32 $0xFFFFFFFE, s4;
	p2 =	slt.s32 s6, $0x59;
	[sflag:s31] =	ssyncset.done $0x0  }
0x179: {  	s22 =	sadd.s32 $0x3, s21;
	s20 =	simm.s32 @!p2 $0x2;
	[sflag:s31] =	ssyncadd.s32 $0xFFFFF800  }
0x17a: {  	v3 =	vmov s22;
	s22 =	sshll.u32 s22, $0x4;
	_ =	swait.ge @!p2 [sflag:s20], $0x800  }
0x17b: {  	p3 =	seq.s32 s8, $0x0;
	s22 =	sand.u32 $0xFFFFF800, s22;
	v3 =	vand.u32 $0x7F, v3;
	[sflag:s20] =	ssyncset.done @!p2 $0x0  }
0x17c: {  	v3 =	vor.u32 s22, v3;
	[sflag:s20] =	ssyncadd.s32 @!p2 $0xFFFFF800;
	s20 =	simm.s32 @!p3 $0x6  }
0x17d: {  	v3 =	vbroadcast v3, $0x0;
	_ =	swait.ge @!p3 [sflag:s20], $0x1680  }
0x17e: {  	[sflag:s20] =	ssyncset.done @!p3 $0x0  }
0x17f: {  	v3 =	vor.u32 v1, v3;
	[sflag:s20] =	ssyncadd.s32 @!p3 $0xFFFFE980  }
0x180: {  	[tilespmem:s18], [sflag:$0x4] =	stream.indirect.gather [hbm4b:s19+s30], $0x90, s23, s30, $0xb8;
	[tilespmem:$0x1FC90] =	vst v63  }
0x181: {  	_ =	swait.ge [sflag:s0], $0x1680  }
0x182: {  	[sflag:s0] =	ssyncset.done $0x0  }
0x183: {  	[sflag:s0] =	ssyncadd.s32 $0xFFFFE980  }
0x184: {  	s26 =	simm.s32 $0x1A910;
	v20 =	vld.idx.msk [tilespmem:v3+s17+$0x0], $0xffff  }
0x185: {  	s20 =	simm.s32 $0x16100;
	v21 =	vld [tilespmem:s26+$0x80]  }
0x186: {  	v10 =	vld [tilespmem:s20+$0x0]  }
0x187: {  	v9 =	vld [tilespmem:s20+$0x10]  }
0x188: {  	v8 =	vld [tilespmem:s20+$0x20]  }
0x189: {  	v7 =	vld [tilespmem:s20+$0x30]  }
0x18a: {  	s6 =	sadd.s32 $0x2, s21;
	v6 =	vld [tilespmem:s20+$0x40]  }
0x18b: {  	v4 =	vmov s6;
	v5 =	vld [tilespmem:s20+$0x50]  }
0x18c: {  	v3 =	vand.u32 $0x7E, v4;
	v4 =	vld [tilespmem:s20+$0x60]  }
0x18d: {  	v19 =	vld [tilespmem:s20+$0xFFFFFF80]  }
0x18e: {  	v18 =	vld [tilespmem:s20+$0xFFFFFF90]  }
0x18f: {  	v17 =	vld [tilespmem:s20+$0xFFFFFFA0]  }
0x190: {  	v16 =	vld [tilespmem:s20+$0xFFFFFFB0]  }
0x191: {  	s6 =	sshll.u32 s6, $0x4;
	v15 =	vld [tilespmem:s20+$0xFFFFFFC0]  }
0x192: {  	s6 =	sand.u32 $0xFFFFF800, s6;
	v14 =	vld [tilespmem:s20+$0xFFFFFFD0]  }
0x193: {  	v13 =	vld [tilespmem:s20+$0xFFFFFFE0];
	v3 =	vor.u32 s6, v3  }
0x194: {  	v12 =	vld [tilespmem:s20+$0xFFFFFFF0];
	v3 =	vbroadcast v3, $0x0  }
0x195: {  	v24 =	vld [tilespmem:s26+$0xFFFFFF70]  }
0x196: {  	v23 =	vld [tilespmem:s26+$0xFFFFFF80];
	v11 =	vor.u32 v1, v3  }
0x197: {  	v22 =	vld [tilespmem:s26+$0xFFFFFF90];
	v20 =	vadd.f32 v21, v20  }
0x198: {  	s25 =	sshrl.u32 s7, $0x7;
	v3 =	vld [tilespmem:s20+$0x70]  }
0x199: {  	s6 =	smin.u32 s25, $0x9C2;
	v21 =	vld [tilespmem:s26+$0xFFFFFFA0];
	v20 =	vmax.f32 v20, $0.0e+00  }
0x19a: {  	s6 =	sshll.u32 s6, $0x7;
	[tilespmem:s26+$0x80] =	vst v20;
	v20 =	vld [tilespmem:s26+$0xFFFFFFB0]  }
0x19b: {  	s22 =	simm.s32 $0x0;
	s25 =	ssub.s32 s29, s6;
	s6 =	simm.s32 $0x1A910;
	v11 =	vld.idx.msk [tilespmem:v11+s17+$0x0], $0xffff  }
.LBB2_7:
0x19c: {  	s21 =	sadd.s32 s22, s4;
	s22 =	sadd.s32 $0x2, s22;
	v25 =	vld [tilespmem:s26+$0xFFFFFFC0];
	v19 =	vadd.f32 v24, v19  }
0x19d: {  	s12 =	sadd.s32 $0x2, s21;
	s21 =	sadd.s32 $0x3, s21;
	p2 =	slt.u32 s22, $0x26;
	v24 =	vld [tilespmem:s26+$0xFFFFFFD0];
	v18 =	vadd.f32 v23, v18  }
0x19e: {  	v23 =	vmov s12;
	s12 =	sshll.u32 s12, $0x4;
	v26 =	vmov s21;
	s21 =	sshll.u32 s21, $0x4;
	v27 =	vld [tilespmem:s26+$0xFFFFFFE0];
	v17 =	vadd.f32 v22, v17  }
0x19f: {  	s12 =	sand.u32 $0xFFFFF800, s12;
	v22 =	vand.u32 $0x7E, v23;
	s21 =	sand.u32 $0xFFFFF800, s21;
	v23 =	vand.u32 $0x7F, v26;
	v26 =	vld [tilespmem:s26+$0xFFFFFFF0];
	v16 =	vadd.f32 v21, v16  }
0x1a0: {  	v21 =	vor.u32 s12, v22;
	v22 =	vor.u32 s21, v23;
	v15 =	vadd.f32 v20, v15;
	v20 =	vld [tilespmem:s26+$0x0]  }
0x1a1: {  	v21 =	vbroadcast v21, $0x0;
	v22 =	vbroadcast v22, $0x0;
	v14 =	vadd.f32 v25, v14;
	v23 =	vld [tilespmem:s26+$0x10]  }
0x1a2: {  	v19 =	vmax.f32 v19, $0.0e+00;
	v18 =	vmax.f32 v18, $0.0e+00;
	v13 =	vadd.f32 v24, v13;
	v24 =	vld [tilespmem:s26+$0x20]  }
0x1a3: {  	v21 =	vor.u32 v1, v21;
	v22 =	vor.u32 v1, v22;
	v12 =	vadd.f32 v27, v12;
	[tilespmem:s26+$0xFFFFFF70] =	vst v19;
	v19 =	vld [tilespmem:s26+$0x30]  }
0x1a4: {  	v17 =	vmax.f32 v17, $0.0e+00;
	v16 =	vmax.f32 v16, $0.0e+00;
	v11 =	vadd.f32 v26, v11;
	[tilespmem:s26+$0xFFFFFF80] =	vst v18;
	v18 =	vld [tilespmem:s26+$0x40]  }
0x1a5: {  	v15 =	vmax.f32 v15, $0.0e+00;
	v14 =	vmax.f32 v14, $0.0e+00;
	[tilespmem:s26+$0xFFFFFF90] =	vst v17;
	v17 =	vld [tilespmem:s26+$0x50];
	v10 =	vadd.f32 v20, v10  }
0x1a6: {  	v13 =	vmax.f32 v13, $0.0e+00;
	v11 =	vmax.f32 v11, $0.0e+00;
	[tilespmem:s26+$0xFFFFFFA0] =	vst v16;
	v16 =	vld [tilespmem:s26+$0x60];
	v9 =	vadd.f32 v23, v9  }
0x1a7: {  	v12 =	vmax.f32 v12, $0.0e+00;
	[tilespmem:s26+$0xFFFFFFF0] =	vst v11;
	v11 =	vld [tilespmem:s26+$0x70];
	v20 =	vmax.f32 v10, $0.0e+00;
	v8 =	vadd.f32 v24, v8  }
0x1a8: {  	s26 =	sadd.s32 $0x120, s26;
	v22 =	vld.idx.msk [tilespmem:v22+s17+$0x0], $0xffff;
	[tilespmem:s6+$0xFFFFFFB0] =	vst v15;
	v15 =	vmax.f32 v9, $0.0e+00;
	v7 =	vadd.f32 v19, v7  }
0x1a9: {  	s20 =	sadd.s32 $0x100, s20;
	v19 =	vld [tilespmem:s26+$0x80];
	[tilespmem:s6+$0xFFFFFFC0] =	vst v14;
	v14 =	vmax.f32 v8, $0.0e+00;
	v6 =	vadd.f32 v18, v6  }
0x1aa: {  	v10 =	vld [tilespmem:s20+$0x0];
	[tilespmem:s6+$0xFFFFFFD0] =	vst v13;
	v13 =	vmax.f32 v7, $0.0e+00;
	v5 =	vadd.f32 v17, v5  }
0x1ab: {  	v9 =	vld [tilespmem:s20+$0x10];
	[tilespmem:s6+$0xFFFFFFE0] =	vst v12;
	v12 =	vmax.f32 v6, $0.0e+00;
	v4 =	vadd.f32 v16, v4  }
0x1ac: {  	v8 =	vld [tilespmem:s20+$0x20];
	v16 =	vmax.f32 v5, $0.0e+00;
	v3 =	vadd.f32 v11, v3;
	[tilespmem:s6+$0x0] =	vst v20  }
0x1ad: {  	v7 =	vld [tilespmem:s20+$0x30];
	v17 =	vmax.f32 v4, $0.0e+00;
	[tilespmem:s6+$0x10] =	vst v15  }
0x1ae: {  	v6 =	vld [tilespmem:s20+$0x40];
	v11 =	vadd.f32 v19, v22;
	v15 =	vmax.f32 v3, $0.0e+00;
	[tilespmem:s6+$0x20] =	vst v14  }
0x1af: {  	v5 =	vld [tilespmem:s20+$0x50];
	[tilespmem:s6+$0x30] =	vst v13  }
0x1b0: {  	v4 =	vld [tilespmem:s20+$0x60];
	v11 =	vmax.f32 v11, $0.0e+00;
	[tilespmem:s6+$0x40] =	vst v12  }
0x1b1: {  	v3 =	vld [tilespmem:s20+$0x70];
	[tilespmem:s26+$0x80] =	vst v11  }
0x1b2: {  	v11 =	vld.idx.msk [tilespmem:v21+s17+$0x0], $0xffff;
	[tilespmem:s6+$0x50] =	vst v16  }
0x1b3: {  	v19 =	vld [tilespmem:s20+$0xFFFFFF80];
	[tilespmem:s6+$0x60] =	vst v17  }
0x1b4: {  	v18 =	vld [tilespmem:s20+$0xFFFFFF90];
	[tilespmem:s6+$0x70] =	vst v15;
	s6 =	smov.u32 s26  }
0x1b5: {  	v17 =	vld [tilespmem:s20+$0xFFFFFFA0]  }
0x1b6: {  	v16 =	vld [tilespmem:s20+$0xFFFFFFB0]  }
0x1b7: {  	v15 =	vld [tilespmem:s20+$0xFFFFFFC0]  }
0x1b8: {  	v14 =	vld [tilespmem:s20+$0xFFFFFFD0]  }
0x1b9: {  	v13 =	vld [tilespmem:s20+$0xFFFFFFE0]  }
0x1ba: {  	v12 =	vld [tilespmem:s20+$0xFFFFFFF0]  }
.Ltmp4:
0x1bb: {  	v24 =	vld [tilespmem:s26+$0xFFFFFF70];
	(pc) =	sbr.rel @p2 .LBB2_7-.Ltmp4, $4  }
0x1bc: {  	v23 =	vld [tilespmem:s26+$0xFFFFFF80]  }
0x1bd: {  	v22 =	vld [tilespmem:s26+$0xFFFFFF90]  }
0x1be: {  	v21 =	vld [tilespmem:s26+$0xFFFFFFA0]  }
0x1bf: {  	v20 =	vld [tilespmem:s26+$0xFFFFFFB0]  }
0x1c0: {  	v25 =	vld [tilespmem:s26+$0xFFFFFFF0]  }
0x1c1: {  	v19 =	vadd.f32 v24, v19  }
0x1c2: {  	v24 =	vld [tilespmem:s26+$0xFFFFFFC0];
	v18 =	vadd.f32 v23, v18  }
0x1c3: {  	v23 =	vld [tilespmem:s26+$0xFFFFFFD0];
	v17 =	vadd.f32 v22, v17;
	v19 =	vmax.f32 v19, $0.0e+00  }
0x1c4: {  	v22 =	vld [tilespmem:s26+$0xFFFFFFE0];
	v16 =	vadd.f32 v21, v16;
	v18 =	vmax.f32 v18, $0.0e+00;
	[tilespmem:s26+$0xFFFFFF70] =	vst v19  }
0x1c5: {  	v19 =	vld [tilespmem:s26+$0x0];
	v17 =	vmax.f32 v17, $0.0e+00;
	[tilespmem:s26+$0xFFFFFF80] =	vst v18;
	v11 =	vadd.f32 v25, v11  }
0x1c6: {  	v15 =	vadd.f32 v20, v15;
	v18 =	vld [tilespmem:s26+$0x10];
	v16 =	vmax.f32 v16, $0.0e+00;
	[tilespmem:s26+$0xFFFFFF90] =	vst v17  }
0x1c7: {  	v14 =	vadd.f32 v24, v14;
	v17 =	vld [tilespmem:s26+$0x20];
	[tilespmem:s26+$0xFFFFFFA0] =	vst v16;
	v11 =	vmax.f32 v11, $0.0e+00  }
0x1c8: {  	v13 =	vadd.f32 v23, v13;
	v16 =	vld [tilespmem:s26+$0x30];
	v15 =	vmax.f32 v15, $0.0e+00;
	[tilespmem:s26+$0xFFFFFFF0] =	vst v11  }
0x1c9: {  	v14 =	vmax.f32 v14, $0.0e+00;
	v11 =	vadd.f32 v22, v12;
	v12 =	vld [tilespmem:s26+$0x40];
	[tilespmem:s6+$0xFFFFFFB0] =	vst v15  }
0x1ca: {  	v10 =	vadd.f32 v19, v10;
	v13 =	vmax.f32 v13, $0.0e+00;
	v15 =	vld [tilespmem:s26+$0x50];
	[tilespmem:s6+$0xFFFFFFC0] =	vst v14  }
0x1cb: {  	v14 =	vld [tilespmem:s26+$0x60];
	v9 =	vadd.f32 v18, v9;
	[tilespmem:s6+$0xFFFFFFD0] =	vst v13;
	v11 =	vmax.f32 v11, $0.0e+00  }
0x1cc: {  	v13 =	vld [tilespmem:s26+$0x70];
	v10 =	vmax.f32 v10, $0.0e+00;
	v8 =	vadd.f32 v17, v8;
	[tilespmem:s6+$0xFFFFFFE0] =	vst v11  }
0x1cd: {  	v9 =	vmax.f32 v9, $0.0e+00;
	v7 =	vadd.f32 v16, v7;
	[tilespmem:s6+$0x0] =	vst v10  }
0x1ce: {  	v8 =	vmax.f32 v8, $0.0e+00;
	[tilespmem:s6+$0x10] =	vst v9;
	v6 =	vadd.f32 v12, v6  }
0x1cf: {  	v7 =	vmax.f32 v7, $0.0e+00;
	[tilespmem:s6+$0x20] =	vst v8;
	v5 =	vadd.f32 v15, v5  }
0x1d0: {  	v4 =	vadd.f32 v14, v4;
	[tilespmem:s6+$0x30] =	vst v7;
	v6 =	vmax.f32 v6, $0.0e+00  }
0x1d1: {  	v3 =	vadd.f32 v13, v3;
	v5 =	vmax.f32 v5, $0.0e+00;
	[tilespmem:s6+$0x40] =	vst v6  }
0x1d2: {  	v4 =	vmax.f32 v4, $0.0e+00;
	[tilespmem:s6+$0x50] =	vst v5  }
0x1d3: {  	v3 =	vmax.f32 v3, $0.0e+00;
	[tilespmem:s6+$0x60] =	vst v4  }
0x1d4: {  	[tilespmem:s6+$0x70] =	vst v3  }
0x1d5: {  	v3 =	vld [tilespmem:$0x15FE0];
	_ =	sdelay $0x7  }
0x1d6: {  	[tilespmem:v3+s3+$0x0] =	vst.idx.add.f32.msk $0xffff, v2  }
0x1d7: {  	v3 =	vld [tilespmem:$0x15FF0];
	_ =	sdelay $0x7  }
0x1d8: {  	[tilespmem:v3+s3+$0x0] =	vst.idx.add.f32.msk $0xffff, v2  }
0x1d9: {  	v3 =	vld [tilespmem:$0x15FF8];
	_ =	sdelay $0x7  }
0x1da: {  	[tilespmem:v3+s3+$0x0] =	vst.idx.add.f32.msk vm0, v2  }
0x1db: {  	v3 =	vld [tilespmem:$0x15FE0]  }
0x1dc: {  	v4 =	vld [tilespmem:$0x15FF0]  }
0x1dd: {  	v5 =	vld [tilespmem:$0x15FF8];
	_ =	sdelay $0x2  }
0x1de: {  	[tilespmem:$0x16030] =	vst v3  }
0x1df: {  	[tilespmem:$0x16040] =	vst v4  }
0x1e0: {  	s4 =	rddreg [dreg:$0x2];
	s22 =	simm.s32 $0x16030;
	[tilespmem:$0x16048] =	vst v5  }
0x1e1: {  	[spmem:s4] =	stream.indirect.scatter.add.f32 [tilespmem:s13], [sflag:$0x5], $0x90, s22, s30, $0xb8;
	[tilespmem:$0x1FC90] =	vst v63  }
0x1e2: {  	s4 =	sld [smem:$0x7F8];
	_ =	sdelay $0x1  }
0x1e3: {  	p2 =	seq.s32 s8, $0x7C  }
0x1e4: {  	s4 =	sadd.s32 @!p2 s24, s4  }
0x1e5: {  	s6 =	sshrl.u32 @!p2 s4, $0x3  }
0x1e6: {  	s20 =	simm.s32 @!p2 $0x0;
	s21 =	simm.s32 @!p2 $0x15F90;
	s12 =	sadd.s32 @!p2 s9, s6  }
0x1e7: {  	[tilespmem:s21], [sflag:$0x1] =	stream.linear.gather @!p2 [hbm4b:s12+s20], $0x28, $0x38;
	[tilespmem:$0x1FC90] =	vst v63  }
0x1e8: {  	s12 =	rddreg [dreg:$0x1]  }
0x1e9: {  	s6 =	sadd.s32 @!p2 s12, s6;
	s12 =	simm.s32 @!p2 $0x15FE0  }
0x1ea: {  	[tilespmem:s12], [sflag:$0x1] =	stream.linear.gather @!p2 [hbm4b:s6+s20], $0x28, $0x38;
	[tilespmem:$0x1FC90] =	vst v63  }
0x1eb: {  	s6 =	sshll.u32 @!p2 s4, $0x4  }
0x1ec: {  	s12 =	sand.u32 @!p2 $0x1FFFFF00, s6  }
0x1ed: {  	s26 =	simm.s32 @!p2 $0x16080;
	s22 =	sshrl.u32 @!p2 s4, $0x7;
	s12 =	sadd.s32 @!p2 s10, s12  }
0x1ee: {  	[tilespmem:s26], [sflag:$0x1] =	stream.linear.gather @!p2 [hbm4b:s12+s20], $0xA00, $0x38;
	[tilespmem:$0x1FC90] =	vst v63  }
0x1ef: {  	s6 =	sadd.s32 @!p2 s6, s2;
	s12 =	smin.u32 @!p2 s22, $0x9C2;
	s22 =	simm.s32 @!p2 $0x16A80  }
0x1f0: {  	[tilespmem:s22], [sflag:$0x1] =	stream.linear.gather @!p2 [hbm4b:s6+s20], $0xA00, $0x38;
	[tilespmem:$0x1FC90] =	vst v63  }
0x1f1: {  	s6 =	sshll.u32 @!p2 s12, $0x8;
	s12 =	sshll.u32 @!p2 s12, $0x7  }
0x1f2: {  	s26 =	simm.s32 @!p2 $0x18880;
	s22 =	sadd.s32 @!p2 s14, s6;
	s4 =	ssub.s32 @!p2 s4, s12  }
0x1f3: {  	[tilespmem:s26], [sflag:$0x1] =	stream.linear.gather @!p2 [hbm4b:s22+s20], $0x800, $0x38;
	[tilespmem:$0x1FC90] =	vst v63  }
0x1f4: {  	p3 =	slt.s32 @!p2 s4, $0x59  }
0x1f5: {  	p3 =	por p3, p2  }
0x1f6: {  	s4 =	sadd.s32 @!p3 s6, s16;
	s6 =	simm.s32 @!p3 $0x0;
	s12 =	simm.s32 @!p3 $0x19080  }
0x1f7: {  	[tilespmem:s12], [sflag:$0x1] =	stream.linear.gather @!p3 [hbm4b:s4+s6], $0x800, $0x38;
	[tilespmem:$0x1FC90] =	vst v63  }
0x1f8: {  	s4 =	simm.s32 @!p2 $0x1  }
0x1f9: {  	_ =	swait.ge @!p2 [sflag:s4], $0x28  }
0x1fa: {  	[sflag:s4] =	ssyncset.done @!p2 $0x0  }
0x1fb: {  	[sflag:s4] =	ssyncadd.s32 @!p2 $0xFFFFFFD8  }
0x1fc: {  	_ =	swait.ge @!p2 [sflag:s4], $0x28  }
0x1fd: {  	[sflag:s4] =	ssyncset.done @!p2 $0x0  }
0x1fe: {  	[sflag:s4] =	ssyncadd.s32 @!p2 $0xFFFFFFD8  }
0x1ff: {  	_ =	swait.ge @!p2 [sflag:s4], $0xA00  }
0x200: {  	[sflag:s4] =	ssyncset.done @!p2 $0x0  }
0x201: {  	[sflag:s4] =	ssyncadd.s32 @!p2 $0xFFFFF600  }
0x202: {  	_ =	swait.ge @!p2 [sflag:s4], $0xA00  }
0x203: {  	[sflag:s4] =	ssyncset.done @!p2 $0x0  }
0x204: {  	[sflag:s4] =	ssyncadd.s32 @!p2 $0xFFFFF600  }
0x205: {  	_ =	swait.ge @!p2 [sflag:s4], $0x800  }
0x206: {  	s26 =	sadd.s32 $0xFFFFFFFE, s25;
	[sflag:s4] =	ssyncset.done @!p2 $0x0  }
0x207: {  	s20 =	sadd.s32 $0x2B, s26;
	[sflag:s4] =	ssyncadd.s32 @!p2 $0xFFFFF800;
	s4 =	simm.s32 @!p3 $0x1  }
0x208: {  	v3 =	vmov s20;
	s12 =	sshll.u32 s20, $0x4;
	_ =	swait.ge @!p3 [sflag:s4], $0x800  }
0x209: {  	v3 =	vand.u32 $0x7F, v3;
	s12 =	sand.u32 $0xFFFFF800, s12;
	[sflag:s4] =	ssyncset.done @!p3 $0x0  }
0x20a: {  	v3 =	vor.u32 s12, v3;
	[sflag:s4] =	ssyncadd.s32 @!p3 $0xFFFFF800;
	s4 =	simm.s32 @!p2 $0x5  }
0x20b: {  	v3 =	vbroadcast v3, $0x0;
	_ =	swait.ge @!p2 [sflag:s4], $0x1680  }
0x20c: {  	[sflag:s4] =	ssyncset.done @!p2 $0x0  }
0x20d: {  	s12 =	simm.s32 @!p2 $0x1A880;
	v3 =	vor.u32 v1, v3;
	[sflag:s4] =	ssyncadd.s32 @!p2 $0xFFFFE980;
	s4 =	simm.s32 @!p2 $0x28  }
0x20e: {  	[tilespmem:s12], [sflag:$0x3] =	stream.indirect.gather @!p2 [hbm4b:s19+s4], $0x90, s21, s4, $0xb8;
	[tilespmem:$0x1FC90] =	vst v63  }
0x20f: {  	_ =	swait.ge [sflag:s5], $0x1680  }
0x210: {  	[sflag:s5] =	ssyncset.done $0x0  }
0x211: {  	[sflag:s5] =	ssyncadd.s32 $0xFFFFE980  }
0x212: {  	s22 =	sadd.s32 $0x2A, s26;
	s26 =	simm.s32 $0x1BF90;
	v20 =	vld.idx.msk [tilespmem:v3+s28+$0x0], $0xffff  }
0x213: {  	s6 =	simm.s32 $0x17500;
	v21 =	vld [tilespmem:s26+$0x80]  }
0x214: {  	v10 =	vld [tilespmem:s6+$0x0]  }
0x215: {  	v9 =	vld [tilespmem:s6+$0x10]  }
0x216: {  	v8 =	vld [tilespmem:s6+$0x20]  }
0x217: {  	v7 =	vld [tilespmem:s6+$0x30]  }
0x218: {  	v6 =	vld [tilespmem:s6+$0x40]  }
0x219: {  	v4 =	vmov s22;
	v5 =	vld [tilespmem:s6+$0x50]  }
0x21a: {  	v3 =	vand.u32 $0x7E, v4;
	v4 =	vld [tilespmem:s6+$0x60]  }
0x21b: {  	v19 =	vld [tilespmem:s6+$0xFFFFFF80]  }
0x21c: {  	v18 =	vld [tilespmem:s6+$0xFFFFFF90]  }
0x21d: {  	v17 =	vld [tilespmem:s6+$0xFFFFFFA0]  }
0x21e: {  	v16 =	vld [tilespmem:s6+$0xFFFFFFB0]  }
0x21f: {  	s4 =	sshll.u32 s22, $0x4;
	v15 =	vld [tilespmem:s6+$0xFFFFFFC0]  }
0x220: {  	s4 =	sand.u32 $0xFFFFF800, s4;
	v14 =	vld [tilespmem:s6+$0xFFFFFFD0]  }
0x221: {  	v13 =	vld [tilespmem:s6+$0xFFFFFFE0];
	v3 =	vor.u32 s4, v3  }
0x222: {  	v12 =	vld [tilespmem:s6+$0xFFFFFFF0];
	v3 =	vbroadcast v3, $0x0  }
0x223: {  	v24 =	vld [tilespmem:s26+$0xFFFFFF70]  }
0x224: {  	v23 =	vld [tilespmem:s26+$0xFFFFFF80];
	v11 =	vor.u32 v1, v3  }
0x225: {  	v22 =	vld [tilespmem:s26+$0xFFFFFF90];
	v20 =	vadd.f32 v21, v20  }
0x226: {  	v3 =	vld [tilespmem:s6+$0x70]  }
0x227: {  	v21 =	vld [tilespmem:s26+$0xFFFFFFA0];
	v20 =	vmax.f32 v20, $0.0e+00  }
0x228: {  	[tilespmem:s26+$0x80] =	vst v20;
	v20 =	vld [tilespmem:s26+$0xFFFFFFB0]  }
0x229: {  	s20 =	simm.s32 $0x0;
	s4 =	simm.s32 $0x1BF90;
	v11 =	vld.idx.msk [tilespmem:v11+s28+$0x0], $0xffff  }
.LBB2_9:
0x22a: {  	s12 =	sadd.s32 s20, s25;
	s20 =	sadd.s32 $0x2, s20;
	v25 =	vld [tilespmem:s26+$0xFFFFFFC0];
	v19 =	vadd.f32 v24, v19  }
0x22b: {  	s21 =	sadd.s32 $0x2A, s12;
	s12 =	sadd.s32 $0x2B, s12;
	p3 =	slt.u32 s20, $0x26;
	v24 =	vld [tilespmem:s26+$0xFFFFFFD0];
	v18 =	vadd.f32 v23, v18  }
0x22c: {  	v23 =	vmov s21;
	s21 =	sshll.u32 s21, $0x4;
	v26 =	vmov s12;
	s12 =	sshll.u32 s12, $0x4;
	v27 =	vld [tilespmem:s26+$0xFFFFFFE0];
	v17 =	vadd.f32 v22, v17  }
0x22d: {  	s21 =	sand.u32 $0xFFFFF800, s21;
	v22 =	vand.u32 $0x7E, v23;
	s12 =	sand.u32 $0xFFFFF800, s12;
	v23 =	vand.u32 $0x7F, v26;
	v26 =	vld [tilespmem:s26+$0xFFFFFFF0];
	v16 =	vadd.f32 v21, v16  }
0x22e: {  	v21 =	vor.u32 s21, v22;
	v22 =	vor.u32 s12, v23;
	v15 =	vadd.f32 v20, v15;
	v20 =	vld [tilespmem:s26+$0x0]  }
0x22f: {  	v21 =	vbroadcast v21, $0x0;
	v22 =	vbroadcast v22, $0x0;
	v14 =	vadd.f32 v25, v14;
	v23 =	vld [tilespmem:s26+$0x10]  }
0x230: {  	v19 =	vmax.f32 v19, $0.0e+00;
	v18 =	vmax.f32 v18, $0.0e+00;
	v13 =	vadd.f32 v24, v13;
	v24 =	vld [tilespmem:s26+$0x20]  }
0x231: {  	v21 =	vor.u32 v1, v21;
	v22 =	vor.u32 v1, v22;
	v12 =	vadd.f32 v27, v12;
	[tilespmem:s26+$0xFFFFFF70] =	vst v19;
	v19 =	vld [tilespmem:s26+$0x30]  }
0x232: {  	v17 =	vmax.f32 v17, $0.0e+00;
	v16 =	vmax.f32 v16, $0.0e+00;
	v11 =	vadd.f32 v26, v11;
	[tilespmem:s26+$0xFFFFFF80] =	vst v18;
	v18 =	vld [tilespmem:s26+$0x40]  }
0x233: {  	v15 =	vmax.f32 v15, $0.0e+00;
	v14 =	vmax.f32 v14, $0.0e+00;
	[tilespmem:s26+$0xFFFFFF90] =	vst v17;
	v17 =	vld [tilespmem:s26+$0x50];
	v10 =	vadd.f32 v20, v10  }
0x234: {  	v13 =	vmax.f32 v13, $0.0e+00;
	v11 =	vmax.f32 v11, $0.0e+00;
	[tilespmem:s26+$0xFFFFFFA0] =	vst v16;
	v16 =	vld [tilespmem:s26+$0x60];
	v9 =	vadd.f32 v23, v9  }
0x235: {  	v12 =	vmax.f32 v12, $0.0e+00;
	[tilespmem:s26+$0xFFFFFFF0] =	vst v11;
	v11 =	vld [tilespmem:s26+$0x70];
	v20 =	vmax.f32 v10, $0.0e+00;
	v8 =	vadd.f32 v24, v8  }
0x236: {  	s26 =	sadd.s32 $0x120, s26;
	v22 =	vld.idx.msk [tilespmem:v22+s28+$0x0], $0xffff;
	[tilespmem:s4+$0xFFFFFFB0] =	vst v15;
	v15 =	vmax.f32 v9, $0.0e+00;
	v7 =	vadd.f32 v19, v7  }
0x237: {  	s6 =	sadd.s32 $0x100, s6;
	v19 =	vld [tilespmem:s26+$0x80];
	[tilespmem:s4+$0xFFFFFFC0] =	vst v14;
	v14 =	vmax.f32 v8, $0.0e+00;
	v6 =	vadd.f32 v18, v6  }
0x238: {  	v10 =	vld [tilespmem:s6+$0x0];
	[tilespmem:s4+$0xFFFFFFD0] =	vst v13;
	v13 =	vmax.f32 v7, $0.0e+00;
	v5 =	vadd.f32 v17, v5  }
0x239: {  	v9 =	vld [tilespmem:s6+$0x10];
	[tilespmem:s4+$0xFFFFFFE0] =	vst v12;
	v12 =	vmax.f32 v6, $0.0e+00;
	v4 =	vadd.f32 v16, v4  }
0x23a: {  	v8 =	vld [tilespmem:s6+$0x20];
	v16 =	vmax.f32 v5, $0.0e+00;
	v3 =	vadd.f32 v11, v3;
	[tilespmem:s4+$0x0] =	vst v20  }
0x23b: {  	v7 =	vld [tilespmem:s6+$0x30];
	v17 =	vmax.f32 v4, $0.0e+00;
	[tilespmem:s4+$0x10] =	vst v15  }
0x23c: {  	v6 =	vld [tilespmem:s6+$0x40];
	v11 =	vadd.f32 v19, v22;
	v15 =	vmax.f32 v3, $0.0e+00;
	[tilespmem:s4+$0x20] =	vst v14  }
0x23d: {  	v5 =	vld [tilespmem:s6+$0x50];
	[tilespmem:s4+$0x30] =	vst v13  }
0x23e: {  	v4 =	vld [tilespmem:s6+$0x60];
	v11 =	vmax.f32 v11, $0.0e+00;
	[tilespmem:s4+$0x40] =	vst v12  }
0x23f: {  	v3 =	vld [tilespmem:s6+$0x70];
	[tilespmem:s26+$0x80] =	vst v11  }
0x240: {  	v11 =	vld.idx.msk [tilespmem:v21+s28+$0x0], $0xffff;
	[tilespmem:s4+$0x50] =	vst v16  }
0x241: {  	v19 =	vld [tilespmem:s6+$0xFFFFFF80];
	[tilespmem:s4+$0x60] =	vst v17  }
0x242: {  	v18 =	vld [tilespmem:s6+$0xFFFFFF90];
	[tilespmem:s4+$0x70] =	vst v15;
	s4 =	smov.u32 s26  }
0x243: {  	v17 =	vld [tilespmem:s6+$0xFFFFFFA0]  }
0x244: {  	v16 =	vld [tilespmem:s6+$0xFFFFFFB0]  }
0x245: {  	v15 =	vld [tilespmem:s6+$0xFFFFFFC0]  }
0x246: {  	v14 =	vld [tilespmem:s6+$0xFFFFFFD0]  }
0x247: {  	v13 =	vld [tilespmem:s6+$0xFFFFFFE0]  }
0x248: {  	v12 =	vld [tilespmem:s6+$0xFFFFFFF0]  }
.Ltmp5:
0x249: {  	v24 =	vld [tilespmem:s26+$0xFFFFFF70];
	(pc) =	sbr.rel @p3 .LBB2_9-.Ltmp5, $4  }
0x24a: {  	v23 =	vld [tilespmem:s26+$0xFFFFFF80]  }
0x24b: {  	v22 =	vld [tilespmem:s26+$0xFFFFFF90]  }
0x24c: {  	v21 =	vld [tilespmem:s26+$0xFFFFFFA0]  }
0x24d: {  	v20 =	vld [tilespmem:s26+$0xFFFFFFB0]  }
0x24e: {  	v25 =	vld [tilespmem:s26+$0xFFFFFFF0]  }
0x24f: {  	v19 =	vadd.f32 v24, v19;
	v55 =	vld [tilespmem:s26+$0x0]  }
0x250: {  	v56 =	vld [tilespmem:s26+$0x10];
	v18 =	vadd.f32 v23, v18  }
0x251: {  	v57 =	vld [tilespmem:s26+$0x20];
	v17 =	vadd.f32 v22, v17;
	v19 =	vmax.f32 v19, $0.0e+00  }
0x252: {  	v58 =	vld [tilespmem:s26+$0x30];
	v16 =	vadd.f32 v21, v16;
	v18 =	vmax.f32 v18, $0.0e+00;
	[tilespmem:s26+$0xFFFFFF70] =	vst v19  }
0x253: {  	v60 =	vld [tilespmem:s26+$0x40];
	v17 =	vmax.f32 v17, $0.0e+00;
	[tilespmem:s26+$0xFFFFFF80] =	vst v18;
	v11 =	vadd.f32 v25, v11  }
0x254: {  	v61 =	vld [tilespmem:s26+$0x50];
	v16 =	vmax.f32 v16, $0.0e+00;
	[tilespmem:s26+$0xFFFFFF90] =	vst v17;
	v10 =	vadd.f32 v55, v10  }
0x255: {  	v62 =	vld [tilespmem:s26+$0x60];
	v9 =	vadd.f32 v56, v9;
	[tilespmem:s26+$0xFFFFFFA0] =	vst v16;
	v11 =	vmax.f32 v11, $0.0e+00  }
0x256: {  	v63 =	vld [tilespmem:s26+$0x70];
	v8 =	vadd.f32 v57, v8;
	v10 =	vmax.f32 v10, $0.0e+00;
	[tilespmem:s26+$0xFFFFFFF0] =	vst v11  }
0x257: {  	v7 =	vadd.f32 v58, v7;
	v9 =	vmax.f32 v9, $0.0e+00;
	[tilespmem:s4+$0x0] =	vst v10  }
0x258: {  	v52 =	vld [tilespmem:s26+$0xFFFFFFC0];
	v6 =	vadd.f32 v60, v6;
	v8 =	vmax.f32 v8, $0.0e+00;
	[tilespmem:s4+$0x10] =	vst v9  }
0x259: {  	v53 =	vld [tilespmem:s26+$0xFFFFFFD0];
	v5 =	vadd.f32 v61, v5;
	v7 =	vmax.f32 v7, $0.0e+00;
	[tilespmem:s4+$0x20] =	vst v8  }
0x25a: {  	v54 =	vld [tilespmem:s26+$0xFFFFFFE0];
	v4 =	vadd.f32 v62, v4;
	v6 =	vmax.f32 v6, $0.0e+00;
	[tilespmem:s4+$0x30] =	vst v7  }
0x25b: {  	v3 =	vadd.f32 v63, v3;
	v5 =	vmax.f32 v5, $0.0e+00;
	[tilespmem:s4+$0x40] =	vst v6  }
0x25c: {  	v15 =	vadd.f32 v20, v15;
	v4 =	vmax.f32 v4, $0.0e+00;
	[tilespmem:s4+$0x50] =	vst v5  }
0x25d: {  	v14 =	vadd.f32 v52, v14;
	v3 =	vmax.f32 v3, $0.0e+00;
	[tilespmem:s4+$0x60] =	vst v4  }
0x25e: {  	v13 =	vadd.f32 v53, v13;
	v15 =	vmax.f32 v15, $0.0e+00;
	[tilespmem:s4+$0x70] =	vst v3  }
0x25f: {  	v59 =	vadd.f32 v54, v12;
	v14 =	vmax.f32 v14, $0.0e+00;
	[tilespmem:s4+$0xFFFFFFB0] =	vst v15  }
0x260: {  	v13 =	vmax.f32 v13, $0.0e+00;
	[tilespmem:s4+$0xFFFFFFC0] =	vst v14  }
0x261: {  	v11 =	vmax.f32 v59, $0.0e+00;
	[tilespmem:s4+$0xFFFFFFD0] =	vst v13  }
0x262: {  	[tilespmem:s4+$0xFFFFFFE0] =	vst v11  }
0x263: {  	v3 =	vld [tilespmem:$0x16008];
	_ =	sdelay $0x7  }
0x264: {  	[tilespmem:v3+s3+$0x0] =	vst.idx.add.f32.msk $0xffff, v2  }
0x265: {  	v3 =	vld [tilespmem:$0x16018];
	_ =	sdelay $0x7  }
0x266: {  	[tilespmem:v3+s3+$0x0] =	vst.idx.add.f32.msk $0xffff, v2  }
0x267: {  	v3 =	vld [tilespmem:$0x16020];
	_ =	sdelay $0x7  }
0x268: {  	[tilespmem:v3+s3+$0x0] =	vst.idx.add.f32.msk vm0, v2  }
0x269: {  	v3 =	vld [tilespmem:$0x16008]  }
0x26a: {  	v4 =	vld [tilespmem:$0x16018]  }
0x26b: {  	v5 =	vld [tilespmem:$0x16020];
	_ =	sdelay $0x1  }
.Ltmp6:
0x26c: {  	_ = 	snop;
	(pc) =	sbr.rel @p2 .LBB2_12-.Ltmp6, $4  }
0x26d: {  	[tilespmem:$0x16058] =	vst v3  }
0x26e: {  	[tilespmem:$0x16068] =	vst v4  }
0x26f: {  	s6 =	simm.s32 $0x16058;
	s26 =	rddreg [dreg:$0x2];
	[tilespmem:$0x16070] =	vst v5  }
0x270: {  	[spmem:s26] =	stream.indirect.scatter.add.f32 [tilespmem:s18], [sflag:$0x6], $0x90, s6, s30, $0xb8;
	[tilespmem:$0x1FC90] =	vst v63  }
0x271: {  	s4 =	sld [smem:$0x7F9];
	_ =	sdelay $0x2  }
0x272: {  	s25 =	simm.s32 $0x16008;
	s4 =	sadd.s32 s24, s4  }
0x273: {  	s21 =	simm.s32 $0x17480;
	s8 =	sadd.s32 $0x1, s8;
	s6 =	sshrl.u32 s4, $0x3  }
0x274: {  	s24 =	rddreg [dreg:$0x1];
	s26 =	sshll.u32 s4, $0x4;
	s12 =	sadd.s32 s9, s6  }
0x275: {  	[tilespmem:s23], [sflag:$0x2] =	stream.linear.gather [hbm4b:s12+s1], $0x28, $0x38;
	[tilespmem:$0x1FC90] =	vst v63  }
0x276: {  	s20 =	sshrl.u32 s4, $0x7;
	s6 =	sadd.s32 s24, s6;
	s22 =	sand.u32 $0x1FFFFF80, s26  }
0x277: {  	[tilespmem:s25], [sflag:$0x2] =	stream.linear.gather [hbm4b:s6+s1], $0x28, $0x38;
	[tilespmem:$0x1FC90] =	vst v63  }
0x278: {  	s29 =	sadd.s32 $0x50, s29;
	s24 =	smin.u32 s20, $0x9C2;
	s12 =	sadd.s32 s10, s22  }
0x279: {  	[tilespmem:s21], [sflag:$0x2] =	stream.linear.gather [hbm4b:s12+s1], $0xA00, $0x38;
	[tilespmem:$0x1FC90] =	vst v63  }
0x27a: {  	s6 =	sadd.s32 s26, s2;
	s25 =	simm.s32 $0x17E80;
	s12 =	sshll.u32 s24, $0x7  }
0x27b: {  	[tilespmem:s25], [sflag:$0x2] =	stream.linear.gather [hbm4b:s6+s1], $0xA00, $0x38;
	[tilespmem:$0x1FC90] =	vst v63  }
.Ltmp7:
0x27c: {  	s4 =	ssub.s32 s4, s12;
	s6 =	sshll.u32 s24, $0x8;
	(pc) =	sbr.rel .LBB2_6-.Ltmp7, $4  }
0x27d: {  	s7 =	sadd.s32 $0x50, s7;
	p2 =	slt.s32 s4, $0x59;
	s26 =	sadd.s32 s14, s6  }
0x27e: {  	[tilespmem:s28], [sflag:$0x2] =	stream.linear.gather [hbm4b:s26+s1], $0x800, $0x38;
	[tilespmem:$0x1FC90] =	vst v63  }
0x27f: {  	s4 =	sadd.s32 @!p2 s6, s16;
	s6 =	simm.s32 @!p2 $0x0;
	s12 =	simm.s32 @!p2 $0x1A080  }
0x280: {  	[tilespmem:s12], [sflag:$0x2] =	stream.linear.gather @!p2 [hbm4b:s4+s6], $0x800, $0x38;
	[tilespmem:$0x1FC90] =	vst v63  }
.LBB2_13:
0x281: {  	_ =	sfence.sel $0x180000  }
0x282: {  	[bflag:$0x0] =	sbarrier.arrive $0xFFFF  }
0x283: {  	_ =	strace $0x90000047  }
0x284: {  	s0 =	stileid.u32;
	[bflag:$0x2] =	sbarrier.arrive $0xFFFF  }
0x285: {  	p0 =	sne.s32 s0, $0x0;
	s0 =	rddreg [dreg:$0x3]  }
0x286: {  	s0 =	sadd.s32 @!p0 $0x100000, s0  }
0x287: {  	[sflag:s0] =	ssyncadd.tile.s32 @!p0 $0x1;
	_ =	shalt  }
.Lfunc_end2:
_tile_overlayer_lowered:
.L_overlay_start_2:
0x288: {  	(tag) =	ssettag $0x2  }
0x289: {  	s0 =	rddreg [dreg:$0x0];
	s2 =	stileid.u32  }
0x28a: {  	s1 =	rddreg [dreg:$0x1];
	p0 =	sne.s32 s2, $0x0  }
0x28b: {  	s3 =	rddreg [dreg:$0x2];
	[bflag:$0x3] =	sbarrier.arrive $0xFFFF;
	s2 =	simm.s32 @!p0 $0x1C07  }
0x28c: {  	[timem:s3], [sflag:s2] =	dma.local @!p0 [hbm:s0], s1  }
0x28d: {  	s0 =	simm.s32 @!p0 $0x7  }
0x28e: {  	_ =	swait.ge @!p0 [sflag:s0], s1  }
0x28f: {  	s1 =	ssub.s32 @!p0 $0x0, s1;
	[sflag:s0] =	ssyncset.done @!p0 $0x0  }
0x290: {  	[sflag:s0] =	ssyncadd.s32 @!p0 s1  }
0x291: {  	[bflag:$0x3] =	sbarrier.arrive $0xFFFF  }
0x292: {  	_ =	shalt  }

</sc_bundles>
